<compile_context>
chip_gen: v7x
topology: tpu7x:2x2x1
jax: 0.10.2.dev20260603
libtpu: 0.0.44.dev20260713+nightly
codegen_flags: <defaults>
</compile_context>

<pallas_src>
import jax
import jax.numpy as jnp
from jax import lax
from jax.experimental import pallas as pl
from jax.experimental.pallas import tpu as pltpu
from jax.experimental.pallas import tpu_sc as plsc

N = 10000
E = 320000
D = 128
HP = 144
BM = 2000
GM = N // BM
NC = 2
NS = 16
NTILES = NC * NS
TPW = E // NTILES
EK = 80
NCHUNK = TPW // EK
NP = 10240
RPT = NP // NS
NB = 3
NMAIN = (NCHUNK // NB) * NB


def _leaky(z):
    return jnp.where(z >= 0, z, 0.2 * z)



def _tc_embed_body(x_ref, w_ref, asv_ref, adv_ref,
                   hh_ref, as_ref, ad_ref, mx_ref):
    h = jnp.dot(x_ref[...], w_ref[...], preferred_element_type=jnp.float32)
    col = lax.broadcasted_iota(jnp.int32, h.shape, 1)
    a_s = jnp.dot(h[:, :D], asv_ref[...], preferred_element_type=jnp.float32)
    a_d = jnp.dot(h[:, :D], adv_ref[...], preferred_element_type=jnp.float32)
    hh_ref[...] = (h + jnp.where(col == D, 1.0, 0.0)
                   + a_s * jnp.where(col == D + 1, 1.0, 0.0))
    as_ref[...] = a_s
    ad_ref[...] = a_d
    mrow = jnp.concatenate([jnp.max(a_s, keepdims=True),
                            jnp.max(a_d, keepdims=True)], axis=1)

    @pl.when(pl.program_id(0) == 0)
    def _():
        mx_ref[...] = mrow

    @pl.when(pl.program_id(0) != 0)
    def _():
        mx_ref[...] = jnp.maximum(mx_ref[...], mrow)


def _tc_embed(x, wp, asv, adv):
    return pl.pallas_call(
        _tc_embed_body,
        grid=(GM,),
        in_specs=[
            pl.BlockSpec((BM, D), lambda i: (i, 0)),
            pl.BlockSpec((D, HP), lambda i: (0, 0)),
            pl.BlockSpec((D, 1), lambda i: (0, 0)),
            pl.BlockSpec((D, 1), lambda i: (0, 0)),
        ],
        out_specs=[
            pl.BlockSpec((BM, HP), lambda i: (i, 0)),
            pl.BlockSpec((BM, 1), lambda i: (i, 0)),
            pl.BlockSpec((BM, 1), lambda i: (i, 0)),
            pl.BlockSpec((1, 2), lambda i: (0, 0)),
        ],
        out_shape=[
            jax.ShapeDtypeStruct((N, HP), jnp.float32),
            jax.ShapeDtypeStruct((N, 1), jnp.float32),
            jax.ShapeDtypeStruct((N, 1), jnp.float32),
            jax.ShapeDtypeStruct((1, 2), jnp.float32),
        ],
        compiler_params=pltpu.CompilerParams(
            dimension_semantics=("arbitrary",)),
    )(x, wp, asv, adv)


def _combine(p_ref, hhp_ref, asp_ref, adp_ref, m_ref, b_ref):
    tot = p_ref[0] + p_ref[1]
    z = asp_ref[...] + adp_ref[...]
    w_self = jnp.exp(_leaky(z) - m_ref[0, 0])
    tot = tot + w_self * hhp_ref[...]
    return jnp.maximum(tot[:, :D] / (tot[:, D:D + 1] + 1e-16) + b_ref[...],
                       0.0)


def _tc_combine_body(p_ref, hhp_ref, asp_ref, adp_ref, m_ref, b_ref,
                     w_ref, asv_ref, adv_ref,
                     hh_ref, as_ref, ad_ref, mx_ref):
    xn = _combine(p_ref, hhp_ref, asp_ref, adp_ref, m_ref, b_ref)
    h = jnp.dot(xn, w_ref[...], preferred_element_type=jnp.float32)
    col = lax.broadcasted_iota(jnp.int32, h.shape, 1)
    a_s = jnp.dot(h[:, :D], asv_ref[...], preferred_element_type=jnp.float32)
    a_d = jnp.dot(h[:, :D], adv_ref[...], preferred_element_type=jnp.float32)
    hh_ref[...] = (h + jnp.where(col == D, 1.0, 0.0)
                   + a_s * jnp.where(col == D + 1, 1.0, 0.0))
    as_ref[...] = a_s
    ad_ref[...] = a_d
    mrow = jnp.concatenate([jnp.max(a_s, keepdims=True),
                            jnp.max(a_d, keepdims=True)], axis=1)

    @pl.when(pl.program_id(0) == 0)
    def _():
        mx_ref[...] = mrow

    @pl.when(pl.program_id(0) != 0)
    def _():
        mx_ref[...] = jnp.maximum(mx_ref[...], mrow)


def _tc_combine(pm, hhp, asp, adp, mscal, bias, wp, asv, adv):
    return pl.pallas_call(
        _tc_combine_body,
        grid=(GM,),
        in_specs=[
            pl.BlockSpec((2, BM, HP), lambda i: (0, i, 0)),
            pl.BlockSpec((BM, HP), lambda i: (i, 0)),
            pl.BlockSpec((BM, 1), lambda i: (i, 0)),
            pl.BlockSpec((BM, 1), lambda i: (i, 0)),
            pl.BlockSpec((1, 1), lambda i: (0, 0)),
            pl.BlockSpec((1, D), lambda i: (0, 0)),
            pl.BlockSpec((D, HP), lambda i: (0, 0)),
            pl.BlockSpec((D, 1), lambda i: (0, 0)),
            pl.BlockSpec((D, 1), lambda i: (0, 0)),
        ],
        out_specs=[
            pl.BlockSpec((BM, HP), lambda i: (i, 0)),
            pl.BlockSpec((BM, 1), lambda i: (i, 0)),
            pl.BlockSpec((BM, 1), lambda i: (i, 0)),
            pl.BlockSpec((1, 2), lambda i: (0, 0)),
        ],
        out_shape=[
            jax.ShapeDtypeStruct((N, HP), jnp.float32),
            jax.ShapeDtypeStruct((N, 1), jnp.float32),
            jax.ShapeDtypeStruct((N, 1), jnp.float32),
            jax.ShapeDtypeStruct((1, 2), jnp.float32),
        ],
        compiler_params=pltpu.CompilerParams(
            dimension_semantics=("arbitrary",)),
    )(pm, hhp, asp, adp, mscal, bias, wp, asv, adv)


def _tc_final_body(p_ref, hhp_ref, asp_ref, adp_ref, m_ref, b_ref, sum_ref):
    y = _combine(p_ref, hhp_ref, asp_ref, adp_ref, m_ref, b_ref)
    ps = jnp.sum(y, axis=0, keepdims=True)

    @pl.when(pl.program_id(0) == 0)
    def _():
        sum_ref[...] = ps

    @pl.when(pl.program_id(0) != 0)
    def _():
        sum_ref[...] = sum_ref[...] + ps


def _tc_final(pm, hhp, asp, adp, mscal, bias):
    return pl.pallas_call(
        _tc_final_body,
        grid=(GM,),
        in_specs=[
            pl.BlockSpec((2, BM, HP), lambda i: (0, i, 0)),
            pl.BlockSpec((BM, HP), lambda i: (i, 0)),
            pl.BlockSpec((BM, 1), lambda i: (i, 0)),
            pl.BlockSpec((BM, 1), lambda i: (i, 0)),
            pl.BlockSpec((1, 1), lambda i: (0, 0)),
            pl.BlockSpec((1, D), lambda i: (0, 0)),
        ],
        out_specs=[pl.BlockSpec((1, D), lambda i: (0, 0))],
        out_shape=[jax.ShapeDtypeStruct((1, D), jnp.float32)],
        compiler_params=pltpu.CompilerParams(
            dimension_semantics=("arbitrary",)),
    )(pm, hhp, asp, adp, mscal, bias)



def _sc_edge_body(src_hbm, dst_hbm, hh_hbm, ad_hbm, mv_hbm,
                  out_hbm, *scr):
    srcs = scr[0:NB]
    dsts = scr[NB:2 * NB]
    rows = scr[2 * NB:3 * NB]
    ws = scr[3 * NB:4 * NB]
    adv = scr[4 * NB:5 * NB]
    m_l, msg_sh = scr[5 * NB:5 * NB + 2]
    gsem = scr[5 * NB + 2:6 * NB + 2]
    asem = scr[6 * NB + 2:7 * NB + 2]
    ssem = scr[7 * NB + 2:8 * NB + 2]

    c = lax.axis_index("c")
    s = lax.axis_index("s")
    wid = s * NC + c

    pltpu.sync_copy(mv_hbm, m_l)

    r0 = s * RPT

    def zfill(j, _):
        for g in range(HP // 16):
            rows[0][j, pl.ds(g * 16, 16)] = jnp.zeros((16,), jnp.float32)
        return 0

    lax.fori_loop(0, EK, zfill, 0)
    for k in range(RPT // EK):
        pltpu.sync_copy(rows[0], msg_sh.at[pl.ds(r0 + k * EK, EK)])
    plsc.subcore_barrier()

    base = wid * TPW
    m16 = m_l[...]
    lane = lax.iota(jnp.int32, 16)

    def start_chunk(ci, b):
        off = base + ci * EK
        pltpu.sync_copy(src_hbm.at[pl.ds(off, EK)], srcs[b])
        pltpu.sync_copy(dst_hbm.at[pl.ds(off, EK)], dsts[b])
        return (pltpu.async_copy(hh_hbm.at[srcs[b]], rows[b], gsem[b]),
                pltpu.async_copy(ad_hbm.at[dsts[b]], adv[b], asem[b]))

    def compute_chunk(b):
        rows_v, w_v, ad_v = rows[b], ws[b], adv[b]

        def wgrp(g, _):
            eid = g * 16 + lane
            a_s = plsc.load_gather(rows_v, [eid,
                                            jnp.full((16,), D + 1, jnp.int32)])
            z = a_s + ad_v[pl.ds(g * 16, 16)]
            w_v[pl.ds(g * 16, 16)] = jnp.exp(_leaky(z) - m16)
            return 0

        lax.fori_loop(0, EK // 16, wgrp, 0)

        def scale(j, _):
            wj = plsc.load_gather(w_v, [jnp.full((16,), j, jnp.int32)])
            for g in range(HP // 16):
                rows_v[j, pl.ds(g * 16, 16)] = (
                    rows_v[j, pl.ds(g * 16, 16)] * wj)
            return 0

        lax.fori_loop(0, EK, scale, 0)
        return pltpu.async_copy(rows_v, msg_sh.at[dsts[b]], ssem[b],
                                add=True)

    def wait_gather(b):
        pltpu.make_async_copy(hh_hbm.at[srcs[b]], rows[b], gsem[b]).wait()
        pltpu.make_async_copy(ad_hbm.at[dsts[b]], adv[b], asem[b]).wait()

    def retire_and_refill(gi, b):
        pltpu.make_async_copy(rows[b], msg_sh.at[dsts[b]], ssem[b]).wait()

        @pl.when(gi < NMAIN // NB - 1)
        def _():
            start_chunk((gi + 1) * NB + b, b)

    for b in range(NB):
        start_chunk(b, b)

    def group(gi, _):
        for b in range(NB):
            wait_gather(b)
            compute_chunk(b)
            if b >= 1:
                retire_and_refill(gi, b - 1)
        retire_and_refill(gi, NB - 1)
        return 0

    lax.fori_loop(0, NMAIN // NB, group, 0)

    def tail(t, _):
        start_chunk(NMAIN + t, 0)
        wait_gather(0)
        compute_chunk(0)
        pltpu.make_async_copy(rows[0], msg_sh.at[dsts[0]], ssem[0]).wait()
        return 0

    lax.fori_loop(0, NCHUNK - NMAIN, tail, 0)
    plsc.subcore_barrier()
    pltpu.sync_copy(msg_sh.at[pl.ds(r0, RPT)], out_hbm.at[c, pl.ds(r0, RPT)])


def _make_sc_edge():
    mesh = plsc.VectorSubcoreMesh(core_axis_name="c", subcore_axis_name="s",
                                  num_cores=NC, num_subcores=NS)

    return pl.kernel(
        _sc_edge_body,
        out_type=jax.ShapeDtypeStruct((NC, NP, HP), jnp.float32),
        mesh=mesh,
        compiler_params=pltpu.CompilerParams(needs_layout_passes=False,
                                             use_tc_tiling_on_sc=False),
        scratch_types=(
            [pltpu.VMEM((EK,), jnp.int32) for _ in range(2 * NB)]
            + [pltpu.VMEM((EK, HP), jnp.float32) for _ in range(NB)]
            + [pltpu.VMEM((EK,), jnp.float32) for _ in range(2 * NB)]
            + [
                pltpu.VMEM((16,), jnp.float32),
                pltpu.VMEM_SHARED((NP, HP), jnp.float32),
            ]
            + [pltpu.SemaphoreType.DMA for _ in range(3 * NB)]
        ),
    )


_sc_edge = _make_sc_edge()



@jax.jit
def kernel(x, edge_index, W1, a_src1, a_dst1, b1, W2, a_src2, a_dst2, b2,
           Wout, bout):
    f32 = jnp.float32
    src = edge_index[0]
    dst = edge_index[1]
    pad = jnp.zeros((D, HP - D), f32)

    w1p = jnp.concatenate([W1, pad], axis=1)
    hh1, as1, ad1, mx1 = _tc_embed(x, w1p, a_src1.reshape(D, 1),
                                   a_dst1.reshape(D, 1))
    s1 = mx1[0, 0] + mx1[0, 1]
    m1 = jnp.where(s1 >= 0, s1, 0.2 * s1)
    pm1 = _sc_edge(src, dst, hh1, ad1.reshape(N),
                   jnp.full((16,), m1, f32))

    w2p = jnp.concatenate([W2, pad], axis=1)
    hh2, as2, ad2, mx2 = _tc_combine(pm1, hh1, as1, ad1, m1.reshape(1, 1),
                                     b1.reshape(1, D), w2p,
                                     a_src2.reshape(D, 1),
                                     a_dst2.reshape(D, 1))
    s2 = mx2[0, 0] + mx2[0, 1]
    m2 = jnp.where(s2 >= 0, s2, 0.2 * s2)
    pm2 = _sc_edge(src, dst, hh2, ad2.reshape(N),
                   jnp.full((16,), m2, f32))

    (colsum,) = _tc_final(pm2, hh2, as2, ad2, m2.reshape(1, 1),
                          b2.reshape(1, D))
    pooled = colsum / jnp.float32(N)
    return pooled @ Wout + bout

# --- scband reference (transcript-rebuilt; emitter-appended) ---
"""Pipeline reference for scband-gatregression-22325240004719 (READ-ONLY COPY).

The authoritative reference and input builder live on the scoring server;
editing this copy changes nothing except your own understanding.
"""

import jax, jax.numpy as jnp
import numpy as np

N = 10000
E = 320000
D = 128
H = 128


def _gat_conv(x, src, dst, W, a_src, a_dst, b, num_nodes):
    # h = W x  (PyG GATConv lin, heads=1)
    h = x @ W  # [N, H]
    alpha_src = h @ a_src  # [N]
    alpha_dst = h @ a_dst  # [N]
    # e_ij = LeakyReLU(a_src . h_j + a_dst . h_i) for edge j->i (src->dst)
    e = jax.nn.leaky_relu(alpha_src[src] + alpha_dst[dst], negative_slope=0.2)
    # softmax over incoming edges per destination node
    e_max = jax.ops.segment_max(e, dst, num_segments=num_nodes)
    e_max = jnp.where(jnp.isfinite(e_max), e_max, 0.0)
    e_exp = jnp.exp(e - e_max[dst])
    denom = jax.ops.segment_sum(e_exp, dst, num_segments=num_nodes)
    alpha = e_exp / (denom[dst] + 1e-16)
    # message passing: scatter-add of alpha * h_src into dst
    out = jax.ops.segment_sum(h[src] * alpha[:, None], dst, num_segments=num_nodes)
    return out + b


def setup_inputs(seed: int = 0):
    key = jax.random.key(seed)
    ks = jax.random.split(key, 12)
    x = jax.random.normal(ks[0], (N, D), dtype=jnp.float32)
    edge_index = jax.random.randint(ks[1], (2, E), 0, N, dtype=jnp.int32)
    s = 1.0 / np.sqrt(D)
    sh = 1.0 / np.sqrt(H)
    W1 = jax.random.normal(ks[2], (D, H), dtype=jnp.float32) * s
    a_src1 = jax.random.normal(ks[3], (H,), dtype=jnp.float32) * sh
    a_dst1 = jax.random.normal(ks[4], (H,), dtype=jnp.float32) * sh
    b1 = jnp.zeros((H,), dtype=jnp.float32)
    W2 = jax.random.normal(ks[5], (H, H), dtype=jnp.float32) * sh
    a_src2 = jax.random.normal(ks[6], (H,), dtype=jnp.float32) * sh
    a_dst2 = jax.random.normal(ks[7], (H,), dtype=jnp.float32) * sh
    b2 = jnp.zeros((H,), dtype=jnp.float32)
    Wout = jax.random.normal(ks[8], (H, 1), dtype=jnp.float32) * sh
    bout = jnp.zeros((1,), dtype=jnp.float32)
    return {"x": x, "edge_index": edge_index, "W1": W1, "a_src1": a_src1, "a_dst1": a_dst1, "b1": b1, "W2": W2, "a_src2": a_src2, "a_dst2": a_dst2, "b2": b2, "Wout": Wout, "bout": bout}


def reference(x, edge_index, W1, a_src1, a_dst1, b1, W2, a_src2, a_dst2, b2, Wout, bout):
    num_nodes = x.shape[0]
    # add self-loops (PyG GATConv default add_self_loops=True)
    loop = jnp.arange(num_nodes, dtype=edge_index.dtype)
    src = jnp.concatenate([edge_index[0], loop])
    dst = jnp.concatenate([edge_index[1], loop])
    h = jax.nn.relu(_gat_conv(x, src, dst, W1, a_src1, a_dst1, b1, num_nodes))
    h = jax.nn.relu(_gat_conv(h, src, dst, W2, a_src2, a_dst2, b2, num_nodes))
    pooled = jnp.mean(h, axis=0, keepdims=True)  # [1, H]
    out = pooled @ Wout + bout  # [1, 1]
    return out

if __name__ == "__main__":
    import jax
    _d = setup_inputs()
    print(jax.jit(kernel)(*tuple(_d.values())))

</pallas_src>

<mosaic_0001>
#map = affine_map<(d0, d1) -> (0)>
#map1 = affine_map<(d0, d1) -> (0, 0)>
#map2 = affine_map<(d0, d1) -> (0, 0, 0)>
module attributes {stable_mosaic.version = 14 : i64} {
  func.func @_sc_edge_body(%arg0: i32, %arg1: i32, %arg2: memref<320000xi32, #tpu.memory_space<hbm>>, %arg3: memref<320000xi32, #tpu.memory_space<hbm>>, %arg4: memref<10000x144xf32, #tpu.memory_space<hbm>>, %arg5: memref<10000xf32, #tpu.memory_space<hbm>>, %arg6: memref<16xf32, #tpu.memory_space<hbm>>, %arg7: memref<2x10240x144xf32, #tpu.memory_space<hbm>>, %arg8: memref<80xi32, #tpu.memory_space<vmem>>, %arg9: memref<80xi32, #tpu.memory_space<vmem>>, %arg10: memref<80xi32, #tpu.memory_space<vmem>>, %arg11: memref<80xi32, #tpu.memory_space<vmem>>, %arg12: memref<80xi32, #tpu.memory_space<vmem>>, %arg13: memref<80xi32, #tpu.memory_space<vmem>>, %arg14: memref<80x144xf32, #tpu.memory_space<vmem>>, %arg15: memref<80x144xf32, #tpu.memory_space<vmem>>, %arg16: memref<80x144xf32, #tpu.memory_space<vmem>>, %arg17: memref<80xf32, #tpu.memory_space<vmem>>, %arg18: memref<80xf32, #tpu.memory_space<vmem>>, %arg19: memref<80xf32, #tpu.memory_space<vmem>>, %arg20: memref<80xf32, #tpu.memory_space<vmem>>, %arg21: memref<80xf32, #tpu.memory_space<vmem>>, %arg22: memref<80xf32, #tpu.memory_space<vmem>>, %arg23: memref<16xf32, #tpu.memory_space<vmem>>, %arg24: memref<10240x144xf32, #tpu.memory_space<vmem_shared>>, %arg25: memref<!tpu.dma_semaphore, #tpu.memory_space<semaphore_mem>>, %arg26: memref<!tpu.dma_semaphore, #tpu.memory_space<semaphore_mem>>, %arg27: memref<!tpu.dma_semaphore, #tpu.memory_space<semaphore_mem>>, %arg28: memref<!tpu.dma_semaphore, #tpu.memory_space<semaphore_mem>>, %arg29: memref<!tpu.dma_semaphore, #tpu.memory_space<semaphore_mem>>, %arg30: memref<!tpu.dma_semaphore, #tpu.memory_space<semaphore_mem>>, %arg31: memref<!tpu.dma_semaphore, #tpu.memory_space<semaphore_mem>>, %arg32: memref<!tpu.dma_semaphore, #tpu.memory_space<semaphore_mem>>, %arg33: memref<!tpu.dma_semaphore, #tpu.memory_space<semaphore_mem>>) attributes {dimension_semantics = [#tpu.dimension_semantics<core_parallel>, #tpu.dimension_semantics<subcore_parallel>], iteration_bounds = array<i64: 2, 16>, scalar_prefetch = 0 : i64, scratch_operands = 26 : i64, tpu.core_type = #tpu.core_type<sc_vector_subcore>, window_params = [{transform_indices = #map}, {transform_indices = #map}, {transform_indices = #map1}, {transform_indices = #map}, {transform_indices = #map}, {transform_indices = #map2}]} {
    %mul3A = arith.constant 2 : i32
    %mul3A_0 = arith.muli %arg1, %mul3A : i32
    %add3A = arith.addi %mul3A_0, %arg0 : i32
    "tpu.region"() ({
      %run_scoped3A = tpu.sem_alloc : memref<!tpu.dma_semaphore, #tpu.memory_space<semaphore_mem>>
      tpu.enqueue_dma source(%arg6 : memref<16xf32, #tpu.memory_space<hbm>>) target(%arg23 : memref<16xf32, #tpu.memory_space<vmem>>) target_semaphore(%run_scoped3A : memref<!tpu.dma_semaphore, #tpu.memory_space<semaphore_mem>>)
      tpu.wait_dma2 semaphore(%run_scoped3A : memref<!tpu.dma_semaphore, #tpu.memory_space<semaphore_mem>>) src(%arg6 : memref<16xf32, #tpu.memory_space<hbm>>) dst(%arg23 : memref<16xf32, #tpu.memory_space<vmem>>)
      tpu.yield
    }) : () -> ()
    %mul3A_1 = arith.constant 640 : i32
    %mul3A_2 = arith.muli %arg1, %mul3A_1 : i32
    %scan3A = arith.constant 0 : i32
    %scan3A_3 = arith.constant 0 : i32
    %scan3A_4 = arith.constant 80 : i32
    %scan3A_5 = arith.addi %scan3A_3, %scan3A_4 : i32
    %scan3A_6 = arith.constant 1 : i32
    %scan3A_7 = scf.for %scan3A_63 = %scan3A_3 to %scan3A_5 step %scan3A_6 iter_args(%scan3A_64 = %scan3A) -> (i32)  : i32 {
      %broadcast_in_dim3A = arith.constant 0.000000e+00 : f32
      %broadcast_in_dim3A_65 = vector.broadcast %broadcast_in_dim3A : f32 to vector<16xf32>
      %swap3A = arith.index_cast %scan3A_63 : i32 to index
      %swap3A_66 = arith.constant 0 : index
      %swap3A_67 = tpu.vector_load %arg14[%swap3A, %swap3A_66] {strides = array<i32>} : memref<80x144xf32, #tpu.memory_space<vmem>>, vector<16xf32>,
      tpu.vector_store %arg14[%swap3A, %swap3A_66], %broadcast_in_dim3A_65 {strides = array<i32>} : memref<80x144xf32, #tpu.memory_space<vmem>>, vector<16xf32>,
      %broadcast_in_dim3A_68 = arith.constant 0.000000e+00 : f32
      %broadcast_in_dim3A_69 = vector.broadcast %broadcast_in_dim3A_68 : f32 to vector<16xf32>
      %swap3A_70 = arith.index_cast %scan3A_63 : i32 to index
      %swap3A_71 = arith.constant 16 : index
      %swap3A_72 = tpu.vector_load %arg14[%swap3A_70, %swap3A_71] {strides = array<i32>} : memref<80x144xf32, #tpu.memory_space<vmem>>, vector<16xf32>,
      tpu.vector_store %arg14[%swap3A_70, %swap3A_71], %broadcast_in_dim3A_69 {strides = array<i32>} : memref<80x144xf32, #tpu.memory_space<vmem>>, vector<16xf32>,
      %broadcast_in_dim3A_73 = arith.constant 0.000000e+00 : f32
      %broadcast_in_dim3A_74 = vector.broadcast %broadcast_in_dim3A_73 : f32 to vector<16xf32>
      %swap3A_75 = arith.index_cast %scan3A_63 : i32 to index
      %swap3A_76 = arith.constant 32 : index
      %swap3A_77 = tpu.vector_load %arg14[%swap3A_75, %swap3A_76] {strides = array<i32>} : memref<80x144xf32, #tpu.memory_space<vmem>>, vector<16xf32>,
      tpu.vector_store %arg14[%swap3A_75, %swap3A_76], %broadcast_in_dim3A_74 {strides = array<i32>} : memref<80x144xf32, #tpu.memory_space<vmem>>, vector<16xf32>,
      %broadcast_in_dim3A_78 = arith.constant 0.000000e+00 : f32
      %broadcast_in_dim3A_79 = vector.broadcast %broadcast_in_dim3A_78 : f32 to vector<16xf32>
      %swap3A_80 = arith.index_cast %scan3A_63 : i32 to index
      %swap3A_81 = arith.constant 48 : index
      %swap3A_82 = tpu.vector_load %arg14[%swap3A_80, %swap3A_81] {strides = array<i32>} : memref<80x144xf32, #tpu.memory_space<vmem>>, vector<16xf32>,
      tpu.vector_store %arg14[%swap3A_80, %swap3A_81], %broadcast_in_dim3A_79 {strides = array<i32>} : memref<80x144xf32, #tpu.memory_space<vmem>>, vector<16xf32>,
      %broadcast_in_dim3A_83 = arith.constant 0.000000e+00 : f32
      %broadcast_in_dim3A_84 = vector.broadcast %broadcast_in_dim3A_83 : f32 to vector<16xf32>
      %swap3A_85 = arith.index_cast %scan3A_63 : i32 to index
      %swap3A_86 = arith.constant 64 : index
      %swap3A_87 = tpu.vector_load %arg14[%swap3A_85, %swap3A_86] {strides = array<i32>} : memref<80x144xf32, #tpu.memory_space<vmem>>, vector<16xf32>,
      tpu.vector_store %arg14[%swap3A_85, %swap3A_86], %broadcast_in_dim3A_84 {strides = array<i32>} : memref<80x144xf32, #tpu.memory_space<vmem>>, vector<16xf32>,
      %broadcast_in_dim3A_88 = arith.constant 0.000000e+00 : f32
      %broadcast_in_dim3A_89 = vector.broadcast %broadcast_in_dim3A_88 : f32 to vector<16xf32>
      %swap3A_90 = arith.index_cast %scan3A_63 : i32 to index
      %swap3A_91 = arith.constant 80 : index
      %swap3A_92 = tpu.vector_load %arg14[%swap3A_90, %swap3A_91] {strides = array<i32>} : memref<80x144xf32, #tpu.memory_space<vmem>>, vector<16xf32>,
      tpu.vector_store %arg14[%swap3A_90, %swap3A_91], %broadcast_in_dim3A_89 {strides = array<i32>} : memref<80x144xf32, #tpu.memory_space<vmem>>, vector<16xf32>,
      %broadcast_in_dim3A_93 = arith.constant 0.000000e+00 : f32
      %broadcast_in_dim3A_94 = vector.broadcast %broadcast_in_dim3A_93 : f32 to vector<16xf32>
      %swap3A_95 = arith.index_cast %scan3A_63 : i32 to index
      %swap3A_96 = arith.constant 96 : index
      %swap3A_97 = tpu.vector_load %arg14[%swap3A_95, %swap3A_96] {strides = array<i32>} : memref<80x144xf32, #tpu.memory_space<vmem>>, vector<16xf32>,
      tpu.vector_store %arg14[%swap3A_95, %swap3A_96], %broadcast_in_dim3A_94 {strides = array<i32>} : memref<80x144xf32, #tpu.memory_space<vmem>>, vector<16xf32>,
      %broadcast_in_dim3A_98 = arith.constant 0.000000e+00 : f32
      %broadcast_in_dim3A_99 = vector.broadcast %broadcast_in_dim3A_98 : f32 to vector<16xf32>
      %swap3A_100 = arith.index_cast %scan3A_63 : i32 to index
      %swap3A_101 = arith.constant 112 : index
      %swap3A_102 = tpu.vector_load %arg14[%swap3A_100, %swap3A_101] {strides = array<i32>} : memref<80x144xf32, #tpu.memory_space<vmem>>, vector<16xf32>,
      tpu.vector_store %arg14[%swap3A_100, %swap3A_101], %broadcast_in_dim3A_99 {strides = array<i32>} : memref<80x144xf32, #tpu.memory_space<vmem>>, vector<16xf32>,
      %broadcast_in_dim3A_103 = arith.constant 0.000000e+00 : f32
      %broadcast_in_dim3A_104 = vector.broadcast %broadcast_in_dim3A_103 : f32 to vector<16xf32>
      %swap3A_105 = arith.index_cast %scan3A_63 : i32 to index
      %swap3A_106 = arith.constant 128 : index
      %swap3A_107 = tpu.vector_load %arg14[%swap3A_105, %swap3A_106] {strides = array<i32>} : memref<80x144xf32, #tpu.memory_space<vmem>>, vector<16xf32>,
      tpu.vector_store %arg14[%swap3A_105, %swap3A_106], %broadcast_in_dim3A_104 {strides = array<i32>} : memref<80x144xf32, #tpu.memory_space<vmem>>, vector<16xf32>,
      %scan3A_108 = arith.constant 0 : i32
      scf.yield %scan3A_108 : i32
    }
    %scan3A_8 = arith.constant 80 : i32
    %add3A_9 = arith.constant 0 : i32
    %add3A_10 = arith.addi %mul3A_2, %add3A_9 : i32
    "tpu.region"() ({
      %run_scoped3A = tpu.sem_alloc : memref<!tpu.dma_semaphore, #tpu.memory_space<semaphore_mem>>
      %dma_start3A_63 = arith.constant 0 : i32
      %dma_start3A_64 = tpu.memref_slice %arg24[%add3A_10, %dma_start3A_63] : memref<10240x144xf32, #tpu.memory_space<vmem_shared>> -> memref<80x144xf32, #tpu.memory_space<vmem_shared>>
      %dma_start3A_65 = arith.constant 0 : i32
      %dma_start3A_66 = tpu.memref_slice %arg24[%add3A_10, %dma_start3A_65] : memref<10240x144xf32, #tpu.memory_space<vmem_shared>> -> memref<80x144xf32, #tpu.memory_space<vmem_shared>>
      tpu.enqueue_dma source(%arg14 : memref<80x144xf32, #tpu.memory_space<vmem>>) target(%dma_start3A_66 : memref<80x144xf32, #tpu.memory_space<vmem_shared>>) target_semaphore(%run_scoped3A : memref<!tpu.dma_semaphore, #tpu.memory_space<semaphore_mem>>)
      %dma_wait3A = arith.constant 0 : i32
      %dma_wait3A_67 = tpu.memref_slice %arg24[%add3A_10, %dma_wait3A] : memref<10240x144xf32, #tpu.memory_space<vmem_shared>> -> memref<80x144xf32, #tpu.memory_space<vmem_shared>>
      %dma_wait3A_68 = arith.constant 0 : i32
      %dma_wait3A_69 = tpu.memref_slice %arg24[%add3A_10, %dma_wait3A_68] : memref<10240x144xf32, #tpu.memory_space<vmem_shared>> -> memref<80x144xf32, #tpu.memory_space<vmem_shared>>
      tpu.wait_dma2 semaphore(%run_scoped3A : memref<!tpu.dma_semaphore, #tpu.memory_space<semaphore_mem>>) src(%arg14 : memref<80x144xf32, #tpu.memory_space<vmem>>) dst(%dma_wait3A_69 : memref<80x144xf32, #tpu.memory_space<vmem_shared>>)
      tpu.yield
    }) : () -> ()
    %add3A_11 = arith.constant 80 : i32
    %add3A_12 = arith.addi %mul3A_2, %add3A_11 : i32
    "tpu.region"() ({
      %run_scoped3A = tpu.sem_alloc : memref<!tpu.dma_semaphore, #tpu.memory_space<semaphore_mem>>
      %dma_start3A_63 = arith.constant 0 : i32
      %dma_start3A_64 = tpu.memref_slice %arg24[%add3A_12, %dma_start3A_63] : memref<10240x144xf32, #tpu.memory_space<vmem_shared>> -> memref<80x144xf32, #tpu.memory_space<vmem_shared>>
      %dma_start3A_65 = arith.constant 0 : i32
      %dma_start3A_66 = tpu.memref_slice %arg24[%add3A_12, %dma_start3A_65] : memref<10240x144xf32, #tpu.memory_space<vmem_shared>> -> memref<80x144xf32, #tpu.memory_space<vmem_shared>>
      tpu.enqueue_dma source(%arg14 : memref<80x144xf32, #tpu.memory_space<vmem>>) target(%dma_start3A_66 : memref<80x144xf32, #tpu.memory_space<vmem_shared>>) target_semaphore(%run_scoped3A : memref<!tpu.dma_semaphore, #tpu.memory_space<semaphore_mem>>)
      %dma_wait3A = arith.constant 0 : i32
      %dma_wait3A_67 = tpu.memref_slice %arg24[%add3A_12, %dma_wait3A] : memref<10240x144xf32, #tpu.memory_space<vmem_shared>> -> memref<80x144xf32, #tpu.memory_space<vmem_shared>>
      %dma_wait3A_68 = arith.constant 0 : i32
      %dma_wait3A_69 = tpu.memref_slice %arg24[%add3A_12, %dma_wait3A_68] : memref<10240x144xf32, #tpu.memory_space<vmem_shared>> -> memref<80x144xf32, #tpu.memory_space<vmem_shared>>
      tpu.wait_dma2 semaphore(%run_scoped3A : memref<!tpu.dma_semaphore, #tpu.memory_space<semaphore_mem>>) src(%arg14 : memref<80x144xf32, #tpu.memory_space<vmem>>) dst(%dma_wait3A_69 : memref<80x144xf32, #tpu.memory_space<vmem_shared>>)
      tpu.yield
    }) : () -> ()
    %add3A_13 = arith.constant 160 : i32
    %add3A_14 = arith.addi %mul3A_2, %add3A_13 : i32
    "tpu.region"() ({
      %run_scoped3A = tpu.sem_alloc : memref<!tpu.dma_semaphore, #tpu.memory_space<semaphore_mem>>
      %dma_start3A_63 = arith.constant 0 : i32
      %dma_start3A_64 = tpu.memref_slice %arg24[%add3A_14, %dma_start3A_63] : memref<10240x144xf32, #tpu.memory_space<vmem_shared>> -> memref<80x144xf32, #tpu.memory_space<vmem_shared>>
      %dma_start3A_65 = arith.constant 0 : i32
      %dma_start3A_66 = tpu.memref_slice %arg24[%add3A_14, %dma_start3A_65] : memref<10240x144xf32, #tpu.memory_space<vmem_shared>> -> memref<80x144xf32, #tpu.memory_space<vmem_shared>>
      tpu.enqueue_dma source(%arg14 : memref<80x144xf32, #tpu.memory_space<vmem>>) target(%dma_start3A_66 : memref<80x144xf32, #tpu.memory_space<vmem_shared>>) target_semaphore(%run_scoped3A : memref<!tpu.dma_semaphore, #tpu.memory_space<semaphore_mem>>)
      %dma_wait3A = arith.constant 0 : i32
      %dma_wait3A_67 = tpu.memref_slice %arg24[%add3A_14, %dma_wait3A] : memref<10240x144xf32, #tpu.memory_space<vmem_shared>> -> memref<80x144xf32, #tpu.memory_space<vmem_shared>>
      %dma_wait3A_68 = arith.constant 0 : i32
      %dma_wait3A_69 = tpu.memref_slice %arg24[%add3A_14, %dma_wait3A_68] : memref<10240x144xf32, #tpu.memory_space<vmem_shared>> -> memref<80x144xf32, #tpu.memory_space<vmem_shared>>
      tpu.wait_dma2 semaphore(%run_scoped3A : memref<!tpu.dma_semaphore, #tpu.memory_space<semaphore_mem>>) src(%arg14 : memref<80x144xf32, #tpu.memory_space<vmem>>) dst(%dma_wait3A_69 : memref<80x144xf32, #tpu.memory_space<vmem_shared>>)
      tpu.yield
    }) : () -> ()
    %add3A_15 = arith.constant 240 : i32
    %add3A_16 = arith.addi %mul3A_2, %add3A_15 : i32
    "tpu.region"() ({
      %run_scoped3A = tpu.sem_alloc : memref<!tpu.dma_semaphore, #tpu.memory_space<semaphore_mem>>
      %dma_start3A_63 = arith.constant 0 : i32
      %dma_start3A_64 = tpu.memref_slice %arg24[%add3A_16, %dma_start3A_63] : memref<10240x144xf32, #tpu.memory_space<vmem_shared>> -> memref<80x144xf32, #tpu.memory_space<vmem_shared>>
      %dma_start3A_65 = arith.constant 0 : i32
      %dma_start3A_66 = tpu.memref_slice %arg24[%add3A_16, %dma_start3A_65] : memref<10240x144xf32, #tpu.memory_space<vmem_shared>> -> memref<80x144xf32, #tpu.memory_space<vmem_shared>>
      tpu.enqueue_dma source(%arg14 : memref<80x144xf32, #tpu.memory_space<vmem>>) target(%dma_start3A_66 : memref<80x144xf32, #tpu.memory_space<vmem_shared>>) target_semaphore(%run_scoped3A : memref<!tpu.dma_semaphore, #tpu.memory_space<semaphore_mem>>)
      %dma_wait3A = arith.constant 0 : i32
      %dma_wait3A_67 = tpu.memref_slice %arg24[%add3A_16, %dma_wait3A] : memref<10240x144xf32, #tpu.memory_space<vmem_shared>> -> memref<80x144xf32, #tpu.memory_space<vmem_shared>>
      %dma_wait3A_68 = arith.constant 0 : i32
      %dma_wait3A_69 = tpu.memref_slice %arg24[%add3A_16, %dma_wait3A_68] : memref<10240x144xf32, #tpu.memory_space<vmem_shared>> -> memref<80x144xf32, #tpu.memory_space<vmem_shared>>
      tpu.wait_dma2 semaphore(%run_scoped3A : memref<!tpu.dma_semaphore, #tpu.memory_space<semaphore_mem>>) src(%arg14 : memref<80x144xf32, #tpu.memory_space<vmem>>) dst(%dma_wait3A_69 : memref<80x144xf32, #tpu.memory_space<vmem_shared>>)
      tpu.yield
    }) : () -> ()
    %add3A_17 = arith.constant 320 : i32
    %add3A_18 = arith.addi %mul3A_2, %add3A_17 : i32
    "tpu.region"() ({
      %run_scoped3A = tpu.sem_alloc : memref<!tpu.dma_semaphore, #tpu.memory_space<semaphore_mem>>
      %dma_start3A_63 = arith.constant 0 : i32
      %dma_start3A_64 = tpu.memref_slice %arg24[%add3A_18, %dma_start3A_63] : memref<10240x144xf32, #tpu.memory_space<vmem_shared>> -> memref<80x144xf32, #tpu.memory_space<vmem_shared>>
      %dma_start3A_65 = arith.constant 0 : i32
      %dma_start3A_66 = tpu.memref_slice %arg24[%add3A_18, %dma_start3A_65] : memref<10240x144xf32, #tpu.memory_space<vmem_shared>> -> memref<80x144xf32, #tpu.memory_space<vmem_shared>>
      tpu.enqueue_dma source(%arg14 : memref<80x144xf32, #tpu.memory_space<vmem>>) target(%dma_start3A_66 : memref<80x144xf32, #tpu.memory_space<vmem_shared>>) target_semaphore(%run_scoped3A : memref<!tpu.dma_semaphore, #tpu.memory_space<semaphore_mem>>)
      %dma_wait3A = arith.constant 0 : i32
      %dma_wait3A_67 = tpu.memref_slice %arg24[%add3A_18, %dma_wait3A] : memref<10240x144xf32, #tpu.memory_space<vmem_shared>> -> memref<80x144xf32, #tpu.memory_space<vmem_shared>>
      %dma_wait3A_68 = arith.constant 0 : i32
      %dma_wait3A_69 = tpu.memref_slice %arg24[%add3A_18, %dma_wait3A_68] : memref<10240x144xf32, #tpu.memory_space<vmem_shared>> -> memref<80x144xf32, #tpu.memory_space<vmem_shared>>
      tpu.wait_dma2 semaphore(%run_scoped3A : memref<!tpu.dma_semaphore, #tpu.memory_space<semaphore_mem>>) src(%arg14 : memref<80x144xf32, #tpu.memory_space<vmem>>) dst(%dma_wait3A_69 : memref<80x144xf32, #tpu.memory_space<vmem_shared>>)
      tpu.yield
    }) : () -> ()
    %add3A_19 = arith.constant 400 : i32
    %add3A_20 = arith.addi %mul3A_2, %add3A_19 : i32
    "tpu.region"() ({
      %run_scoped3A = tpu.sem_alloc : memref<!tpu.dma_semaphore, #tpu.memory_space<semaphore_mem>>
      %dma_start3A_63 = arith.constant 0 : i32
      %dma_start3A_64 = tpu.memref_slice %arg24[%add3A_20, %dma_start3A_63] : memref<10240x144xf32, #tpu.memory_space<vmem_shared>> -> memref<80x144xf32, #tpu.memory_space<vmem_shared>>
      %dma_start3A_65 = arith.constant 0 : i32
      %dma_start3A_66 = tpu.memref_slice %arg24[%add3A_20, %dma_start3A_65] : memref<10240x144xf32, #tpu.memory_space<vmem_shared>> -> memref<80x144xf32, #tpu.memory_space<vmem_shared>>
      tpu.enqueue_dma source(%arg14 : memref<80x144xf32, #tpu.memory_space<vmem>>) target(%dma_start3A_66 : memref<80x144xf32, #tpu.memory_space<vmem_shared>>) target_semaphore(%run_scoped3A : memref<!tpu.dma_semaphore, #tpu.memory_space<semaphore_mem>>)
      %dma_wait3A = arith.constant 0 : i32
      %dma_wait3A_67 = tpu.memref_slice %arg24[%add3A_20, %dma_wait3A] : memref<10240x144xf32, #tpu.memory_space<vmem_shared>> -> memref<80x144xf32, #tpu.memory_space<vmem_shared>>
      %dma_wait3A_68 = arith.constant 0 : i32
      %dma_wait3A_69 = tpu.memref_slice %arg24[%add3A_20, %dma_wait3A_68] : memref<10240x144xf32, #tpu.memory_space<vmem_shared>> -> memref<80x144xf32, #tpu.memory_space<vmem_shared>>
      tpu.wait_dma2 semaphore(%run_scoped3A : memref<!tpu.dma_semaphore, #tpu.memory_space<semaphore_mem>>) src(%arg14 : memref<80x144xf32, #tpu.memory_space<vmem>>) dst(%dma_wait3A_69 : memref<80x144xf32, #tpu.memory_space<vmem_shared>>)
      tpu.yield
    }) : () -> ()
    %add3A_21 = arith.constant 480 : i32
    %add3A_22 = arith.addi %mul3A_2, %add3A_21 : i32
    "tpu.region"() ({
      %run_scoped3A = tpu.sem_alloc : memref<!tpu.dma_semaphore, #tpu.memory_space<semaphore_mem>>
      %dma_start3A_63 = arith.constant 0 : i32
      %dma_start3A_64 = tpu.memref_slice %arg24[%add3A_22, %dma_start3A_63] : memref<10240x144xf32, #tpu.memory_space<vmem_shared>> -> memref<80x144xf32, #tpu.memory_space<vmem_shared>>
      %dma_start3A_65 = arith.constant 0 : i32
      %dma_start3A_66 = tpu.memref_slice %arg24[%add3A_22, %dma_start3A_65] : memref<10240x144xf32, #tpu.memory_space<vmem_shared>> -> memref<80x144xf32, #tpu.memory_space<vmem_shared>>
      tpu.enqueue_dma source(%arg14 : memref<80x144xf32, #tpu.memory_space<vmem>>) target(%dma_start3A_66 : memref<80x144xf32, #tpu.memory_space<vmem_shared>>) target_semaphore(%run_scoped3A : memref<!tpu.dma_semaphore, #tpu.memory_space<semaphore_mem>>)
      %dma_wait3A = arith.constant 0 : i32
      %dma_wait3A_67 = tpu.memref_slice %arg24[%add3A_22, %dma_wait3A] : memref<10240x144xf32, #tpu.memory_space<vmem_shared>> -> memref<80x144xf32, #tpu.memory_space<vmem_shared>>
      %dma_wait3A_68 = arith.constant 0 : i32
      %dma_wait3A_69 = tpu.memref_slice %arg24[%add3A_22, %dma_wait3A_68] : memref<10240x144xf32, #tpu.memory_space<vmem_shared>> -> memref<80x144xf32, #tpu.memory_space<vmem_shared>>
      tpu.wait_dma2 semaphore(%run_scoped3A : memref<!tpu.dma_semaphore, #tpu.memory_space<semaphore_mem>>) src(%arg14 : memref<80x144xf32, #tpu.memory_space<vmem>>) dst(%dma_wait3A_69 : memref<80x144xf32, #tpu.memory_space<vmem_shared>>)
      tpu.yield
    }) : () -> ()
    %add3A_23 = arith.constant 560 : i32
    %add3A_24 = arith.addi %mul3A_2, %add3A_23 : i32
    "tpu.region"() ({
      %run_scoped3A = tpu.sem_alloc : memref<!tpu.dma_semaphore, #tpu.memory_space<semaphore_mem>>
      %dma_start3A_63 = arith.constant 0 : i32
      %dma_start3A_64 = tpu.memref_slice %arg24[%add3A_24, %dma_start3A_63] : memref<10240x144xf32, #tpu.memory_space<vmem_shared>> -> memref<80x144xf32, #tpu.memory_space<vmem_shared>>
      %dma_start3A_65 = arith.constant 0 : i32
      %dma_start3A_66 = tpu.memref_slice %arg24[%add3A_24, %dma_start3A_65] : memref<10240x144xf32, #tpu.memory_space<vmem_shared>> -> memref<80x144xf32, #tpu.memory_space<vmem_shared>>
      tpu.enqueue_dma source(%arg14 : memref<80x144xf32, #tpu.memory_space<vmem>>) target(%dma_start3A_66 : memref<80x144xf32, #tpu.memory_space<vmem_shared>>) target_semaphore(%run_scoped3A : memref<!tpu.dma_semaphore, #tpu.memory_space<semaphore_mem>>)
      %dma_wait3A = arith.constant 0 : i32
      %dma_wait3A_67 = tpu.memref_slice %arg24[%add3A_24, %dma_wait3A] : memref<10240x144xf32, #tpu.memory_space<vmem_shared>> -> memref<80x144xf32, #tpu.memory_space<vmem_shared>>
      %dma_wait3A_68 = arith.constant 0 : i32
      %dma_wait3A_69 = tpu.memref_slice %arg24[%add3A_24, %dma_wait3A_68] : memref<10240x144xf32, #tpu.memory_space<vmem_shared>> -> memref<80x144xf32, #tpu.memory_space<vmem_shared>>
      tpu.wait_dma2 semaphore(%run_scoped3A : memref<!tpu.dma_semaphore, #tpu.memory_space<semaphore_mem>>) src(%arg14 : memref<80x144xf32, #tpu.memory_space<vmem>>) dst(%dma_wait3A_69 : memref<80x144xf32, #tpu.memory_space<vmem_shared>>)
      tpu.yield
    }) : () -> ()
    %barrier3A = arith.constant 0 : index
    tpu.barrier barrier_id(%barrier3A)
    %mul3A_25 = arith.constant 10000 : i32
    %mul3A_26 = arith.muli %add3A, %mul3A_25 : i32
    %get3A = arith.constant 0 : index
    %get3A_27 = tpu.vector_load %arg23[%get3A] {strides = array<i32>} : memref<16xf32, #tpu.memory_space<vmem>>, vector<16xf32>,
    %iota3A = tpu.iota {dimensions = array<i32: 0>} : vector<16xi32>
    %add3A_28 = arith.constant 0 : i32
    %add3A_29 = arith.addi %mul3A_26, %add3A_28 : i32
    "tpu.region"() ({
      %run_scoped3A = tpu.sem_alloc : memref<!tpu.dma_semaphore, #tpu.memory_space<semaphore_mem>>
      %dma_start3A_63 = tpu.memref_slice %arg2[%add3A_29] : memref<320000xi32, #tpu.memory_space<hbm>> -> memref<80xi32, #tpu.memory_space<hbm>>
      %dma_start3A_64 = tpu.memref_slice %arg2[%add3A_29] : memref<320000xi32, #tpu.memory_space<hbm>> -> memref<80xi32, #tpu.memory_space<hbm>>
      tpu.enqueue_dma source(%dma_start3A_64 : memref<80xi32, #tpu.memory_space<hbm>>) target(%arg8 : memref<80xi32, #tpu.memory_space<vmem>>) target_semaphore(%run_scoped3A : memref<!tpu.dma_semaphore, #tpu.memory_space<semaphore_mem>>)
      %dma_wait3A = tpu.memref_slice %arg2[%add3A_29] : memref<320000xi32, #tpu.memory_space<hbm>> -> memref<80xi32, #tpu.memory_space<hbm>>
      %dma_wait3A_65 = tpu.memref_slice %arg2[%add3A_29] : memref<320000xi32, #tpu.memory_space<hbm>> -> memref<80xi32, #tpu.memory_space<hbm>>
      tpu.wait_dma2 semaphore(%run_scoped3A : memref<!tpu.dma_semaphore, #tpu.memory_space<semaphore_mem>>) src(%dma_wait3A_65 : memref<80xi32, #tpu.memory_space<hbm>>) dst(%arg8 : memref<80xi32, #tpu.memory_space<vmem>>)
      tpu.yield
    }) : () -> ()
    "tpu.region"() ({
      %run_scoped3A = tpu.sem_alloc : memref<!tpu.dma_semaphore, #tpu.memory_space<semaphore_mem>>
      %dma_start3A_63 = tpu.memref_slice %arg3[%add3A_29] : memref<320000xi32, #tpu.memory_space<hbm>> -> memref<80xi32, #tpu.memory_space<hbm>>
      %dma_start3A_64 = tpu.memref_slice %arg3[%add3A_29] : memref<320000xi32, #tpu.memory_space<hbm>> -> memref<80xi32, #tpu.memory_space<hbm>>
      tpu.enqueue_dma source(%dma_start3A_64 : memref<80xi32, #tpu.memory_space<hbm>>) target(%arg11 : memref<80xi32, #tpu.memory_space<vmem>>) target_semaphore(%run_scoped3A : memref<!tpu.dma_semaphore, #tpu.memory_space<semaphore_mem>>)
      %dma_wait3A = tpu.memref_slice %arg3[%add3A_29] : memref<320000xi32, #tpu.memory_space<hbm>> -> memref<80xi32, #tpu.memory_space<hbm>>
      %dma_wait3A_65 = tpu.memref_slice %arg3[%add3A_29] : memref<320000xi32, #tpu.memory_space<hbm>> -> memref<80xi32, #tpu.memory_space<hbm>>
      tpu.wait_dma2 semaphore(%run_scoped3A : memref<!tpu.dma_semaphore, #tpu.memory_space<semaphore_mem>>) src(%dma_wait3A_65 : memref<80xi32, #tpu.memory_space<hbm>>) dst(%arg11 : memref<80xi32, #tpu.memory_space<vmem>>)
      tpu.yield
    }) : () -> ()
    %dma_start3A = arith.constant 0 : i32
    %dma_start3A_30 = arith.constant 0 : i32
    %dma_start3A_31 = tpu.memref_slice %arg4[%dma_start3A, %dma_start3A_30] : memref<10000x144xf32, #tpu.memory_space<hbm>> -> memref<10000x144xf32, #tpu.memory_space<hbm>>
    tpu.enqueue_indirect_dma source(%dma_start3A_31 : memref<10000x144xf32, #tpu.memory_space<hbm>>) target(%arg14 : memref<80x144xf32, #tpu.memory_space<vmem>>) offsets(%arg8 : memref<80xi32, #tpu.memory_space<vmem>>) semaphore(%arg25 : memref<!tpu.dma_semaphore, #tpu.memory_space<semaphore_mem>>)
    %dma_start3A_32 = arith.constant 0 : i32
    %dma_start3A_33 = tpu.memref_slice %arg5[%dma_start3A_32] : memref<10000xf32, #tpu.memory_space<hbm>> -> memref<10000xf32, #tpu.memory_space<hbm>>
    tpu.enqueue_indirect_dma source(%dma_start3A_33 : memref<10000xf32, #tpu.memory_space<hbm>>) target(%arg20 : memref<80xf32, #tpu.memory_space<vmem>>) offsets(%arg11 : memref<80xi32, #tpu.memory_space<vmem>>) semaphore(%arg28 : memref<!tpu.dma_semaphore, #tpu.memory_space<semaphore_mem>>)
    %add3A_34 = arith.constant 80 : i32
    %add3A_35 = arith.addi %mul3A_26, %add3A_34 : i32
    "tpu.region"() ({
      %run_scoped3A = tpu.sem_alloc : memref<!tpu.dma_semaphore, #tpu.memory_space<semaphore_mem>>
      %dma_start3A_63 = tpu.memref_slice %arg2[%add3A_35] : memref<320000xi32, #tpu.memory_space<hbm>> -> memref<80xi32, #tpu.memory_space<hbm>>
      %dma_start3A_64 = tpu.memref_slice %arg2[%add3A_35] : memref<320000xi32, #tpu.memory_space<hbm>> -> memref<80xi32, #tpu.memory_space<hbm>>
      tpu.enqueue_dma source(%dma_start3A_64 : memref<80xi32, #tpu.memory_space<hbm>>) target(%arg9 : memref<80xi32, #tpu.memory_space<vmem>>) target_semaphore(%run_scoped3A : memref<!tpu.dma_semaphore, #tpu.memory_space<semaphore_mem>>)
      %dma_wait3A = tpu.memref_slice %arg2[%add3A_35] : memref<320000xi32, #tpu.memory_space<hbm>> -> memref<80xi32, #tpu.memory_space<hbm>>
      %dma_wait3A_65 = tpu.memref_slice %arg2[%add3A_35] : memref<320000xi32, #tpu.memory_space<hbm>> -> memref<80xi32, #tpu.memory_space<hbm>>
      tpu.wait_dma2 semaphore(%run_scoped3A : memref<!tpu.dma_semaphore, #tpu.memory_space<semaphore_mem>>) src(%dma_wait3A_65 : memref<80xi32, #tpu.memory_space<hbm>>) dst(%arg9 : memref<80xi32, #tpu.memory_space<vmem>>)
      tpu.yield
    }) : () -> ()
    "tpu.region"() ({
      %run_scoped3A = tpu.sem_alloc : memref<!tpu.dma_semaphore, #tpu.memory_space<semaphore_mem>>
      %dma_start3A_63 = tpu.memref_slice %arg3[%add3A_35] : memref<320000xi32, #tpu.memory_space<hbm>> -> memref<80xi32, #tpu.memory_space<hbm>>
      %dma_start3A_64 = tpu.memref_slice %arg3[%add3A_35] : memref<320000xi32, #tpu.memory_space<hbm>> -> memref<80xi32, #tpu.memory_space<hbm>>
      tpu.enqueue_dma source(%dma_start3A_64 : memref<80xi32, #tpu.memory_space<hbm>>) target(%arg12 : memref<80xi32, #tpu.memory_space<vmem>>) target_semaphore(%run_scoped3A : memref<!tpu.dma_semaphore, #tpu.memory_space<semaphore_mem>>)
      %dma_wait3A = tpu.memref_slice %arg3[%add3A_35] : memref<320000xi32, #tpu.memory_space<hbm>> -> memref<80xi32, #tpu.memory_space<hbm>>
      %dma_wait3A_65 = tpu.memref_slice %arg3[%add3A_35] : memref<320000xi32, #tpu.memory_space<hbm>> -> memref<80xi32, #tpu.memory_space<hbm>>
      tpu.wait_dma2 semaphore(%run_scoped3A : memref<!tpu.dma_semaphore, #tpu.memory_space<semaphore_mem>>) src(%dma_wait3A_65 : memref<80xi32, #tpu.memory_space<hbm>>) dst(%arg12 : memref<80xi32, #tpu.memory_space<vmem>>)
      tpu.yield
    }) : () -> ()
    %dma_start3A_36 = arith.constant 0 : i32
    %dma_start3A_37 = arith.constant 0 : i32
    %dma_start3A_38 = tpu.memref_slice %arg4[%dma_start3A_36, %dma_start3A_37] : memref<10000x144xf32, #tpu.memory_space<hbm>> -> memref<10000x144xf32, #tpu.memory_space<hbm>>
    tpu.enqueue_indirect_dma source(%dma_start3A_38 : memref<10000x144xf32, #tpu.memory_space<hbm>>) target(%arg15 : memref<80x144xf32, #tpu.memory_space<vmem>>) offsets(%arg9 : memref<80xi32, #tpu.memory_space<vmem>>) semaphore(%arg26 : memref<!tpu.dma_semaphore, #tpu.memory_space<semaphore_mem>>)
    %dma_start3A_39 = arith.constant 0 : i32
    %dma_start3A_40 = tpu.memref_slice %arg5[%dma_start3A_39] : memref<10000xf32, #tpu.memory_space<hbm>> -> memref<10000xf32, #tpu.memory_space<hbm>>
    tpu.enqueue_indirect_dma source(%dma_start3A_40 : memref<10000xf32, #tpu.memory_space<hbm>>) target(%arg21 : memref<80xf32, #tpu.memory_space<vmem>>) offsets(%arg12 : memref<80xi32, #tpu.memory_space<vmem>>) semaphore(%arg29 : memref<!tpu.dma_semaphore, #tpu.memory_space<semaphore_mem>>)
    %add3A_41 = arith.constant 160 : i32
    %add3A_42 = arith.addi %mul3A_26, %add3A_41 : i32
    "tpu.region"() ({
      %run_scoped3A = tpu.sem_alloc : memref<!tpu.dma_semaphore, #tpu.memory_space<semaphore_mem>>
      %dma_start3A_63 = tpu.memref_slice %arg2[%add3A_42] : memref<320000xi32, #tpu.memory_space<hbm>> -> memref<80xi32, #tpu.memory_space<hbm>>
      %dma_start3A_64 = tpu.memref_slice %arg2[%add3A_42] : memref<320000xi32, #tpu.memory_space<hbm>> -> memref<80xi32, #tpu.memory_space<hbm>>
      tpu.enqueue_dma source(%dma_start3A_64 : memref<80xi32, #tpu.memory_space<hbm>>) target(%arg10 : memref<80xi32, #tpu.memory_space<vmem>>) target_semaphore(%run_scoped3A : memref<!tpu.dma_semaphore, #tpu.memory_space<semaphore_mem>>)
      %dma_wait3A = tpu.memref_slice %arg2[%add3A_42] : memref<320000xi32, #tpu.memory_space<hbm>> -> memref<80xi32, #tpu.memory_space<hbm>>
      %dma_wait3A_65 = tpu.memref_slice %arg2[%add3A_42] : memref<320000xi32, #tpu.memory_space<hbm>> -> memref<80xi32, #tpu.memory_space<hbm>>
      tpu.wait_dma2 semaphore(%run_scoped3A : memref<!tpu.dma_semaphore, #tpu.memory_space<semaphore_mem>>) src(%dma_wait3A_65 : memref<80xi32, #tpu.memory_space<hbm>>) dst(%arg10 : memref<80xi32, #tpu.memory_space<vmem>>)
      tpu.yield
    }) : () -> ()
    "tpu.region"() ({
      %run_scoped3A = tpu.sem_alloc : memref<!tpu.dma_semaphore, #tpu.memory_space<semaphore_mem>>
      %dma_start3A_63 = tpu.memref_slice %arg3[%add3A_42] : memref<320000xi32, #tpu.memory_space<hbm>> -> memref<80xi32, #tpu.memory_space<hbm>>
      %dma_start3A_64 = tpu.memref_slice %arg3[%add3A_42] : memref<320000xi32, #tpu.memory_space<hbm>> -> memref<80xi32, #tpu.memory_space<hbm>>
      tpu.enqueue_dma source(%dma_start3A_64 : memref<80xi32, #tpu.memory_space<hbm>>) target(%arg13 : memref<80xi32, #tpu.memory_space<vmem>>) target_semaphore(%run_scoped3A : memref<!tpu.dma_semaphore, #tpu.memory_space<semaphore_mem>>)
      %dma_wait3A = tpu.memref_slice %arg3[%add3A_42] : memref<320000xi32, #tpu.memory_space<hbm>> -> memref<80xi32, #tpu.memory_space<hbm>>
      %dma_wait3A_65 = tpu.memref_slice %arg3[%add3A_42] : memref<320000xi32, #tpu.memory_space<hbm>> -> memref<80xi32, #tpu.memory_space<hbm>>
      tpu.wait_dma2 semaphore(%run_scoped3A : memref<!tpu.dma_semaphore, #tpu.memory_space<semaphore_mem>>) src(%dma_wait3A_65 : memref<80xi32, #tpu.memory_space<hbm>>) dst(%arg13 : memref<80xi32, #tpu.memory_space<vmem>>)
      tpu.yield
    }) : () -> ()
    %dma_start3A_43 = arith.constant 0 : i32
    %dma_start3A_44 = arith.constant 0 : i32
    %dma_start3A_45 = tpu.memref_slice %arg4[%dma_start3A_43, %dma_start3A_44] : memref<10000x144xf32, #tpu.memory_space<hbm>> -> memref<10000x144xf32, #tpu.memory_space<hbm>>
    tpu.enqueue_indirect_dma source(%dma_start3A_45 : memref<10000x144xf32, #tpu.memory_space<hbm>>) target(%arg16 : memref<80x144xf32, #tpu.memory_space<vmem>>) offsets(%arg10 : memref<80xi32, #tpu.memory_space<vmem>>) semaphore(%arg27 : memref<!tpu.dma_semaphore, #tpu.memory_space<semaphore_mem>>)
    %dma_start3A_46 = arith.constant 0 : i32
    %dma_start3A_47 = tpu.memref_slice %arg5[%dma_start3A_46] : memref<10000xf32, #tpu.memory_space<hbm>> -> memref<10000xf32, #tpu.memory_space<hbm>>
    tpu.enqueue_indirect_dma source(%dma_start3A_47 : memref<10000xf32, #tpu.memory_space<hbm>>) target(%arg22 : memref<80xf32, #tpu.memory_space<vmem>>) offsets(%arg13 : memref<80xi32, #tpu.memory_space<vmem>>) semaphore(%arg30 : memref<!tpu.dma_semaphore, #tpu.memory_space<semaphore_mem>>)
    %scan3A_48 = arith.constant 0 : i32
    %scan3A_49 = arith.constant 0 : i32
    %scan3A_50 = arith.constant 41 : i32
    %scan3A_51 = arith.addi %scan3A_49, %scan3A_50 : i32
    %scan3A_52 = arith.constant 1 : i32
    %scan3A_53 = scf.for %scan3A_63 = %scan3A_49 to %scan3A_51 step %scan3A_52 iter_args(%scan3A_64 = %scan3A_48) -> (i32)  : i32 {
      %dma_wait3A = arith.constant 0 : i32
      %dma_wait3A_65 = arith.constant 0 : i32
      %dma_wait3A_66 = tpu.memref_slice %arg4[%dma_wait3A, %dma_wait3A_65] : memref<10000x144xf32, #tpu.memory_space<hbm>> -> memref<10000x144xf32, #tpu.memory_space<hbm>>
      tpu.wait_indirect_dma semaphore(%arg25 : memref<!tpu.dma_semaphore, #tpu.memory_space<semaphore_mem>>) src(%dma_wait3A_66 : memref<10000x144xf32, #tpu.memory_space<hbm>>) dst(%arg14 : memref<80x144xf32, #tpu.memory_space<vmem>>)
      %dma_wait3A_67 = arith.constant 0 : i32
      %dma_wait3A_68 = tpu.memref_slice %arg5[%dma_wait3A_67] : memref<10000xf32, #tpu.memory_space<hbm>> -> memref<10000xf32, #tpu.memory_space<hbm>>
      tpu.wait_indirect_dma semaphore(%arg28 : memref<!tpu.dma_semaphore, #tpu.memory_space<semaphore_mem>>) src(%dma_wait3A_68 : memref<10000xf32, #tpu.memory_space<hbm>>) dst(%arg20 : memref<80xf32, #tpu.memory_space<vmem>>)
      %scan3A_69 = arith.constant 0 : i32
      %scan3A_70 = arith.constant 0 : i32
      %scan3A_71 = arith.constant 5 : i32
      %scan3A_72 = arith.addi %scan3A_70, %scan3A_71 : i32
      %scan3A_73 = arith.constant 1 : i32
      %scan3A_74 = scf.for %scan3A_152 = %scan3A_70 to %scan3A_72 step %scan3A_73 iter_args(%scan3A_153 = %scan3A_69) -> (i32)  : i32 {
        %mul3A_154 = arith.constant 16 : i32
        %mul3A_155 = arith.muli %scan3A_152, %mul3A_154 : i32
        %add3A_156 = vector.broadcast %mul3A_155 : i32 to vector<16xi32>
        %add3A_157 = arith.addi %add3A_156, %iota3A : vector<16xi32>
        %broadcast_in_dim3A = arith.constant 129 : i32
        %broadcast_in_dim3A_158 = vector.broadcast %broadcast_in_dim3A : i32 to vector<16xi32>
        %gather3A = tpu.vector_load_idx %arg14[%add3A_157, %broadcast_in_dim3A_158] : memref<80x144xf32, #tpu.memory_space<vmem>>[vector<16xi32>, vector<16xi32>], vector<16xf32>,
        %mul3A_159 = arith.constant 16 : i32
        %mul3A_160 = arith.muli %scan3A_152, %mul3A_159 : i32
        %get3A_161 = arith.index_cast %mul3A_160 : i32 to index
        %get3A_162 = tpu.vector_load %arg20[%get3A_161] {strides = array<i32>} : memref<80xf32, #tpu.memory_space<vmem>>, vector<16xf32>,
        %add3A_163 = arith.addf %gather3A, %get3A_162 : vector<16xf32>
        %ge3A = arith.constant 0.000000e+00 : f32
        %ge3A_164 = vector.broadcast %ge3A : f32 to vector<16xf32>
        %ge3A_165 = arith.cmpf oge, %add3A_163, %ge3A_164 : vector<16xf32>
        %mul3A_166 = arith.constant 2.000000e-01 : f32
        %mul3A_167 = vector.broadcast %mul3A_166 : f32 to vector<16xf32>
        %mul3A_168 = arith.mulf %mul3A_167, %add3A_163 : vector<16xf32>
        %select_n3A = arith.select %ge3A_165, %add3A_163, %mul3A_168 : vector<16xi1>, vector<16xf32>
        %sub3A = arith.subf %select_n3A, %get3A_27 : vector<16xf32>
        %exp3A = math.exp %sub3A : vector<16xf32>
        %mul3A_169 = arith.constant 16 : i32
        %mul3A_170 = arith.muli %scan3A_152, %mul3A_169 : i32
        %swap3A = arith.index_cast %mul3A_170 : i32 to index
        %swap3A_171 = tpu.vector_load %arg17[%swap3A] {strides = array<i32>} : memref<80xf32, #tpu.memory_space<vmem>>, vector<16xf32>,
        tpu.vector_store %arg17[%swap3A], %exp3A {strides = array<i32>} : memref<80xf32, #tpu.memory_space<vmem>>, vector<16xf32>,
        %scan3A_172 = arith.constant 0 : i32
        scf.yield %scan3A_172 : i32
      }
      %scan3A_75 = arith.constant 5 : i32
      %scan3A_76 = arith.constant 0 : i32
      %scan3A_77 = arith.constant 0 : i32
      %scan3A_78 = arith.constant 80 : i32
      %scan3A_79 = arith.addi %scan3A_77, %scan3A_78 : i32
      %scan3A_80 = arith.constant 1 : i32
      %scan3A_81 = scf.for %scan3A_152 = %scan3A_77 to %scan3A_79 step %scan3A_80 iter_args(%scan3A_153 = %scan3A_76) -> (i32)  : i32 {
        %broadcast_in_dim3A = vector.broadcast %scan3A_152 : i32 to vector<16xi32>
        %gather3A = tpu.vector_load_idx %arg17[%broadcast_in_dim3A] : memref<80xf32, #tpu.memory_space<vmem>>[vector<16xi32>], vector<16xf32>,
        %get3A_154 = arith.index_cast %scan3A_152 : i32 to index
        %get3A_155 = arith.constant 0 : index
        %get3A_156 = tpu.vector_load %arg14[%get3A_154, %get3A_155] {strides = array<i32>} : memref<80x144xf32, #tpu.memory_space<vmem>>, vector<16xf32>,
        %mul3A_157 = arith.mulf %get3A_156, %gather3A : vector<16xf32>
        %swap3A = arith.index_cast %scan3A_152 : i32 to index
        %swap3A_158 = arith.constant 0 : index
        %swap3A_159 = tpu.vector_load %arg14[%swap3A, %swap3A_158] {strides = array<i32>} : memref<80x144xf32, #tpu.memory_space<vmem>>, vector<16xf32>,
        tpu.vector_store %arg14[%swap3A, %swap3A_158], %mul3A_157 {strides = array<i32>} : memref<80x144xf32, #tpu.memory_space<vmem>>, vector<16xf32>,
        %get3A_160 = arith.index_cast %scan3A_152 : i32 to index
        %get3A_161 = arith.constant 16 : index
        %get3A_162 = tpu.vector_load %arg14[%get3A_160, %get3A_161] {strides = array<i32>} : memref<80x144xf32, #tpu.memory_space<vmem>>, vector<16xf32>,
        %mul3A_163 = arith.mulf %get3A_162, %gather3A : vector<16xf32>
        %swap3A_164 = arith.index_cast %scan3A_152 : i32 to index
        %swap3A_165 = arith.constant 16 : index
        %swap3A_166 = tpu.vector_load %arg14[%swap3A_164, %swap3A_165] {strides = array<i32>} : memref<80x144xf32, #tpu.memory_space<vmem>>, vector<16xf32>,
        tpu.vector_store %arg14[%swap3A_164, %swap3A_165], %mul3A_163 {strides = array<i32>} : memref<80x144xf32, #tpu.memory_space<vmem>>, vector<16xf32>,
        %get3A_167 = arith.index_cast %scan3A_152 : i32 to index
        %get3A_168 = arith.constant 32 : index
        %get3A_169 = tpu.vector_load %arg14[%get3A_167, %get3A_168] {strides = array<i32>} : memref<80x144xf32, #tpu.memory_space<vmem>>, vector<16xf32>,
        %mul3A_170 = arith.mulf %get3A_169, %gather3A : vector<16xf32>
        %swap3A_171 = arith.index_cast %scan3A_152 : i32 to index
        %swap3A_172 = arith.constant 32 : index
        %swap3A_173 = tpu.vector_load %arg14[%swap3A_171, %swap3A_172] {strides = array<i32>} : memref<80x144xf32, #tpu.memory_space<vmem>>, vector<16xf32>,
        tpu.vector_store %arg14[%swap3A_171, %swap3A_172], %mul3A_170 {strides = array<i32>} : memref<80x144xf32, #tpu.memory_space<vmem>>, vector<16xf32>,
        %get3A_174 = arith.index_cast %scan3A_152 : i32 to index
        %get3A_175 = arith.constant 48 : index
        %get3A_176 = tpu.vector_load %arg14[%get3A_174, %get3A_175] {strides = array<i32>} : memref<80x144xf32, #tpu.memory_space<vmem>>, vector<16xf32>,
        %mul3A_177 = arith.mulf %get3A_176, %gather3A : vector<16xf32>
        %swap3A_178 = arith.index_cast %scan3A_152 : i32 to index
        %swap3A_179 = arith.constant 48 : index
        %swap3A_180 = tpu.vector_load %arg14[%swap3A_178, %swap3A_179] {strides = array<i32>} : memref<80x144xf32, #tpu.memory_space<vmem>>, vector<16xf32>,
        tpu.vector_store %arg14[%swap3A_178, %swap3A_179], %mul3A_177 {strides = array<i32>} : memref<80x144xf32, #tpu.memory_space<vmem>>, vector<16xf32>,
        %get3A_181 = arith.index_cast %scan3A_152 : i32 to index
        %get3A_182 = arith.constant 64 : index
        %get3A_183 = tpu.vector_load %arg14[%get3A_181, %get3A_182] {strides = array<i32>} : memref<80x144xf32, #tpu.memory_space<vmem>>, vector<16xf32>,
        %mul3A_184 = arith.mulf %get3A_183, %gather3A : vector<16xf32>
        %swap3A_185 = arith.index_cast %scan3A_152 : i32 to index
        %swap3A_186 = arith.constant 64 : index
        %swap3A_187 = tpu.vector_load %arg14[%swap3A_185, %swap3A_186] {strides = array<i32>} : memref<80x144xf32, #tpu.memory_space<vmem>>, vector<16xf32>,
        tpu.vector_store %arg14[%swap3A_185, %swap3A_186], %mul3A_184 {strides = array<i32>} : memref<80x144xf32, #tpu.memory_space<vmem>>, vector<16xf32>,
        %get3A_188 = arith.index_cast %scan3A_152 : i32 to index
        %get3A_189 = arith.constant 80 : index
        %get3A_190 = tpu.vector_load %arg14[%get3A_188, %get3A_189] {strides = array<i32>} : memref<80x144xf32, #tpu.memory_space<vmem>>, vector<16xf32>,
        %mul3A_191 = arith.mulf %get3A_190, %gather3A : vector<16xf32>
        %swap3A_192 = arith.index_cast %scan3A_152 : i32 to index
        %swap3A_193 = arith.constant 80 : index
        %swap3A_194 = tpu.vector_load %arg14[%swap3A_192, %swap3A_193] {strides = array<i32>} : memref<80x144xf32, #tpu.memory_space<vmem>>, vector<16xf32>,
        tpu.vector_store %arg14[%swap3A_192, %swap3A_193], %mul3A_191 {strides = array<i32>} : memref<80x144xf32, #tpu.memory_space<vmem>>, vector<16xf32>,
        %get3A_195 = arith.index_cast %scan3A_152 : i32 to index
        %get3A_196 = arith.constant 96 : index
        %get3A_197 = tpu.vector_load %arg14[%get3A_195, %get3A_196] {strides = array<i32>} : memref<80x144xf32, #tpu.memory_space<vmem>>, vector<16xf32>,
        %mul3A_198 = arith.mulf %get3A_197, %gather3A : vector<16xf32>
        %swap3A_199 = arith.index_cast %scan3A_152 : i32 to index
        %swap3A_200 = arith.constant 96 : index
        %swap3A_201 = tpu.vector_load %arg14[%swap3A_199, %swap3A_200] {strides = array<i32>} : memref<80x144xf32, #tpu.memory_space<vmem>>, vector<16xf32>,
        tpu.vector_store %arg14[%swap3A_199, %swap3A_200], %mul3A_198 {strides = array<i32>} : memref<80x144xf32, #tpu.memory_space<vmem>>, vector<16xf32>,
        %get3A_202 = arith.index_cast %scan3A_152 : i32 to index
        %get3A_203 = arith.constant 112 : index
        %get3A_204 = tpu.vector_load %arg14[%get3A_202, %get3A_203] {strides = array<i32>} : memref<80x144xf32, #tpu.memory_space<vmem>>, vector<16xf32>,
        %mul3A_205 = arith.mulf %get3A_204, %gather3A : vector<16xf32>
        %swap3A_206 = arith.index_cast %scan3A_152 : i32 to index
        %swap3A_207 = arith.constant 112 : index
        %swap3A_208 = tpu.vector_load %arg14[%swap3A_206, %swap3A_207] {strides = array<i32>} : memref<80x144xf32, #tpu.memory_space<vmem>>, vector<16xf32>,
        tpu.vector_store %arg14[%swap3A_206, %swap3A_207], %mul3A_205 {strides = array<i32>} : memref<80x144xf32, #tpu.memory_space<vmem>>, vector<16xf32>,
        %get3A_209 = arith.index_cast %scan3A_152 : i32 to index
        %get3A_210 = arith.constant 128 : index
        %get3A_211 = tpu.vector_load %arg14[%get3A_209, %get3A_210] {strides = array<i32>} : memref<80x144xf32, #tpu.memory_space<vmem>>, vector<16xf32>,
        %mul3A_212 = arith.mulf %get3A_211, %gather3A : vector<16xf32>
        %swap3A_213 = arith.index_cast %scan3A_152 : i32 to index
        %swap3A_214 = arith.constant 128 : index
        %swap3A_215 = tpu.vector_load %arg14[%swap3A_213, %swap3A_214] {strides = array<i32>} : memref<80x144xf32, #tpu.memory_space<vmem>>, vector<16xf32>,
        tpu.vector_store %arg14[%swap3A_213, %swap3A_214], %mul3A_212 {strides = array<i32>} : memref<80x144xf32, #tpu.memory_space<vmem>>, vector<16xf32>,
        %scan3A_216 = arith.constant 0 : i32
        scf.yield %scan3A_216 : i32
      }
      %scan3A_82 = arith.constant 80 : i32
      %dma_start3A_83 = arith.constant 0 : i32
      %dma_start3A_84 = arith.constant 0 : i32
      %dma_start3A_85 = tpu.memref_slice %arg24[%dma_start3A_83, %dma_start3A_84] : memref<10240x144xf32, #tpu.memory_space<vmem_shared>> -> memref<10240x144xf32, #tpu.memory_space<vmem_shared>>
      tpu.enqueue_indirect_dma source(%arg14 : memref<80x144xf32, #tpu.memory_space<vmem>>) target(%dma_start3A_85 : memref<10240x144xf32, #tpu.memory_space<vmem_shared>>) offsets(%arg11 : memref<80xi32, #tpu.memory_space<vmem>>) semaphore(%arg31 : memref<!tpu.dma_semaphore, #tpu.memory_space<semaphore_mem>>) {add = true}
      %dma_wait3A_86 = arith.constant 0 : i32
      %dma_wait3A_87 = arith.constant 0 : i32
      %dma_wait3A_88 = tpu.memref_slice %arg4[%dma_wait3A_86, %dma_wait3A_87] : memref<10000x144xf32, #tpu.memory_space<hbm>> -> memref<10000x144xf32, #tpu.memory_space<hbm>>
      tpu.wait_indirect_dma semaphore(%arg26 : memref<!tpu.dma_semaphore, #tpu.memory_space<semaphore_mem>>) src(%dma_wait3A_88 : memref<10000x144xf32, #tpu.memory_space<hbm>>) dst(%arg15 : memref<80x144xf32, #tpu.memory_space<vmem>>)
      %dma_wait3A_89 = arith.constant 0 : i32
      %dma_wait3A_90 = tpu.memref_slice %arg5[%dma_wait3A_89] : memref<10000xf32, #tpu.memory_space<hbm>> -> memref<10000xf32, #tpu.memory_space<hbm>>
      tpu.wait_indirect_dma semaphore(%arg29 : memref<!tpu.dma_semaphore, #tpu.memory_space<semaphore_mem>>) src(%dma_wait3A_90 : memref<10000xf32, #tpu.memory_space<hbm>>) dst(%arg21 : memref<80xf32, #tpu.memory_space<vmem>>)
      %scan3A_91 = arith.constant 0 : i32
      %scan3A_92 = arith.constant 0 : i32
      %scan3A_93 = arith.constant 5 : i32
      %scan3A_94 = arith.addi %scan3A_92, %scan3A_93 : i32
      %scan3A_95 = arith.constant 1 : i32
      %scan3A_96 = scf.for %scan3A_152 = %scan3A_92 to %scan3A_94 step %scan3A_95 iter_args(%scan3A_153 = %scan3A_91) -> (i32)  : i32 {
        %mul3A_154 = arith.constant 16 : i32
        %mul3A_155 = arith.muli %scan3A_152, %mul3A_154 : i32
        %add3A_156 = vector.broadcast %mul3A_155 : i32 to vector<16xi32>
        %add3A_157 = arith.addi %add3A_156, %iota3A : vector<16xi32>
        %broadcast_in_dim3A = arith.constant 129 : i32
        %broadcast_in_dim3A_158 = vector.broadcast %broadcast_in_dim3A : i32 to vector<16xi32>
        %gather3A = tpu.vector_load_idx %arg15[%add3A_157, %broadcast_in_dim3A_158] : memref<80x144xf32, #tpu.memory_space<vmem>>[vector<16xi32>, vector<16xi32>], vector<16xf32>,
        %mul3A_159 = arith.constant 16 : i32
        %mul3A_160 = arith.muli %scan3A_152, %mul3A_159 : i32
        %get3A_161 = arith.index_cast %mul3A_160 : i32 to index
        %get3A_162 = tpu.vector_load %arg21[%get3A_161] {strides = array<i32>} : memref<80xf32, #tpu.memory_space<vmem>>, vector<16xf32>,
        %add3A_163 = arith.addf %gather3A, %get3A_162 : vector<16xf32>
        %ge3A = arith.constant 0.000000e+00 : f32
        %ge3A_164 = vector.broadcast %ge3A : f32 to vector<16xf32>
        %ge3A_165 = arith.cmpf oge, %add3A_163, %ge3A_164 : vector<16xf32>
        %mul3A_166 = arith.constant 2.000000e-01 : f32
        %mul3A_167 = vector.broadcast %mul3A_166 : f32 to vector<16xf32>
        %mul3A_168 = arith.mulf %mul3A_167, %add3A_163 : vector<16xf32>
        %select_n3A = arith.select %ge3A_165, %add3A_163, %mul3A_168 : vector<16xi1>, vector<16xf32>
        %sub3A = arith.subf %select_n3A, %get3A_27 : vector<16xf32>
        %exp3A = math.exp %sub3A : vector<16xf32>
        %mul3A_169 = arith.constant 16 : i32
        %mul3A_170 = arith.muli %scan3A_152, %mul3A_169 : i32
        %swap3A = arith.index_cast %mul3A_170 : i32 to index
        %swap3A_171 = tpu.vector_load %arg18[%swap3A] {strides = array<i32>} : memref<80xf32, #tpu.memory_space<vmem>>, vector<16xf32>,
        tpu.vector_store %arg18[%swap3A], %exp3A {strides = array<i32>} : memref<80xf32, #tpu.memory_space<vmem>>, vector<16xf32>,
        %scan3A_172 = arith.constant 0 : i32
        scf.yield %scan3A_172 : i32
      }
      %scan3A_97 = arith.constant 5 : i32
      %scan3A_98 = arith.constant 0 : i32
      %scan3A_99 = arith.constant 0 : i32
      %scan3A_100 = arith.constant 80 : i32
      %scan3A_101 = arith.addi %scan3A_99, %scan3A_100 : i32
      %scan3A_102 = arith.constant 1 : i32
      %scan3A_103 = scf.for %scan3A_152 = %scan3A_99 to %scan3A_101 step %scan3A_102 iter_args(%scan3A_153 = %scan3A_98) -> (i32)  : i32 {
        %broadcast_in_dim3A = vector.broadcast %scan3A_152 : i32 to vector<16xi32>
        %gather3A = tpu.vector_load_idx %arg18[%broadcast_in_dim3A] : memref<80xf32, #tpu.memory_space<vmem>>[vector<16xi32>], vector<16xf32>,
        %get3A_154 = arith.index_cast %scan3A_152 : i32 to index
        %get3A_155 = arith.constant 0 : index
        %get3A_156 = tpu.vector_load %arg15[%get3A_154, %get3A_155] {strides = array<i32>} : memref<80x144xf32, #tpu.memory_space<vmem>>, vector<16xf32>,
        %mul3A_157 = arith.mulf %get3A_156, %gather3A : vector<16xf32>
        %swap3A = arith.index_cast %scan3A_152 : i32 to index
        %swap3A_158 = arith.constant 0 : index
        %swap3A_159 = tpu.vector_load %arg15[%swap3A, %swap3A_158] {strides = array<i32>} : memref<80x144xf32, #tpu.memory_space<vmem>>, vector<16xf32>,
        tpu.vector_store %arg15[%swap3A, %swap3A_158], %mul3A_157 {strides = array<i32>} : memref<80x144xf32, #tpu.memory_space<vmem>>, vector<16xf32>,
        %get3A_160 = arith.index_cast %scan3A_152 : i32 to index
        %get3A_161 = arith.constant 16 : index
        %get3A_162 = tpu.vector_load %arg15[%get3A_160, %get3A_161] {strides = array<i32>} : memref<80x144xf32, #tpu.memory_space<vmem>>, vector<16xf32>,
        %mul3A_163 = arith.mulf %get3A_162, %gather3A : vector<16xf32>
        %swap3A_164 = arith.index_cast %scan3A_152 : i32 to index
        %swap3A_165 = arith.constant 16 : index
        %swap3A_166 = tpu.vector_load %arg15[%swap3A_164, %swap3A_165] {strides = array<i32>} : memref<80x144xf32, #tpu.memory_space<vmem>>, vector<16xf32>,
        tpu.vector_store %arg15[%swap3A_164, %swap3A_165], %mul3A_163 {strides = array<i32>} : memref<80x144xf32, #tpu.memory_space<vmem>>, vector<16xf32>,
        %get3A_167 = arith.index_cast %scan3A_152 : i32 to index
        %get3A_168 = arith.constant 32 : index
        %get3A_169 = tpu.vector_load %arg15[%get3A_167, %get3A_168] {strides = array<i32>} : memref<80x144xf32, #tpu.memory_space<vmem>>, vector<16xf32>,
        %mul3A_170 = arith.mulf %get3A_169, %gather3A : vector<16xf32>
        %swap3A_171 = arith.index_cast %scan3A_152 : i32 to index
        %swap3A_172 = arith.constant 32 : index
        %swap3A_173 = tpu.vector_load %arg15[%swap3A_171, %swap3A_172] {strides = array<i32>} : memref<80x144xf32, #tpu.memory_space<vmem>>, vector<16xf32>,
        tpu.vector_store %arg15[%swap3A_171, %swap3A_172], %mul3A_170 {strides = array<i32>} : memref<80x144xf32, #tpu.memory_space<vmem>>, vector<16xf32>,
        %get3A_174 = arith.index_cast %scan3A_152 : i32 to index
        %get3A_175 = arith.constant 48 : index
        %get3A_176 = tpu.vector_load %arg15[%get3A_174, %get3A_175] {strides = array<i32>} : memref<80x144xf32, #tpu.memory_space<vmem>>, vector<16xf32>,
        %mul3A_177 = arith.mulf %get3A_176, %gather3A : vector<16xf32>
        %swap3A_178 = arith.index_cast %scan3A_152 : i32 to index
        %swap3A_179 = arith.constant 48 : index
        %swap3A_180 = tpu.vector_load %arg15[%swap3A_178, %swap3A_179] {strides = array<i32>} : memref<80x144xf32, #tpu.memory_space<vmem>>, vector<16xf32>,
        tpu.vector_store %arg15[%swap3A_178, %swap3A_179], %mul3A_177 {strides = array<i32>} : memref<80x144xf32, #tpu.memory_space<vmem>>, vector<16xf32>,
        %get3A_181 = arith.index_cast %scan3A_152 : i32 to index
        %get3A_182 = arith.constant 64 : index
        %get3A_183 = tpu.vector_load %arg15[%get3A_181, %get3A_182] {strides = array<i32>} : memref<80x144xf32, #tpu.memory_space<vmem>>, vector<16xf32>,
        %mul3A_184 = arith.mulf %get3A_183, %gather3A : vector<16xf32>
        %swap3A_185 = arith.index_cast %scan3A_152 : i32 to index
        %swap3A_186 = arith.constant 64 : index
        %swap3A_187 = tpu.vector_load %arg15[%swap3A_185, %swap3A_186] {strides = array<i32>} : memref<80x144xf32, #tpu.memory_space<vmem>>, vector<16xf32>,
        tpu.vector_store %arg15[%swap3A_185, %swap3A_186], %mul3A_184 {strides = array<i32>} : memref<80x144xf32, #tpu.memory_space<vmem>>, vector<16xf32>,
        %get3A_188 = arith.index_cast %scan3A_152 : i32 to index
        %get3A_189 = arith.constant 80 : index
        %get3A_190 = tpu.vector_load %arg15[%get3A_188, %get3A_189] {strides = array<i32>} : memref<80x144xf32, #tpu.memory_space<vmem>>, vector<16xf32>,
        %mul3A_191 = arith.mulf %get3A_190, %gather3A : vector<16xf32>
        %swap3A_192 = arith.index_cast %scan3A_152 : i32 to index
        %swap3A_193 = arith.constant 80 : index
        %swap3A_194 = tpu.vector_load %arg15[%swap3A_192, %swap3A_193] {strides = array<i32>} : memref<80x144xf32, #tpu.memory_space<vmem>>, vector<16xf32>,
        tpu.vector_store %arg15[%swap3A_192, %swap3A_193], %mul3A_191 {strides = array<i32>} : memref<80x144xf32, #tpu.memory_space<vmem>>, vector<16xf32>,
        %get3A_195 = arith.index_cast %scan3A_152 : i32 to index
        %get3A_196 = arith.constant 96 : index
        %get3A_197 = tpu.vector_load %arg15[%get3A_195, %get3A_196] {strides = array<i32>} : memref<80x144xf32, #tpu.memory_space<vmem>>, vector<16xf32>,
        %mul3A_198 = arith.mulf %get3A_197, %gather3A : vector<16xf32>
        %swap3A_199 = arith.index_cast %scan3A_152 : i32 to index
        %swap3A_200 = arith.constant 96 : index
        %swap3A_201 = tpu.vector_load %arg15[%swap3A_199, %swap3A_200] {strides = array<i32>} : memref<80x144xf32, #tpu.memory_space<vmem>>, vector<16xf32>,
        tpu.vector_store %arg15[%swap3A_199, %swap3A_200], %mul3A_198 {strides = array<i32>} : memref<80x144xf32, #tpu.memory_space<vmem>>, vector<16xf32>,
        %get3A_202 = arith.index_cast %scan3A_152 : i32 to index
        %get3A_203 = arith.constant 112 : index
        %get3A_204 = tpu.vector_load %arg15[%get3A_202, %get3A_203] {strides = array<i32>} : memref<80x144xf32, #tpu.memory_space<vmem>>, vector<16xf32>,
        %mul3A_205 = arith.mulf %get3A_204, %gather3A : vector<16xf32>
        %swap3A_206 = arith.index_cast %scan3A_152 : i32 to index
        %swap3A_207 = arith.constant 112 : index
        %swap3A_208 = tpu.vector_load %arg15[%swap3A_206, %swap3A_207] {strides = array<i32>} : memref<80x144xf32, #tpu.memory_space<vmem>>, vector<16xf32>,
        tpu.vector_store %arg15[%swap3A_206, %swap3A_207], %mul3A_205 {strides = array<i32>} : memref<80x144xf32, #tpu.memory_space<vmem>>, vector<16xf32>,
        %get3A_209 = arith.index_cast %scan3A_152 : i32 to index
        %get3A_210 = arith.constant 128 : index
        %get3A_211 = tpu.vector_load %arg15[%get3A_209, %get3A_210] {strides = array<i32>} : memref<80x144xf32, #tpu.memory_space<vmem>>, vector<16xf32>,
        %mul3A_212 = arith.mulf %get3A_211, %gather3A : vector<16xf32>
        %swap3A_213 = arith.index_cast %scan3A_152 : i32 to index
        %swap3A_214 = arith.constant 128 : index
        %swap3A_215 = tpu.vector_load %arg15[%swap3A_213, %swap3A_214] {strides = array<i32>} : memref<80x144xf32, #tpu.memory_space<vmem>>, vector<16xf32>,
        tpu.vector_store %arg15[%swap3A_213, %swap3A_214], %mul3A_212 {strides = array<i32>} : memref<80x144xf32, #tpu.memory_space<vmem>>, vector<16xf32>,
        %scan3A_216 = arith.constant 0 : i32
        scf.yield %scan3A_216 : i32
      }
      %scan3A_104 = arith.constant 80 : i32
      %dma_start3A_105 = arith.constant 0 : i32
      %dma_start3A_106 = arith.constant 0 : i32
      %dma_start3A_107 = tpu.memref_slice %arg24[%dma_start3A_105, %dma_start3A_106] : memref<10240x144xf32, #tpu.memory_space<vmem_shared>> -> memref<10240x144xf32, #tpu.memory_space<vmem_shared>>
      tpu.enqueue_indirect_dma source(%arg15 : memref<80x144xf32, #tpu.memory_space<vmem>>) target(%dma_start3A_107 : memref<10240x144xf32, #tpu.memory_space<vmem_shared>>) offsets(%arg12 : memref<80xi32, #tpu.memory_space<vmem>>) semaphore(%arg32 : memref<!tpu.dma_semaphore, #tpu.memory_space<semaphore_mem>>) {add = true}
      %dma_wait3A_108 = arith.constant 0 : i32
      %dma_wait3A_109 = arith.constant 0 : i32
      %dma_wait3A_110 = tpu.memref_slice %arg24[%dma_wait3A_108, %dma_wait3A_109] : memref<10240x144xf32, #tpu.memory_space<vmem_shared>> -> memref<10240x144xf32, #tpu.memory_space<vmem_shared>>
      tpu.wait_indirect_dma semaphore(%arg31 : memref<!tpu.dma_semaphore, #tpu.memory_space<semaphore_mem>>) src(%arg14 : memref<80x144xf32, #tpu.memory_space<vmem>>) dst(%dma_wait3A_110 : memref<10240x144xf32, #tpu.memory_space<vmem_shared>>)
      %lt3A = arith.constant 40 : i32
      %lt3A_111 = arith.cmpi slt, %scan3A_63, %lt3A : i32
      %convert_element_type3A = arith.extui %lt3A_111 : i1 to i32
      %cond3A = arith.constant 0 : i32
      %cond3A_112 = arith.cmpi ne, %convert_element_type3A, %cond3A : i32
      scf.if %cond3A_112 {
        %add3A_152 = arith.constant 1 : i32
        %add3A_153 = arith.addi %scan3A_63, %add3A_152 : i32
        %mul3A_154 = arith.constant 3 : i32
        %mul3A_155 = arith.muli %add3A_153, %mul3A_154 : i32
        %add3A_156 = arith.constant 0 : i32
        %add3A_157 = arith.addi %mul3A_155, %add3A_156 : i32
        %mul3A_158 = arith.constant 80 : i32
        %mul3A_159 = arith.muli %add3A_157, %mul3A_158 : i32
        %add3A_160 = arith.addi %mul3A_26, %mul3A_159 : i32
        "tpu.region"() ({
          %run_scoped3A = tpu.sem_alloc : memref<!tpu.dma_semaphore, #tpu.memory_space<semaphore_mem>>
          %dma_start3A_166 = tpu.memref_slice %arg2[%add3A_160] : memref<320000xi32, #tpu.memory_space<hbm>> -> memref<80xi32, #tpu.memory_space<hbm>>
          %dma_start3A_167 = tpu.memref_slice %arg2[%add3A_160] : memref<320000xi32, #tpu.memory_space<hbm>> -> memref<80xi32, #tpu.memory_space<hbm>>
          tpu.enqueue_dma source(%dma_start3A_167 : memref<80xi32, #tpu.memory_space<hbm>>) target(%arg8 : memref<80xi32, #tpu.memory_space<vmem>>) target_semaphore(%run_scoped3A : memref<!tpu.dma_semaphore, #tpu.memory_space<semaphore_mem>>)
          %dma_wait3A_168 = tpu.memref_slice %arg2[%add3A_160] : memref<320000xi32, #tpu.memory_space<hbm>> -> memref<80xi32, #tpu.memory_space<hbm>>
          %dma_wait3A_169 = tpu.memref_slice %arg2[%add3A_160] : memref<320000xi32, #tpu.memory_space<hbm>> -> memref<80xi32, #tpu.memory_space<hbm>>
          tpu.wait_dma2 semaphore(%run_scoped3A : memref<!tpu.dma_semaphore, #tpu.memory_space<semaphore_mem>>) src(%dma_wait3A_169 : memref<80xi32, #tpu.memory_space<hbm>>) dst(%arg8 : memref<80xi32, #tpu.memory_space<vmem>>)
          tpu.yield
        }) : () -> ()
        "tpu.region"() ({
          %run_scoped3A = tpu.sem_alloc : memref<!tpu.dma_semaphore, #tpu.memory_space<semaphore_mem>>
          %dma_start3A_166 = tpu.memref_slice %arg3[%add3A_160] : memref<320000xi32, #tpu.memory_space<hbm>> -> memref<80xi32, #tpu.memory_space<hbm>>
          %dma_start3A_167 = tpu.memref_slice %arg3[%add3A_160] : memref<320000xi32, #tpu.memory_space<hbm>> -> memref<80xi32, #tpu.memory_space<hbm>>
          tpu.enqueue_dma source(%dma_start3A_167 : memref<80xi32, #tpu.memory_space<hbm>>) target(%arg11 : memref<80xi32, #tpu.memory_space<vmem>>) target_semaphore(%run_scoped3A : memref<!tpu.dma_semaphore, #tpu.memory_space<semaphore_mem>>)
          %dma_wait3A_168 = tpu.memref_slice %arg3[%add3A_160] : memref<320000xi32, #tpu.memory_space<hbm>> -> memref<80xi32, #tpu.memory_space<hbm>>
          %dma_wait3A_169 = tpu.memref_slice %arg3[%add3A_160] : memref<320000xi32, #tpu.memory_space<hbm>> -> memref<80xi32, #tpu.memory_space<hbm>>
          tpu.wait_dma2 semaphore(%run_scoped3A : memref<!tpu.dma_semaphore, #tpu.memory_space<semaphore_mem>>) src(%dma_wait3A_169 : memref<80xi32, #tpu.memory_space<hbm>>) dst(%arg11 : memref<80xi32, #tpu.memory_space<vmem>>)
          tpu.yield
        }) : () -> ()
        %dma_start3A_161 = arith.constant 0 : i32
        %dma_start3A_162 = arith.constant 0 : i32
        %dma_start3A_163 = tpu.memref_slice %arg4[%dma_start3A_161, %dma_start3A_162] : memref<10000x144xf32, #tpu.memory_space<hbm>> -> memref<10000x144xf32, #tpu.memory_space<hbm>>
        tpu.enqueue_indirect_dma source(%dma_start3A_163 : memref<10000x144xf32, #tpu.memory_space<hbm>>) target(%arg14 : memref<80x144xf32, #tpu.memory_space<vmem>>) offsets(%arg8 : memref<80xi32, #tpu.memory_space<vmem>>) semaphore(%arg25 : memref<!tpu.dma_semaphore, #tpu.memory_space<semaphore_mem>>)
        %dma_start3A_164 = arith.constant 0 : i32
        %dma_start3A_165 = tpu.memref_slice %arg5[%dma_start3A_164] : memref<10000xf32, #tpu.memory_space<hbm>> -> memref<10000xf32, #tpu.memory_space<hbm>>
        tpu.enqueue_indirect_dma source(%dma_start3A_165 : memref<10000xf32, #tpu.memory_space<hbm>>) target(%arg20 : memref<80xf32, #tpu.memory_space<vmem>>) offsets(%arg11 : memref<80xi32, #tpu.memory_space<vmem>>) semaphore(%arg28 : memref<!tpu.dma_semaphore, #tpu.memory_space<semaphore_mem>>)
      } else {
      }
      %dma_wait3A_113 = arith.constant 0 : i32
      %dma_wait3A_114 = arith.constant 0 : i32
      %dma_wait3A_115 = tpu.memref_slice %arg4[%dma_wait3A_113, %dma_wait3A_114] : memref<10000x144xf32, #tpu.memory_space<hbm>> -> memref<10000x144xf32, #tpu.memory_space<hbm>>
      tpu.wait_indirect_dma semaphore(%arg27 : memref<!tpu.dma_semaphore, #tpu.memory_space<semaphore_mem>>) src(%dma_wait3A_115 : memref<10000x144xf32, #tpu.memory_space<hbm>>) dst(%arg16 : memref<80x144xf32, #tpu.memory_space<vmem>>)
      %dma_wait3A_116 = arith.constant 0 : i32
      %dma_wait3A_117 = tpu.memref_slice %arg5[%dma_wait3A_116] : memref<10000xf32, #tpu.memory_space<hbm>> -> memref<10000xf32, #tpu.memory_space<hbm>>
      tpu.wait_indirect_dma semaphore(%arg30 : memref<!tpu.dma_semaphore, #tpu.memory_space<semaphore_mem>>) src(%dma_wait3A_117 : memref<10000xf32, #tpu.memory_space<hbm>>) dst(%arg22 : memref<80xf32, #tpu.memory_space<vmem>>)
      %scan3A_118 = arith.constant 0 : i32
      %scan3A_119 = arith.constant 0 : i32
      %scan3A_120 = arith.constant 5 : i32
      %scan3A_121 = arith.addi %scan3A_119, %scan3A_120 : i32
      %scan3A_122 = arith.constant 1 : i32
      %scan3A_123 = scf.for %scan3A_152 = %scan3A_119 to %scan3A_121 step %scan3A_122 iter_args(%scan3A_153 = %scan3A_118) -> (i32)  : i32 {
        %mul3A_154 = arith.constant 16 : i32
        %mul3A_155 = arith.muli %scan3A_152, %mul3A_154 : i32
        %add3A_156 = vector.broadcast %mul3A_155 : i32 to vector<16xi32>
        %add3A_157 = arith.addi %add3A_156, %iota3A : vector<16xi32>
        %broadcast_in_dim3A = arith.constant 129 : i32
        %broadcast_in_dim3A_158 = vector.broadcast %broadcast_in_dim3A : i32 to vector<16xi32>
        %gather3A = tpu.vector_load_idx %arg16[%add3A_157, %broadcast_in_dim3A_158] : memref<80x144xf32, #tpu.memory_space<vmem>>[vector<16xi32>, vector<16xi32>], vector<16xf32>,
        %mul3A_159 = arith.constant 16 : i32
        %mul3A_160 = arith.muli %scan3A_152, %mul3A_159 : i32
        %get3A_161 = arith.index_cast %mul3A_160 : i32 to index
        %get3A_162 = tpu.vector_load %arg22[%get3A_161] {strides = array<i32>} : memref<80xf32, #tpu.memory_space<vmem>>, vector<16xf32>,
        %add3A_163 = arith.addf %gather3A, %get3A_162 : vector<16xf32>
        %ge3A = arith.constant 0.000000e+00 : f32
        %ge3A_164 = vector.broadcast %ge3A : f32 to vector<16xf32>
        %ge3A_165 = arith.cmpf oge, %add3A_163, %ge3A_164 : vector<16xf32>
        %mul3A_166 = arith.constant 2.000000e-01 : f32
        %mul3A_167 = vector.broadcast %mul3A_166 : f32 to vector<16xf32>
        %mul3A_168 = arith.mulf %mul3A_167, %add3A_163 : vector<16xf32>
        %select_n3A = arith.select %ge3A_165, %add3A_163, %mul3A_168 : vector<16xi1>, vector<16xf32>
        %sub3A = arith.subf %select_n3A, %get3A_27 : vector<16xf32>
        %exp3A = math.exp %sub3A : vector<16xf32>
        %mul3A_169 = arith.constant 16 : i32
        %mul3A_170 = arith.muli %scan3A_152, %mul3A_169 : i32
        %swap3A = arith.index_cast %mul3A_170 : i32 to index
        %swap3A_171 = tpu.vector_load %arg19[%swap3A] {strides = array<i32>} : memref<80xf32, #tpu.memory_space<vmem>>, vector<16xf32>,
        tpu.vector_store %arg19[%swap3A], %exp3A {strides = array<i32>} : memref<80xf32, #tpu.memory_space<vmem>>, vector<16xf32>,
        %scan3A_172 = arith.constant 0 : i32
        scf.yield %scan3A_172 : i32
      }
      %scan3A_124 = arith.constant 5 : i32
      %scan3A_125 = arith.constant 0 : i32
      %scan3A_126 = arith.constant 0 : i32
      %scan3A_127 = arith.constant 80 : i32
      %scan3A_128 = arith.addi %scan3A_126, %scan3A_127 : i32
      %scan3A_129 = arith.constant 1 : i32
      %scan3A_130 = scf.for %scan3A_152 = %scan3A_126 to %scan3A_128 step %scan3A_129 iter_args(%scan3A_153 = %scan3A_125) -> (i32)  : i32 {
        %broadcast_in_dim3A = vector.broadcast %scan3A_152 : i32 to vector<16xi32>
        %gather3A = tpu.vector_load_idx %arg19[%broadcast_in_dim3A] : memref<80xf32, #tpu.memory_space<vmem>>[vector<16xi32>], vector<16xf32>,
        %get3A_154 = arith.index_cast %scan3A_152 : i32 to index
        %get3A_155 = arith.constant 0 : index
        %get3A_156 = tpu.vector_load %arg16[%get3A_154, %get3A_155] {strides = array<i32>} : memref<80x144xf32, #tpu.memory_space<vmem>>, vector<16xf32>,
        %mul3A_157 = arith.mulf %get3A_156, %gather3A : vector<16xf32>
        %swap3A = arith.index_cast %scan3A_152 : i32 to index
        %swap3A_158 = arith.constant 0 : index
        %swap3A_159 = tpu.vector_load %arg16[%swap3A, %swap3A_158] {strides = array<i32>} : memref<80x144xf32, #tpu.memory_space<vmem>>, vector<16xf32>,
        tpu.vector_store %arg16[%swap3A, %swap3A_158], %mul3A_157 {strides = array<i32>} : memref<80x144xf32, #tpu.memory_space<vmem>>, vector<16xf32>,
        %get3A_160 = arith.index_cast %scan3A_152 : i32 to index
        %get3A_161 = arith.constant 16 : index
        %get3A_162 = tpu.vector_load %arg16[%get3A_160, %get3A_161] {strides = array<i32>} : memref<80x144xf32, #tpu.memory_space<vmem>>, vector<16xf32>,
        %mul3A_163 = arith.mulf %get3A_162, %gather3A : vector<16xf32>
        %swap3A_164 = arith.index_cast %scan3A_152 : i32 to index
        %swap3A_165 = arith.constant 16 : index
        %swap3A_166 = tpu.vector_load %arg16[%swap3A_164, %swap3A_165] {strides = array<i32>} : memref<80x144xf32, #tpu.memory_space<vmem>>, vector<16xf32>,
        tpu.vector_store %arg16[%swap3A_164, %swap3A_165], %mul3A_163 {strides = array<i32>} : memref<80x144xf32, #tpu.memory_space<vmem>>, vector<16xf32>,
        %get3A_167 = arith.index_cast %scan3A_152 : i32 to index
        %get3A_168 = arith.constant 32 : index
        %get3A_169 = tpu.vector_load %arg16[%get3A_167, %get3A_168] {strides = array<i32>} : memref<80x144xf32, #tpu.memory_space<vmem>>, vector<16xf32>,
        %mul3A_170 = arith.mulf %get3A_169, %gather3A : vector<16xf32>
        %swap3A_171 = arith.index_cast %scan3A_152 : i32 to index
        %swap3A_172 = arith.constant 32 : index
        %swap3A_173 = tpu.vector_load %arg16[%swap3A_171, %swap3A_172] {strides = array<i32>} : memref<80x144xf32, #tpu.memory_space<vmem>>, vector<16xf32>,
        tpu.vector_store %arg16[%swap3A_171, %swap3A_172], %mul3A_170 {strides = array<i32>} : memref<80x144xf32, #tpu.memory_space<vmem>>, vector<16xf32>,
        %get3A_174 = arith.index_cast %scan3A_152 : i32 to index
        %get3A_175 = arith.constant 48 : index
        %get3A_176 = tpu.vector_load %arg16[%get3A_174, %get3A_175] {strides = array<i32>} : memref<80x144xf32, #tpu.memory_space<vmem>>, vector<16xf32>,
        %mul3A_177 = arith.mulf %get3A_176, %gather3A : vector<16xf32>
        %swap3A_178 = arith.index_cast %scan3A_152 : i32 to index
        %swap3A_179 = arith.constant 48 : index
        %swap3A_180 = tpu.vector_load %arg16[%swap3A_178, %swap3A_179] {strides = array<i32>} : memref<80x144xf32, #tpu.memory_space<vmem>>, vector<16xf32>,
        tpu.vector_store %arg16[%swap3A_178, %swap3A_179], %mul3A_177 {strides = array<i32>} : memref<80x144xf32, #tpu.memory_space<vmem>>, vector<16xf32>,
        %get3A_181 = arith.index_cast %scan3A_152 : i32 to index
        %get3A_182 = arith.constant 64 : index
        %get3A_183 = tpu.vector_load %arg16[%get3A_181, %get3A_182] {strides = array<i32>} : memref<80x144xf32, #tpu.memory_space<vmem>>, vector<16xf32>,
        %mul3A_184 = arith.mulf %get3A_183, %gather3A : vector<16xf32>
        %swap3A_185 = arith.index_cast %scan3A_152 : i32 to index
        %swap3A_186 = arith.constant 64 : index
        %swap3A_187 = tpu.vector_load %arg16[%swap3A_185, %swap3A_186] {strides = array<i32>} : memref<80x144xf32, #tpu.memory_space<vmem>>, vector<16xf32>,
        tpu.vector_store %arg16[%swap3A_185, %swap3A_186], %mul3A_184 {strides = array<i32>} : memref<80x144xf32, #tpu.memory_space<vmem>>, vector<16xf32>,
        %get3A_188 = arith.index_cast %scan3A_152 : i32 to index
        %get3A_189 = arith.constant 80 : index
        %get3A_190 = tpu.vector_load %arg16[%get3A_188, %get3A_189] {strides = array<i32>} : memref<80x144xf32, #tpu.memory_space<vmem>>, vector<16xf32>,
        %mul3A_191 = arith.mulf %get3A_190, %gather3A : vector<16xf32>
        %swap3A_192 = arith.index_cast %scan3A_152 : i32 to index
        %swap3A_193 = arith.constant 80 : index
        %swap3A_194 = tpu.vector_load %arg16[%swap3A_192, %swap3A_193] {strides = array<i32>} : memref<80x144xf32, #tpu.memory_space<vmem>>, vector<16xf32>,
        tpu.vector_store %arg16[%swap3A_192, %swap3A_193], %mul3A_191 {strides = array<i32>} : memref<80x144xf32, #tpu.memory_space<vmem>>, vector<16xf32>,
        %get3A_195 = arith.index_cast %scan3A_152 : i32 to index
        %get3A_196 = arith.constant 96 : index
        %get3A_197 = tpu.vector_load %arg16[%get3A_195, %get3A_196] {strides = array<i32>} : memref<80x144xf32, #tpu.memory_space<vmem>>, vector<16xf32>,
        %mul3A_198 = arith.mulf %get3A_197, %gather3A : vector<16xf32>
        %swap3A_199 = arith.index_cast %scan3A_152 : i32 to index
        %swap3A_200 = arith.constant 96 : index
        %swap3A_201 = tpu.vector_load %arg16[%swap3A_199, %swap3A_200] {strides = array<i32>} : memref<80x144xf32, #tpu.memory_space<vmem>>, vector<16xf32>,
        tpu.vector_store %arg16[%swap3A_199, %swap3A_200], %mul3A_198 {strides = array<i32>} : memref<80x144xf32, #tpu.memory_space<vmem>>, vector<16xf32>,
        %get3A_202 = arith.index_cast %scan3A_152 : i32 to index
        %get3A_203 = arith.constant 112 : index
        %get3A_204 = tpu.vector_load %arg16[%get3A_202, %get3A_203] {strides = array<i32>} : memref<80x144xf32, #tpu.memory_space<vmem>>, vector<16xf32>,
        %mul3A_205 = arith.mulf %get3A_204, %gather3A : vector<16xf32>
        %swap3A_206 = arith.index_cast %scan3A_152 : i32 to index
        %swap3A_207 = arith.constant 112 : index
        %swap3A_208 = tpu.vector_load %arg16[%swap3A_206, %swap3A_207] {strides = array<i32>} : memref<80x144xf32, #tpu.memory_space<vmem>>, vector<16xf32>,
        tpu.vector_store %arg16[%swap3A_206, %swap3A_207], %mul3A_205 {strides = array<i32>} : memref<80x144xf32, #tpu.memory_space<vmem>>, vector<16xf32>,
        %get3A_209 = arith.index_cast %scan3A_152 : i32 to index
        %get3A_210 = arith.constant 128 : index
        %get3A_211 = tpu.vector_load %arg16[%get3A_209, %get3A_210] {strides = array<i32>} : memref<80x144xf32, #tpu.memory_space<vmem>>, vector<16xf32>,
        %mul3A_212 = arith.mulf %get3A_211, %gather3A : vector<16xf32>
        %swap3A_213 = arith.index_cast %scan3A_152 : i32 to index
        %swap3A_214 = arith.constant 128 : index
        %swap3A_215 = tpu.vector_load %arg16[%swap3A_213, %swap3A_214] {strides = array<i32>} : memref<80x144xf32, #tpu.memory_space<vmem>>, vector<16xf32>,
        tpu.vector_store %arg16[%swap3A_213, %swap3A_214], %mul3A_212 {strides = array<i32>} : memref<80x144xf32, #tpu.memory_space<vmem>>, vector<16xf32>,
        %scan3A_216 = arith.constant 0 : i32
        scf.yield %scan3A_216 : i32
      }
      %scan3A_131 = arith.constant 80 : i32
      %dma_start3A_132 = arith.constant 0 : i32
      %dma_start3A_133 = arith.constant 0 : i32
      %dma_start3A_134 = tpu.memref_slice %arg24[%dma_start3A_132, %dma_start3A_133] : memref<10240x144xf32, #tpu.memory_space<vmem_shared>> -> memref<10240x144xf32, #tpu.memory_space<vmem_shared>>
      tpu.enqueue_indirect_dma source(%arg16 : memref<80x144xf32, #tpu.memory_space<vmem>>) target(%dma_start3A_134 : memref<10240x144xf32, #tpu.memory_space<vmem_shared>>) offsets(%arg13 : memref<80xi32, #tpu.memory_space<vmem>>) semaphore(%arg33 : memref<!tpu.dma_semaphore, #tpu.memory_space<semaphore_mem>>) {add = true}
      %dma_wait3A_135 = arith.constant 0 : i32
      %dma_wait3A_136 = arith.constant 0 : i32
      %dma_wait3A_137 = tpu.memref_slice %arg24[%dma_wait3A_135, %dma_wait3A_136] : memref<10240x144xf32, #tpu.memory_space<vmem_shared>> -> memref<10240x144xf32, #tpu.memory_space<vmem_shared>>
      tpu.wait_indirect_dma semaphore(%arg32 : memref<!tpu.dma_semaphore, #tpu.memory_space<semaphore_mem>>) src(%arg15 : memref<80x144xf32, #tpu.memory_space<vmem>>) dst(%dma_wait3A_137 : memref<10240x144xf32, #tpu.memory_space<vmem_shared>>)
      %lt3A_138 = arith.constant 40 : i32
      %lt3A_139 = arith.cmpi slt, %scan3A_63, %lt3A_138 : i32
      %convert_element_type3A_140 = arith.extui %lt3A_139 : i1 to i32
      %cond3A_141 = arith.constant 0 : i32
      %cond3A_142 = arith.cmpi ne, %convert_element_type3A_140, %cond3A_141 : i32
      scf.if %cond3A_142 {
        %add3A_152 = arith.constant 1 : i32
        %add3A_153 = arith.addi %scan3A_63, %add3A_152 : i32
        %mul3A_154 = arith.constant 3 : i32
        %mul3A_155 = arith.muli %add3A_153, %mul3A_154 : i32
        %add3A_156 = arith.constant 1 : i32
        %add3A_157 = arith.addi %mul3A_155, %add3A_156 : i32
        %mul3A_158 = arith.constant 80 : i32
        %mul3A_159 = arith.muli %add3A_157, %mul3A_158 : i32
        %add3A_160 = arith.addi %mul3A_26, %mul3A_159 : i32
        "tpu.region"() ({
          %run_scoped3A = tpu.sem_alloc : memref<!tpu.dma_semaphore, #tpu.memory_space<semaphore_mem>>
          %dma_start3A_166 = tpu.memref_slice %arg2[%add3A_160] : memref<320000xi32, #tpu.memory_space<hbm>> -> memref<80xi32, #tpu.memory_space<hbm>>
          %dma_start3A_167 = tpu.memref_slice %arg2[%add3A_160] : memref<320000xi32, #tpu.memory_space<hbm>> -> memref<80xi32, #tpu.memory_space<hbm>>
          tpu.enqueue_dma source(%dma_start3A_167 : memref<80xi32, #tpu.memory_space<hbm>>) target(%arg9 : memref<80xi32, #tpu.memory_space<vmem>>) target_semaphore(%run_scoped3A : memref<!tpu.dma_semaphore, #tpu.memory_space<semaphore_mem>>)
          %dma_wait3A_168 = tpu.memref_slice %arg2[%add3A_160] : memref<320000xi32, #tpu.memory_space<hbm>> -> memref<80xi32, #tpu.memory_space<hbm>>
          %dma_wait3A_169 = tpu.memref_slice %arg2[%add3A_160] : memref<320000xi32, #tpu.memory_space<hbm>> -> memref<80xi32, #tpu.memory_space<hbm>>
          tpu.wait_dma2 semaphore(%run_scoped3A : memref<!tpu.dma_semaphore, #tpu.memory_space<semaphore_mem>>) src(%dma_wait3A_169 : memref<80xi32, #tpu.memory_space<hbm>>) dst(%arg9 : memref<80xi32, #tpu.memory_space<vmem>>)
          tpu.yield
        }) : () -> ()
        "tpu.region"() ({
          %run_scoped3A = tpu.sem_alloc : memref<!tpu.dma_semaphore, #tpu.memory_space<semaphore_mem>>
          %dma_start3A_166 = tpu.memref_slice %arg3[%add3A_160] : memref<320000xi32, #tpu.memory_space<hbm>> -> memref<80xi32, #tpu.memory_space<hbm>>
          %dma_start3A_167 = tpu.memref_slice %arg3[%add3A_160] : memref<320000xi32, #tpu.memory_space<hbm>> -> memref<80xi32, #tpu.memory_space<hbm>>
          tpu.enqueue_dma source(%dma_start3A_167 : memref<80xi32, #tpu.memory_space<hbm>>) target(%arg12 : memref<80xi32, #tpu.memory_space<vmem>>) target_semaphore(%run_scoped3A : memref<!tpu.dma_semaphore, #tpu.memory_space<semaphore_mem>>)
          %dma_wait3A_168 = tpu.memref_slice %arg3[%add3A_160] : memref<320000xi32, #tpu.memory_space<hbm>> -> memref<80xi32, #tpu.memory_space<hbm>>
          %dma_wait3A_169 = tpu.memref_slice %arg3[%add3A_160] : memref<320000xi32, #tpu.memory_space<hbm>> -> memref<80xi32, #tpu.memory_space<hbm>>
          tpu.wait_dma2 semaphore(%run_scoped3A : memref<!tpu.dma_semaphore, #tpu.memory_space<semaphore_mem>>) src(%dma_wait3A_169 : memref<80xi32, #tpu.memory_space<hbm>>) dst(%arg12 : memref<80xi32, #tpu.memory_space<vmem>>)
          tpu.yield
        }) : () -> ()
        %dma_start3A_161 = arith.constant 0 : i32
        %dma_start3A_162 = arith.constant 0 : i32
        %dma_start3A_163 = tpu.memref_slice %arg4[%dma_start3A_161, %dma_start3A_162] : memref<10000x144xf32, #tpu.memory_space<hbm>> -> memref<10000x144xf32, #tpu.memory_space<hbm>>
        tpu.enqueue_indirect_dma source(%dma_start3A_163 : memref<10000x144xf32, #tpu.memory_space<hbm>>) target(%arg15 : memref<80x144xf32, #tpu.memory_space<vmem>>) offsets(%arg9 : memref<80xi32, #tpu.memory_space<vmem>>) semaphore(%arg26 : memref<!tpu.dma_semaphore, #tpu.memory_space<semaphore_mem>>)
        %dma_start3A_164 = arith.constant 0 : i32
        %dma_start3A_165 = tpu.memref_slice %arg5[%dma_start3A_164] : memref<10000xf32, #tpu.memory_space<hbm>> -> memref<10000xf32, #tpu.memory_space<hbm>>
        tpu.enqueue_indirect_dma source(%dma_start3A_165 : memref<10000xf32, #tpu.memory_space<hbm>>) target(%arg21 : memref<80xf32, #tpu.memory_space<vmem>>) offsets(%arg12 : memref<80xi32, #tpu.memory_space<vmem>>) semaphore(%arg29 : memref<!tpu.dma_semaphore, #tpu.memory_space<semaphore_mem>>)
      } else {
      }
      %dma_wait3A_143 = arith.constant 0 : i32
      %dma_wait3A_144 = arith.constant 0 : i32
      %dma_wait3A_145 = tpu.memref_slice %arg24[%dma_wait3A_143, %dma_wait3A_144] : memref<10240x144xf32, #tpu.memory_space<vmem_shared>> -> memref<10240x144xf32, #tpu.memory_space<vmem_shared>>
      tpu.wait_indirect_dma semaphore(%arg33 : memref<!tpu.dma_semaphore, #tpu.memory_space<semaphore_mem>>) src(%arg16 : memref<80x144xf32, #tpu.memory_space<vmem>>) dst(%dma_wait3A_145 : memref<10240x144xf32, #tpu.memory_space<vmem_shared>>)
      %lt3A_146 = arith.constant 40 : i32
      %lt3A_147 = arith.cmpi slt, %scan3A_63, %lt3A_146 : i32
      %convert_element_type3A_148 = arith.extui %lt3A_147 : i1 to i32
      %cond3A_149 = arith.constant 0 : i32
      %cond3A_150 = arith.cmpi ne, %convert_element_type3A_148, %cond3A_149 : i32
      scf.if %cond3A_150 {
        %add3A_152 = arith.constant 1 : i32
        %add3A_153 = arith.addi %scan3A_63, %add3A_152 : i32
        %mul3A_154 = arith.constant 3 : i32
        %mul3A_155 = arith.muli %add3A_153, %mul3A_154 : i32
        %add3A_156 = arith.constant 2 : i32
        %add3A_157 = arith.addi %mul3A_155, %add3A_156 : i32
        %mul3A_158 = arith.constant 80 : i32
        %mul3A_159 = arith.muli %add3A_157, %mul3A_158 : i32
        %add3A_160 = arith.addi %mul3A_26, %mul3A_159 : i32
        "tpu.region"() ({
          %run_scoped3A = tpu.sem_alloc : memref<!tpu.dma_semaphore, #tpu.memory_space<semaphore_mem>>
          %dma_start3A_166 = tpu.memref_slice %arg2[%add3A_160] : memref<320000xi32, #tpu.memory_space<hbm>> -> memref<80xi32, #tpu.memory_space<hbm>>
          %dma_start3A_167 = tpu.memref_slice %arg2[%add3A_160] : memref<320000xi32, #tpu.memory_space<hbm>> -> memref<80xi32, #tpu.memory_space<hbm>>
          tpu.enqueue_dma source(%dma_start3A_167 : memref<80xi32, #tpu.memory_space<hbm>>) target(%arg10 : memref<80xi32, #tpu.memory_space<vmem>>) target_semaphore(%run_scoped3A : memref<!tpu.dma_semaphore, #tpu.memory_space<semaphore_mem>>)
          %dma_wait3A_168 = tpu.memref_slice %arg2[%add3A_160] : memref<320000xi32, #tpu.memory_space<hbm>> -> memref<80xi32, #tpu.memory_space<hbm>>
          %dma_wait3A_169 = tpu.memref_slice %arg2[%add3A_160] : memref<320000xi32, #tpu.memory_space<hbm>> -> memref<80xi32, #tpu.memory_space<hbm>>
          tpu.wait_dma2 semaphore(%run_scoped3A : memref<!tpu.dma_semaphore, #tpu.memory_space<semaphore_mem>>) src(%dma_wait3A_169 : memref<80xi32, #tpu.memory_space<hbm>>) dst(%arg10 : memref<80xi32, #tpu.memory_space<vmem>>)
          tpu.yield
        }) : () -> ()
        "tpu.region"() ({
          %run_scoped3A = tpu.sem_alloc : memref<!tpu.dma_semaphore, #tpu.memory_space<semaphore_mem>>
          %dma_start3A_166 = tpu.memref_slice %arg3[%add3A_160] : memref<320000xi32, #tpu.memory_space<hbm>> -> memref<80xi32, #tpu.memory_space<hbm>>
          %dma_start3A_167 = tpu.memref_slice %arg3[%add3A_160] : memref<320000xi32, #tpu.memory_space<hbm>> -> memref<80xi32, #tpu.memory_space<hbm>>
          tpu.enqueue_dma source(%dma_start3A_167 : memref<80xi32, #tpu.memory_space<hbm>>) target(%arg13 : memref<80xi32, #tpu.memory_space<vmem>>) target_semaphore(%run_scoped3A : memref<!tpu.dma_semaphore, #tpu.memory_space<semaphore_mem>>)
          %dma_wait3A_168 = tpu.memref_slice %arg3[%add3A_160] : memref<320000xi32, #tpu.memory_space<hbm>> -> memref<80xi32, #tpu.memory_space<hbm>>
          %dma_wait3A_169 = tpu.memref_slice %arg3[%add3A_160] : memref<320000xi32, #tpu.memory_space<hbm>> -> memref<80xi32, #tpu.memory_space<hbm>>
          tpu.wait_dma2 semaphore(%run_scoped3A : memref<!tpu.dma_semaphore, #tpu.memory_space<semaphore_mem>>) src(%dma_wait3A_169 : memref<80xi32, #tpu.memory_space<hbm>>) dst(%arg13 : memref<80xi32, #tpu.memory_space<vmem>>)
          tpu.yield
        }) : () -> ()
        %dma_start3A_161 = arith.constant 0 : i32
        %dma_start3A_162 = arith.constant 0 : i32
        %dma_start3A_163 = tpu.memref_slice %arg4[%dma_start3A_161, %dma_start3A_162] : memref<10000x144xf32, #tpu.memory_space<hbm>> -> memref<10000x144xf32, #tpu.memory_space<hbm>>
        tpu.enqueue_indirect_dma source(%dma_start3A_163 : memref<10000x144xf32, #tpu.memory_space<hbm>>) target(%arg16 : memref<80x144xf32, #tpu.memory_space<vmem>>) offsets(%arg10 : memref<80xi32, #tpu.memory_space<vmem>>) semaphore(%arg27 : memref<!tpu.dma_semaphore, #tpu.memory_space<semaphore_mem>>)
        %dma_start3A_164 = arith.constant 0 : i32
        %dma_start3A_165 = tpu.memref_slice %arg5[%dma_start3A_164] : memref<10000xf32, #tpu.memory_space<hbm>> -> memref<10000xf32, #tpu.memory_space<hbm>>
        tpu.enqueue_indirect_dma source(%dma_start3A_165 : memref<10000xf32, #tpu.memory_space<hbm>>) target(%arg22 : memref<80xf32, #tpu.memory_space<vmem>>) offsets(%arg13 : memref<80xi32, #tpu.memory_space<vmem>>) semaphore(%arg30 : memref<!tpu.dma_semaphore, #tpu.memory_space<semaphore_mem>>)
      } else {
      }
      %scan3A_151 = arith.constant 0 : i32
      scf.yield %scan3A_151 : i32
    }
    %scan3A_54 = arith.constant 41 : i32
    %scan3A_55 = arith.constant 0 : i32
    %scan3A_56 = arith.constant 0 : i32
    %scan3A_57 = arith.constant 2 : i32
    %scan3A_58 = arith.addi %scan3A_56, %scan3A_57 : i32
    %scan3A_59 = arith.constant 1 : i32
    %scan3A_60 = scf.for %scan3A_63 = %scan3A_56 to %scan3A_58 step %scan3A_59 iter_args(%scan3A_64 = %scan3A_55) -> (i32)  : i32 {
      %add3A_65 = arith.constant 123 : i32
      %add3A_66 = arith.addi %add3A_65, %scan3A_63 : i32
      %mul3A_67 = arith.constant 80 : i32
      %mul3A_68 = arith.muli %add3A_66, %mul3A_67 : i32
      %add3A_69 = arith.addi %mul3A_26, %mul3A_68 : i32
      "tpu.region"() ({
        %run_scoped3A = tpu.sem_alloc : memref<!tpu.dma_semaphore, #tpu.memory_space<semaphore_mem>>
        %dma_start3A_100 = tpu.memref_slice %arg2[%add3A_69] : memref<320000xi32, #tpu.memory_space<hbm>> -> memref<80xi32, #tpu.memory_space<hbm>>
        %dma_start3A_101 = tpu.memref_slice %arg2[%add3A_69] : memref<320000xi32, #tpu.memory_space<hbm>> -> memref<80xi32, #tpu.memory_space<hbm>>
        tpu.enqueue_dma source(%dma_start3A_101 : memref<80xi32, #tpu.memory_space<hbm>>) target(%arg8 : memref<80xi32, #tpu.memory_space<vmem>>) target_semaphore(%run_scoped3A : memref<!tpu.dma_semaphore, #tpu.memory_space<semaphore_mem>>)
        %dma_wait3A_102 = tpu.memref_slice %arg2[%add3A_69] : memref<320000xi32, #tpu.memory_space<hbm>> -> memref<80xi32, #tpu.memory_space<hbm>>
        %dma_wait3A_103 = tpu.memref_slice %arg2[%add3A_69] : memref<320000xi32, #tpu.memory_space<hbm>> -> memref<80xi32, #tpu.memory_space<hbm>>
        tpu.wait_dma2 semaphore(%run_scoped3A : memref<!tpu.dma_semaphore, #tpu.memory_space<semaphore_mem>>) src(%dma_wait3A_103 : memref<80xi32, #tpu.memory_space<hbm>>) dst(%arg8 : memref<80xi32, #tpu.memory_space<vmem>>)
        tpu.yield
      }) : () -> ()
      "tpu.region"() ({
        %run_scoped3A = tpu.sem_alloc : memref<!tpu.dma_semaphore, #tpu.memory_space<semaphore_mem>>
        %dma_start3A_100 = tpu.memref_slice %arg3[%add3A_69] : memref<320000xi32, #tpu.memory_space<hbm>> -> memref<80xi32, #tpu.memory_space<hbm>>
        %dma_start3A_101 = tpu.memref_slice %arg3[%add3A_69] : memref<320000xi32, #tpu.memory_space<hbm>> -> memref<80xi32, #tpu.memory_space<hbm>>
        tpu.enqueue_dma source(%dma_start3A_101 : memref<80xi32, #tpu.memory_space<hbm>>) target(%arg11 : memref<80xi32, #tpu.memory_space<vmem>>) target_semaphore(%run_scoped3A : memref<!tpu.dma_semaphore, #tpu.memory_space<semaphore_mem>>)
        %dma_wait3A_102 = tpu.memref_slice %arg3[%add3A_69] : memref<320000xi32, #tpu.memory_space<hbm>> -> memref<80xi32, #tpu.memory_space<hbm>>
        %dma_wait3A_103 = tpu.memref_slice %arg3[%add3A_69] : memref<320000xi32, #tpu.memory_space<hbm>> -> memref<80xi32, #tpu.memory_space<hbm>>
        tpu.wait_dma2 semaphore(%run_scoped3A : memref<!tpu.dma_semaphore, #tpu.memory_space<semaphore_mem>>) src(%dma_wait3A_103 : memref<80xi32, #tpu.memory_space<hbm>>) dst(%arg11 : memref<80xi32, #tpu.memory_space<vmem>>)
        tpu.yield
      }) : () -> ()
      %dma_start3A_70 = arith.constant 0 : i32
      %dma_start3A_71 = arith.constant 0 : i32
      %dma_start3A_72 = tpu.memref_slice %arg4[%dma_start3A_70, %dma_start3A_71] : memref<10000x144xf32, #tpu.memory_space<hbm>> -> memref<10000x144xf32, #tpu.memory_space<hbm>>
      tpu.enqueue_indirect_dma source(%dma_start3A_72 : memref<10000x144xf32, #tpu.memory_space<hbm>>) target(%arg14 : memref<80x144xf32, #tpu.memory_space<vmem>>) offsets(%arg8 : memref<80xi32, #tpu.memory_space<vmem>>) semaphore(%arg25 : memref<!tpu.dma_semaphore, #tpu.memory_space<semaphore_mem>>)
      %dma_start3A_73 = arith.constant 0 : i32
      %dma_start3A_74 = tpu.memref_slice %arg5[%dma_start3A_73] : memref<10000xf32, #tpu.memory_space<hbm>> -> memref<10000xf32, #tpu.memory_space<hbm>>
      tpu.enqueue_indirect_dma source(%dma_start3A_74 : memref<10000xf32, #tpu.memory_space<hbm>>) target(%arg20 : memref<80xf32, #tpu.memory_space<vmem>>) offsets(%arg11 : memref<80xi32, #tpu.memory_space<vmem>>) semaphore(%arg28 : memref<!tpu.dma_semaphore, #tpu.memory_space<semaphore_mem>>)
      %dma_wait3A = arith.constant 0 : i32
      %dma_wait3A_75 = arith.constant 0 : i32
      %dma_wait3A_76 = tpu.memref_slice %arg4[%dma_wait3A, %dma_wait3A_75] : memref<10000x144xf32, #tpu.memory_space<hbm>> -> memref<10000x144xf32, #tpu.memory_space<hbm>>
      tpu.wait_indirect_dma semaphore(%arg25 : memref<!tpu.dma_semaphore, #tpu.memory_space<semaphore_mem>>) src(%dma_wait3A_76 : memref<10000x144xf32, #tpu.memory_space<hbm>>) dst(%arg14 : memref<80x144xf32, #tpu.memory_space<vmem>>)
      %dma_wait3A_77 = arith.constant 0 : i32
      %dma_wait3A_78 = tpu.memref_slice %arg5[%dma_wait3A_77] : memref<10000xf32, #tpu.memory_space<hbm>> -> memref<10000xf32, #tpu.memory_space<hbm>>
      tpu.wait_indirect_dma semaphore(%arg28 : memref<!tpu.dma_semaphore, #tpu.memory_space<semaphore_mem>>) src(%dma_wait3A_78 : memref<10000xf32, #tpu.memory_space<hbm>>) dst(%arg20 : memref<80xf32, #tpu.memory_space<vmem>>)
      %scan3A_79 = arith.constant 0 : i32
      %scan3A_80 = arith.constant 0 : i32
      %scan3A_81 = arith.constant 5 : i32
      %scan3A_82 = arith.addi %scan3A_80, %scan3A_81 : i32
      %scan3A_83 = arith.constant 1 : i32
      %scan3A_84 = scf.for %scan3A_100 = %scan3A_80 to %scan3A_82 step %scan3A_83 iter_args(%scan3A_101 = %scan3A_79) -> (i32)  : i32 {
        %mul3A_102 = arith.constant 16 : i32
        %mul3A_103 = arith.muli %scan3A_100, %mul3A_102 : i32
        %add3A_104 = vector.broadcast %mul3A_103 : i32 to vector<16xi32>
        %add3A_105 = arith.addi %add3A_104, %iota3A : vector<16xi32>
        %broadcast_in_dim3A = arith.constant 129 : i32
        %broadcast_in_dim3A_106 = vector.broadcast %broadcast_in_dim3A : i32 to vector<16xi32>
        %gather3A = tpu.vector_load_idx %arg14[%add3A_105, %broadcast_in_dim3A_106] : memref<80x144xf32, #tpu.memory_space<vmem>>[vector<16xi32>, vector<16xi32>], vector<16xf32>,
        %mul3A_107 = arith.constant 16 : i32
        %mul3A_108 = arith.muli %scan3A_100, %mul3A_107 : i32
        %get3A_109 = arith.index_cast %mul3A_108 : i32 to index
        %get3A_110 = tpu.vector_load %arg20[%get3A_109] {strides = array<i32>} : memref<80xf32, #tpu.memory_space<vmem>>, vector<16xf32>,
        %add3A_111 = arith.addf %gather3A, %get3A_110 : vector<16xf32>
        %ge3A = arith.constant 0.000000e+00 : f32
        %ge3A_112 = vector.broadcast %ge3A : f32 to vector<16xf32>
        %ge3A_113 = arith.cmpf oge, %add3A_111, %ge3A_112 : vector<16xf32>
        %mul3A_114 = arith.constant 2.000000e-01 : f32
        %mul3A_115 = vector.broadcast %mul3A_114 : f32 to vector<16xf32>
        %mul3A_116 = arith.mulf %mul3A_115, %add3A_111 : vector<16xf32>
        %select_n3A = arith.select %ge3A_113, %add3A_111, %mul3A_116 : vector<16xi1>, vector<16xf32>
        %sub3A = arith.subf %select_n3A, %get3A_27 : vector<16xf32>
        %exp3A = math.exp %sub3A : vector<16xf32>
        %mul3A_117 = arith.constant 16 : i32
        %mul3A_118 = arith.muli %scan3A_100, %mul3A_117 : i32
        %swap3A = arith.index_cast %mul3A_118 : i32 to index
        %swap3A_119 = tpu.vector_load %arg17[%swap3A] {strides = array<i32>} : memref<80xf32, #tpu.memory_space<vmem>>, vector<16xf32>,
        tpu.vector_store %arg17[%swap3A], %exp3A {strides = array<i32>} : memref<80xf32, #tpu.memory_space<vmem>>, vector<16xf32>,
        %scan3A_120 = arith.constant 0 : i32
        scf.yield %scan3A_120 : i32
      }
      %scan3A_85 = arith.constant 5 : i32
      %scan3A_86 = arith.constant 0 : i32
      %scan3A_87 = arith.constant 0 : i32
      %scan3A_88 = arith.constant 80 : i32
      %scan3A_89 = arith.addi %scan3A_87, %scan3A_88 : i32
      %scan3A_90 = arith.constant 1 : i32
      %scan3A_91 = scf.for %scan3A_100 = %scan3A_87 to %scan3A_89 step %scan3A_90 iter_args(%scan3A_101 = %scan3A_86) -> (i32)  : i32 {
        %broadcast_in_dim3A = vector.broadcast %scan3A_100 : i32 to vector<16xi32>
        %gather3A = tpu.vector_load_idx %arg17[%broadcast_in_dim3A] : memref<80xf32, #tpu.memory_space<vmem>>[vector<16xi32>], vector<16xf32>,
        %get3A_102 = arith.index_cast %scan3A_100 : i32 to index
        %get3A_103 = arith.constant 0 : index
        %get3A_104 = tpu.vector_load %arg14[%get3A_102, %get3A_103] {strides = array<i32>} : memref<80x144xf32, #tpu.memory_space<vmem>>, vector<16xf32>,
        %mul3A_105 = arith.mulf %get3A_104, %gather3A : vector<16xf32>
        %swap3A = arith.index_cast %scan3A_100 : i32 to index
        %swap3A_106 = arith.constant 0 : index
        %swap3A_107 = tpu.vector_load %arg14[%swap3A, %swap3A_106] {strides = array<i32>} : memref<80x144xf32, #tpu.memory_space<vmem>>, vector<16xf32>,
        tpu.vector_store %arg14[%swap3A, %swap3A_106], %mul3A_105 {strides = array<i32>} : memref<80x144xf32, #tpu.memory_space<vmem>>, vector<16xf32>,
        %get3A_108 = arith.index_cast %scan3A_100 : i32 to index
        %get3A_109 = arith.constant 16 : index
        %get3A_110 = tpu.vector_load %arg14[%get3A_108, %get3A_109] {strides = array<i32>} : memref<80x144xf32, #tpu.memory_space<vmem>>, vector<16xf32>,
        %mul3A_111 = arith.mulf %get3A_110, %gather3A : vector<16xf32>
        %swap3A_112 = arith.index_cast %scan3A_100 : i32 to index
        %swap3A_113 = arith.constant 16 : index
        %swap3A_114 = tpu.vector_load %arg14[%swap3A_112, %swap3A_113] {strides = array<i32>} : memref<80x144xf32, #tpu.memory_space<vmem>>, vector<16xf32>,
        tpu.vector_store %arg14[%swap3A_112, %swap3A_113], %mul3A_111 {strides = array<i32>} : memref<80x144xf32, #tpu.memory_space<vmem>>, vector<16xf32>,
        %get3A_115 = arith.index_cast %scan3A_100 : i32 to index
        %get3A_116 = arith.constant 32 : index
        %get3A_117 = tpu.vector_load %arg14[%get3A_115, %get3A_116] {strides = array<i32>} : memref<80x144xf32, #tpu.memory_space<vmem>>, vector<16xf32>,
        %mul3A_118 = arith.mulf %get3A_117, %gather3A : vector<16xf32>
        %swap3A_119 = arith.index_cast %scan3A_100 : i32 to index
        %swap3A_120 = arith.constant 32 : index
        %swap3A_121 = tpu.vector_load %arg14[%swap3A_119, %swap3A_120] {strides = array<i32>} : memref<80x144xf32, #tpu.memory_space<vmem>>, vector<16xf32>,
        tpu.vector_store %arg14[%swap3A_119, %swap3A_120], %mul3A_118 {strides = array<i32>} : memref<80x144xf32, #tpu.memory_space<vmem>>, vector<16xf32>,
        %get3A_122 = arith.index_cast %scan3A_100 : i32 to index
        %get3A_123 = arith.constant 48 : index
        %get3A_124 = tpu.vector_load %arg14[%get3A_122, %get3A_123] {strides = array<i32>} : memref<80x144xf32, #tpu.memory_space<vmem>>, vector<16xf32>,
        %mul3A_125 = arith.mulf %get3A_124, %gather3A : vector<16xf32>
        %swap3A_126 = arith.index_cast %scan3A_100 : i32 to index
        %swap3A_127 = arith.constant 48 : index
        %swap3A_128 = tpu.vector_load %arg14[%swap3A_126, %swap3A_127] {strides = array<i32>} : memref<80x144xf32, #tpu.memory_space<vmem>>, vector<16xf32>,
        tpu.vector_store %arg14[%swap3A_126, %swap3A_127], %mul3A_125 {strides = array<i32>} : memref<80x144xf32, #tpu.memory_space<vmem>>, vector<16xf32>,
        %get3A_129 = arith.index_cast %scan3A_100 : i32 to index
        %get3A_130 = arith.constant 64 : index
        %get3A_131 = tpu.vector_load %arg14[%get3A_129, %get3A_130] {strides = array<i32>} : memref<80x144xf32, #tpu.memory_space<vmem>>, vector<16xf32>,
        %mul3A_132 = arith.mulf %get3A_131, %gather3A : vector<16xf32>
        %swap3A_133 = arith.index_cast %scan3A_100 : i32 to index
        %swap3A_134 = arith.constant 64 : index
        %swap3A_135 = tpu.vector_load %arg14[%swap3A_133, %swap3A_134] {strides = array<i32>} : memref<80x144xf32, #tpu.memory_space<vmem>>, vector<16xf32>,
        tpu.vector_store %arg14[%swap3A_133, %swap3A_134], %mul3A_132 {strides = array<i32>} : memref<80x144xf32, #tpu.memory_space<vmem>>, vector<16xf32>,
        %get3A_136 = arith.index_cast %scan3A_100 : i32 to index
        %get3A_137 = arith.constant 80 : index
        %get3A_138 = tpu.vector_load %arg14[%get3A_136, %get3A_137] {strides = array<i32>} : memref<80x144xf32, #tpu.memory_space<vmem>>, vector<16xf32>,
        %mul3A_139 = arith.mulf %get3A_138, %gather3A : vector<16xf32>
        %swap3A_140 = arith.index_cast %scan3A_100 : i32 to index
        %swap3A_141 = arith.constant 80 : index
        %swap3A_142 = tpu.vector_load %arg14[%swap3A_140, %swap3A_141] {strides = array<i32>} : memref<80x144xf32, #tpu.memory_space<vmem>>, vector<16xf32>,
        tpu.vector_store %arg14[%swap3A_140, %swap3A_141], %mul3A_139 {strides = array<i32>} : memref<80x144xf32, #tpu.memory_space<vmem>>, vector<16xf32>,
        %get3A_143 = arith.index_cast %scan3A_100 : i32 to index
        %get3A_144 = arith.constant 96 : index
        %get3A_145 = tpu.vector_load %arg14[%get3A_143, %get3A_144] {strides = array<i32>} : memref<80x144xf32, #tpu.memory_space<vmem>>, vector<16xf32>,
        %mul3A_146 = arith.mulf %get3A_145, %gather3A : vector<16xf32>
        %swap3A_147 = arith.index_cast %scan3A_100 : i32 to index
        %swap3A_148 = arith.constant 96 : index
        %swap3A_149 = tpu.vector_load %arg14[%swap3A_147, %swap3A_148] {strides = array<i32>} : memref<80x144xf32, #tpu.memory_space<vmem>>, vector<16xf32>,
        tpu.vector_store %arg14[%swap3A_147, %swap3A_148], %mul3A_146 {strides = array<i32>} : memref<80x144xf32, #tpu.memory_space<vmem>>, vector<16xf32>,
        %get3A_150 = arith.index_cast %scan3A_100 : i32 to index
        %get3A_151 = arith.constant 112 : index
        %get3A_152 = tpu.vector_load %arg14[%get3A_150, %get3A_151] {strides = array<i32>} : memref<80x144xf32, #tpu.memory_space<vmem>>, vector<16xf32>,
        %mul3A_153 = arith.mulf %get3A_152, %gather3A : vector<16xf32>
        %swap3A_154 = arith.index_cast %scan3A_100 : i32 to index
        %swap3A_155 = arith.constant 112 : index
        %swap3A_156 = tpu.vector_load %arg14[%swap3A_154, %swap3A_155] {strides = array<i32>} : memref<80x144xf32, #tpu.memory_space<vmem>>, vector<16xf32>,
        tpu.vector_store %arg14[%swap3A_154, %swap3A_155], %mul3A_153 {strides = array<i32>} : memref<80x144xf32, #tpu.memory_space<vmem>>, vector<16xf32>,
        %get3A_157 = arith.index_cast %scan3A_100 : i32 to index
        %get3A_158 = arith.constant 128 : index
        %get3A_159 = tpu.vector_load %arg14[%get3A_157, %get3A_158] {strides = array<i32>} : memref<80x144xf32, #tpu.memory_space<vmem>>, vector<16xf32>,
        %mul3A_160 = arith.mulf %get3A_159, %gather3A : vector<16xf32>
        %swap3A_161 = arith.index_cast %scan3A_100 : i32 to index
        %swap3A_162 = arith.constant 128 : index
        %swap3A_163 = tpu.vector_load %arg14[%swap3A_161, %swap3A_162] {strides = array<i32>} : memref<80x144xf32, #tpu.memory_space<vmem>>, vector<16xf32>,
        tpu.vector_store %arg14[%swap3A_161, %swap3A_162], %mul3A_160 {strides = array<i32>} : memref<80x144xf32, #tpu.memory_space<vmem>>, vector<16xf32>,
        %scan3A_164 = arith.constant 0 : i32
        scf.yield %scan3A_164 : i32
      }
      %scan3A_92 = arith.constant 80 : i32
      %dma_start3A_93 = arith.constant 0 : i32
      %dma_start3A_94 = arith.constant 0 : i32
      %dma_start3A_95 = tpu.memref_slice %arg24[%dma_start3A_93, %dma_start3A_94] : memref<10240x144xf32, #tpu.memory_space<vmem_shared>> -> memref<10240x144xf32, #tpu.memory_space<vmem_shared>>
      tpu.enqueue_indirect_dma source(%arg14 : memref<80x144xf32, #tpu.memory_space<vmem>>) target(%dma_start3A_95 : memref<10240x144xf32, #tpu.memory_space<vmem_shared>>) offsets(%arg11 : memref<80xi32, #tpu.memory_space<vmem>>) semaphore(%arg31 : memref<!tpu.dma_semaphore, #tpu.memory_space<semaphore_mem>>) {add = true}
      %dma_wait3A_96 = arith.constant 0 : i32
      %dma_wait3A_97 = arith.constant 0 : i32
      %dma_wait3A_98 = tpu.memref_slice %arg24[%dma_wait3A_96, %dma_wait3A_97] : memref<10240x144xf32, #tpu.memory_space<vmem_shared>> -> memref<10240x144xf32, #tpu.memory_space<vmem_shared>>
      tpu.wait_indirect_dma semaphore(%arg31 : memref<!tpu.dma_semaphore, #tpu.memory_space<semaphore_mem>>) src(%arg14 : memref<80x144xf32, #tpu.memory_space<vmem>>) dst(%dma_wait3A_98 : memref<10240x144xf32, #tpu.memory_space<vmem_shared>>)
      %scan3A_99 = arith.constant 0 : i32
      scf.yield %scan3A_99 : i32
    }
    %scan3A_61 = arith.constant 2 : i32
    %barrier3A_62 = arith.constant 0 : index
    tpu.barrier barrier_id(%barrier3A_62)
    "tpu.region"() ({
      %run_scoped3A = tpu.sem_alloc : memref<!tpu.dma_semaphore, #tpu.memory_space<semaphore_mem>>
      %dma_start3A_63 = arith.constant 0 : i32
      %dma_start3A_64 = tpu.memref_slice %arg7[%arg0, %mul3A_2, %dma_start3A_63] : memref<2x10240x144xf32, #tpu.memory_space<hbm>> -> memref<1x640x144xf32, #tpu.memory_space<hbm>>
      %dma_start3A_65 = tpu.memref_squeeze %dma_start3A_64 : memref<1x640x144xf32, #tpu.memory_space<hbm>> -> memref<640x144xf32, #tpu.memory_space<hbm>>
      %dma_start3A_66 = arith.constant 0 : i32
      %dma_start3A_67 = tpu.memref_slice %arg24[%mul3A_2, %dma_start3A_66] : memref<10240x144xf32, #tpu.memory_space<vmem_shared>> -> memref<640x144xf32, #tpu.memory_space<vmem_shared>>
      tpu.enqueue_dma source(%dma_start3A_67 : memref<640x144xf32, #tpu.memory_space<vmem_shared>>) target(%dma_start3A_65 : memref<640x144xf32, #tpu.memory_space<hbm>>) target_semaphore(%run_scoped3A : memref<!tpu.dma_semaphore, #tpu.memory_space<semaphore_mem>>)
      %dma_wait3A = arith.constant 0 : i32
      %dma_wait3A_68 = tpu.memref_slice %arg7[%arg0, %mul3A_2, %dma_wait3A] : memref<2x10240x144xf32, #tpu.memory_space<hbm>> -> memref<1x640x144xf32, #tpu.memory_space<hbm>>
      %dma_wait3A_69 = tpu.memref_squeeze %dma_wait3A_68 : memref<1x640x144xf32, #tpu.memory_space<hbm>> -> memref<640x144xf32, #tpu.memory_space<hbm>>
      %dma_wait3A_70 = arith.constant 0 : i32
      %dma_wait3A_71 = tpu.memref_slice %arg24[%mul3A_2, %dma_wait3A_70] : memref<10240x144xf32, #tpu.memory_space<vmem_shared>> -> memref<640x144xf32, #tpu.memory_space<vmem_shared>>
      tpu.wait_dma2 semaphore(%run_scoped3A : memref<!tpu.dma_semaphore, #tpu.memory_space<semaphore_mem>>) src(%dma_wait3A_71 : memref<640x144xf32, #tpu.memory_space<vmem_shared>>) dst(%dma_wait3A_69 : memref<640x144xf32, #tpu.memory_space<hbm>>)
      tpu.yield
    }) : () -> ()
    return
  }
}

#map = affine_map<(d0, d1) -> (0)>
#map1 = affine_map<(d0, d1) -> (0, 0)>
#map2 = affine_map<(d0, d1) -> (0, 0, 0)>
module attributes {stable_mosaic.version = 14 : i64} {
  func.func @_sc_edge_body(%arg0: i32, %arg1: i32, %arg2: memref<320000xi32, #tpu.memory_space<hbm>>, %arg3: memref<320000xi32, #tpu.memory_space<hbm>>, %arg4: memref<10000x144xf32, #tpu.memory_space<hbm>>, %arg5: memref<10000xf32, #tpu.memory_space<hbm>>, %arg6: memref<16xf32, #tpu.memory_space<hbm>>, %arg7: memref<2x10240x144xf32, #tpu.memory_space<hbm>>, %arg8: memref<80xi32, #tpu.memory_space<vmem>>, %arg9: memref<80xi32, #tpu.memory_space<vmem>>, %arg10: memref<80xi32, #tpu.memory_space<vmem>>, %arg11: memref<80xi32, #tpu.memory_space<vmem>>, %arg12: memref<80xi32, #tpu.memory_space<vmem>>, %arg13: memref<80xi32, #tpu.memory_space<vmem>>, %arg14: memref<80x144xf32, #tpu.memory_space<vmem>>, %arg15: memref<80x144xf32, #tpu.memory_space<vmem>>, %arg16: memref<80x144xf32, #tpu.memory_space<vmem>>, %arg17: memref<80xf32, #tpu.memory_space<vmem>>, %arg18: memref<80xf32, #tpu.memory_space<vmem>>, %arg19: memref<80xf32, #tpu.memory_space<vmem>>, %arg20: memref<80xf32, #tpu.memory_space<vmem>>, %arg21: memref<80xf32, #tpu.memory_space<vmem>>, %arg22: memref<80xf32, #tpu.memory_space<vmem>>, %arg23: memref<16xf32, #tpu.memory_space<vmem>>, %arg24: memref<10240x144xf32, #tpu.memory_space<vmem_shared>>, %arg25: memref<!tpu.dma_semaphore, #tpu.memory_space<semaphore_mem>>, %arg26: memref<!tpu.dma_semaphore, #tpu.memory_space<semaphore_mem>>, %arg27: memref<!tpu.dma_semaphore, #tpu.memory_space<semaphore_mem>>, %arg28: memref<!tpu.dma_semaphore, #tpu.memory_space<semaphore_mem>>, %arg29: memref<!tpu.dma_semaphore, #tpu.memory_space<semaphore_mem>>, %arg30: memref<!tpu.dma_semaphore, #tpu.memory_space<semaphore_mem>>, %arg31: memref<!tpu.dma_semaphore, #tpu.memory_space<semaphore_mem>>, %arg32: memref<!tpu.dma_semaphore, #tpu.memory_space<semaphore_mem>>, %arg33: memref<!tpu.dma_semaphore, #tpu.memory_space<semaphore_mem>>) attributes {dimension_semantics = [#tpu.dimension_semantics<core_parallel>, #tpu.dimension_semantics<subcore_parallel>], iteration_bounds = array<i64: 2, 16>, scalar_prefetch = 0 : i64, scratch_operands = 26 : i64, tpu.core_type = #tpu.core_type<sc_vector_subcore>, window_params = [{transform_indices = #map}, {transform_indices = #map}, {transform_indices = #map1}, {transform_indices = #map}, {transform_indices = #map}, {transform_indices = #map2}]} {
    %mul3A = arith.constant 2 : i32
    %mul3A_0 = arith.muli %arg1, %mul3A : i32
    %add3A = arith.addi %mul3A_0, %arg0 : i32
    "tpu.region"() ({
      %run_scoped3A = tpu.sem_alloc : memref<!tpu.dma_semaphore, #tpu.memory_space<semaphore_mem>>
      tpu.enqueue_dma source(%arg6 : memref<16xf32, #tpu.memory_space<hbm>>) target(%arg23 : memref<16xf32, #tpu.memory_space<vmem>>) target_semaphore(%run_scoped3A : memref<!tpu.dma_semaphore, #tpu.memory_space<semaphore_mem>>)
      tpu.wait_dma2 semaphore(%run_scoped3A : memref<!tpu.dma_semaphore, #tpu.memory_space<semaphore_mem>>) src(%arg6 : memref<16xf32, #tpu.memory_space<hbm>>) dst(%arg23 : memref<16xf32, #tpu.memory_space<vmem>>)
      tpu.yield
    }) : () -> ()
    %mul3A_1 = arith.constant 640 : i32
    %mul3A_2 = arith.muli %arg1, %mul3A_1 : i32
    %scan3A = arith.constant 0 : i32
    %scan3A_3 = arith.constant 0 : i32
    %scan3A_4 = arith.constant 80 : i32
    %scan3A_5 = arith.addi %scan3A_3, %scan3A_4 : i32
    %scan3A_6 = arith.constant 1 : i32
    %scan3A_7 = scf.for %scan3A_63 = %scan3A_3 to %scan3A_5 step %scan3A_6 iter_args(%scan3A_64 = %scan3A) -> (i32)  : i32 {
      %broadcast_in_dim3A = arith.constant 0.000000e+00 : f32
      %broadcast_in_dim3A_65 = vector.broadcast %broadcast_in_dim3A : f32 to vector<16xf32>
      %swap3A = arith.index_cast %scan3A_63 : i32 to index
      %swap3A_66 = arith.constant 0 : index
      %swap3A_67 = tpu.vector_load %arg14[%swap3A, %swap3A_66] {strides = array<i32>} : memref<80x144xf32, #tpu.memory_space<vmem>>, vector<16xf32>,
      tpu.vector_store %arg14[%swap3A, %swap3A_66], %broadcast_in_dim3A_65 {strides = array<i32>} : memref<80x144xf32, #tpu.memory_space<vmem>>, vector<16xf32>,
      %broadcast_in_dim3A_68 = arith.constant 0.000000e+00 : f32
      %broadcast_in_dim3A_69 = vector.broadcast %broadcast_in_dim3A_68 : f32 to vector<16xf32>
      %swap3A_70 = arith.index_cast %scan3A_63 : i32 to index
      %swap3A_71 = arith.constant 16 : index
      %swap3A_72 = tpu.vector_load %arg14[%swap3A_70, %swap3A_71] {strides = array<i32>} : memref<80x144xf32, #tpu.memory_space<vmem>>, vector<16xf32>,
      tpu.vector_store %arg14[%swap3A_70, %swap3A_71], %broadcast_in_dim3A_69 {strides = array<i32>} : memref<80x144xf32, #tpu.memory_space<vmem>>, vector<16xf32>,
      %broadcast_in_dim3A_73 = arith.constant 0.000000e+00 : f32
      %broadcast_in_dim3A_74 = vector.broadcast %broadcast_in_dim3A_73 : f32 to vector<16xf32>
      %swap3A_75 = arith.index_cast %scan3A_63 : i32 to index
      %swap3A_76 = arith.constant 32 : index
      %swap3A_77 = tpu.vector_load %arg14[%swap3A_75, %swap3A_76] {strides = array<i32>} : memref<80x144xf32, #tpu.memory_space<vmem>>, vector<16xf32>,
      tpu.vector_store %arg14[%swap3A_75, %swap3A_76], %broadcast_in_dim3A_74 {strides = array<i32>} : memref<80x144xf32, #tpu.memory_space<vmem>>, vector<16xf32>,
      %broadcast_in_dim3A_78 = arith.constant 0.000000e+00 : f32
      %broadcast_in_dim3A_79 = vector.broadcast %broadcast_in_dim3A_78 : f32 to vector<16xf32>
      %swap3A_80 = arith.index_cast %scan3A_63 : i32 to index
      %swap3A_81 = arith.constant 48 : index
      %swap3A_82 = tpu.vector_load %arg14[%swap3A_80, %swap3A_81] {strides = array<i32>} : memref<80x144xf32, #tpu.memory_space<vmem>>, vector<16xf32>,
      tpu.vector_store %arg14[%swap3A_80, %swap3A_81], %broadcast_in_dim3A_79 {strides = array<i32>} : memref<80x144xf32, #tpu.memory_space<vmem>>, vector<16xf32>,
      %broadcast_in_dim3A_83 = arith.constant 0.000000e+00 : f32
      %broadcast_in_dim3A_84 = vector.broadcast %broadcast_in_dim3A_83 : f32 to vector<16xf32>
      %swap3A_85 = arith.index_cast %scan3A_63 : i32 to index
      %swap3A_86 = arith.constant 64 : index
      %swap3A_87 = tpu.vector_load %arg14[%swap3A_85, %swap3A_86] {strides = array<i32>} : memref<80x144xf32, #tpu.memory_space<vmem>>, vector<16xf32>,
      tpu.vector_store %arg14[%swap3A_85, %swap3A_86], %broadcast_in_dim3A_84 {strides = array<i32>} : memref<80x144xf32, #tpu.memory_space<vmem>>, vector<16xf32>,
      %broadcast_in_dim3A_88 = arith.constant 0.000000e+00 : f32
      %broadcast_in_dim3A_89 = vector.broadcast %broadcast_in_dim3A_88 : f32 to vector<16xf32>
      %swap3A_90 = arith.index_cast %scan3A_63 : i32 to index
      %swap3A_91 = arith.constant 80 : index
      %swap3A_92 = tpu.vector_load %arg14[%swap3A_90, %swap3A_91] {strides = array<i32>} : memref<80x144xf32, #tpu.memory_space<vmem>>, vector<16xf32>,
      tpu.vector_store %arg14[%swap3A_90, %swap3A_91], %broadcast_in_dim3A_89 {strides = array<i32>} : memref<80x144xf32, #tpu.memory_space<vmem>>, vector<16xf32>,
      %broadcast_in_dim3A_93 = arith.constant 0.000000e+00 : f32
      %broadcast_in_dim3A_94 = vector.broadcast %broadcast_in_dim3A_93 : f32 to vector<16xf32>
      %swap3A_95 = arith.index_cast %scan3A_63 : i32 to index
      %swap3A_96 = arith.constant 96 : index
      %swap3A_97 = tpu.vector_load %arg14[%swap3A_95, %swap3A_96] {strides = array<i32>} : memref<80x144xf32, #tpu.memory_space<vmem>>, vector<16xf32>,
      tpu.vector_store %arg14[%swap3A_95, %swap3A_96], %broadcast_in_dim3A_94 {strides = array<i32>} : memref<80x144xf32, #tpu.memory_space<vmem>>, vector<16xf32>,
      %broadcast_in_dim3A_98 = arith.constant 0.000000e+00 : f32
      %broadcast_in_dim3A_99 = vector.broadcast %broadcast_in_dim3A_98 : f32 to vector<16xf32>
      %swap3A_100 = arith.index_cast %scan3A_63 : i32 to index
      %swap3A_101 = arith.constant 112 : index
      %swap3A_102 = tpu.vector_load %arg14[%swap3A_100, %swap3A_101] {strides = array<i32>} : memref<80x144xf32, #tpu.memory_space<vmem>>, vector<16xf32>,
      tpu.vector_store %arg14[%swap3A_100, %swap3A_101], %broadcast_in_dim3A_99 {strides = array<i32>} : memref<80x144xf32, #tpu.memory_space<vmem>>, vector<16xf32>,
      %broadcast_in_dim3A_103 = arith.constant 0.000000e+00 : f32
      %broadcast_in_dim3A_104 = vector.broadcast %broadcast_in_dim3A_103 : f32 to vector<16xf32>
      %swap3A_105 = arith.index_cast %scan3A_63 : i32 to index
      %swap3A_106 = arith.constant 128 : index
      %swap3A_107 = tpu.vector_load %arg14[%swap3A_105, %swap3A_106] {strides = array<i32>} : memref<80x144xf32, #tpu.memory_space<vmem>>, vector<16xf32>,
      tpu.vector_store %arg14[%swap3A_105, %swap3A_106], %broadcast_in_dim3A_104 {strides = array<i32>} : memref<80x144xf32, #tpu.memory_space<vmem>>, vector<16xf32>,
      %scan3A_108 = arith.constant 0 : i32
      scf.yield %scan3A_108 : i32
    }
    %scan3A_8 = arith.constant 80 : i32
    %add3A_9 = arith.constant 0 : i32
    %add3A_10 = arith.addi %mul3A_2, %add3A_9 : i32
    "tpu.region"() ({
      %run_scoped3A = tpu.sem_alloc : memref<!tpu.dma_semaphore, #tpu.memory_space<semaphore_mem>>
      %dma_start3A_63 = arith.constant 0 : i32
      %dma_start3A_64 = tpu.memref_slice %arg24[%add3A_10, %dma_start3A_63] : memref<10240x144xf32, #tpu.memory_space<vmem_shared>> -> memref<80x144xf32, #tpu.memory_space<vmem_shared>>
      %dma_start3A_65 = arith.constant 0 : i32
      %dma_start3A_66 = tpu.memref_slice %arg24[%add3A_10, %dma_start3A_65] : memref<10240x144xf32, #tpu.memory_space<vmem_shared>> -> memref<80x144xf32, #tpu.memory_space<vmem_shared>>
      tpu.enqueue_dma source(%arg14 : memref<80x144xf32, #tpu.memory_space<vmem>>) target(%dma_start3A_66 : memref<80x144xf32, #tpu.memory_space<vmem_shared>>) target_semaphore(%run_scoped3A : memref<!tpu.dma_semaphore, #tpu.memory_space<semaphore_mem>>)
      %dma_wait3A = arith.constant 0 : i32
      %dma_wait3A_67 = tpu.memref_slice %arg24[%add3A_10, %dma_wait3A] : memref<10240x144xf32, #tpu.memory_space<vmem_shared>> -> memref<80x144xf32, #tpu.memory_space<vmem_shared>>
      %dma_wait3A_68 = arith.constant 0 : i32
      %dma_wait3A_69 = tpu.memref_slice %arg24[%add3A_10, %dma_wait3A_68] : memref<10240x144xf32, #tpu.memory_space<vmem_shared>> -> memref<80x144xf32, #tpu.memory_space<vmem_shared>>
      tpu.wait_dma2 semaphore(%run_scoped3A : memref<!tpu.dma_semaphore, #tpu.memory_space<semaphore_mem>>) src(%arg14 : memref<80x144xf32, #tpu.memory_space<vmem>>) dst(%dma_wait3A_69 : memref<80x144xf32, #tpu.memory_space<vmem_shared>>)
      tpu.yield
    }) : () -> ()
    %add3A_11 = arith.constant 80 : i32
    %add3A_12 = arith.addi %mul3A_2, %add3A_11 : i32
    "tpu.region"() ({
      %run_scoped3A = tpu.sem_alloc : memref<!tpu.dma_semaphore, #tpu.memory_space<semaphore_mem>>
      %dma_start3A_63 = arith.constant 0 : i32
      %dma_start3A_64 = tpu.memref_slice %arg24[%add3A_12, %dma_start3A_63] : memref<10240x144xf32, #tpu.memory_space<vmem_shared>> -> memref<80x144xf32, #tpu.memory_space<vmem_shared>>
      %dma_start3A_65 = arith.constant 0 : i32
      %dma_start3A_66 = tpu.memref_slice %arg24[%add3A_12, %dma_start3A_65] : memref<10240x144xf32, #tpu.memory_space<vmem_shared>> -> memref<80x144xf32, #tpu.memory_space<vmem_shared>>
      tpu.enqueue_dma source(%arg14 : memref<80x144xf32, #tpu.memory_space<vmem>>) target(%dma_start3A_66 : memref<80x144xf32, #tpu.memory_space<vmem_shared>>) target_semaphore(%run_scoped3A : memref<!tpu.dma_semaphore, #tpu.memory_space<semaphore_mem>>)
      %dma_wait3A = arith.constant 0 : i32
      %dma_wait3A_67 = tpu.memref_slice %arg24[%add3A_12, %dma_wait3A] : memref<10240x144xf32, #tpu.memory_space<vmem_shared>> -> memref<80x144xf32, #tpu.memory_space<vmem_shared>>
      %dma_wait3A_68 = arith.constant 0 : i32
      %dma_wait3A_69 = tpu.memref_slice %arg24[%add3A_12, %dma_wait3A_68] : memref<10240x144xf32, #tpu.memory_space<vmem_shared>> -> memref<80x144xf32, #tpu.memory_space<vmem_shared>>
      tpu.wait_dma2 semaphore(%run_scoped3A : memref<!tpu.dma_semaphore, #tpu.memory_space<semaphore_mem>>) src(%arg14 : memref<80x144xf32, #tpu.memory_space<vmem>>) dst(%dma_wait3A_69 : memref<80x144xf32, #tpu.memory_space<vmem_shared>>)
      tpu.yield
    }) : () -> ()
    %add3A_13 = arith.constant 160 : i32
    %add3A_14 = arith.addi %mul3A_2, %add3A_13 : i32
    "tpu.region"() ({
      %run_scoped3A = tpu.sem_alloc : memref<!tpu.dma_semaphore, #tpu.memory_space<semaphore_mem>>
      %dma_start3A_63 = arith.constant 0 : i32
      %dma_start3A_64 = tpu.memref_slice %arg24[%add3A_14, %dma_start3A_63] : memref<10240x144xf32, #tpu.memory_space<vmem_shared>> -> memref<80x144xf32, #tpu.memory_space<vmem_shared>>
      %dma_start3A_65 = arith.constant 0 : i32
      %dma_start3A_66 = tpu.memref_slice %arg24[%add3A_14, %dma_start3A_65] : memref<10240x144xf32, #tpu.memory_space<vmem_shared>> -> memref<80x144xf32, #tpu.memory_space<vmem_shared>>
      tpu.enqueue_dma source(%arg14 : memref<80x144xf32, #tpu.memory_space<vmem>>) target(%dma_start3A_66 : memref<80x144xf32, #tpu.memory_space<vmem_shared>>) target_semaphore(%run_scoped3A : memref<!tpu.dma_semaphore, #tpu.memory_space<semaphore_mem>>)
      %dma_wait3A = arith.constant 0 : i32
      %dma_wait3A_67 = tpu.memref_slice %arg24[%add3A_14, %dma_wait3A] : memref<10240x144xf32, #tpu.memory_space<vmem_shared>> -> memref<80x144xf32, #tpu.memory_space<vmem_shared>>
      %dma_wait3A_68 = arith.constant 0 : i32
      %dma_wait3A_69 = tpu.memref_slice %arg24[%add3A_14, %dma_wait3A_68] : memref<10240x144xf32, #tpu.memory_space<vmem_shared>> -> memref<80x144xf32, #tpu.memory_space<vmem_shared>>
      tpu.wait_dma2 semaphore(%run_scoped3A : memref<!tpu.dma_semaphore, #tpu.memory_space<semaphore_mem>>) src(%arg14 : memref<80x144xf32, #tpu.memory_space<vmem>>) dst(%dma_wait3A_69 : memref<80x144xf32, #tpu.memory_space<vmem_shared>>)
      tpu.yield
    }) : () -> ()
    %add3A_15 = arith.constant 240 : i32
    %add3A_16 = arith.addi %mul3A_2, %add3A_15 : i32
    "tpu.region"() ({
      %run_scoped3A = tpu.sem_alloc : memref<!tpu.dma_semaphore, #tpu.memory_space<semaphore_mem>>
      %dma_start3A_63 = arith.constant 0 : i32
      %dma_start3A_64 = tpu.memref_slice %arg24[%add3A_16, %dma_start3A_63] : memref<10240x144xf32, #tpu.memory_space<vmem_shared>> -> memref<80x144xf32, #tpu.memory_space<vmem_shared>>
      %dma_start3A_65 = arith.constant 0 : i32
      %dma_start3A_66 = tpu.memref_slice %arg24[%add3A_16, %dma_start3A_65] : memref<10240x144xf32, #tpu.memory_space<vmem_shared>> -> memref<80x144xf32, #tpu.memory_space<vmem_shared>>
      tpu.enqueue_dma source(%arg14 : memref<80x144xf32, #tpu.memory_space<vmem>>) target(%dma_start3A_66 : memref<80x144xf32, #tpu.memory_space<vmem_shared>>) target_semaphore(%run_scoped3A : memref<!tpu.dma_semaphore, #tpu.memory_space<semaphore_mem>>)
      %dma_wait3A = arith.constant 0 : i32
      %dma_wait3A_67 = tpu.memref_slice %arg24[%add3A_16, %dma_wait3A] : memref<10240x144xf32, #tpu.memory_space<vmem_shared>> -> memref<80x144xf32, #tpu.memory_space<vmem_shared>>
      %dma_wait3A_68 = arith.constant 0 : i32
      %dma_wait3A_69 = tpu.memref_slice %arg24[%add3A_16, %dma_wait3A_68] : memref<10240x144xf32, #tpu.memory_space<vmem_shared>> -> memref<80x144xf32, #tpu.memory_space<vmem_shared>>
      tpu.wait_dma2 semaphore(%run_scoped3A : memref<!tpu.dma_semaphore, #tpu.memory_space<semaphore_mem>>) src(%arg14 : memref<80x144xf32, #tpu.memory_space<vmem>>) dst(%dma_wait3A_69 : memref<80x144xf32, #tpu.memory_space<vmem_shared>>)
      tpu.yield
    }) : () -> ()
    %add3A_17 = arith.constant 320 : i32
    %add3A_18 = arith.addi %mul3A_2, %add3A_17 : i32
    "tpu.region"() ({
      %run_scoped3A = tpu.sem_alloc : memref<!tpu.dma_semaphore, #tpu.memory_space<semaphore_mem>>
      %dma_start3A_63 = arith.constant 0 : i32
      %dma_start3A_64 = tpu.memref_slice %arg24[%add3A_18, %dma_start3A_63] : memref<10240x144xf32, #tpu.memory_space<vmem_shared>> -> memref<80x144xf32, #tpu.memory_space<vmem_shared>>
      %dma_start3A_65 = arith.constant 0 : i32
      %dma_start3A_66 = tpu.memref_slice %arg24[%add3A_18, %dma_start3A_65] : memref<10240x144xf32, #tpu.memory_space<vmem_shared>> -> memref<80x144xf32, #tpu.memory_space<vmem_shared>>
      tpu.enqueue_dma source(%arg14 : memref<80x144xf32, #tpu.memory_space<vmem>>) target(%dma_start3A_66 : memref<80x144xf32, #tpu.memory_space<vmem_shared>>) target_semaphore(%run_scoped3A : memref<!tpu.dma_semaphore, #tpu.memory_space<semaphore_mem>>)
      %dma_wait3A = arith.constant 0 : i32
      %dma_wait3A_67 = tpu.memref_slice %arg24[%add3A_18, %dma_wait3A] : memref<10240x144xf32, #tpu.memory_space<vmem_shared>> -> memref<80x144xf32, #tpu.memory_space<vmem_shared>>
      %dma_wait3A_68 = arith.constant 0 : i32
      %dma_wait3A_69 = tpu.memref_slice %arg24[%add3A_18, %dma_wait3A_68] : memref<10240x144xf32, #tpu.memory_space<vmem_shared>> -> memref<80x144xf32, #tpu.memory_space<vmem_shared>>
      tpu.wait_dma2 semaphore(%run_scoped3A : memref<!tpu.dma_semaphore, #tpu.memory_space<semaphore_mem>>) src(%arg14 : memref<80x144xf32, #tpu.memory_space<vmem>>) dst(%dma_wait3A_69 : memref<80x144xf32, #tpu.memory_space<vmem_shared>>)
      tpu.yield
    }) : () -> ()
    %add3A_19 = arith.constant 400 : i32
    %add3A_20 = arith.addi %mul3A_2, %add3A_19 : i32
    "tpu.region"() ({
      %run_scoped3A = tpu.sem_alloc : memref<!tpu.dma_semaphore, #tpu.memory_space<semaphore_mem>>
      %dma_start3A_63 = arith.constant 0 : i32
      %dma_start3A_64 = tpu.memref_slice %arg24[%add3A_20, %dma_start3A_63] : memref<10240x144xf32, #tpu.memory_space<vmem_shared>> -> memref<80x144xf32, #tpu.memory_space<vmem_shared>>
      %dma_start3A_65 = arith.constant 0 : i32
      %dma_start3A_66 = tpu.memref_slice %arg24[%add3A_20, %dma_start3A_65] : memref<10240x144xf32, #tpu.memory_space<vmem_shared>> -> memref<80x144xf32, #tpu.memory_space<vmem_shared>>
      tpu.enqueue_dma source(%arg14 : memref<80x144xf32, #tpu.memory_space<vmem>>) target(%dma_start3A_66 : memref<80x144xf32, #tpu.memory_space<vmem_shared>>) target_semaphore(%run_scoped3A : memref<!tpu.dma_semaphore, #tpu.memory_space<semaphore_mem>>)
      %dma_wait3A = arith.constant 0 : i32
      %dma_wait3A_67 = tpu.memref_slice %arg24[%add3A_20, %dma_wait3A] : memref<10240x144xf32, #tpu.memory_space<vmem_shared>> -> memref<80x144xf32, #tpu.memory_space<vmem_shared>>
      %dma_wait3A_68 = arith.constant 0 : i32
      %dma_wait3A_69 = tpu.memref_slice %arg24[%add3A_20, %dma_wait3A_68] : memref<10240x144xf32, #tpu.memory_space<vmem_shared>> -> memref<80x144xf32, #tpu.memory_space<vmem_shared>>
      tpu.wait_dma2 semaphore(%run_scoped3A : memref<!tpu.dma_semaphore, #tpu.memory_space<semaphore_mem>>) src(%arg14 : memref<80x144xf32, #tpu.memory_space<vmem>>) dst(%dma_wait3A_69 : memref<80x144xf32, #tpu.memory_space<vmem_shared>>)
      tpu.yield
    }) : () -> ()
    %add3A_21 = arith.constant 480 : i32
    %add3A_22 = arith.addi %mul3A_2, %add3A_21 : i32
    "tpu.region"() ({
      %run_scoped3A = tpu.sem_alloc : memref<!tpu.dma_semaphore, #tpu.memory_space<semaphore_mem>>
      %dma_start3A_63 = arith.constant 0 : i32
      %dma_start3A_64 = tpu.memref_slice %arg24[%add3A_22, %dma_start3A_63] : memref<10240x144xf32, #tpu.memory_space<vmem_shared>> -> memref<80x144xf32, #tpu.memory_space<vmem_shared>>
      %dma_start3A_65 = arith.constant 0 : i32
      %dma_start3A_66 = tpu.memref_slice %arg24[%add3A_22, %dma_start3A_65] : memref<10240x144xf32, #tpu.memory_space<vmem_shared>> -> memref<80x144xf32, #tpu.memory_space<vmem_shared>>
      tpu.enqueue_dma source(%arg14 : memref<80x144xf32, #tpu.memory_space<vmem>>) target(%dma_start3A_66 : memref<80x144xf32, #tpu.memory_space<vmem_shared>>) target_semaphore(%run_scoped3A : memref<!tpu.dma_semaphore, #tpu.memory_space<semaphore_mem>>)
      %dma_wait3A = arith.constant 0 : i32
      %dma_wait3A_67 = tpu.memref_slice %arg24[%add3A_22, %dma_wait3A] : memref<10240x144xf32, #tpu.memory_space<vmem_shared>> -> memref<80x144xf32, #tpu.memory_space<vmem_shared>>
      %dma_wait3A_68 = arith.constant 0 : i32
      %dma_wait3A_69 = tpu.memref_slice %arg24[%add3A_22, %dma_wait3A_68] : memref<10240x144xf32, #tpu.memory_space<vmem_shared>> -> memref<80x144xf32, #tpu.memory_space<vmem_shared>>
      tpu.wait_dma2 semaphore(%run_scoped3A : memref<!tpu.dma_semaphore, #tpu.memory_space<semaphore_mem>>) src(%arg14 : memref<80x144xf32, #tpu.memory_space<vmem>>) dst(%dma_wait3A_69 : memref<80x144xf32, #tpu.memory_space<vmem_shared>>)
      tpu.yield
    }) : () -> ()
    %add3A_23 = arith.constant 560 : i32
    %add3A_24 = arith.addi %mul3A_2, %add3A_23 : i32
    "tpu.region"() ({
      %run_scoped3A = tpu.sem_alloc : memref<!tpu.dma_semaphore, #tpu.memory_space<semaphore_mem>>
      %dma_start3A_63 = arith.constant 0 : i32
      %dma_start3A_64 = tpu.memref_slice %arg24[%add3A_24, %dma_start3A_63] : memref<10240x144xf32, #tpu.memory_space<vmem_shared>> -> memref<80x144xf32, #tpu.memory_space<vmem_shared>>
      %dma_start3A_65 = arith.constant 0 : i32
      %dma_start3A_66 = tpu.memref_slice %arg24[%add3A_24, %dma_start3A_65] : memref<10240x144xf32, #tpu.memory_space<vmem_shared>> -> memref<80x144xf32, #tpu.memory_space<vmem_shared>>
      tpu.enqueue_dma source(%arg14 : memref<80x144xf32, #tpu.memory_space<vmem>>) target(%dma_start3A_66 : memref<80x144xf32, #tpu.memory_space<vmem_shared>>) target_semaphore(%run_scoped3A : memref<!tpu.dma_semaphore, #tpu.memory_space<semaphore_mem>>)
      %dma_wait3A = arith.constant 0 : i32
      %dma_wait3A_67 = tpu.memref_slice %arg24[%add3A_24, %dma_wait3A] : memref<10240x144xf32, #tpu.memory_space<vmem_shared>> -> memref<80x144xf32, #tpu.memory_space<vmem_shared>>
      %dma_wait3A_68 = arith.constant 0 : i32
      %dma_wait3A_69 = tpu.memref_slice %arg24[%add3A_24, %dma_wait3A_68] : memref<10240x144xf32, #tpu.memory_space<vmem_shared>> -> memref<80x144xf32, #tpu.memory_space<vmem_shared>>
      tpu.wait_dma2 semaphore(%run_scoped3A : memref<!tpu.dma_semaphore, #tpu.memory_space<semaphore_mem>>) src(%arg14 : memref<80x144xf32, #tpu.memory_space<vmem>>) dst(%dma_wait3A_69 : memref<80x144xf32, #tpu.memory_space<vmem_shared>>)
      tpu.yield
    }) : () -> ()
    %barrier3A = arith.constant 0 : index
    tpu.barrier barrier_id(%barrier3A)
    %mul3A_25 = arith.constant 10000 : i32
    %mul3A_26 = arith.muli %add3A, %mul3A_25 : i32
    %get3A = arith.constant 0 : index
    %get3A_27 = tpu.vector_load %arg23[%get3A] {strides = array<i32>} : memref<16xf32, #tpu.memory_space<vmem>>, vector<16xf32>,
    %iota3A = tpu.iota {dimensions = array<i32: 0>} : vector<16xi32>
    %add3A_28 = arith.constant 0 : i32
    %add3A_29 = arith.addi %mul3A_26, %add3A_28 : i32
    "tpu.region"() ({
      %run_scoped3A = tpu.sem_alloc : memref<!tpu.dma_semaphore, #tpu.memory_space<semaphore_mem>>
      %dma_start3A_63 = tpu.memref_slice %arg2[%add3A_29] : memref<320000xi32, #tpu.memory_space<hbm>> -> memref<80xi32, #tpu.memory_space<hbm>>
      %dma_start3A_64 = tpu.memref_slice %arg2[%add3A_29] : memref<320000xi32, #tpu.memory_space<hbm>> -> memref<80xi32, #tpu.memory_space<hbm>>
      tpu.enqueue_dma source(%dma_start3A_64 : memref<80xi32, #tpu.memory_space<hbm>>) target(%arg8 : memref<80xi32, #tpu.memory_space<vmem>>) target_semaphore(%run_scoped3A : memref<!tpu.dma_semaphore, #tpu.memory_space<semaphore_mem>>)
      %dma_wait3A = tpu.memref_slice %arg2[%add3A_29] : memref<320000xi32, #tpu.memory_space<hbm>> -> memref<80xi32, #tpu.memory_space<hbm>>
      %dma_wait3A_65 = tpu.memref_slice %arg2[%add3A_29] : memref<320000xi32, #tpu.memory_space<hbm>> -> memref<80xi32, #tpu.memory_space<hbm>>
      tpu.wait_dma2 semaphore(%run_scoped3A : memref<!tpu.dma_semaphore, #tpu.memory_space<semaphore_mem>>) src(%dma_wait3A_65 : memref<80xi32, #tpu.memory_space<hbm>>) dst(%arg8 : memref<80xi32, #tpu.memory_space<vmem>>)
      tpu.yield
    }) : () -> ()
    "tpu.region"() ({
      %run_scoped3A = tpu.sem_alloc : memref<!tpu.dma_semaphore, #tpu.memory_space<semaphore_mem>>
      %dma_start3A_63 = tpu.memref_slice %arg3[%add3A_29] : memref<320000xi32, #tpu.memory_space<hbm>> -> memref<80xi32, #tpu.memory_space<hbm>>
      %dma_start3A_64 = tpu.memref_slice %arg3[%add3A_29] : memref<320000xi32, #tpu.memory_space<hbm>> -> memref<80xi32, #tpu.memory_space<hbm>>
      tpu.enqueue_dma source(%dma_start3A_64 : memref<80xi32, #tpu.memory_space<hbm>>) target(%arg11 : memref<80xi32, #tpu.memory_space<vmem>>) target_semaphore(%run_scoped3A : memref<!tpu.dma_semaphore, #tpu.memory_space<semaphore_mem>>)
      %dma_wait3A = tpu.memref_slice %arg3[%add3A_29] : memref<320000xi32, #tpu.memory_space<hbm>> -> memref<80xi32, #tpu.memory_space<hbm>>
      %dma_wait3A_65 = tpu.memref_slice %arg3[%add3A_29] : memref<320000xi32, #tpu.memory_space<hbm>> -> memref<80xi32, #tpu.memory_space<hbm>>
      tpu.wait_dma2 semaphore(%run_scoped3A : memref<!tpu.dma_semaphore, #tpu.memory_space<semaphore_mem>>) src(%dma_wait3A_65 : memref<80xi32, #tpu.memory_space<hbm>>) dst(%arg11 : memref<80xi32, #tpu.memory_space<vmem>>)
      tpu.yield
    }) : () -> ()
    %dma_start3A = arith.constant 0 : i32
    %dma_start3A_30 = arith.constant 0 : i32
    %dma_start3A_31 = tpu.memref_slice %arg4[%dma_start3A, %dma_start3A_30] : memref<10000x144xf32, #tpu.memory_space<hbm>> -> memref<10000x144xf32, #tpu.memory_space<hbm>>
    tpu.enqueue_indirect_dma source(%dma_start3A_31 : memref<10000x144xf32, #tpu.memory_space<hbm>>) target(%arg14 : memref<80x144xf32, #tpu.memory_space<vmem>>) offsets(%arg8 : memref<80xi32, #tpu.memory_space<vmem>>) semaphore(%arg25 : memref<!tpu.dma_semaphore, #tpu.memory_space<semaphore_mem>>)
    %dma_start3A_32 = arith.constant 0 : i32
    %dma_start3A_33 = tpu.memref_slice %arg5[%dma_start3A_32] : memref<10000xf32, #tpu.memory_space<hbm>> -> memref<10000xf32, #tpu.memory_space<hbm>>
    tpu.enqueue_indirect_dma source(%dma_start3A_33 : memref<10000xf32, #tpu.memory_space<hbm>>) target(%arg20 : memref<80xf32, #tpu.memory_space<vmem>>) offsets(%arg11 : memref<80xi32, #tpu.memory_space<vmem>>) semaphore(%arg28 : memref<!tpu.dma_semaphore, #tpu.memory_space<semaphore_mem>>)
    %add3A_34 = arith.constant 80 : i32
    %add3A_35 = arith.addi %mul3A_26, %add3A_34 : i32
    "tpu.region"() ({
      %run_scoped3A = tpu.sem_alloc : memref<!tpu.dma_semaphore, #tpu.memory_space<semaphore_mem>>
      %dma_start3A_63 = tpu.memref_slice %arg2[%add3A_35] : memref<320000xi32, #tpu.memory_space<hbm>> -> memref<80xi32, #tpu.memory_space<hbm>>
      %dma_start3A_64 = tpu.memref_slice %arg2[%add3A_35] : memref<320000xi32, #tpu.memory_space<hbm>> -> memref<80xi32, #tpu.memory_space<hbm>>
      tpu.enqueue_dma source(%dma_start3A_64 : memref<80xi32, #tpu.memory_space<hbm>>) target(%arg9 : memref<80xi32, #tpu.memory_space<vmem>>) target_semaphore(%run_scoped3A : memref<!tpu.dma_semaphore, #tpu.memory_space<semaphore_mem>>)
      %dma_wait3A = tpu.memref_slice %arg2[%add3A_35] : memref<320000xi32, #tpu.memory_space<hbm>> -> memref<80xi32, #tpu.memory_space<hbm>>
      %dma_wait3A_65 = tpu.memref_slice %arg2[%add3A_35] : memref<320000xi32, #tpu.memory_space<hbm>> -> memref<80xi32, #tpu.memory_space<hbm>>
      tpu.wait_dma2 semaphore(%run_scoped3A : memref<!tpu.dma_semaphore, #tpu.memory_space<semaphore_mem>>) src(%dma_wait3A_65 : memref<80xi32, #tpu.memory_space<hbm>>) dst(%arg9 : memref<80xi32, #tpu.memory_space<vmem>>)
      tpu.yield
    }) : () -> ()
    "tpu.region"() ({
      %run_scoped3A = tpu.sem_alloc : memref<!tpu.dma_semaphore, #tpu.memory_space<semaphore_mem>>
      %dma_start3A_63 = tpu.memref_slice %arg3[%add3A_35] : memref<320000xi32, #tpu.memory_space<hbm>> -> memref<80xi32, #tpu.memory_space<hbm>>
      %dma_start3A_64 = tpu.memref_slice %arg3[%add3A_35] : memref<320000xi32, #tpu.memory_space<hbm>> -> memref<80xi32, #tpu.memory_space<hbm>>
      tpu.enqueue_dma source(%dma_start3A_64 : memref<80xi32, #tpu.memory_space<hbm>>) target(%arg12 : memref<80xi32, #tpu.memory_space<vmem>>) target_semaphore(%run_scoped3A : memref<!tpu.dma_semaphore, #tpu.memory_space<semaphore_mem>>)
      %dma_wait3A = tpu.memref_slice %arg3[%add3A_35] : memref<320000xi32, #tpu.memory_space<hbm>> -> memref<80xi32, #tpu.memory_space<hbm>>
      %dma_wait3A_65 = tpu.memref_slice %arg3[%add3A_35] : memref<320000xi32, #tpu.memory_space<hbm>> -> memref<80xi32, #tpu.memory_space<hbm>>
      tpu.wait_dma2 semaphore(%run_scoped3A : memref<!tpu.dma_semaphore, #tpu.memory_space<semaphore_mem>>) src(%dma_wait3A_65 : memref<80xi32, #tpu.memory_space<hbm>>) dst(%arg12 : memref<80xi32, #tpu.memory_space<vmem>>)
      tpu.yield
    }) : () -> ()
    %dma_start3A_36 = arith.constant 0 : i32
    %dma_start3A_37 = arith.constant 0 : i32
    %dma_start3A_38 = tpu.memref_slice %arg4[%dma_start3A_36, %dma_start3A_37] : memref<10000x144xf32, #tpu.memory_space<hbm>> -> memref<10000x144xf32, #tpu.memory_space<hbm>>
    tpu.enqueue_indirect_dma source(%dma_start3A_38 : memref<10000x144xf32, #tpu.memory_space<hbm>>) target(%arg15 : memref<80x144xf32, #tpu.memory_space<vmem>>) offsets(%arg9 : memref<80xi32, #tpu.memory_space<vmem>>) semaphore(%arg26 : memref<!tpu.dma_semaphore, #tpu.memory_space<semaphore_mem>>)
    %dma_start3A_39 = arith.constant 0 : i32
    %dma_start3A_40 = tpu.memref_slice %arg5[%dma_start3A_39] : memref<10000xf32, #tpu.memory_space<hbm>> -> memref<10000xf32, #tpu.memory_space<hbm>>
    tpu.enqueue_indirect_dma source(%dma_start3A_40 : memref<10000xf32, #tpu.memory_space<hbm>>) target(%arg21 : memref<80xf32, #tpu.memory_space<vmem>>) offsets(%arg12 : memref<80xi32, #tpu.memory_space<vmem>>) semaphore(%arg29 : memref<!tpu.dma_semaphore, #tpu.memory_space<semaphore_mem>>)
    %add3A_41 = arith.constant 160 : i32
    %add3A_42 = arith.addi %mul3A_26, %add3A_41 : i32
    "tpu.region"() ({
      %run_scoped3A = tpu.sem_alloc : memref<!tpu.dma_semaphore, #tpu.memory_space<semaphore_mem>>
      %dma_start3A_63 = tpu.memref_slice %arg2[%add3A_42] : memref<320000xi32, #tpu.memory_space<hbm>> -> memref<80xi32, #tpu.memory_space<hbm>>
      %dma_start3A_64 = tpu.memref_slice %arg2[%add3A_42] : memref<320000xi32, #tpu.memory_space<hbm>> -> memref<80xi32, #tpu.memory_space<hbm>>
      tpu.enqueue_dma source(%dma_start3A_64 : memref<80xi32, #tpu.memory_space<hbm>>) target(%arg10 : memref<80xi32, #tpu.memory_space<vmem>>) target_semaphore(%run_scoped3A : memref<!tpu.dma_semaphore, #tpu.memory_space<semaphore_mem>>)
      %dma_wait3A = tpu.memref_slice %arg2[%add3A_42] : memref<320000xi32, #tpu.memory_space<hbm>> -> memref<80xi32, #tpu.memory_space<hbm>>
      %dma_wait3A_65 = tpu.memref_slice %arg2[%add3A_42] : memref<320000xi32, #tpu.memory_space<hbm>> -> memref<80xi32, #tpu.memory_space<hbm>>
      tpu.wait_dma2 semaphore(%run_scoped3A : memref<!tpu.dma_semaphore, #tpu.memory_space<semaphore_mem>>) src(%dma_wait3A_65 : memref<80xi32, #tpu.memory_space<hbm>>) dst(%arg10 : memref<80xi32, #tpu.memory_space<vmem>>)
      tpu.yield
    }) : () -> ()
    "tpu.region"() ({
      %run_scoped3A = tpu.sem_alloc : memref<!tpu.dma_semaphore, #tpu.memory_space<semaphore_mem>>
      %dma_start3A_63 = tpu.memref_slice %arg3[%add3A_42] : memref<320000xi32, #tpu.memory_space<hbm>> -> memref<80xi32, #tpu.memory_space<hbm>>
      %dma_start3A_64 = tpu.memref_slice %arg3[%add3A_42] : memref<320000xi32, #tpu.memory_space<hbm>> -> memref<80xi32, #tpu.memory_space<hbm>>
      tpu.enqueue_dma source(%dma_start3A_64 : memref<80xi32, #tpu.memory_space<hbm>>) target(%arg13 : memref<80xi32, #tpu.memory_space<vmem>>) target_semaphore(%run_scoped3A : memref<!tpu.dma_semaphore, #tpu.memory_space<semaphore_mem>>)
      %dma_wait3A = tpu.memref_slice %arg3[%add3A_42] : memref<320000xi32, #tpu.memory_space<hbm>> -> memref<80xi32, #tpu.memory_space<hbm>>
      %dma_wait3A_65 = tpu.memref_slice %arg3[%add3A_42] : memref<320000xi32, #tpu.memory_space<hbm>> -> memref<80xi32, #tpu.memory_space<hbm>>
      tpu.wait_dma2 semaphore(%run_scoped3A : memref<!tpu.dma_semaphore, #tpu.memory_space<semaphore_mem>>) src(%dma_wait3A_65 : memref<80xi32, #tpu.memory_space<hbm>>) dst(%arg13 : memref<80xi32, #tpu.memory_space<vmem>>)
      tpu.yield
    }) : () -> ()
    %dma_start3A_43 = arith.constant 0 : i32
    %dma_start3A_44 = arith.constant 0 : i32
    %dma_start3A_45 = tpu.memref_slice %arg4[%dma_start3A_43, %dma_start3A_44] : memref<10000x144xf32, #tpu.memory_space<hbm>> -> memref<10000x144xf32, #tpu.memory_space<hbm>>
    tpu.enqueue_indirect_dma source(%dma_start3A_45 : memref<10000x144xf32, #tpu.memory_space<hbm>>) target(%arg16 : memref<80x144xf32, #tpu.memory_space<vmem>>) offsets(%arg10 : memref<80xi32, #tpu.memory_space<vmem>>) semaphore(%arg27 : memref<!tpu.dma_semaphore, #tpu.memory_space<semaphore_mem>>)
    %dma_start3A_46 = arith.constant 0 : i32
    %dma_start3A_47 = tpu.memref_slice %arg5[%dma_start3A_46] : memref<10000xf32, #tpu.memory_space<hbm>> -> memref<10000xf32, #tpu.memory_space<hbm>>
    tpu.enqueue_indirect_dma source(%dma_start3A_47 : memref<10000xf32, #tpu.memory_space<hbm>>) target(%arg22 : memref<80xf32, #tpu.memory_space<vmem>>) offsets(%arg13 : memref<80xi32, #tpu.memory_space<vmem>>) semaphore(%arg30 : memref<!tpu.dma_semaphore, #tpu.memory_space<semaphore_mem>>)
    %scan3A_48 = arith.constant 0 : i32
    %scan3A_49 = arith.constant 0 : i32
    %scan3A_50 = arith.constant 41 : i32
    %scan3A_51 = arith.addi %scan3A_49, %scan3A_50 : i32
    %scan3A_52 = arith.constant 1 : i32
    %scan3A_53 = scf.for %scan3A_63 = %scan3A_49 to %scan3A_51 step %scan3A_52 iter_args(%scan3A_64 = %scan3A_48) -> (i32)  : i32 {
      %dma_wait3A = arith.constant 0 : i32
      %dma_wait3A_65 = arith.constant 0 : i32
      %dma_wait3A_66 = tpu.memref_slice %arg4[%dma_wait3A, %dma_wait3A_65] : memref<10000x144xf32, #tpu.memory_space<hbm>> -> memref<10000x144xf32, #tpu.memory_space<hbm>>
      tpu.wait_indirect_dma semaphore(%arg25 : memref<!tpu.dma_semaphore, #tpu.memory_space<semaphore_mem>>) src(%dma_wait3A_66 : memref<10000x144xf32, #tpu.memory_space<hbm>>) dst(%arg14 : memref<80x144xf32, #tpu.memory_space<vmem>>)
      %dma_wait3A_67 = arith.constant 0 : i32
      %dma_wait3A_68 = tpu.memref_slice %arg5[%dma_wait3A_67] : memref<10000xf32, #tpu.memory_space<hbm>> -> memref<10000xf32, #tpu.memory_space<hbm>>
      tpu.wait_indirect_dma semaphore(%arg28 : memref<!tpu.dma_semaphore, #tpu.memory_space<semaphore_mem>>) src(%dma_wait3A_68 : memref<10000xf32, #tpu.memory_space<hbm>>) dst(%arg20 : memref<80xf32, #tpu.memory_space<vmem>>)
      %scan3A_69 = arith.constant 0 : i32
      %scan3A_70 = arith.constant 0 : i32
      %scan3A_71 = arith.constant 5 : i32
      %scan3A_72 = arith.addi %scan3A_70, %scan3A_71 : i32
      %scan3A_73 = arith.constant 1 : i32
      %scan3A_74 = scf.for %scan3A_152 = %scan3A_70 to %scan3A_72 step %scan3A_73 iter_args(%scan3A_153 = %scan3A_69) -> (i32)  : i32 {
        %mul3A_154 = arith.constant 16 : i32
        %mul3A_155 = arith.muli %scan3A_152, %mul3A_154 : i32
        %add3A_156 = vector.broadcast %mul3A_155 : i32 to vector<16xi32>
        %add3A_157 = arith.addi %add3A_156, %iota3A : vector<16xi32>
        %broadcast_in_dim3A = arith.constant 129 : i32
        %broadcast_in_dim3A_158 = vector.broadcast %broadcast_in_dim3A : i32 to vector<16xi32>
        %gather3A = tpu.vector_load_idx %arg14[%add3A_157, %broadcast_in_dim3A_158] : memref<80x144xf32, #tpu.memory_space<vmem>>[vector<16xi32>, vector<16xi32>], vector<16xf32>,
        %mul3A_159 = arith.constant 16 : i32
        %mul3A_160 = arith.muli %scan3A_152, %mul3A_159 : i32
        %get3A_161 = arith.index_cast %mul3A_160 : i32 to index
        %get3A_162 = tpu.vector_load %arg20[%get3A_161] {strides = array<i32>} : memref<80xf32, #tpu.memory_space<vmem>>, vector<16xf32>,
        %add3A_163 = arith.addf %gather3A, %get3A_162 : vector<16xf32>
        %ge3A = arith.constant 0.000000e+00 : f32
        %ge3A_164 = vector.broadcast %ge3A : f32 to vector<16xf32>
        %ge3A_165 = arith.cmpf oge, %add3A_163, %ge3A_164 : vector<16xf32>
        %mul3A_166 = arith.constant 2.000000e-01 : f32
        %mul3A_167 = vector.broadcast %mul3A_166 : f32 to vector<16xf32>
        %mul3A_168 = arith.mulf %mul3A_167, %add3A_163 : vector<16xf32>
        %select_n3A = arith.select %ge3A_165, %add3A_163, %mul3A_168 : vector<16xi1>, vector<16xf32>
        %sub3A = arith.subf %select_n3A, %get3A_27 : vector<16xf32>
        %exp3A = math.exp %sub3A : vector<16xf32>
        %mul3A_169 = arith.constant 16 : i32
        %mul3A_170 = arith.muli %scan3A_152, %mul3A_169 : i32
        %swap3A = arith.index_cast %mul3A_170 : i32 to index
        %swap3A_171 = tpu.vector_load %arg17[%swap3A] {strides = array<i32>} : memref<80xf32, #tpu.memory_space<vmem>>, vector<16xf32>,
        tpu.vector_store %arg17[%swap3A], %exp3A {strides = array<i32>} : memref<80xf32, #tpu.memory_space<vmem>>, vector<16xf32>,
        %scan3A_172 = arith.constant 0 : i32
        scf.yield %scan3A_172 : i32
      }
      %scan3A_75 = arith.constant 5 : i32
      %scan3A_76 = arith.constant 0 : i32
      %scan3A_77 = arith.constant 0 : i32
      %scan3A_78 = arith.constant 80 : i32
      %scan3A_79 = arith.addi %scan3A_77, %scan3A_78 : i32
      %scan3A_80 = arith.constant 1 : i32
      %scan3A_81 = scf.for %scan3A_152 = %scan3A_77 to %scan3A_79 step %scan3A_80 iter_args(%scan3A_153 = %scan3A_76) -> (i32)  : i32 {
        %broadcast_in_dim3A = vector.broadcast %scan3A_152 : i32 to vector<16xi32>
        %gather3A = tpu.vector_load_idx %arg17[%broadcast_in_dim3A] : memref<80xf32, #tpu.memory_space<vmem>>[vector<16xi32>], vector<16xf32>,
        %get3A_154 = arith.index_cast %scan3A_152 : i32 to index
        %get3A_155 = arith.constant 0 : index
        %get3A_156 = tpu.vector_load %arg14[%get3A_154, %get3A_155] {strides = array<i32>} : memref<80x144xf32, #tpu.memory_space<vmem>>, vector<16xf32>,
        %mul3A_157 = arith.mulf %get3A_156, %gather3A : vector<16xf32>
        %swap3A = arith.index_cast %scan3A_152 : i32 to index
        %swap3A_158 = arith.constant 0 : index
        %swap3A_159 = tpu.vector_load %arg14[%swap3A, %swap3A_158] {strides = array<i32>} : memref<80x144xf32, #tpu.memory_space<vmem>>, vector<16xf32>,
        tpu.vector_store %arg14[%swap3A, %swap3A_158], %mul3A_157 {strides = array<i32>} : memref<80x144xf32, #tpu.memory_space<vmem>>, vector<16xf32>,
        %get3A_160 = arith.index_cast %scan3A_152 : i32 to index
        %get3A_161 = arith.constant 16 : index
        %get3A_162 = tpu.vector_load %arg14[%get3A_160, %get3A_161] {strides = array<i32>} : memref<80x144xf32, #tpu.memory_space<vmem>>, vector<16xf32>,
        %mul3A_163 = arith.mulf %get3A_162, %gather3A : vector<16xf32>
        %swap3A_164 = arith.index_cast %scan3A_152 : i32 to index
        %swap3A_165 = arith.constant 16 : index
        %swap3A_166 = tpu.vector_load %arg14[%swap3A_164, %swap3A_165] {strides = array<i32>} : memref<80x144xf32, #tpu.memory_space<vmem>>, vector<16xf32>,
        tpu.vector_store %arg14[%swap3A_164, %swap3A_165], %mul3A_163 {strides = array<i32>} : memref<80x144xf32, #tpu.memory_space<vmem>>, vector<16xf32>,
        %get3A_167 = arith.index_cast %scan3A_152 : i32 to index
        %get3A_168 = arith.constant 32 : index
        %get3A_169 = tpu.vector_load %arg14[%get3A_167, %get3A_168] {strides = array<i32>} : memref<80x144xf32, #tpu.memory_space<vmem>>, vector<16xf32>,
        %mul3A_170 = arith.mulf %get3A_169, %gather3A : vector<16xf32>
        %swap3A_171 = arith.index_cast %scan3A_152 : i32 to index
        %swap3A_172 = arith.constant 32 : index
        %swap3A_173 = tpu.vector_load %arg14[%swap3A_171, %swap3A_172] {strides = array<i32>} : memref<80x144xf32, #tpu.memory_space<vmem>>, vector<16xf32>,
        tpu.vector_store %arg14[%swap3A_171, %swap3A_172], %mul3A_170 {strides = array<i32>} : memref<80x144xf32, #tpu.memory_space<vmem>>, vector<16xf32>,
        %get3A_174 = arith.index_cast %scan3A_152 : i32 to index
        %get3A_175 = arith.constant 48 : index
        %get3A_176 = tpu.vector_load %arg14[%get3A_174, %get3A_175] {strides = array<i32>} : memref<80x144xf32, #tpu.memory_space<vmem>>, vector<16xf32>,
        %mul3A_177 = arith.mulf %get3A_176, %gather3A : vector<16xf32>
        %swap3A_178 = arith.index_cast %scan3A_152 : i32 to index
        %swap3A_179 = arith.constant 48 : index
        %swap3A_180 = tpu.vector_load %arg14[%swap3A_178, %swap3A_179] {strides = array<i32>} : memref<80x144xf32, #tpu.memory_space<vmem>>, vector<16xf32>,
        tpu.vector_store %arg14[%swap3A_178, %swap3A_179], %mul3A_177 {strides = array<i32>} : memref<80x144xf32, #tpu.memory_space<vmem>>, vector<16xf32>,
        %get3A_181 = arith.index_cast %scan3A_152 : i32 to index
        %get3A_182 = arith.constant 64 : index
        %get3A_183 = tpu.vector_load %arg14[%get3A_181, %get3A_182] {strides = array<i32>} : memref<80x144xf32, #tpu.memory_space<vmem>>, vector<16xf32>,
        %mul3A_184 = arith.mulf %get3A_183, %gather3A : vector<16xf32>
        %swap3A_185 = arith.index_cast %scan3A_152 : i32 to index
        %swap3A_186 = arith.constant 64 : index
        %swap3A_187 = tpu.vector_load %arg14[%swap3A_185, %swap3A_186] {strides = array<i32>} : memref<80x144xf32, #tpu.memory_space<vmem>>, vector<16xf32>,
        tpu.vector_store %arg14[%swap3A_185, %swap3A_186], %mul3A_184 {strides = array<i32>} : memref<80x144xf32, #tpu.memory_space<vmem>>, vector<16xf32>,
        %get3A_188 = arith.index_cast %scan3A_152 : i32 to index
        %get3A_189 = arith.constant 80 : index
        %get3A_190 = tpu.vector_load %arg14[%get3A_188, %get3A_189] {strides = array<i32>} : memref<80x144xf32, #tpu.memory_space<vmem>>, vector<16xf32>,
        %mul3A_191 = arith.mulf %get3A_190, %gather3A : vector<16xf32>
        %swap3A_192 = arith.index_cast %scan3A_152 : i32 to index
        %swap3A_193 = arith.constant 80 : index
        %swap3A_194 = tpu.vector_load %arg14[%swap3A_192, %swap3A_193] {strides = array<i32>} : memref<80x144xf32, #tpu.memory_space<vmem>>, vector<16xf32>,
        tpu.vector_store %arg14[%swap3A_192, %swap3A_193], %mul3A_191 {strides = array<i32>} : memref<80x144xf32, #tpu.memory_space<vmem>>, vector<16xf32>,
        %get3A_195 = arith.index_cast %scan3A_152 : i32 to index
        %get3A_196 = arith.constant 96 : index
        %get3A_197 = tpu.vector_load %arg14[%get3A_195, %get3A_196] {strides = array<i32>} : memref<80x144xf32, #tpu.memory_space<vmem>>, vector<16xf32>,
        %mul3A_198 = arith.mulf %get3A_197, %gather3A : vector<16xf32>
        %swap3A_199 = arith.index_cast %scan3A_152 : i32 to index
        %swap3A_200 = arith.constant 96 : index
        %swap3A_201 = tpu.vector_load %arg14[%swap3A_199, %swap3A_200] {strides = array<i32>} : memref<80x144xf32, #tpu.memory_space<vmem>>, vector<16xf32>,
        tpu.vector_store %arg14[%swap3A_199, %swap3A_200], %mul3A_198 {strides = array<i32>} : memref<80x144xf32, #tpu.memory_space<vmem>>, vector<16xf32>,
        %get3A_202 = arith.index_cast %scan3A_152 : i32 to index
        %get3A_203 = arith.constant 112 : index
        %get3A_204 = tpu.vector_load %arg14[%get3A_202, %get3A_203] {strides = array<i32>} : memref<80x144xf32, #tpu.memory_space<vmem>>, vector<16xf32>,
        %mul3A_205 = arith.mulf %get3A_204, %gather3A : vector<16xf32>
        %swap3A_206 = arith.index_cast %scan3A_152 : i32 to index
        %swap3A_207 = arith.constant 112 : index
        %swap3A_208 = tpu.vector_load %arg14[%swap3A_206, %swap3A_207] {strides = array<i32>} : memref<80x144xf32, #tpu.memory_space<vmem>>, vector<16xf32>,
        tpu.vector_store %arg14[%swap3A_206, %swap3A_207], %mul3A_205 {strides = array<i32>} : memref<80x144xf32, #tpu.memory_space<vmem>>, vector<16xf32>,
        %get3A_209 = arith.index_cast %scan3A_152 : i32 to index
        %get3A_210 = arith.constant 128 : index
        %get3A_211 = tpu.vector_load %arg14[%get3A_209, %get3A_210] {strides = array<i32>} : memref<80x144xf32, #tpu.memory_space<vmem>>, vector<16xf32>,
        %mul3A_212 = arith.mulf %get3A_211, %gather3A : vector<16xf32>
        %swap3A_213 = arith.index_cast %scan3A_152 : i32 to index
        %swap3A_214 = arith.constant 128 : index
        %swap3A_215 = tpu.vector_load %arg14[%swap3A_213, %swap3A_214] {strides = array<i32>} : memref<80x144xf32, #tpu.memory_space<vmem>>, vector<16xf32>,
        tpu.vector_store %arg14[%swap3A_213, %swap3A_214], %mul3A_212 {strides = array<i32>} : memref<80x144xf32, #tpu.memory_space<vmem>>, vector<16xf32>,
        %scan3A_216 = arith.constant 0 : i32
        scf.yield %scan3A_216 : i32
      }
      %scan3A_82 = arith.constant 80 : i32
      %dma_start3A_83 = arith.constant 0 : i32
      %dma_start3A_84 = arith.constant 0 : i32
      %dma_start3A_85 = tpu.memref_slice %arg24[%dma_start3A_83, %dma_start3A_84] : memref<10240x144xf32, #tpu.memory_space<vmem_shared>> -> memref<10240x144xf32, #tpu.memory_space<vmem_shared>>
      tpu.enqueue_indirect_dma source(%arg14 : memref<80x144xf32, #tpu.memory_space<vmem>>) target(%dma_start3A_85 : memref<10240x144xf32, #tpu.memory_space<vmem_shared>>) offsets(%arg11 : memref<80xi32, #tpu.memory_space<vmem>>) semaphore(%arg31 : memref<!tpu.dma_semaphore, #tpu.memory_space<semaphore_mem>>) {add = true}
      %dma_wait3A_86 = arith.constant 0 : i32
      %dma_wait3A_87 = arith.constant 0 : i32
      %dma_wait3A_88 = tpu.memref_slice %arg4[%dma_wait3A_86, %dma_wait3A_87] : memref<10000x144xf32, #tpu.memory_space<hbm>> -> memref<10000x144xf32, #tpu.memory_space<hbm>>
      tpu.wait_indirect_dma semaphore(%arg26 : memref<!tpu.dma_semaphore, #tpu.memory_space<semaphore_mem>>) src(%dma_wait3A_88 : memref<10000x144xf32, #tpu.memory_space<hbm>>) dst(%arg15 : memref<80x144xf32, #tpu.memory_space<vmem>>)
      %dma_wait3A_89 = arith.constant 0 : i32
      %dma_wait3A_90 = tpu.memref_slice %arg5[%dma_wait3A_89] : memref<10000xf32, #tpu.memory_space<hbm>> -> memref<10000xf32, #tpu.memory_space<hbm>>
      tpu.wait_indirect_dma semaphore(%arg29 : memref<!tpu.dma_semaphore, #tpu.memory_space<semaphore_mem>>) src(%dma_wait3A_90 : memref<10000xf32, #tpu.memory_space<hbm>>) dst(%arg21 : memref<80xf32, #tpu.memory_space<vmem>>)
      %scan3A_91 = arith.constant 0 : i32
      %scan3A_92 = arith.constant 0 : i32
      %scan3A_93 = arith.constant 5 : i32
      %scan3A_94 = arith.addi %scan3A_92, %scan3A_93 : i32
      %scan3A_95 = arith.constant 1 : i32
      %scan3A_96 = scf.for %scan3A_152 = %scan3A_92 to %scan3A_94 step %scan3A_95 iter_args(%scan3A_153 = %scan3A_91) -> (i32)  : i32 {
        %mul3A_154 = arith.constant 16 : i32
        %mul3A_155 = arith.muli %scan3A_152, %mul3A_154 : i32
        %add3A_156 = vector.broadcast %mul3A_155 : i32 to vector<16xi32>
        %add3A_157 = arith.addi %add3A_156, %iota3A : vector<16xi32>
        %broadcast_in_dim3A = arith.constant 129 : i32
        %broadcast_in_dim3A_158 = vector.broadcast %broadcast_in_dim3A : i32 to vector<16xi32>
        %gather3A = tpu.vector_load_idx %arg15[%add3A_157, %broadcast_in_dim3A_158] : memref<80x144xf32, #tpu.memory_space<vmem>>[vector<16xi32>, vector<16xi32>], vector<16xf32>,
        %mul3A_159 = arith.constant 16 : i32
        %mul3A_160 = arith.muli %scan3A_152, %mul3A_159 : i32
        %get3A_161 = arith.index_cast %mul3A_160 : i32 to index
        %get3A_162 = tpu.vector_load %arg21[%get3A_161] {strides = array<i32>} : memref<80xf32, #tpu.memory_space<vmem>>, vector<16xf32>,
        %add3A_163 = arith.addf %gather3A, %get3A_162 : vector<16xf32>
        %ge3A = arith.constant 0.000000e+00 : f32
        %ge3A_164 = vector.broadcast %ge3A : f32 to vector<16xf32>
        %ge3A_165 = arith.cmpf oge, %add3A_163, %ge3A_164 : vector<16xf32>
        %mul3A_166 = arith.constant 2.000000e-01 : f32
        %mul3A_167 = vector.broadcast %mul3A_166 : f32 to vector<16xf32>
        %mul3A_168 = arith.mulf %mul3A_167, %add3A_163 : vector<16xf32>
        %select_n3A = arith.select %ge3A_165, %add3A_163, %mul3A_168 : vector<16xi1>, vector<16xf32>
        %sub3A = arith.subf %select_n3A, %get3A_27 : vector<16xf32>
        %exp3A = math.exp %sub3A : vector<16xf32>
        %mul3A_169 = arith.constant 16 : i32
        %mul3A_170 = arith.muli %scan3A_152, %mul3A_169 : i32
        %swap3A = arith.index_cast %mul3A_170 : i32 to index
        %swap3A_171 = tpu.vector_load %arg18[%swap3A] {strides = array<i32>} : memref<80xf32, #tpu.memory_space<vmem>>, vector<16xf32>,
        tpu.vector_store %arg18[%swap3A], %exp3A {strides = array<i32>} : memref<80xf32, #tpu.memory_space<vmem>>, vector<16xf32>,
        %scan3A_172 = arith.constant 0 : i32
        scf.yield %scan3A_172 : i32
      }
      %scan3A_97 = arith.constant 5 : i32
      %scan3A_98 = arith.constant 0 : i32
      %scan3A_99 = arith.constant 0 : i32
      %scan3A_100 = arith.constant 80 : i32
      %scan3A_101 = arith.addi %scan3A_99, %scan3A_100 : i32
      %scan3A_102 = arith.constant 1 : i32
      %scan3A_103 = scf.for %scan3A_152 = %scan3A_99 to %scan3A_101 step %scan3A_102 iter_args(%scan3A_153 = %scan3A_98) -> (i32)  : i32 {
        %broadcast_in_dim3A = vector.broadcast %scan3A_152 : i32 to vector<16xi32>
        %gather3A = tpu.vector_load_idx %arg18[%broadcast_in_dim3A] : memref<80xf32, #tpu.memory_space<vmem>>[vector<16xi32>], vector<16xf32>,
        %get3A_154 = arith.index_cast %scan3A_152 : i32 to index
        %get3A_155 = arith.constant 0 : index
        %get3A_156 = tpu.vector_load %arg15[%get3A_154, %get3A_155] {strides = array<i32>} : memref<80x144xf32, #tpu.memory_space<vmem>>, vector<16xf32>,
        %mul3A_157 = arith.mulf %get3A_156, %gather3A : vector<16xf32>
        %swap3A = arith.index_cast %scan3A_152 : i32 to index
        %swap3A_158 = arith.constant 0 : index
        %swap3A_159 = tpu.vector_load %arg15[%swap3A, %swap3A_158] {strides = array<i32>} : memref<80x144xf32, #tpu.memory_space<vmem>>, vector<16xf32>,
        tpu.vector_store %arg15[%swap3A, %swap3A_158], %mul3A_157 {strides = array<i32>} : memref<80x144xf32, #tpu.memory_space<vmem>>, vector<16xf32>,
        %get3A_160 = arith.index_cast %scan3A_152 : i32 to index
        %get3A_161 = arith.constant 16 : index
        %get3A_162 = tpu.vector_load %arg15[%get3A_160, %get3A_161] {strides = array<i32>} : memref<80x144xf32, #tpu.memory_space<vmem>>, vector<16xf32>,
        %mul3A_163 = arith.mulf %get3A_162, %gather3A : vector<16xf32>
        %swap3A_164 = arith.index_cast %scan3A_152 : i32 to index
        %swap3A_165 = arith.constant 16 : index
        %swap3A_166 = tpu.vector_load %arg15[%swap3A_164, %swap3A_165] {strides = array<i32>} : memref<80x144xf32, #tpu.memory_space<vmem>>, vector<16xf32>,
        tpu.vector_store %arg15[%swap3A_164, %swap3A_165], %mul3A_163 {strides = array<i32>} : memref<80x144xf32, #tpu.memory_space<vmem>>, vector<16xf32>,
        %get3A_167 = arith.index_cast %scan3A_152 : i32 to index
        %get3A_168 = arith.constant 32 : index
        %get3A_169 = tpu.vector_load %arg15[%get3A_167, %get3A_168] {strides = array<i32>} : memref<80x144xf32, #tpu.memory_space<vmem>>, vector<16xf32>,
        %mul3A_170 = arith.mulf %get3A_169, %gather3A : vector<16xf32>
        %swap3A_171 = arith.index_cast %scan3A_152 : i32 to index
        %swap3A_172 = arith.constant 32 : index
        %swap3A_173 = tpu.vector_load %arg15[%swap3A_171, %swap3A_172] {strides = array<i32>} : memref<80x144xf32, #tpu.memory_space<vmem>>, vector<16xf32>,
        tpu.vector_store %arg15[%swap3A_171, %swap3A_172], %mul3A_170 {strides = array<i32>} : memref<80x144xf32, #tpu.memory_space<vmem>>, vector<16xf32>,
        %get3A_174 = arith.index_cast %scan3A_152 : i32 to index
        %get3A_175 = arith.constant 48 : index
        %get3A_176 = tpu.vector_load %arg15[%get3A_174, %get3A_175] {strides = array<i32>} : memref<80x144xf32, #tpu.memory_space<vmem>>, vector<16xf32>,
        %mul3A_177 = arith.mulf %get3A_176, %gather3A : vector<16xf32>
        %swap3A_178 = arith.index_cast %scan3A_152 : i32 to index
        %swap3A_179 = arith.constant 48 : index
        %swap3A_180 = tpu.vector_load %arg15[%swap3A_178, %swap3A_179] {strides = array<i32>} : memref<80x144xf32, #tpu.memory_space<vmem>>, vector<16xf32>,
        tpu.vector_store %arg15[%swap3A_178, %swap3A_179], %mul3A_177 {strides = array<i32>} : memref<80x144xf32, #tpu.memory_space<vmem>>, vector<16xf32>,
        %get3A_181 = arith.index_cast %scan3A_152 : i32 to index
        %get3A_182 = arith.constant 64 : index
        %get3A_183 = tpu.vector_load %arg15[%get3A_181, %get3A_182] {strides = array<i32>} : memref<80x144xf32, #tpu.memory_space<vmem>>, vector<16xf32>,
        %mul3A_184 = arith.mulf %get3A_183, %gather3A : vector<16xf32>
        %swap3A_185 = arith.index_cast %scan3A_152 : i32 to index
        %swap3A_186 = arith.constant 64 : index
        %swap3A_187 = tpu.vector_load %arg15[%swap3A_185, %swap3A_186] {strides = array<i32>} : memref<80x144xf32, #tpu.memory_space<vmem>>, vector<16xf32>,
        tpu.vector_store %arg15[%swap3A_185, %swap3A_186], %mul3A_184 {strides = array<i32>} : memref<80x144xf32, #tpu.memory_space<vmem>>, vector<16xf32>,
        %get3A_188 = arith.index_cast %scan3A_152 : i32 to index
        %get3A_189 = arith.constant 80 : index
        %get3A_190 = tpu.vector_load %arg15[%get3A_188, %get3A_189] {strides = array<i32>} : memref<80x144xf32, #tpu.memory_space<vmem>>, vector<16xf32>,
        %mul3A_191 = arith.mulf %get3A_190, %gather3A : vector<16xf32>
        %swap3A_192 = arith.index_cast %scan3A_152 : i32 to index
        %swap3A_193 = arith.constant 80 : index
        %swap3A_194 = tpu.vector_load %arg15[%swap3A_192, %swap3A_193] {strides = array<i32>} : memref<80x144xf32, #tpu.memory_space<vmem>>, vector<16xf32>,
        tpu.vector_store %arg15[%swap3A_192, %swap3A_193], %mul3A_191 {strides = array<i32>} : memref<80x144xf32, #tpu.memory_space<vmem>>, vector<16xf32>,
        %get3A_195 = arith.index_cast %scan3A_152 : i32 to index
        %get3A_196 = arith.constant 96 : index
        %get3A_197 = tpu.vector_load %arg15[%get3A_195, %get3A_196] {strides = array<i32>} : memref<80x144xf32, #tpu.memory_space<vmem>>, vector<16xf32>,
        %mul3A_198 = arith.mulf %get3A_197, %gather3A : vector<16xf32>
        %swap3A_199 = arith.index_cast %scan3A_152 : i32 to index
        %swap3A_200 = arith.constant 96 : index
        %swap3A_201 = tpu.vector_load %arg15[%swap3A_199, %swap3A_200] {strides = array<i32>} : memref<80x144xf32, #tpu.memory_space<vmem>>, vector<16xf32>,
        tpu.vector_store %arg15[%swap3A_199, %swap3A_200], %mul3A_198 {strides = array<i32>} : memref<80x144xf32, #tpu.memory_space<vmem>>, vector<16xf32>,
        %get3A_202 = arith.index_cast %scan3A_152 : i32 to index
        %get3A_203 = arith.constant 112 : index
        %get3A_204 = tpu.vector_load %arg15[%get3A_202, %get3A_203] {strides = array<i32>} : memref<80x144xf32, #tpu.memory_space<vmem>>, vector<16xf32>,
        %mul3A_205 = arith.mulf %get3A_204, %gather3A : vector<16xf32>
        %swap3A_206 = arith.index_cast %scan3A_152 : i32 to index
        %swap3A_207 = arith.constant 112 : index
        %swap3A_208 = tpu.vector_load %arg15[%swap3A_206, %swap3A_207] {strides = array<i32>} : memref<80x144xf32, #tpu.memory_space<vmem>>, vector<16xf32>,
        tpu.vector_store %arg15[%swap3A_206, %swap3A_207], %mul3A_205 {strides = array<i32>} : memref<80x144xf32, #tpu.memory_space<vmem>>, vector<16xf32>,
        %get3A_209 = arith.index_cast %scan3A_152 : i32 to index
        %get3A_210 = arith.constant 128 : index
        %get3A_211 = tpu.vector_load %arg15[%get3A_209, %get3A_210] {strides = array<i32>} : memref<80x144xf32, #tpu.memory_space<vmem>>, vector<16xf32>,
        %mul3A_212 = arith.mulf %get3A_211, %gather3A : vector<16xf32>
        %swap3A_213 = arith.index_cast %scan3A_152 : i32 to index
        %swap3A_214 = arith.constant 128 : index
        %swap3A_215 = tpu.vector_load %arg15[%swap3A_213, %swap3A_214] {strides = array<i32>} : memref<80x144xf32, #tpu.memory_space<vmem>>, vector<16xf32>,
        tpu.vector_store %arg15[%swap3A_213, %swap3A_214], %mul3A_212 {strides = array<i32>} : memref<80x144xf32, #tpu.memory_space<vmem>>, vector<16xf32>,
        %scan3A_216 = arith.constant 0 : i32
        scf.yield %scan3A_216 : i32
      }
      %scan3A_104 = arith.constant 80 : i32
      %dma_start3A_105 = arith.constant 0 : i32
      %dma_start3A_106 = arith.constant 0 : i32
      %dma_start3A_107 = tpu.memref_slice %arg24[%dma_start3A_105, %dma_start3A_106] : memref<10240x144xf32, #tpu.memory_space<vmem_shared>> -> memref<10240x144xf32, #tpu.memory_space<vmem_shared>>
      tpu.enqueue_indirect_dma source(%arg15 : memref<80x144xf32, #tpu.memory_space<vmem>>) target(%dma_start3A_107 : memref<10240x144xf32, #tpu.memory_space<vmem_shared>>) offsets(%arg12 : memref<80xi32, #tpu.memory_space<vmem>>) semaphore(%arg32 : memref<!tpu.dma_semaphore, #tpu.memory_space<semaphore_mem>>) {add = true}
      %dma_wait3A_108 = arith.constant 0 : i32
      %dma_wait3A_109 = arith.constant 0 : i32
      %dma_wait3A_110 = tpu.memref_slice %arg24[%dma_wait3A_108, %dma_wait3A_109] : memref<10240x144xf32, #tpu.memory_space<vmem_shared>> -> memref<10240x144xf32, #tpu.memory_space<vmem_shared>>
      tpu.wait_indirect_dma semaphore(%arg31 : memref<!tpu.dma_semaphore, #tpu.memory_space<semaphore_mem>>) src(%arg14 : memref<80x144xf32, #tpu.memory_space<vmem>>) dst(%dma_wait3A_110 : memref<10240x144xf32, #tpu.memory_space<vmem_shared>>)
      %lt3A = arith.constant 40 : i32
      %lt3A_111 = arith.cmpi slt, %scan3A_63, %lt3A : i32
      %convert_element_type3A = arith.extui %lt3A_111 : i1 to i32
      %cond3A = arith.constant 0 : i32
      %cond3A_112 = arith.cmpi ne, %convert_element_type3A, %cond3A : i32
      scf.if %cond3A_112 {
        %add3A_152 = arith.constant 1 : i32
        %add3A_153 = arith.addi %scan3A_63, %add3A_152 : i32
        %mul3A_154 = arith.constant 3 : i32
        %mul3A_155 = arith.muli %add3A_153, %mul3A_154 : i32
        %add3A_156 = arith.constant 0 : i32
        %add3A_157 = arith.addi %mul3A_155, %add3A_156 : i32
        %mul3A_158 = arith.constant 80 : i32
        %mul3A_159 = arith.muli %add3A_157, %mul3A_158 : i32
        %add3A_160 = arith.addi %mul3A_26, %mul3A_159 : i32
        "tpu.region"() ({
          %run_scoped3A = tpu.sem_alloc : memref<!tpu.dma_semaphore, #tpu.memory_space<semaphore_mem>>
          %dma_start3A_166 = tpu.memref_slice %arg2[%add3A_160] : memref<320000xi32, #tpu.memory_space<hbm>> -> memref<80xi32, #tpu.memory_space<hbm>>
          %dma_start3A_167 = tpu.memref_slice %arg2[%add3A_160] : memref<320000xi32, #tpu.memory_space<hbm>> -> memref<80xi32, #tpu.memory_space<hbm>>
          tpu.enqueue_dma source(%dma_start3A_167 : memref<80xi32, #tpu.memory_space<hbm>>) target(%arg8 : memref<80xi32, #tpu.memory_space<vmem>>) target_semaphore(%run_scoped3A : memref<!tpu.dma_semaphore, #tpu.memory_space<semaphore_mem>>)
          %dma_wait3A_168 = tpu.memref_slice %arg2[%add3A_160] : memref<320000xi32, #tpu.memory_space<hbm>> -> memref<80xi32, #tpu.memory_space<hbm>>
          %dma_wait3A_169 = tpu.memref_slice %arg2[%add3A_160] : memref<320000xi32, #tpu.memory_space<hbm>> -> memref<80xi32, #tpu.memory_space<hbm>>
          tpu.wait_dma2 semaphore(%run_scoped3A : memref<!tpu.dma_semaphore, #tpu.memory_space<semaphore_mem>>) src(%dma_wait3A_169 : memref<80xi32, #tpu.memory_space<hbm>>) dst(%arg8 : memref<80xi32, #tpu.memory_space<vmem>>)
          tpu.yield
        }) : () -> ()
        "tpu.region"() ({
          %run_scoped3A = tpu.sem_alloc : memref<!tpu.dma_semaphore, #tpu.memory_space<semaphore_mem>>
          %dma_start3A_166 = tpu.memref_slice %arg3[%add3A_160] : memref<320000xi32, #tpu.memory_space<hbm>> -> memref<80xi32, #tpu.memory_space<hbm>>
          %dma_start3A_167 = tpu.memref_slice %arg3[%add3A_160] : memref<320000xi32, #tpu.memory_space<hbm>> -> memref<80xi32, #tpu.memory_space<hbm>>
          tpu.enqueue_dma source(%dma_start3A_167 : memref<80xi32, #tpu.memory_space<hbm>>) target(%arg11 : memref<80xi32, #tpu.memory_space<vmem>>) target_semaphore(%run_scoped3A : memref<!tpu.dma_semaphore, #tpu.memory_space<semaphore_mem>>)
          %dma_wait3A_168 = tpu.memref_slice %arg3[%add3A_160] : memref<320000xi32, #tpu.memory_space<hbm>> -> memref<80xi32, #tpu.memory_space<hbm>>
          %dma_wait3A_169 = tpu.memref_slice %arg3[%add3A_160] : memref<320000xi32, #tpu.memory_space<hbm>> -> memref<80xi32, #tpu.memory_space<hbm>>
          tpu.wait_dma2 semaphore(%run_scoped3A : memref<!tpu.dma_semaphore, #tpu.memory_space<semaphore_mem>>) src(%dma_wait3A_169 : memref<80xi32, #tpu.memory_space<hbm>>) dst(%arg11 : memref<80xi32, #tpu.memory_space<vmem>>)
          tpu.yield
        }) : () -> ()
        %dma_start3A_161 = arith.constant 0 : i32
        %dma_start3A_162 = arith.constant 0 : i32
        %dma_start3A_163 = tpu.memref_slice %arg4[%dma_start3A_161, %dma_start3A_162] : memref<10000x144xf32, #tpu.memory_space<hbm>> -> memref<10000x144xf32, #tpu.memory_space<hbm>>
        tpu.enqueue_indirect_dma source(%dma_start3A_163 : memref<10000x144xf32, #tpu.memory_space<hbm>>) target(%arg14 : memref<80x144xf32, #tpu.memory_space<vmem>>) offsets(%arg8 : memref<80xi32, #tpu.memory_space<vmem>>) semaphore(%arg25 : memref<!tpu.dma_semaphore, #tpu.memory_space<semaphore_mem>>)
        %dma_start3A_164 = arith.constant 0 : i32
        %dma_start3A_165 = tpu.memref_slice %arg5[%dma_start3A_164] : memref<10000xf32, #tpu.memory_space<hbm>> -> memref<10000xf32, #tpu.memory_space<hbm>>
        tpu.enqueue_indirect_dma source(%dma_start3A_165 : memref<10000xf32, #tpu.memory_space<hbm>>) target(%arg20 : memref<80xf32, #tpu.memory_space<vmem>>) offsets(%arg11 : memref<80xi32, #tpu.memory_space<vmem>>) semaphore(%arg28 : memref<!tpu.dma_semaphore, #tpu.memory_space<semaphore_mem>>)
      } else {
      }
      %dma_wait3A_113 = arith.constant 0 : i32
      %dma_wait3A_114 = arith.constant 0 : i32
      %dma_wait3A_115 = tpu.memref_slice %arg4[%dma_wait3A_113, %dma_wait3A_114] : memref<10000x144xf32, #tpu.memory_space<hbm>> -> memref<10000x144xf32, #tpu.memory_space<hbm>>
      tpu.wait_indirect_dma semaphore(%arg27 : memref<!tpu.dma_semaphore, #tpu.memory_space<semaphore_mem>>) src(%dma_wait3A_115 : memref<10000x144xf32, #tpu.memory_space<hbm>>) dst(%arg16 : memref<80x144xf32, #tpu.memory_space<vmem>>)
      %dma_wait3A_116 = arith.constant 0 : i32
      %dma_wait3A_117 = tpu.memref_slice %arg5[%dma_wait3A_116] : memref<10000xf32, #tpu.memory_space<hbm>> -> memref<10000xf32, #tpu.memory_space<hbm>>
      tpu.wait_indirect_dma semaphore(%arg30 : memref<!tpu.dma_semaphore, #tpu.memory_space<semaphore_mem>>) src(%dma_wait3A_117 : memref<10000xf32, #tpu.memory_space<hbm>>) dst(%arg22 : memref<80xf32, #tpu.memory_space<vmem>>)
      %scan3A_118 = arith.constant 0 : i32
      %scan3A_119 = arith.constant 0 : i32
      %scan3A_120 = arith.constant 5 : i32
      %scan3A_121 = arith.addi %scan3A_119, %scan3A_120 : i32
      %scan3A_122 = arith.constant 1 : i32
      %scan3A_123 = scf.for %scan3A_152 = %scan3A_119 to %scan3A_121 step %scan3A_122 iter_args(%scan3A_153 = %scan3A_118) -> (i32)  : i32 {
        %mul3A_154 = arith.constant 16 : i32
        %mul3A_155 = arith.muli %scan3A_152, %mul3A_154 : i32
        %add3A_156 = vector.broadcast %mul3A_155 : i32 to vector<16xi32>
        %add3A_157 = arith.addi %add3A_156, %iota3A : vector<16xi32>
        %broadcast_in_dim3A = arith.constant 129 : i32
        %broadcast_in_dim3A_158 = vector.broadcast %broadcast_in_dim3A : i32 to vector<16xi32>
        %gather3A = tpu.vector_load_idx %arg16[%add3A_157, %broadcast_in_dim3A_158] : memref<80x144xf32, #tpu.memory_space<vmem>>[vector<16xi32>, vector<16xi32>], vector<16xf32>,
        %mul3A_159 = arith.constant 16 : i32
        %mul3A_160 = arith.muli %scan3A_152, %mul3A_159 : i32
        %get3A_161 = arith.index_cast %mul3A_160 : i32 to index
        %get3A_162 = tpu.vector_load %arg22[%get3A_161] {strides = array<i32>} : memref<80xf32, #tpu.memory_space<vmem>>, vector<16xf32>,
        %add3A_163 = arith.addf %gather3A, %get3A_162 : vector<16xf32>
        %ge3A = arith.constant 0.000000e+00 : f32
        %ge3A_164 = vector.broadcast %ge3A : f32 to vector<16xf32>
        %ge3A_165 = arith.cmpf oge, %add3A_163, %ge3A_164 : vector<16xf32>
        %mul3A_166 = arith.constant 2.000000e-01 : f32
        %mul3A_167 = vector.broadcast %mul3A_166 : f32 to vector<16xf32>
        %mul3A_168 = arith.mulf %mul3A_167, %add3A_163 : vector<16xf32>
        %select_n3A = arith.select %ge3A_165, %add3A_163, %mul3A_168 : vector<16xi1>, vector<16xf32>
        %sub3A = arith.subf %select_n3A, %get3A_27 : vector<16xf32>
        %exp3A = math.exp %sub3A : vector<16xf32>
        %mul3A_169 = arith.constant 16 : i32
        %mul3A_170 = arith.muli %scan3A_152, %mul3A_169 : i32
        %swap3A = arith.index_cast %mul3A_170 : i32 to index
        %swap3A_171 = tpu.vector_load %arg19[%swap3A] {strides = array<i32>} : memref<80xf32, #tpu.memory_space<vmem>>, vector<16xf32>,
        tpu.vector_store %arg19[%swap3A], %exp3A {strides = array<i32>} : memref<80xf32, #tpu.memory_space<vmem>>, vector<16xf32>,
        %scan3A_172 = arith.constant 0 : i32
        scf.yield %scan3A_172 : i32
      }
      %scan3A_124 = arith.constant 5 : i32
      %scan3A_125 = arith.constant 0 : i32
      %scan3A_126 = arith.constant 0 : i32
      %scan3A_127 = arith.constant 80 : i32
      %scan3A_128 = arith.addi %scan3A_126, %scan3A_127 : i32
      %scan3A_129 = arith.constant 1 : i32
      %scan3A_130 = scf.for %scan3A_152 = %scan3A_126 to %scan3A_128 step %scan3A_129 iter_args(%scan3A_153 = %scan3A_125) -> (i32)  : i32 {
        %broadcast_in_dim3A = vector.broadcast %scan3A_152 : i32 to vector<16xi32>
        %gather3A = tpu.vector_load_idx %arg19[%broadcast_in_dim3A] : memref<80xf32, #tpu.memory_space<vmem>>[vector<16xi32>], vector<16xf32>,
        %get3A_154 = arith.index_cast %scan3A_152 : i32 to index
        %get3A_155 = arith.constant 0 : index
        %get3A_156 = tpu.vector_load %arg16[%get3A_154, %get3A_155] {strides = array<i32>} : memref<80x144xf32, #tpu.memory_space<vmem>>, vector<16xf32>,
        %mul3A_157 = arith.mulf %get3A_156, %gather3A : vector<16xf32>
        %swap3A = arith.index_cast %scan3A_152 : i32 to index
        %swap3A_158 = arith.constant 0 : index
        %swap3A_159 = tpu.vector_load %arg16[%swap3A, %swap3A_158] {strides = array<i32>} : memref<80x144xf32, #tpu.memory_space<vmem>>, vector<16xf32>,
        tpu.vector_store %arg16[%swap3A, %swap3A_158], %mul3A_157 {strides = array<i32>} : memref<80x144xf32, #tpu.memory_space<vmem>>, vector<16xf32>,
        %get3A_160 = arith.index_cast %scan3A_152 : i32 to index
        %get3A_161 = arith.constant 16 : index
        %get3A_162 = tpu.vector_load %arg16[%get3A_160, %get3A_161] {strides = array<i32>} : memref<80x144xf32, #tpu.memory_space<vmem>>, vector<16xf32>,
        %mul3A_163 = arith.mulf %get3A_162, %gather3A : vector<16xf32>
        %swap3A_164 = arith.index_cast %scan3A_152 : i32 to index
        %swap3A_165 = arith.constant 16 : index
        %swap3A_166 = tpu.vector_load %arg16[%swap3A_164, %swap3A_165] {strides = array<i32>} : memref<80x144xf32, #tpu.memory_space<vmem>>, vector<16xf32>,
        tpu.vector_store %arg16[%swap3A_164, %swap3A_165], %mul3A_163 {strides = array<i32>} : memref<80x144xf32, #tpu.memory_space<vmem>>, vector<16xf32>,
        %get3A_167 = arith.index_cast %scan3A_152 : i32 to index
        %get3A_168 = arith.constant 32 : index
        %get3A_169 = tpu.vector_load %arg16[%get3A_167, %get3A_168] {strides = array<i32>} : memref<80x144xf32, #tpu.memory_space<vmem>>, vector<16xf32>,
        %mul3A_170 = arith.mulf %get3A_169, %gather3A : vector<16xf32>
        %swap3A_171 = arith.index_cast %scan3A_152 : i32 to index
        %swap3A_172 = arith.constant 32 : index
        %swap3A_173 = tpu.vector_load %arg16[%swap3A_171, %swap3A_172] {strides = array<i32>} : memref<80x144xf32, #tpu.memory_space<vmem>>, vector<16xf32>,
        tpu.vector_store %arg16[%swap3A_171, %swap3A_172], %mul3A_170 {strides = array<i32>} : memref<80x144xf32, #tpu.memory_space<vmem>>, vector<16xf32>,
        %get3A_174 = arith.index_cast %scan3A_152 : i32 to index
        %get3A_175 = arith.constant 48 : index
        %get3A_176 = tpu.vector_load %arg16[%get3A_174, %get3A_175] {strides = array<i32>} : memref<80x144xf32, #tpu.memory_space<vmem>>, vector<16xf32>,
        %mul3A_177 = arith.mulf %get3A_176, %gather3A : vector<16xf32>
        %swap3A_178 = arith.index_cast %scan3A_152 : i32 to index
        %swap3A_179 = arith.constant 48 : index
        %swap3A_180 = tpu.vector_load %arg16[%swap3A_178, %swap3A_179] {strides = array<i32>} : memref<80x144xf32, #tpu.memory_space<vmem>>, vector<16xf32>,
        tpu.vector_store %arg16[%swap3A_178, %swap3A_179], %mul3A_177 {strides = array<i32>} : memref<80x144xf32, #tpu.memory_space<vmem>>, vector<16xf32>,
        %get3A_181 = arith.index_cast %scan3A_152 : i32 to index
        %get3A_182 = arith.constant 64 : index
        %get3A_183 = tpu.vector_load %arg16[%get3A_181, %get3A_182] {strides = array<i32>} : memref<80x144xf32, #tpu.memory_space<vmem>>, vector<16xf32>,
        %mul3A_184 = arith.mulf %get3A_183, %gather3A : vector<16xf32>
        %swap3A_185 = arith.index_cast %scan3A_152 : i32 to index
        %swap3A_186 = arith.constant 64 : index
        %swap3A_187 = tpu.vector_load %arg16[%swap3A_185, %swap3A_186] {strides = array<i32>} : memref<80x144xf32, #tpu.memory_space<vmem>>, vector<16xf32>,
        tpu.vector_store %arg16[%swap3A_185, %swap3A_186], %mul3A_184 {strides = array<i32>} : memref<80x144xf32, #tpu.memory_space<vmem>>, vector<16xf32>,
        %get3A_188 = arith.index_cast %scan3A_152 : i32 to index
        %get3A_189 = arith.constant 80 : index
        %get3A_190 = tpu.vector_load %arg16[%get3A_188, %get3A_189] {strides = array<i32>} : memref<80x144xf32, #tpu.memory_space<vmem>>, vector<16xf32>,
        %mul3A_191 = arith.mulf %get3A_190, %gather3A : vector<16xf32>
        %swap3A_192 = arith.index_cast %scan3A_152 : i32 to index
        %swap3A_193 = arith.constant 80 : index
        %swap3A_194 = tpu.vector_load %arg16[%swap3A_192, %swap3A_193] {strides = array<i32>} : memref<80x144xf32, #tpu.memory_space<vmem>>, vector<16xf32>,
        tpu.vector_store %arg16[%swap3A_192, %swap3A_193], %mul3A_191 {strides = array<i32>} : memref<80x144xf32, #tpu.memory_space<vmem>>, vector<16xf32>,
        %get3A_195 = arith.index_cast %scan3A_152 : i32 to index
        %get3A_196 = arith.constant 96 : index
        %get3A_197 = tpu.vector_load %arg16[%get3A_195, %get3A_196] {strides = array<i32>} : memref<80x144xf32, #tpu.memory_space<vmem>>, vector<16xf32>,
        %mul3A_198 = arith.mulf %get3A_197, %gather3A : vector<16xf32>
        %swap3A_199 = arith.index_cast %scan3A_152 : i32 to index
        %swap3A_200 = arith.constant 96 : index
        %swap3A_201 = tpu.vector_load %arg16[%swap3A_199, %swap3A_200] {strides = array<i32>} : memref<80x144xf32, #tpu.memory_space<vmem>>, vector<16xf32>,
        tpu.vector_store %arg16[%swap3A_199, %swap3A_200], %mul3A_198 {strides = array<i32>} : memref<80x144xf32, #tpu.memory_space<vmem>>, vector<16xf32>,
        %get3A_202 = arith.index_cast %scan3A_152 : i32 to index
        %get3A_203 = arith.constant 112 : index
        %get3A_204 = tpu.vector_load %arg16[%get3A_202, %get3A_203] {strides = array<i32>} : memref<80x144xf32, #tpu.memory_space<vmem>>, vector<16xf32>,
        %mul3A_205 = arith.mulf %get3A_204, %gather3A : vector<16xf32>
        %swap3A_206 = arith.index_cast %scan3A_152 : i32 to index
        %swap3A_207 = arith.constant 112 : index
        %swap3A_208 = tpu.vector_load %arg16[%swap3A_206, %swap3A_207] {strides = array<i32>} : memref<80x144xf32, #tpu.memory_space<vmem>>, vector<16xf32>,
        tpu.vector_store %arg16[%swap3A_206, %swap3A_207], %mul3A_205 {strides = array<i32>} : memref<80x144xf32, #tpu.memory_space<vmem>>, vector<16xf32>,
        %get3A_209 = arith.index_cast %scan3A_152 : i32 to index
        %get3A_210 = arith.constant 128 : index
        %get3A_211 = tpu.vector_load %arg16[%get3A_209, %get3A_210] {strides = array<i32>} : memref<80x144xf32, #tpu.memory_space<vmem>>, vector<16xf32>,
        %mul3A_212 = arith.mulf %get3A_211, %gather3A : vector<16xf32>
        %swap3A_213 = arith.index_cast %scan3A_152 : i32 to index
        %swap3A_214 = arith.constant 128 : index
        %swap3A_215 = tpu.vector_load %arg16[%swap3A_213, %swap3A_214] {strides = array<i32>} : memref<80x144xf32, #tpu.memory_space<vmem>>, vector<16xf32>,
        tpu.vector_store %arg16[%swap3A_213, %swap3A_214], %mul3A_212 {strides = array<i32>} : memref<80x144xf32, #tpu.memory_space<vmem>>, vector<16xf32>,
        %scan3A_216 = arith.constant 0 : i32
        scf.yield %scan3A_216 : i32
      }
      %scan3A_131 = arith.constant 80 : i32
      %dma_start3A_132 = arith.constant 0 : i32
      %dma_start3A_133 = arith.constant 0 : i32
      %dma_start3A_134 = tpu.memref_slice %arg24[%dma_start3A_132, %dma_start3A_133] : memref<10240x144xf32, #tpu.memory_space<vmem_shared>> -> memref<10240x144xf32, #tpu.memory_space<vmem_shared>>
      tpu.enqueue_indirect_dma source(%arg16 : memref<80x144xf32, #tpu.memory_space<vmem>>) target(%dma_start3A_134 : memref<10240x144xf32, #tpu.memory_space<vmem_shared>>) offsets(%arg13 : memref<80xi32, #tpu.memory_space<vmem>>) semaphore(%arg33 : memref<!tpu.dma_semaphore, #tpu.memory_space<semaphore_mem>>) {add = true}
      %dma_wait3A_135 = arith.constant 0 : i32
      %dma_wait3A_136 = arith.constant 0 : i32
      %dma_wait3A_137 = tpu.memref_slice %arg24[%dma_wait3A_135, %dma_wait3A_136] : memref<10240x144xf32, #tpu.memory_space<vmem_shared>> -> memref<10240x144xf32, #tpu.memory_space<vmem_shared>>
      tpu.wait_indirect_dma semaphore(%arg32 : memref<!tpu.dma_semaphore, #tpu.memory_space<semaphore_mem>>) src(%arg15 : memref<80x144xf32, #tpu.memory_space<vmem>>) dst(%dma_wait3A_137 : memref<10240x144xf32, #tpu.memory_space<vmem_shared>>)
      %lt3A_138 = arith.constant 40 : i32
      %lt3A_139 = arith.cmpi slt, %scan3A_63, %lt3A_138 : i32
      %convert_element_type3A_140 = arith.extui %lt3A_139 : i1 to i32
      %cond3A_141 = arith.constant 0 : i32
      %cond3A_142 = arith.cmpi ne, %convert_element_type3A_140, %cond3A_141 : i32
      scf.if %cond3A_142 {
        %add3A_152 = arith.constant 1 : i32
        %add3A_153 = arith.addi %scan3A_63, %add3A_152 : i32
        %mul3A_154 = arith.constant 3 : i32
        %mul3A_155 = arith.muli %add3A_153, %mul3A_154 : i32
        %add3A_156 = arith.constant 1 : i32
        %add3A_157 = arith.addi %mul3A_155, %add3A_156 : i32
        %mul3A_158 = arith.constant 80 : i32
        %mul3A_159 = arith.muli %add3A_157, %mul3A_158 : i32
        %add3A_160 = arith.addi %mul3A_26, %mul3A_159 : i32
        "tpu.region"() ({
          %run_scoped3A = tpu.sem_alloc : memref<!tpu.dma_semaphore, #tpu.memory_space<semaphore_mem>>
          %dma_start3A_166 = tpu.memref_slice %arg2[%add3A_160] : memref<320000xi32, #tpu.memory_space<hbm>> -> memref<80xi32, #tpu.memory_space<hbm>>
          %dma_start3A_167 = tpu.memref_slice %arg2[%add3A_160] : memref<320000xi32, #tpu.memory_space<hbm>> -> memref<80xi32, #tpu.memory_space<hbm>>
          tpu.enqueue_dma source(%dma_start3A_167 : memref<80xi32, #tpu.memory_space<hbm>>) target(%arg9 : memref<80xi32, #tpu.memory_space<vmem>>) target_semaphore(%run_scoped3A : memref<!tpu.dma_semaphore, #tpu.memory_space<semaphore_mem>>)
          %dma_wait3A_168 = tpu.memref_slice %arg2[%add3A_160] : memref<320000xi32, #tpu.memory_space<hbm>> -> memref<80xi32, #tpu.memory_space<hbm>>
          %dma_wait3A_169 = tpu.memref_slice %arg2[%add3A_160] : memref<320000xi32, #tpu.memory_space<hbm>> -> memref<80xi32, #tpu.memory_space<hbm>>
          tpu.wait_dma2 semaphore(%run_scoped3A : memref<!tpu.dma_semaphore, #tpu.memory_space<semaphore_mem>>) src(%dma_wait3A_169 : memref<80xi32, #tpu.memory_space<hbm>>) dst(%arg9 : memref<80xi32, #tpu.memory_space<vmem>>)
          tpu.yield
        }) : () -> ()
        "tpu.region"() ({
          %run_scoped3A = tpu.sem_alloc : memref<!tpu.dma_semaphore, #tpu.memory_space<semaphore_mem>>
          %dma_start3A_166 = tpu.memref_slice %arg3[%add3A_160] : memref<320000xi32, #tpu.memory_space<hbm>> -> memref<80xi32, #tpu.memory_space<hbm>>
          %dma_start3A_167 = tpu.memref_slice %arg3[%add3A_160] : memref<320000xi32, #tpu.memory_space<hbm>> -> memref<80xi32, #tpu.memory_space<hbm>>
          tpu.enqueue_dma source(%dma_start3A_167 : memref<80xi32, #tpu.memory_space<hbm>>) target(%arg12 : memref<80xi32, #tpu.memory_space<vmem>>) target_semaphore(%run_scoped3A : memref<!tpu.dma_semaphore, #tpu.memory_space<semaphore_mem>>)
          %dma_wait3A_168 = tpu.memref_slice %arg3[%add3A_160] : memref<320000xi32, #tpu.memory_space<hbm>> -> memref<80xi32, #tpu.memory_space<hbm>>
          %dma_wait3A_169 = tpu.memref_slice %arg3[%add3A_160] : memref<320000xi32, #tpu.memory_space<hbm>> -> memref<80xi32, #tpu.memory_space<hbm>>
          tpu.wait_dma2 semaphore(%run_scoped3A : memref<!tpu.dma_semaphore, #tpu.memory_space<semaphore_mem>>) src(%dma_wait3A_169 : memref<80xi32, #tpu.memory_space<hbm>>) dst(%arg12 : memref<80xi32, #tpu.memory_space<vmem>>)
          tpu.yield
        }) : () -> ()
        %dma_start3A_161 = arith.constant 0 : i32
        %dma_start3A_162 = arith.constant 0 : i32
        %dma_start3A_163 = tpu.memref_slice %arg4[%dma_start3A_161, %dma_start3A_162] : memref<10000x144xf32, #tpu.memory_space<hbm>> -> memref<10000x144xf32, #tpu.memory_space<hbm>>
        tpu.enqueue_indirect_dma source(%dma_start3A_163 : memref<10000x144xf32, #tpu.memory_space<hbm>>) target(%arg15 : memref<80x144xf32, #tpu.memory_space<vmem>>) offsets(%arg9 : memref<80xi32, #tpu.memory_space<vmem>>) semaphore(%arg26 : memref<!tpu.dma_semaphore, #tpu.memory_space<semaphore_mem>>)
        %dma_start3A_164 = arith.constant 0 : i32
        %dma_start3A_165 = tpu.memref_slice %arg5[%dma_start3A_164] : memref<10000xf32, #tpu.memory_space<hbm>> -> memref<10000xf32, #tpu.memory_space<hbm>>
        tpu.enqueue_indirect_dma source(%dma_start3A_165 : memref<10000xf32, #tpu.memory_space<hbm>>) target(%arg21 : memref<80xf32, #tpu.memory_space<vmem>>) offsets(%arg12 : memref<80xi32, #tpu.memory_space<vmem>>) semaphore(%arg29 : memref<!tpu.dma_semaphore, #tpu.memory_space<semaphore_mem>>)
      } else {
      }
      %dma_wait3A_143 = arith.constant 0 : i32
      %dma_wait3A_144 = arith.constant 0 : i32
      %dma_wait3A_145 = tpu.memref_slice %arg24[%dma_wait3A_143, %dma_wait3A_144] : memref<10240x144xf32, #tpu.memory_space<vmem_shared>> -> memref<10240x144xf32, #tpu.memory_space<vmem_shared>>
      tpu.wait_indirect_dma semaphore(%arg33 : memref<!tpu.dma_semaphore, #tpu.memory_space<semaphore_mem>>) src(%arg16 : memref<80x144xf32, #tpu.memory_space<vmem>>) dst(%dma_wait3A_145 : memref<10240x144xf32, #tpu.memory_space<vmem_shared>>)
      %lt3A_146 = arith.constant 40 : i32
      %lt3A_147 = arith.cmpi slt, %scan3A_63, %lt3A_146 : i32
      %convert_element_type3A_148 = arith.extui %lt3A_147 : i1 to i32
      %cond3A_149 = arith.constant 0 : i32
      %cond3A_150 = arith.cmpi ne, %convert_element_type3A_148, %cond3A_149 : i32
      scf.if %cond3A_150 {
        %add3A_152 = arith.constant 1 : i32
        %add3A_153 = arith.addi %scan3A_63, %add3A_152 : i32
        %mul3A_154 = arith.constant 3 : i32
        %mul3A_155 = arith.muli %add3A_153, %mul3A_154 : i32
        %add3A_156 = arith.constant 2 : i32
        %add3A_157 = arith.addi %mul3A_155, %add3A_156 : i32
        %mul3A_158 = arith.constant 80 : i32
        %mul3A_159 = arith.muli %add3A_157, %mul3A_158 : i32
        %add3A_160 = arith.addi %mul3A_26, %mul3A_159 : i32
        "tpu.region"() ({
          %run_scoped3A = tpu.sem_alloc : memref<!tpu.dma_semaphore, #tpu.memory_space<semaphore_mem>>
          %dma_start3A_166 = tpu.memref_slice %arg2[%add3A_160] : memref<320000xi32, #tpu.memory_space<hbm>> -> memref<80xi32, #tpu.memory_space<hbm>>
          %dma_start3A_167 = tpu.memref_slice %arg2[%add3A_160] : memref<320000xi32, #tpu.memory_space<hbm>> -> memref<80xi32, #tpu.memory_space<hbm>>
          tpu.enqueue_dma source(%dma_start3A_167 : memref<80xi32, #tpu.memory_space<hbm>>) target(%arg10 : memref<80xi32, #tpu.memory_space<vmem>>) target_semaphore(%run_scoped3A : memref<!tpu.dma_semaphore, #tpu.memory_space<semaphore_mem>>)
          %dma_wait3A_168 = tpu.memref_slice %arg2[%add3A_160] : memref<320000xi32, #tpu.memory_space<hbm>> -> memref<80xi32, #tpu.memory_space<hbm>>
          %dma_wait3A_169 = tpu.memref_slice %arg2[%add3A_160] : memref<320000xi32, #tpu.memory_space<hbm>> -> memref<80xi32, #tpu.memory_space<hbm>>
          tpu.wait_dma2 semaphore(%run_scoped3A : memref<!tpu.dma_semaphore, #tpu.memory_space<semaphore_mem>>) src(%dma_wait3A_169 : memref<80xi32, #tpu.memory_space<hbm>>) dst(%arg10 : memref<80xi32, #tpu.memory_space<vmem>>)
          tpu.yield
        }) : () -> ()
        "tpu.region"() ({
          %run_scoped3A = tpu.sem_alloc : memref<!tpu.dma_semaphore, #tpu.memory_space<semaphore_mem>>
          %dma_start3A_166 = tpu.memref_slice %arg3[%add3A_160] : memref<320000xi32, #tpu.memory_space<hbm>> -> memref<80xi32, #tpu.memory_space<hbm>>
          %dma_start3A_167 = tpu.memref_slice %arg3[%add3A_160] : memref<320000xi32, #tpu.memory_space<hbm>> -> memref<80xi32, #tpu.memory_space<hbm>>
          tpu.enqueue_dma source(%dma_start3A_167 : memref<80xi32, #tpu.memory_space<hbm>>) target(%arg13 : memref<80xi32, #tpu.memory_space<vmem>>) target_semaphore(%run_scoped3A : memref<!tpu.dma_semaphore, #tpu.memory_space<semaphore_mem>>)
          %dma_wait3A_168 = tpu.memref_slice %arg3[%add3A_160] : memref<320000xi32, #tpu.memory_space<hbm>> -> memref<80xi32, #tpu.memory_space<hbm>>
          %dma_wait3A_169 = tpu.memref_slice %arg3[%add3A_160] : memref<320000xi32, #tpu.memory_space<hbm>> -> memref<80xi32, #tpu.memory_space<hbm>>
          tpu.wait_dma2 semaphore(%run_scoped3A : memref<!tpu.dma_semaphore, #tpu.memory_space<semaphore_mem>>) src(%dma_wait3A_169 : memref<80xi32, #tpu.memory_space<hbm>>) dst(%arg13 : memref<80xi32, #tpu.memory_space<vmem>>)
          tpu.yield
        }) : () -> ()
        %dma_start3A_161 = arith.constant 0 : i32
        %dma_start3A_162 = arith.constant 0 : i32
        %dma_start3A_163 = tpu.memref_slice %arg4[%dma_start3A_161, %dma_start3A_162] : memref<10000x144xf32, #tpu.memory_space<hbm>> -> memref<10000x144xf32, #tpu.memory_space<hbm>>
        tpu.enqueue_indirect_dma source(%dma_start3A_163 : memref<10000x144xf32, #tpu.memory_space<hbm>>) target(%arg16 : memref<80x144xf32, #tpu.memory_space<vmem>>) offsets(%arg10 : memref<80xi32, #tpu.memory_space<vmem>>) semaphore(%arg27 : memref<!tpu.dma_semaphore, #tpu.memory_space<semaphore_mem>>)
        %dma_start3A_164 = arith.constant 0 : i32
        %dma_start3A_165 = tpu.memref_slice %arg5[%dma_start3A_164] : memref<10000xf32, #tpu.memory_space<hbm>> -> memref<10000xf32, #tpu.memory_space<hbm>>
        tpu.enqueue_indirect_dma source(%dma_start3A_165 : memref<10000xf32, #tpu.memory_space<hbm>>) target(%arg22 : memref<80xf32, #tpu.memory_space<vmem>>) offsets(%arg13 : memref<80xi32, #tpu.memory_space<vmem>>) semaphore(%arg30 : memref<!tpu.dma_semaphore, #tpu.memory_space<semaphore_mem>>)
      } else {
      }
      %scan3A_151 = arith.constant 0 : i32
      scf.yield %scan3A_151 : i32
    }
    %scan3A_54 = arith.constant 41 : i32
    %scan3A_55 = arith.constant 0 : i32
    %scan3A_56 = arith.constant 0 : i32
    %scan3A_57 = arith.constant 2 : i32
    %scan3A_58 = arith.addi %scan3A_56, %scan3A_57 : i32
    %scan3A_59 = arith.constant 1 : i32
    %scan3A_60 = scf.for %scan3A_63 = %scan3A_56 to %scan3A_58 step %scan3A_59 iter_args(%scan3A_64 = %scan3A_55) -> (i32)  : i32 {
      %add3A_65 = arith.constant 123 : i32
      %add3A_66 = arith.addi %add3A_65, %scan3A_63 : i32
      %mul3A_67 = arith.constant 80 : i32
      %mul3A_68 = arith.muli %add3A_66, %mul3A_67 : i32
      %add3A_69 = arith.addi %mul3A_26, %mul3A_68 : i32
      "tpu.region"() ({
        %run_scoped3A = tpu.sem_alloc : memref<!tpu.dma_semaphore, #tpu.memory_space<semaphore_mem>>
        %dma_start3A_100 = tpu.memref_slice %arg2[%add3A_69] : memref<320000xi32, #tpu.memory_space<hbm>> -> memref<80xi32, #tpu.memory_space<hbm>>
        %dma_start3A_101 = tpu.memref_slice %arg2[%add3A_69] : memref<320000xi32, #tpu.memory_space<hbm>> -> memref<80xi32, #tpu.memory_space<hbm>>
        tpu.enqueue_dma source(%dma_start3A_101 : memref<80xi32, #tpu.memory_space<hbm>>) target(%arg8 : memref<80xi32, #tpu.memory_space<vmem>>) target_semaphore(%run_scoped3A : memref<!tpu.dma_semaphore, #tpu.memory_space<semaphore_mem>>)
        %dma_wait3A_102 = tpu.memref_slice %arg2[%add3A_69] : memref<320000xi32, #tpu.memory_space<hbm>> -> memref<80xi32, #tpu.memory_space<hbm>>
        %dma_wait3A_103 = tpu.memref_slice %arg2[%add3A_69] : memref<320000xi32, #tpu.memory_space<hbm>> -> memref<80xi32, #tpu.memory_space<hbm>>
        tpu.wait_dma2 semaphore(%run_scoped3A : memref<!tpu.dma_semaphore, #tpu.memory_space<semaphore_mem>>) src(%dma_wait3A_103 : memref<80xi32, #tpu.memory_space<hbm>>) dst(%arg8 : memref<80xi32, #tpu.memory_space<vmem>>)
        tpu.yield
      }) : () -> ()
      "tpu.region"() ({
        %run_scoped3A = tpu.sem_alloc : memref<!tpu.dma_semaphore, #tpu.memory_space<semaphore_mem>>
        %dma_start3A_100 = tpu.memref_slice %arg3[%add3A_69] : memref<320000xi32, #tpu.memory_space<hbm>> -> memref<80xi32, #tpu.memory_space<hbm>>
        %dma_start3A_101 = tpu.memref_slice %arg3[%add3A_69] : memref<320000xi32, #tpu.memory_space<hbm>> -> memref<80xi32, #tpu.memory_space<hbm>>
        tpu.enqueue_dma source(%dma_start3A_101 : memref<80xi32, #tpu.memory_space<hbm>>) target(%arg11 : memref<80xi32, #tpu.memory_space<vmem>>) target_semaphore(%run_scoped3A : memref<!tpu.dma_semaphore, #tpu.memory_space<semaphore_mem>>)
        %dma_wait3A_102 = tpu.memref_slice %arg3[%add3A_69] : memref<320000xi32, #tpu.memory_space<hbm>> -> memref<80xi32, #tpu.memory_space<hbm>>
        %dma_wait3A_103 = tpu.memref_slice %arg3[%add3A_69] : memref<320000xi32, #tpu.memory_space<hbm>> -> memref<80xi32, #tpu.memory_space<hbm>>
        tpu.wait_dma2 semaphore(%run_scoped3A : memref<!tpu.dma_semaphore, #tpu.memory_space<semaphore_mem>>) src(%dma_wait3A_103 : memref<80xi32, #tpu.memory_space<hbm>>) dst(%arg11 : memref<80xi32, #tpu.memory_space<vmem>>)
        tpu.yield
      }) : () -> ()
      %dma_start3A_70 = arith.constant 0 : i32
      %dma_start3A_71 = arith.constant 0 : i32
      %dma_start3A_72 = tpu.memref_slice %arg4[%dma_start3A_70, %dma_start3A_71] : memref<10000x144xf32, #tpu.memory_space<hbm>> -> memref<10000x144xf32, #tpu.memory_space<hbm>>
      tpu.enqueue_indirect_dma source(%dma_start3A_72 : memref<10000x144xf32, #tpu.memory_space<hbm>>) target(%arg14 : memref<80x144xf32, #tpu.memory_space<vmem>>) offsets(%arg8 : memref<80xi32, #tpu.memory_space<vmem>>) semaphore(%arg25 : memref<!tpu.dma_semaphore, #tpu.memory_space<semaphore_mem>>)
      %dma_start3A_73 = arith.constant 0 : i32
      %dma_start3A_74 = tpu.memref_slice %arg5[%dma_start3A_73] : memref<10000xf32, #tpu.memory_space<hbm>> -> memref<10000xf32, #tpu.memory_space<hbm>>
      tpu.enqueue_indirect_dma source(%dma_start3A_74 : memref<10000xf32, #tpu.memory_space<hbm>>) target(%arg20 : memref<80xf32, #tpu.memory_space<vmem>>) offsets(%arg11 : memref<80xi32, #tpu.memory_space<vmem>>) semaphore(%arg28 : memref<!tpu.dma_semaphore, #tpu.memory_space<semaphore_mem>>)
      %dma_wait3A = arith.constant 0 : i32
      %dma_wait3A_75 = arith.constant 0 : i32
      %dma_wait3A_76 = tpu.memref_slice %arg4[%dma_wait3A, %dma_wait3A_75] : memref<10000x144xf32, #tpu.memory_space<hbm>> -> memref<10000x144xf32, #tpu.memory_space<hbm>>
      tpu.wait_indirect_dma semaphore(%arg25 : memref<!tpu.dma_semaphore, #tpu.memory_space<semaphore_mem>>) src(%dma_wait3A_76 : memref<10000x144xf32, #tpu.memory_space<hbm>>) dst(%arg14 : memref<80x144xf32, #tpu.memory_space<vmem>>)
      %dma_wait3A_77 = arith.constant 0 : i32
      %dma_wait3A_78 = tpu.memref_slice %arg5[%dma_wait3A_77] : memref<10000xf32, #tpu.memory_space<hbm>> -> memref<10000xf32, #tpu.memory_space<hbm>>
      tpu.wait_indirect_dma semaphore(%arg28 : memref<!tpu.dma_semaphore, #tpu.memory_space<semaphore_mem>>) src(%dma_wait3A_78 : memref<10000xf32, #tpu.memory_space<hbm>>) dst(%arg20 : memref<80xf32, #tpu.memory_space<vmem>>)
      %scan3A_79 = arith.constant 0 : i32
      %scan3A_80 = arith.constant 0 : i32
      %scan3A_81 = arith.constant 5 : i32
      %scan3A_82 = arith.addi %scan3A_80, %scan3A_81 : i32
      %scan3A_83 = arith.constant 1 : i32
      %scan3A_84 = scf.for %scan3A_100 = %scan3A_80 to %scan3A_82 step %scan3A_83 iter_args(%scan3A_101 = %scan3A_79) -> (i32)  : i32 {
        %mul3A_102 = arith.constant 16 : i32
        %mul3A_103 = arith.muli %scan3A_100, %mul3A_102 : i32
        %add3A_104 = vector.broadcast %mul3A_103 : i32 to vector<16xi32>
        %add3A_105 = arith.addi %add3A_104, %iota3A : vector<16xi32>
        %broadcast_in_dim3A = arith.constant 129 : i32
        %broadcast_in_dim3A_106 = vector.broadcast %broadcast_in_dim3A : i32 to vector<16xi32>
        %gather3A = tpu.vector_load_idx %arg14[%add3A_105, %broadcast_in_dim3A_106] : memref<80x144xf32, #tpu.memory_space<vmem>>[vector<16xi32>, vector<16xi32>], vector<16xf32>,
        %mul3A_107 = arith.constant 16 : i32
        %mul3A_108 = arith.muli %scan3A_100, %mul3A_107 : i32
        %get3A_109 = arith.index_cast %mul3A_108 : i32 to index
        %get3A_110 = tpu.vector_load %arg20[%get3A_109] {strides = array<i32>} : memref<80xf32, #tpu.memory_space<vmem>>, vector<16xf32>,
        %add3A_111 = arith.addf %gather3A, %get3A_110 : vector<16xf32>
        %ge3A = arith.constant 0.000000e+00 : f32
        %ge3A_112 = vector.broadcast %ge3A : f32 to vector<16xf32>
        %ge3A_113 = arith.cmpf oge, %add3A_111, %ge3A_112 : vector<16xf32>
        %mul3A_114 = arith.constant 2.000000e-01 : f32
        %mul3A_115 = vector.broadcast %mul3A_114 : f32 to vector<16xf32>
        %mul3A_116 = arith.mulf %mul3A_115, %add3A_111 : vector<16xf32>
        %select_n3A = arith.select %ge3A_113, %add3A_111, %mul3A_116 : vector<16xi1>, vector<16xf32>
        %sub3A = arith.subf %select_n3A, %get3A_27 : vector<16xf32>
        %exp3A = math.exp %sub3A : vector<16xf32>
        %mul3A_117 = arith.constant 16 : i32
        %mul3A_118 = arith.muli %scan3A_100, %mul3A_117 : i32
        %swap3A = arith.index_cast %mul3A_118 : i32 to index
        %swap3A_119 = tpu.vector_load %arg17[%swap3A] {strides = array<i32>} : memref<80xf32, #tpu.memory_space<vmem>>, vector<16xf32>,
        tpu.vector_store %arg17[%swap3A], %exp3A {strides = array<i32>} : memref<80xf32, #tpu.memory_space<vmem>>, vector<16xf32>,
        %scan3A_120 = arith.constant 0 : i32
        scf.yield %scan3A_120 : i32
      }
      %scan3A_85 = arith.constant 5 : i32
      %scan3A_86 = arith.constant 0 : i32
      %scan3A_87 = arith.constant 0 : i32
      %scan3A_88 = arith.constant 80 : i32
      %scan3A_89 = arith.addi %scan3A_87, %scan3A_88 : i32
      %scan3A_90 = arith.constant 1 : i32
      %scan3A_91 = scf.for %scan3A_100 = %scan3A_87 to %scan3A_89 step %scan3A_90 iter_args(%scan3A_101 = %scan3A_86) -> (i32)  : i32 {
        %broadcast_in_dim3A = vector.broadcast %scan3A_100 : i32 to vector<16xi32>
        %gather3A = tpu.vector_load_idx %arg17[%broadcast_in_dim3A] : memref<80xf32, #tpu.memory_space<vmem>>[vector<16xi32>], vector<16xf32>,
        %get3A_102 = arith.index_cast %scan3A_100 : i32 to index
        %get3A_103 = arith.constant 0 : index
        %get3A_104 = tpu.vector_load %arg14[%get3A_102, %get3A_103] {strides = array<i32>} : memref<80x144xf32, #tpu.memory_space<vmem>>, vector<16xf32>,
        %mul3A_105 = arith.mulf %get3A_104, %gather3A : vector<16xf32>
        %swap3A = arith.index_cast %scan3A_100 : i32 to index
        %swap3A_106 = arith.constant 0 : index
        %swap3A_107 = tpu.vector_load %arg14[%swap3A, %swap3A_106] {strides = array<i32>} : memref<80x144xf32, #tpu.memory_space<vmem>>, vector<16xf32>,
        tpu.vector_store %arg14[%swap3A, %swap3A_106], %mul3A_105 {strides = array<i32>} : memref<80x144xf32, #tpu.memory_space<vmem>>, vector<16xf32>,
        %get3A_108 = arith.index_cast %scan3A_100 : i32 to index
        %get3A_109 = arith.constant 16 : index
        %get3A_110 = tpu.vector_load %arg14[%get3A_108, %get3A_109] {strides = array<i32>} : memref<80x144xf32, #tpu.memory_space<vmem>>, vector<16xf32>,
        %mul3A_111 = arith.mulf %get3A_110, %gather3A : vector<16xf32>
        %swap3A_112 = arith.index_cast %scan3A_100 : i32 to index
        %swap3A_113 = arith.constant 16 : index
        %swap3A_114 = tpu.vector_load %arg14[%swap3A_112, %swap3A_113] {strides = array<i32>} : memref<80x144xf32, #tpu.memory_space<vmem>>, vector<16xf32>,
        tpu.vector_store %arg14[%swap3A_112, %swap3A_113], %mul3A_111 {strides = array<i32>} : memref<80x144xf32, #tpu.memory_space<vmem>>, vector<16xf32>,
        %get3A_115 = arith.index_cast %scan3A_100 : i32 to index
        %get3A_116 = arith.constant 32 : index
        %get3A_117 = tpu.vector_load %arg14[%get3A_115, %get3A_116] {strides = array<i32>} : memref<80x144xf32, #tpu.memory_space<vmem>>, vector<16xf32>,
        %mul3A_118 = arith.mulf %get3A_117, %gather3A : vector<16xf32>
        %swap3A_119 = arith.index_cast %scan3A_100 : i32 to index
        %swap3A_120 = arith.constant 32 : index
        %swap3A_121 = tpu.vector_load %arg14[%swap3A_119, %swap3A_120] {strides = array<i32>} : memref<80x144xf32, #tpu.memory_space<vmem>>, vector<16xf32>,
        tpu.vector_store %arg14[%swap3A_119, %swap3A_120], %mul3A_118 {strides = array<i32>} : memref<80x144xf32, #tpu.memory_space<vmem>>, vector<16xf32>,
        %get3A_122 = arith.index_cast %scan3A_100 : i32 to index
        %get3A_123 = arith.constant 48 : index
        %get3A_124 = tpu.vector_load %arg14[%get3A_122, %get3A_123] {strides = array<i32>} : memref<80x144xf32, #tpu.memory_space<vmem>>, vector<16xf32>,
        %mul3A_125 = arith.mulf %get3A_124, %gather3A : vector<16xf32>
        %swap3A_126 = arith.index_cast %scan3A_100 : i32 to index
        %swap3A_127 = arith.constant 48 : index
        %swap3A_128 = tpu.vector_load %arg14[%swap3A_126, %swap3A_127] {strides = array<i32>} : memref<80x144xf32, #tpu.memory_space<vmem>>, vector<16xf32>,
        tpu.vector_store %arg14[%swap3A_126, %swap3A_127], %mul3A_125 {strides = array<i32>} : memref<80x144xf32, #tpu.memory_space<vmem>>, vector<16xf32>,
        %get3A_129 = arith.index_cast %scan3A_100 : i32 to index
        %get3A_130 = arith.constant 64 : index
        %get3A_131 = tpu.vector_load %arg14[%get3A_129, %get3A_130] {strides = array<i32>} : memref<80x144xf32, #tpu.memory_space<vmem>>, vector<16xf32>,
        %mul3A_132 = arith.mulf %get3A_131, %gather3A : vector<16xf32>
        %swap3A_133 = arith.index_cast %scan3A_100 : i32 to index
        %swap3A_134 = arith.constant 64 : index
        %swap3A_135 = tpu.vector_load %arg14[%swap3A_133, %swap3A_134] {strides = array<i32>} : memref<80x144xf32, #tpu.memory_space<vmem>>, vector<16xf32>,
        tpu.vector_store %arg14[%swap3A_133, %swap3A_134], %mul3A_132 {strides = array<i32>} : memref<80x144xf32, #tpu.memory_space<vmem>>, vector<16xf32>,
        %get3A_136 = arith.index_cast %scan3A_100 : i32 to index
        %get3A_137 = arith.constant 80 : index
        %get3A_138 = tpu.vector_load %arg14[%get3A_136, %get3A_137] {strides = array<i32>} : memref<80x144xf32, #tpu.memory_space<vmem>>, vector<16xf32>,
        %mul3A_139 = arith.mulf %get3A_138, %gather3A : vector<16xf32>
        %swap3A_140 = arith.index_cast %scan3A_100 : i32 to index
        %swap3A_141 = arith.constant 80 : index
        %swap3A_142 = tpu.vector_load %arg14[%swap3A_140, %swap3A_141] {strides = array<i32>} : memref<80x144xf32, #tpu.memory_space<vmem>>, vector<16xf32>,
        tpu.vector_store %arg14[%swap3A_140, %swap3A_141], %mul3A_139 {strides = array<i32>} : memref<80x144xf32, #tpu.memory_space<vmem>>, vector<16xf32>,
        %get3A_143 = arith.index_cast %scan3A_100 : i32 to index
        %get3A_144 = arith.constant 96 : index
        %get3A_145 = tpu.vector_load %arg14[%get3A_143, %get3A_144] {strides = array<i32>} : memref<80x144xf32, #tpu.memory_space<vmem>>, vector<16xf32>,
        %mul3A_146 = arith.mulf %get3A_145, %gather3A : vector<16xf32>
        %swap3A_147 = arith.index_cast %scan3A_100 : i32 to index
        %swap3A_148 = arith.constant 96 : index
        %swap3A_149 = tpu.vector_load %arg14[%swap3A_147, %swap3A_148] {strides = array<i32>} : memref<80x144xf32, #tpu.memory_space<vmem>>, vector<16xf32>,
        tpu.vector_store %arg14[%swap3A_147, %swap3A_148], %mul3A_146 {strides = array<i32>} : memref<80x144xf32, #tpu.memory_space<vmem>>, vector<16xf32>,
        %get3A_150 = arith.index_cast %scan3A_100 : i32 to index
        %get3A_151 = arith.constant 112 : index
        %get3A_152 = tpu.vector_load %arg14[%get3A_150, %get3A_151] {strides = array<i32>} : memref<80x144xf32, #tpu.memory_space<vmem>>, vector<16xf32>,
        %mul3A_153 = arith.mulf %get3A_152, %gather3A : vector<16xf32>
        %swap3A_154 = arith.index_cast %scan3A_100 : i32 to index
        %swap3A_155 = arith.constant 112 : index
        %swap3A_156 = tpu.vector_load %arg14[%swap3A_154, %swap3A_155] {strides = array<i32>} : memref<80x144xf32, #tpu.memory_space<vmem>>, vector<16xf32>,
        tpu.vector_store %arg14[%swap3A_154, %swap3A_155], %mul3A_153 {strides = array<i32>} : memref<80x144xf32, #tpu.memory_space<vmem>>, vector<16xf32>,
        %get3A_157 = arith.index_cast %scan3A_100 : i32 to index
        %get3A_158 = arith.constant 128 : index
        %get3A_159 = tpu.vector_load %arg14[%get3A_157, %get3A_158] {strides = array<i32>} : memref<80x144xf32, #tpu.memory_space<vmem>>, vector<16xf32>,
        %mul3A_160 = arith.mulf %get3A_159, %gather3A : vector<16xf32>
        %swap3A_161 = arith.index_cast %scan3A_100 : i32 to index
        %swap3A_162 = arith.constant 128 : index
        %swap3A_163 = tpu.vector_load %arg14[%swap3A_161, %swap3A_162] {strides = array<i32>} : memref<80x144xf32, #tpu.memory_space<vmem>>, vector<16xf32>,
        tpu.vector_store %arg14[%swap3A_161, %swap3A_162], %mul3A_160 {strides = array<i32>} : memref<80x144xf32, #tpu.memory_space<vmem>>, vector<16xf32>,
        %scan3A_164 = arith.constant 0 : i32
        scf.yield %scan3A_164 : i32
      }
      %scan3A_92 = arith.constant 80 : i32
      %dma_start3A_93 = arith.constant 0 : i32
      %dma_start3A_94 = arith.constant 0 : i32
      %dma_start3A_95 = tpu.memref_slice %arg24[%dma_start3A_93, %dma_start3A_94] : memref<10240x144xf32, #tpu.memory_space<vmem_shared>> -> memref<10240x144xf32, #tpu.memory_space<vmem_shared>>
      tpu.enqueue_indirect_dma source(%arg14 : memref<80x144xf32, #tpu.memory_space<vmem>>) target(%dma_start3A_95 : memref<10240x144xf32, #tpu.memory_space<vmem_shared>>) offsets(%arg11 : memref<80xi32, #tpu.memory_space<vmem>>) semaphore(%arg31 : memref<!tpu.dma_semaphore, #tpu.memory_space<semaphore_mem>>) {add = true}
      %dma_wait3A_96 = arith.constant 0 : i32
      %dma_wait3A_97 = arith.constant 0 : i32
      %dma_wait3A_98 = tpu.memref_slice %arg24[%dma_wait3A_96, %dma_wait3A_97] : memref<10240x144xf32, #tpu.memory_space<vmem_shared>> -> memref<10240x144xf32, #tpu.memory_space<vmem_shared>>
      tpu.wait_indirect_dma semaphore(%arg31 : memref<!tpu.dma_semaphore, #tpu.memory_space<semaphore_mem>>) src(%arg14 : memref<80x144xf32, #tpu.memory_space<vmem>>) dst(%dma_wait3A_98 : memref<10240x144xf32, #tpu.memory_space<vmem_shared>>)
      %scan3A_99 = arith.constant 0 : i32
      scf.yield %scan3A_99 : i32
    }
    %scan3A_61 = arith.constant 2 : i32
    %barrier3A_62 = arith.constant 0 : index
    tpu.barrier barrier_id(%barrier3A_62)
    "tpu.region"() ({
      %run_scoped3A = tpu.sem_alloc : memref<!tpu.dma_semaphore, #tpu.memory_space<semaphore_mem>>
      %dma_start3A_63 = arith.constant 0 : i32
      %dma_start3A_64 = tpu.memref_slice %arg7[%arg0, %mul3A_2, %dma_start3A_63] : memref<2x10240x144xf32, #tpu.memory_space<hbm>> -> memref<1x640x144xf32, #tpu.memory_space<hbm>>
      %dma_start3A_65 = tpu.memref_squeeze %dma_start3A_64 : memref<1x640x144xf32, #tpu.memory_space<hbm>> -> memref<640x144xf32, #tpu.memory_space<hbm>>
      %dma_start3A_66 = arith.constant 0 : i32
      %dma_start3A_67 = tpu.memref_slice %arg24[%mul3A_2, %dma_start3A_66] : memref<10240x144xf32, #tpu.memory_space<vmem_shared>> -> memref<640x144xf32, #tpu.memory_space<vmem_shared>>
      tpu.enqueue_dma source(%dma_start3A_67 : memref<640x144xf32, #tpu.memory_space<vmem_shared>>) target(%dma_start3A_65 : memref<640x144xf32, #tpu.memory_space<hbm>>) target_semaphore(%run_scoped3A : memref<!tpu.dma_semaphore, #tpu.memory_space<semaphore_mem>>)
      %dma_wait3A = arith.constant 0 : i32
      %dma_wait3A_68 = tpu.memref_slice %arg7[%arg0, %mul3A_2, %dma_wait3A] : memref<2x10240x144xf32, #tpu.memory_space<hbm>> -> memref<1x640x144xf32, #tpu.memory_space<hbm>>
      %dma_wait3A_69 = tpu.memref_squeeze %dma_wait3A_68 : memref<1x640x144xf32, #tpu.memory_space<hbm>> -> memref<640x144xf32, #tpu.memory_space<hbm>>
      %dma_wait3A_70 = arith.constant 0 : i32
      %dma_wait3A_71 = tpu.memref_slice %arg24[%mul3A_2, %dma_wait3A_70] : memref<10240x144xf32, #tpu.memory_space<vmem_shared>> -> memref<640x144xf32, #tpu.memory_space<vmem_shared>>
      tpu.wait_dma2 semaphore(%run_scoped3A : memref<!tpu.dma_semaphore, #tpu.memory_space<semaphore_mem>>) src(%dma_wait3A_71 : memref<640x144xf32, #tpu.memory_space<vmem_shared>>) dst(%dma_wait3A_69 : memref<640x144xf32, #tpu.memory_space<hbm>>)
      tpu.yield
    }) : () -> ()
    return
  }
}

module attributes {stable_mosaic.version = 14 : i64} {
  func.func @_tc_embed_body(%arg0: i32, %arg1: memref<2000x128xf32, #tpu.memory_space<vmem>>, %arg2: memref<128x144xf32, #tpu.memory_space<vmem>>, %arg3: memref<128x1xf32, #tpu.memory_space<vmem>>, %arg4: memref<128x1xf32, #tpu.memory_space<vmem>>, %arg5: memref<2000x144xf32, #tpu.memory_space<vmem>>, %arg6: memref<2000x1xf32, #tpu.memory_space<vmem>>, %arg7: memref<2000x1xf32, #tpu.memory_space<vmem>>, %arg8: memref<1x2xf32, #tpu.memory_space<vmem>>) attributes {dimension_semantics = [#tpu.dimension_semantics<arbitrary>], iteration_bounds = array<i64: 5>, scalar_prefetch = 0 : i64, scratch_operands = 0 : i64, tpu.core_type = #tpu.core_type<tc>, window_params = [{transform_indices = @transform_0, window_bounds = array<i64: 2000, 128>}, {pipeline_mode = #tpu.pipeline_mode<synchronous>, transform_indices = @transform_1, window_bounds = array<i64: 128, 144>}, {pipeline_mode = #tpu.pipeline_mode<synchronous>, transform_indices = @transform_2, window_bounds = array<i64: 128, 1>}, {pipeline_mode = #tpu.pipeline_mode<synchronous>, transform_indices = @transform_3, window_bounds = array<i64: 128, 1>}, {transform_indices = @transform_4, window_bounds = array<i64: 2000, 144>}, {transform_indices = @transform_5, window_bounds = array<i64: 2000, 1>}, {transform_indices = @transform_6, window_bounds = array<i64: 2000, 1>}, {pipeline_mode = #tpu.pipeline_mode<synchronous>, transform_indices = @transform_7, window_bounds = array<i64: 1, 2>}]} {
    %get3A = arith.constant 0 : index
    %get3A_0 = arith.constant 0 : index
    %get3A_1 = vector.load %arg1[%get3A, %get3A_0] : memref<2000x128xf32, #tpu.memory_space<vmem>>, vector<2000x128xf32>
    %get3A_2 = arith.constant 0 : index
    %get3A_3 = arith.constant 0 : index
    %get3A_4 = vector.load %arg2[%get3A_2, %get3A_3] : memref<128x144xf32, #tpu.memory_space<vmem>>, vector<128x144xf32>
    %dot_general3A = arith.constant dense<0.000000e+00> : vector<2000x144xf32>
    %dot_general3A_5 = tpu.matmul %get3A_1, %get3A_4, %dot_general3A {dimension_numbers = #tpu.dot_dimension_numbers<[1], [0], [0], [1], [0, 0, 1, 1], [], []>, transpose_lhs_hint = false} : vector<2000x128xf32>, vector<128x144xf32>, vector<2000x144xf32> -> vector<2000x144xf32>
    %iota3A = tpu.iota {dimensions = array<i32: 1>} : vector<2000x144xi32>
    %slice3A = vector.extract_strided_slice %dot_general3A_5 {offsets = [0, 0], sizes = [2000, 128], strides = [1, 1]} : vector<2000x144xf32> to vector<2000x128xf32>
    %get3A_6 = arith.constant 0 : index
    %get3A_7 = arith.constant 0 : index
    %get3A_8 = vector.load %arg3[%get3A_6, %get3A_7] : memref<128x1xf32, #tpu.memory_space<vmem>>, vector<128x1xf32>
    %dot_general3A_9 = arith.constant dense<0.000000e+00> : vector<2000x1xf32>
    %dot_general3A_10 = tpu.matmul %slice3A, %get3A_8, %dot_general3A_9 {dimension_numbers = #tpu.dot_dimension_numbers<[1], [0], [0], [1], [0, 0, 1, 1], [], []>, transpose_lhs_hint = false} : vector<2000x128xf32>, vector<128x1xf32>, vector<2000x1xf32> -> vector<2000x1xf32>
    %slice3A_11 = vector.extract_strided_slice %dot_general3A_5 {offsets = [0, 0], sizes = [2000, 128], strides = [1, 1]} : vector<2000x144xf32> to vector<2000x128xf32>
    %get3A_12 = arith.constant 0 : index
    %get3A_13 = arith.constant 0 : index
    %get3A_14 = vector.load %arg4[%get3A_12, %get3A_13] : memref<128x1xf32, #tpu.memory_space<vmem>>, vector<128x1xf32>
    %dot_general3A_15 = arith.constant dense<0.000000e+00> : vector<2000x1xf32>
    %dot_general3A_16 = tpu.matmul %slice3A_11, %get3A_14, %dot_general3A_15 {dimension_numbers = #tpu.dot_dimension_numbers<[1], [0], [0], [1], [0, 0, 1, 1], [], []>, transpose_lhs_hint = false} : vector<2000x128xf32>, vector<128x1xf32>, vector<2000x1xf32> -> vector<2000x1xf32>
    %eq3A = arith.constant 128 : i32
    %eq3A_17 = vector.broadcast %eq3A : i32 to vector<2000x144xi32>
    %eq3A_18 = arith.cmpi eq, %iota3A, %eq3A_17 : vector<2000x144xi32>
    %jit3A = arith.constant 1.000000e+00 : f32
    %jit3A_19 = arith.constant 0.000000e+00 : f32
    %broadcast_in_dim3A = vector.broadcast %jit3A : f32 to vector<2000x144xf32>
    %broadcast_in_dim3A_20 = vector.broadcast %jit3A_19 : f32 to vector<2000x144xf32>
    %select_n3A = arith.select %eq3A_18, %broadcast_in_dim3A, %broadcast_in_dim3A_20 : vector<2000x144xi1>, vector<2000x144xf32>
    %add3A = arith.addf %dot_general3A_5, %select_n3A : vector<2000x144xf32>
    %eq3A_21 = arith.constant 129 : i32
    %eq3A_22 = vector.broadcast %eq3A_21 : i32 to vector<2000x144xi32>
    %eq3A_23 = arith.cmpi eq, %iota3A, %eq3A_22 : vector<2000x144xi32>
    %jit3A_24 = arith.constant 1.000000e+00 : f32
    %jit3A_25 = arith.constant 0.000000e+00 : f32
    %broadcast_in_dim3A_26 = vector.broadcast %jit3A_24 : f32 to vector<2000x144xf32>
    %broadcast_in_dim3A_27 = vector.broadcast %jit3A_25 : f32 to vector<2000x144xf32>
    %select_n3A_28 = arith.select %eq3A_23, %broadcast_in_dim3A_26, %broadcast_in_dim3A_27 : vector<2000x144xi1>, vector<2000x144xf32>
    %mul3A = vector.broadcast %dot_general3A_10 : vector<2000x1xf32> to vector<2000x144xf32>
    %mul3A_29 = arith.mulf %mul3A, %select_n3A_28 : vector<2000x144xf32>
    %add3A_30 = arith.addf %add3A, %mul3A_29 : vector<2000x144xf32>
    %swap3A = arith.constant 0 : index
    %swap3A_31 = arith.constant 0 : index
    %swap3A_32 = vector.load %arg5[%swap3A, %swap3A_31] : memref<2000x144xf32, #tpu.memory_space<vmem>>, vector<2000x144xf32>
    tpu.vector_store %arg5[%swap3A, %swap3A_31], %add3A_30 {strides = array<i32>} : memref<2000x144xf32, #tpu.memory_space<vmem>>, vector<2000x144xf32>,
    %swap3A_33 = arith.constant 0 : index
    %swap3A_34 = arith.constant 0 : index
    %swap3A_35 = vector.load %arg6[%swap3A_33, %swap3A_34] : memref<2000x1xf32, #tpu.memory_space<vmem>>, vector<2000x1xf32>
    tpu.vector_store %arg6[%swap3A_33, %swap3A_34], %dot_general3A_10 {strides = array<i32>} : memref<2000x1xf32, #tpu.memory_space<vmem>>, vector<2000x1xf32>,
    %swap3A_36 = arith.constant 0 : index
    %swap3A_37 = arith.constant 0 : index
    %swap3A_38 = vector.load %arg7[%swap3A_36, %swap3A_37] : memref<2000x1xf32, #tpu.memory_space<vmem>>, vector<2000x1xf32>
    tpu.vector_store %arg7[%swap3A_36, %swap3A_37], %dot_general3A_16 {strides = array<i32>} : memref<2000x1xf32, #tpu.memory_space<vmem>>, vector<2000x1xf32>,
    %reduce_max3A = vector.shape_cast %dot_general3A_10 : vector<2000x1xf32> to vector<1x2000x1xf32>
    %reduce_max3A_39 = arith.constant dense<0xFF800000> : vector<1xf32>
    %reduce_max3A_40 = vector.multi_reduction <maximumf>, %reduce_max3A, %reduce_max3A_39 [1, 2] : vector<1x2000x1xf32> to vector<1xf32>
    %reduce_max3A_41 = vector.shape_cast %reduce_max3A_40 : vector<1xf32> to vector<1x1x1xf32>
    %reduce_max3A_42 = vector.extract %reduce_max3A_41[0, 0, 0] : f32 from vector<1x1x1xf32>
    %broadcast_in_dim3A_43 = vector.broadcast %reduce_max3A_42 : f32 to vector<1x1xf32>
    %reduce_max3A_44 = vector.shape_cast %dot_general3A_16 : vector<2000x1xf32> to vector<1x2000x1xf32>
    %reduce_max3A_45 = arith.constant dense<0xFF800000> : vector<1xf32>
    %reduce_max3A_46 = vector.multi_reduction <maximumf>, %reduce_max3A_44, %reduce_max3A_45 [1, 2] : vector<1x2000x1xf32> to vector<1xf32>
    %reduce_max3A_47 = vector.shape_cast %reduce_max3A_46 : vector<1xf32> to vector<1x1x1xf32>
    %reduce_max3A_48 = vector.extract %reduce_max3A_47[0, 0, 0] : f32 from vector<1x1x1xf32>
    %broadcast_in_dim3A_49 = vector.broadcast %reduce_max3A_48 : f32 to vector<1x1xf32>
    %concatenate3A = tpu.concatenate %broadcast_in_dim3A_43, %broadcast_in_dim3A_49 in 1 : vector<1x1xf32>, vector<1x1xf32> -> vector<1x2xf32>
    %eq3A_50 = arith.constant 0 : i32
    %eq3A_51 = arith.cmpi eq, %arg0, %eq3A_50 : i32
    %convert_element_type3A = arith.extui %eq3A_51 : i1 to i32
    %cond3A = arith.constant 0 : i32
    %cond3A_52 = arith.cmpi ne, %convert_element_type3A, %cond3A : i32
    scf.if %cond3A_52 {
      %swap3A_57 = arith.constant 0 : index
      %swap3A_58 = arith.constant 0 : index
      %swap3A_59 = vector.load %arg8[%swap3A_57, %swap3A_58] : memref<1x2xf32, #tpu.memory_space<vmem>>, vector<1x2xf32>
      tpu.vector_store %arg8[%swap3A_57, %swap3A_58], %concatenate3A {strides = array<i32>} : memref<1x2xf32, #tpu.memory_space<vmem>>, vector<1x2xf32>,
    } else {
    }
    %ne3A = arith.constant 0 : i32
    %ne3A_53 = arith.cmpi ne, %arg0, %ne3A : i32
    %convert_element_type3A_54 = arith.extui %ne3A_53 : i1 to i32
    %cond3A_55 = arith.constant 0 : i32
    %cond3A_56 = arith.cmpi ne, %convert_element_type3A_54, %cond3A_55 : i32
    scf.if %cond3A_56 {
      %get3A_57 = arith.constant 0 : index
      %get3A_58 = arith.constant 0 : index
      %get3A_59 = vector.load %arg8[%get3A_57, %get3A_58] : memref<1x2xf32, #tpu.memory_space<vmem>>, vector<1x2xf32>
      %max3A = arith.maximumf %get3A_59, %concatenate3A : vector<1x2xf32>
      %swap3A_60 = arith.constant 0 : index
      %swap3A_61 = arith.constant 0 : index
      %swap3A_62 = vector.load %arg8[%swap3A_60, %swap3A_61] : memref<1x2xf32, #tpu.memory_space<vmem>>, vector<1x2xf32>
      tpu.vector_store %arg8[%swap3A_60, %swap3A_61], %max3A {strides = array<i32>} : memref<1x2xf32, #tpu.memory_space<vmem>>, vector<1x2xf32>,
    } else {
    }
    return
  }
  func.func @transform_0(%arg0: i32) -> (i32, i32) {
    %c0_i32 = arith.constant 0 : i32
    %c0_i32_0 = arith.constant 0 : i32
    return %arg0, %c0_i32 : i32, i32
  }
  func.func @transform_1(%arg0: i32) -> (i32, i32) {
    %c0_i32 = arith.constant 0 : i32
    %c0_i32_0 = arith.constant 0 : i32
    %c0_i32_1 = arith.constant 0 : i32
    return %c0_i32, %c0_i32_0 : i32, i32
  }
  func.func @transform_2(%arg0: i32) -> (i32, i32) {
    %c0_i32 = arith.constant 0 : i32
    %c0_i32_0 = arith.constant 0 : i32
    %c0_i32_1 = arith.constant 0 : i32
    return %c0_i32, %c0_i32_0 : i32, i32
  }
  func.func @transform_3(%arg0: i32) -> (i32, i32) {
    %c0_i32 = arith.constant 0 : i32
    %c0_i32_0 = arith.constant 0 : i32
    %c0_i32_1 = arith.constant 0 : i32
    return %c0_i32, %c0_i32_0 : i32, i32
  }
  func.func @transform_4(%arg0: i32) -> (i32, i32) {
    %c0_i32 = arith.constant 0 : i32
    %c0_i32_0 = arith.constant 0 : i32
    return %arg0, %c0_i32 : i32, i32
  }
  func.func @transform_5(%arg0: i32) -> (i32, i32) {
    %c0_i32 = arith.constant 0 : i32
    %c0_i32_0 = arith.constant 0 : i32
    return %arg0, %c0_i32 : i32, i32
  }
  func.func @transform_6(%arg0: i32) -> (i32, i32) {
    %c0_i32 = arith.constant 0 : i32
    %c0_i32_0 = arith.constant 0 : i32
    return %arg0, %c0_i32 : i32, i32
  }
  func.func @transform_7(%arg0: i32) -> (i32, i32) {
    %c0_i32 = arith.constant 0 : i32
    %c0_i32_0 = arith.constant 0 : i32
    %c0_i32_1 = arith.constant 0 : i32
    return %c0_i32, %c0_i32_0 : i32, i32
  }
}

module attributes {stable_mosaic.version = 14 : i64} {
  func.func @_tc_combine_body(%arg0: i32, %arg1: memref<2x2000x144xf32, #tpu.memory_space<vmem>>, %arg2: memref<2000x144xf32, #tpu.memory_space<vmem>>, %arg3: memref<2000x1xf32, #tpu.memory_space<vmem>>, %arg4: memref<2000x1xf32, #tpu.memory_space<vmem>>, %arg5: memref<1x1xf32, #tpu.memory_space<vmem>>, %arg6: memref<1x128xf32, #tpu.memory_space<vmem>>, %arg7: memref<128x144xf32, #tpu.memory_space<vmem>>, %arg8: memref<128x1xf32, #tpu.memory_space<vmem>>, %arg9: memref<128x1xf32, #tpu.memory_space<vmem>>, %arg10: memref<2000x144xf32, #tpu.memory_space<vmem>>, %arg11: memref<2000x1xf32, #tpu.memory_space<vmem>>, %arg12: memref<2000x1xf32, #tpu.memory_space<vmem>>, %arg13: memref<1x2xf32, #tpu.memory_space<vmem>>) attributes {dimension_semantics = [#tpu.dimension_semantics<arbitrary>], iteration_bounds = array<i64: 5>, scalar_prefetch = 0 : i64, scratch_operands = 0 : i64, tpu.core_type = #tpu.core_type<tc>, window_params = [{transform_indices = @transform_0, window_bounds = array<i64: 2, 2000, 144>}, {transform_indices = @transform_1, window_bounds = array<i64: 2000, 144>}, {transform_indices = @transform_2, window_bounds = array<i64: 2000, 1>}, {transform_indices = @transform_3, window_bounds = array<i64: 2000, 1>}, {pipeline_mode = #tpu.pipeline_mode<synchronous>, transform_indices = @transform_4, window_bounds = array<i64: 1, 1>}, {pipeline_mode = #tpu.pipeline_mode<synchronous>, transform_indices = @transform_5, window_bounds = array<i64: 1, 128>}, {pipeline_mode = #tpu.pipeline_mode<synchronous>, transform_indices = @transform_6, window_bounds = array<i64: 128, 144>}, {pipeline_mode = #tpu.pipeline_mode<synchronous>, transform_indices = @transform_7, window_bounds = array<i64: 128, 1>}, {pipeline_mode = #tpu.pipeline_mode<synchronous>, transform_indices = @transform_8, window_bounds = array<i64: 128, 1>}, {transform_indices = @transform_9, window_bounds = array<i64: 2000, 144>}, {transform_indices = @transform_10, window_bounds = array<i64: 2000, 1>}, {transform_indices = @transform_11, window_bounds = array<i64: 2000, 1>}, {pipeline_mode = #tpu.pipeline_mode<synchronous>, transform_indices = @transform_12, window_bounds = array<i64: 1, 2>}]} {
    %get3A = arith.constant 0 : index
    %get3A_0 = arith.constant 0 : index
    %get3A_1 = arith.constant 0 : index
    %get3A_2 = vector.load %arg1[%get3A, %get3A_0, %get3A_1] : memref<2x2000x144xf32, #tpu.memory_space<vmem>>, vector<1x2000x144xf32>
    %get3A_3 = vector.shape_cast %get3A_2 : vector<1x2000x144xf32> to vector<2000x144xf32>
    %get3A_4 = arith.constant 1 : index
    %get3A_5 = arith.constant 0 : index
    %get3A_6 = arith.constant 0 : index
    %get3A_7 = vector.load %arg1[%get3A_4, %get3A_5, %get3A_6] : memref<2x2000x144xf32, #tpu.memory_space<vmem>>, vector<1x2000x144xf32>
    %get3A_8 = vector.shape_cast %get3A_7 : vector<1x2000x144xf32> to vector<2000x144xf32>
    %add3A = arith.addf %get3A_3, %get3A_8 : vector<2000x144xf32>
    %get3A_9 = arith.constant 0 : index
    %get3A_10 = arith.constant 0 : index
    %get3A_11 = vector.load %arg3[%get3A_9, %get3A_10] : memref<2000x1xf32, #tpu.memory_space<vmem>>, vector<2000x1xf32>
    %get3A_12 = arith.constant 0 : index
    %get3A_13 = arith.constant 0 : index
    %get3A_14 = vector.load %arg4[%get3A_12, %get3A_13] : memref<2000x1xf32, #tpu.memory_space<vmem>>, vector<2000x1xf32>
    %add3A_15 = arith.addf %get3A_11, %get3A_14 : vector<2000x1xf32>
    %ge3A = arith.constant 0.000000e+00 : f32
    %ge3A_16 = vector.broadcast %ge3A : f32 to vector<2000x1xf32>
    %ge3A_17 = arith.cmpf oge, %add3A_15, %ge3A_16 : vector<2000x1xf32>
    %mul3A = arith.constant 2.000000e-01 : f32
    %mul3A_18 = vector.broadcast %mul3A : f32 to vector<2000x1xf32>
    %mul3A_19 = arith.mulf %mul3A_18, %add3A_15 : vector<2000x1xf32>
    %select_n3A = arith.select %ge3A_17, %add3A_15, %mul3A_19 : vector<2000x1xi1>, vector<2000x1xf32>
    %get3A_20 = arith.constant 0 : index
    %get3A_21 = arith.constant 0 : index
    %get3A_22 = vector.load %arg5[%get3A_20, %get3A_21] : memref<1x1xf32, #tpu.memory_space<vmem>>, vector<1x1xf32>
    %get3A_23 = vector.extract %get3A_22[0, 0] : f32 from vector<1x1xf32>
    %sub3A = vector.broadcast %get3A_23 : f32 to vector<2000x1xf32>
    %sub3A_24 = arith.subf %select_n3A, %sub3A : vector<2000x1xf32>
    %exp3A = math.exp %sub3A_24 : vector<2000x1xf32>
    %get3A_25 = arith.constant 0 : index
    %get3A_26 = arith.constant 0 : index
    %get3A_27 = vector.load %arg2[%get3A_25, %get3A_26] : memref<2000x144xf32, #tpu.memory_space<vmem>>, vector<2000x144xf32>
    %mul3A_28 = vector.broadcast %exp3A : vector<2000x1xf32> to vector<2000x144xf32>
    %mul3A_29 = arith.mulf %mul3A_28, %get3A_27 : vector<2000x144xf32>
    %add3A_30 = arith.addf %add3A, %mul3A_29 : vector<2000x144xf32>
    %slice3A = vector.extract_strided_slice %add3A_30 {offsets = [0, 0], sizes = [2000, 128], strides = [1, 1]} : vector<2000x144xf32> to vector<2000x128xf32>
    %slice3A_31 = vector.extract_strided_slice %add3A_30 {offsets = [0, 128], sizes = [2000, 1], strides = [1, 1]} : vector<2000x144xf32> to vector<2000x1xf32>
    %add3A_32 = arith.constant 1.000000e-16 : f32
    %add3A_33 = vector.broadcast %add3A_32 : f32 to vector<2000x1xf32>
    %add3A_34 = arith.addf %slice3A_31, %add3A_33 : vector<2000x1xf32>
    %div3A = vector.broadcast %add3A_34 : vector<2000x1xf32> to vector<2000x128xf32>
    %div3A_35 = arith.divf %slice3A, %div3A : vector<2000x128xf32>
    %get3A_36 = arith.constant 0 : index
    %get3A_37 = arith.constant 0 : index
    %get3A_38 = vector.load %arg6[%get3A_36, %get3A_37] : memref<1x128xf32, #tpu.memory_space<vmem>>, vector<1x128xf32>
    %add3A_39 = vector.broadcast %get3A_38 : vector<1x128xf32> to vector<2000x128xf32>
    %add3A_40 = arith.addf %div3A_35, %add3A_39 : vector<2000x128xf32>
    %max3A = arith.constant 0.000000e+00 : f32
    %max3A_41 = vector.broadcast %max3A : f32 to vector<2000x128xf32>
    %max3A_42 = arith.maximumf %add3A_40, %max3A_41 : vector<2000x128xf32>
    %get3A_43 = arith.constant 0 : index
    %get3A_44 = arith.constant 0 : index
    %get3A_45 = vector.load %arg7[%get3A_43, %get3A_44] : memref<128x144xf32, #tpu.memory_space<vmem>>, vector<128x144xf32>
    %dot_general3A = arith.constant dense<0.000000e+00> : vector<2000x144xf32>
    %dot_general3A_46 = tpu.matmul %max3A_42, %get3A_45, %dot_general3A {dimension_numbers = #tpu.dot_dimension_numbers<[1], [0], [0], [1], [0, 0, 1, 1], [], []>, transpose_lhs_hint = false} : vector<2000x128xf32>, vector<128x144xf32>, vector<2000x144xf32> -> vector<2000x144xf32>
    %iota3A = tpu.iota {dimensions = array<i32: 1>} : vector<2000x144xi32>
    %slice3A_47 = vector.extract_strided_slice %dot_general3A_46 {offsets = [0, 0], sizes = [2000, 128], strides = [1, 1]} : vector<2000x144xf32> to vector<2000x128xf32>
    %get3A_48 = arith.constant 0 : index
    %get3A_49 = arith.constant 0 : index
    %get3A_50 = vector.load %arg8[%get3A_48, %get3A_49] : memref<128x1xf32, #tpu.memory_space<vmem>>, vector<128x1xf32>
    %dot_general3A_51 = arith.constant dense<0.000000e+00> : vector<2000x1xf32>
    %dot_general3A_52 = tpu.matmul %slice3A_47, %get3A_50, %dot_general3A_51 {dimension_numbers = #tpu.dot_dimension_numbers<[1], [0], [0], [1], [0, 0, 1, 1], [], []>, transpose_lhs_hint = false} : vector<2000x128xf32>, vector<128x1xf32>, vector<2000x1xf32> -> vector<2000x1xf32>
    %slice3A_53 = vector.extract_strided_slice %dot_general3A_46 {offsets = [0, 0], sizes = [2000, 128], strides = [1, 1]} : vector<2000x144xf32> to vector<2000x128xf32>
    %get3A_54 = arith.constant 0 : index
    %get3A_55 = arith.constant 0 : index
    %get3A_56 = vector.load %arg9[%get3A_54, %get3A_55] : memref<128x1xf32, #tpu.memory_space<vmem>>, vector<128x1xf32>
    %dot_general3A_57 = arith.constant dense<0.000000e+00> : vector<2000x1xf32>
    %dot_general3A_58 = tpu.matmul %slice3A_53, %get3A_56, %dot_general3A_57 {dimension_numbers = #tpu.dot_dimension_numbers<[1], [0], [0], [1], [0, 0, 1, 1], [], []>, transpose_lhs_hint = false} : vector<2000x128xf32>, vector<128x1xf32>, vector<2000x1xf32> -> vector<2000x1xf32>
    %eq3A = arith.constant 128 : i32
    %eq3A_59 = vector.broadcast %eq3A : i32 to vector<2000x144xi32>
    %eq3A_60 = arith.cmpi eq, %iota3A, %eq3A_59 : vector<2000x144xi32>
    %jit3A = arith.constant 1.000000e+00 : f32
    %jit3A_61 = arith.constant 0.000000e+00 : f32
    %broadcast_in_dim3A = vector.broadcast %jit3A : f32 to vector<2000x144xf32>
    %broadcast_in_dim3A_62 = vector.broadcast %jit3A_61 : f32 to vector<2000x144xf32>
    %select_n3A_63 = arith.select %eq3A_60, %broadcast_in_dim3A, %broadcast_in_dim3A_62 : vector<2000x144xi1>, vector<2000x144xf32>
    %add3A_64 = arith.addf %dot_general3A_46, %select_n3A_63 : vector<2000x144xf32>
    %eq3A_65 = arith.constant 129 : i32
    %eq3A_66 = vector.broadcast %eq3A_65 : i32 to vector<2000x144xi32>
    %eq3A_67 = arith.cmpi eq, %iota3A, %eq3A_66 : vector<2000x144xi32>
    %jit3A_68 = arith.constant 1.000000e+00 : f32
    %jit3A_69 = arith.constant 0.000000e+00 : f32
    %broadcast_in_dim3A_70 = vector.broadcast %jit3A_68 : f32 to vector<2000x144xf32>
    %broadcast_in_dim3A_71 = vector.broadcast %jit3A_69 : f32 to vector<2000x144xf32>
    %select_n3A_72 = arith.select %eq3A_67, %broadcast_in_dim3A_70, %broadcast_in_dim3A_71 : vector<2000x144xi1>, vector<2000x144xf32>
    %mul3A_73 = vector.broadcast %dot_general3A_52 : vector<2000x1xf32> to vector<2000x144xf32>
    %mul3A_74 = arith.mulf %mul3A_73, %select_n3A_72 : vector<2000x144xf32>
    %add3A_75 = arith.addf %add3A_64, %mul3A_74 : vector<2000x144xf32>
    %swap3A = arith.constant 0 : index
    %swap3A_76 = arith.constant 0 : index
    %swap3A_77 = vector.load %arg10[%swap3A, %swap3A_76] : memref<2000x144xf32, #tpu.memory_space<vmem>>, vector<2000x144xf32>
    tpu.vector_store %arg10[%swap3A, %swap3A_76], %add3A_75 {strides = array<i32>} : memref<2000x144xf32, #tpu.memory_space<vmem>>, vector<2000x144xf32>,
    %swap3A_78 = arith.constant 0 : index
    %swap3A_79 = arith.constant 0 : index
    %swap3A_80 = vector.load %arg11[%swap3A_78, %swap3A_79] : memref<2000x1xf32, #tpu.memory_space<vmem>>, vector<2000x1xf32>
    tpu.vector_store %arg11[%swap3A_78, %swap3A_79], %dot_general3A_52 {strides = array<i32>} : memref<2000x1xf32, #tpu.memory_space<vmem>>, vector<2000x1xf32>,
    %swap3A_81 = arith.constant 0 : index
    %swap3A_82 = arith.constant 0 : index
    %swap3A_83 = vector.load %arg12[%swap3A_81, %swap3A_82] : memref<2000x1xf32, #tpu.memory_space<vmem>>, vector<2000x1xf32>
    tpu.vector_store %arg12[%swap3A_81, %swap3A_82], %dot_general3A_58 {strides = array<i32>} : memref<2000x1xf32, #tpu.memory_space<vmem>>, vector<2000x1xf32>,
    %reduce_max3A = vector.shape_cast %dot_general3A_52 : vector<2000x1xf32> to vector<1x2000x1xf32>
    %reduce_max3A_84 = arith.constant dense<0xFF800000> : vector<1xf32>
    %reduce_max3A_85 = vector.multi_reduction <maximumf>, %reduce_max3A, %reduce_max3A_84 [1, 2] : vector<1x2000x1xf32> to vector<1xf32>
    %reduce_max3A_86 = vector.shape_cast %reduce_max3A_85 : vector<1xf32> to vector<1x1x1xf32>
    %reduce_max3A_87 = vector.extract %reduce_max3A_86[0, 0, 0] : f32 from vector<1x1x1xf32>
    %broadcast_in_dim3A_88 = vector.broadcast %reduce_max3A_87 : f32 to vector<1x1xf32>
    %reduce_max3A_89 = vector.shape_cast %dot_general3A_58 : vector<2000x1xf32> to vector<1x2000x1xf32>
    %reduce_max3A_90 = arith.constant dense<0xFF800000> : vector<1xf32>
    %reduce_max3A_91 = vector.multi_reduction <maximumf>, %reduce_max3A_89, %reduce_max3A_90 [1, 2] : vector<1x2000x1xf32> to vector<1xf32>
    %reduce_max3A_92 = vector.shape_cast %reduce_max3A_91 : vector<1xf32> to vector<1x1x1xf32>
    %reduce_max3A_93 = vector.extract %reduce_max3A_92[0, 0, 0] : f32 from vector<1x1x1xf32>
    %broadcast_in_dim3A_94 = vector.broadcast %reduce_max3A_93 : f32 to vector<1x1xf32>
    %concatenate3A = tpu.concatenate %broadcast_in_dim3A_88, %broadcast_in_dim3A_94 in 1 : vector<1x1xf32>, vector<1x1xf32> -> vector<1x2xf32>
    %eq3A_95 = arith.constant 0 : i32
    %eq3A_96 = arith.cmpi eq, %arg0, %eq3A_95 : i32
    %convert_element_type3A = arith.extui %eq3A_96 : i1 to i32
    %cond3A = arith.constant 0 : i32
    %cond3A_97 = arith.cmpi ne, %convert_element_type3A, %cond3A : i32
    scf.if %cond3A_97 {
      %swap3A_102 = arith.constant 0 : index
      %swap3A_103 = arith.constant 0 : index
      %swap3A_104 = vector.load %arg13[%swap3A_102, %swap3A_103] : memref<1x2xf32, #tpu.memory_space<vmem>>, vector<1x2xf32>
      tpu.vector_store %arg13[%swap3A_102, %swap3A_103], %concatenate3A {strides = array<i32>} : memref<1x2xf32, #tpu.memory_space<vmem>>, vector<1x2xf32>,
    } else {
    }
    %ne3A = arith.constant 0 : i32
    %ne3A_98 = arith.cmpi ne, %arg0, %ne3A : i32
    %convert_element_type3A_99 = arith.extui %ne3A_98 : i1 to i32
    %cond3A_100 = arith.constant 0 : i32
    %cond3A_101 = arith.cmpi ne, %convert_element_type3A_99, %cond3A_100 : i32
    scf.if %cond3A_101 {
      %get3A_102 = arith.constant 0 : index
      %get3A_103 = arith.constant 0 : index
      %get3A_104 = vector.load %arg13[%get3A_102, %get3A_103] : memref<1x2xf32, #tpu.memory_space<vmem>>, vector<1x2xf32>
      %max3A_105 = arith.maximumf %get3A_104, %concatenate3A : vector<1x2xf32>
      %swap3A_106 = arith.constant 0 : index
      %swap3A_107 = arith.constant 0 : index
      %swap3A_108 = vector.load %arg13[%swap3A_106, %swap3A_107] : memref<1x2xf32, #tpu.memory_space<vmem>>, vector<1x2xf32>
      tpu.vector_store %arg13[%swap3A_106, %swap3A_107], %max3A_105 {strides = array<i32>} : memref<1x2xf32, #tpu.memory_space<vmem>>, vector<1x2xf32>,
    } else {
    }
    return
  }
  func.func @transform_0(%arg0: i32) -> (i32, i32, i32) {
    %c0_i32 = arith.constant 0 : i32
    %c0_i32_0 = arith.constant 0 : i32
    %c0_i32_1 = arith.constant 0 : i32
    return %c0_i32, %arg0, %c0_i32_0 : i32, i32, i32
  }
  func.func @transform_1(%arg0: i32) -> (i32, i32) {
    %c0_i32 = arith.constant 0 : i32
    %c0_i32_0 = arith.constant 0 : i32
    return %arg0, %c0_i32 : i32, i32
  }
  func.func @transform_2(%arg0: i32) -> (i32, i32) {
    %c0_i32 = arith.constant 0 : i32
    %c0_i32_0 = arith.constant 0 : i32
    return %arg0, %c0_i32 : i32, i32
  }
  func.func @transform_3(%arg0: i32) -> (i32, i32) {
    %c0_i32 = arith.constant 0 : i32
    %c0_i32_0 = arith.constant 0 : i32
    return %arg0, %c0_i32 : i32, i32
  }
  func.func @transform_4(%arg0: i32) -> (i32, i32) {
    %c0_i32 = arith.constant 0 : i32
    %c0_i32_0 = arith.constant 0 : i32
    %c0_i32_1 = arith.constant 0 : i32
    return %c0_i32, %c0_i32_0 : i32, i32
  }
  func.func @transform_5(%arg0: i32) -> (i32, i32) {
    %c0_i32 = arith.constant 0 : i32
    %c0_i32_0 = arith.constant 0 : i32
    %c0_i32_1 = arith.constant 0 : i32
    return %c0_i32, %c0_i32_0 : i32, i32
  }
  func.func @transform_6(%arg0: i32) -> (i32, i32) {
    %c0_i32 = arith.constant 0 : i32
    %c0_i32_0 = arith.constant 0 : i32
    %c0_i32_1 = arith.constant 0 : i32
    return %c0_i32, %c0_i32_0 : i32, i32
  }
  func.func @transform_7(%arg0: i32) -> (i32, i32) {
    %c0_i32 = arith.constant 0 : i32
    %c0_i32_0 = arith.constant 0 : i32
    %c0_i32_1 = arith.constant 0 : i32
    return %c0_i32, %c0_i32_0 : i32, i32
  }
  func.func @transform_8(%arg0: i32) -> (i32, i32) {
    %c0_i32 = arith.constant 0 : i32
    %c0_i32_0 = arith.constant 0 : i32
    %c0_i32_1 = arith.constant 0 : i32
    return %c0_i32, %c0_i32_0 : i32, i32
  }
  func.func @transform_9(%arg0: i32) -> (i32, i32) {
    %c0_i32 = arith.constant 0 : i32
    %c0_i32_0 = arith.constant 0 : i32
    return %arg0, %c0_i32 : i32, i32
  }
  func.func @transform_10(%arg0: i32) -> (i32, i32) {
    %c0_i32 = arith.constant 0 : i32
    %c0_i32_0 = arith.constant 0 : i32
    return %arg0, %c0_i32 : i32, i32
  }
  func.func @transform_11(%arg0: i32) -> (i32, i32) {
    %c0_i32 = arith.constant 0 : i32
    %c0_i32_0 = arith.constant 0 : i32
    return %arg0, %c0_i32 : i32, i32
  }
  func.func @transform_12(%arg0: i32) -> (i32, i32) {
    %c0_i32 = arith.constant 0 : i32
    %c0_i32_0 = arith.constant 0 : i32
    %c0_i32_1 = arith.constant 0 : i32
    return %c0_i32, %c0_i32_0 : i32, i32
  }
}

module attributes {stable_mosaic.version = 14 : i64} {
  func.func @_tc_final_body(%arg0: i32, %arg1: memref<2x2000x144xf32, #tpu.memory_space<vmem>>, %arg2: memref<2000x144xf32, #tpu.memory_space<vmem>>, %arg3: memref<2000x1xf32, #tpu.memory_space<vmem>>, %arg4: memref<2000x1xf32, #tpu.memory_space<vmem>>, %arg5: memref<1x1xf32, #tpu.memory_space<vmem>>, %arg6: memref<1x128xf32, #tpu.memory_space<vmem>>, %arg7: memref<1x128xf32, #tpu.memory_space<vmem>>) attributes {dimension_semantics = [#tpu.dimension_semantics<arbitrary>], iteration_bounds = array<i64: 5>, scalar_prefetch = 0 : i64, scratch_operands = 0 : i64, tpu.core_type = #tpu.core_type<tc>, window_params = [{transform_indices = @transform_0, window_bounds = array<i64: 2, 2000, 144>}, {transform_indices = @transform_1, window_bounds = array<i64: 2000, 144>}, {transform_indices = @transform_2, window_bounds = array<i64: 2000, 1>}, {transform_indices = @transform_3, window_bounds = array<i64: 2000, 1>}, {pipeline_mode = #tpu.pipeline_mode<synchronous>, transform_indices = @transform_4, window_bounds = array<i64: 1, 1>}, {pipeline_mode = #tpu.pipeline_mode<synchronous>, transform_indices = @transform_5, window_bounds = array<i64: 1, 128>}, {pipeline_mode = #tpu.pipeline_mode<synchronous>, transform_indices = @transform_6, window_bounds = array<i64: 1, 128>}]} {
    %get3A = arith.constant 0 : index
    %get3A_0 = arith.constant 0 : index
    %get3A_1 = arith.constant 0 : index
    %get3A_2 = vector.load %arg1[%get3A, %get3A_0, %get3A_1] : memref<2x2000x144xf32, #tpu.memory_space<vmem>>, vector<1x2000x144xf32>
    %get3A_3 = vector.shape_cast %get3A_2 : vector<1x2000x144xf32> to vector<2000x144xf32>
    %get3A_4 = arith.constant 1 : index
    %get3A_5 = arith.constant 0 : index
    %get3A_6 = arith.constant 0 : index
    %get3A_7 = vector.load %arg1[%get3A_4, %get3A_5, %get3A_6] : memref<2x2000x144xf32, #tpu.memory_space<vmem>>, vector<1x2000x144xf32>
    %get3A_8 = vector.shape_cast %get3A_7 : vector<1x2000x144xf32> to vector<2000x144xf32>
    %add3A = arith.addf %get3A_3, %get3A_8 : vector<2000x144xf32>
    %get3A_9 = arith.constant 0 : index
    %get3A_10 = arith.constant 0 : index
    %get3A_11 = vector.load %arg3[%get3A_9, %get3A_10] : memref<2000x1xf32, #tpu.memory_space<vmem>>, vector<2000x1xf32>
    %get3A_12 = arith.constant 0 : index
    %get3A_13 = arith.constant 0 : index
    %get3A_14 = vector.load %arg4[%get3A_12, %get3A_13] : memref<2000x1xf32, #tpu.memory_space<vmem>>, vector<2000x1xf32>
    %add3A_15 = arith.addf %get3A_11, %get3A_14 : vector<2000x1xf32>
    %ge3A = arith.constant 0.000000e+00 : f32
    %ge3A_16 = vector.broadcast %ge3A : f32 to vector<2000x1xf32>
    %ge3A_17 = arith.cmpf oge, %add3A_15, %ge3A_16 : vector<2000x1xf32>
    %mul3A = arith.constant 2.000000e-01 : f32
    %mul3A_18 = vector.broadcast %mul3A : f32 to vector<2000x1xf32>
    %mul3A_19 = arith.mulf %mul3A_18, %add3A_15 : vector<2000x1xf32>
    %select_n3A = arith.select %ge3A_17, %add3A_15, %mul3A_19 : vector<2000x1xi1>, vector<2000x1xf32>
    %get3A_20 = arith.constant 0 : index
    %get3A_21 = arith.constant 0 : index
    %get3A_22 = vector.load %arg5[%get3A_20, %get3A_21] : memref<1x1xf32, #tpu.memory_space<vmem>>, vector<1x1xf32>
    %get3A_23 = vector.extract %get3A_22[0, 0] : f32 from vector<1x1xf32>
    %sub3A = vector.broadcast %get3A_23 : f32 to vector<2000x1xf32>
    %sub3A_24 = arith.subf %select_n3A, %sub3A : vector<2000x1xf32>
    %exp3A = math.exp %sub3A_24 : vector<2000x1xf32>
    %get3A_25 = arith.constant 0 : index
    %get3A_26 = arith.constant 0 : index
    %get3A_27 = vector.load %arg2[%get3A_25, %get3A_26] : memref<2000x144xf32, #tpu.memory_space<vmem>>, vector<2000x144xf32>
    %mul3A_28 = vector.broadcast %exp3A : vector<2000x1xf32> to vector<2000x144xf32>
    %mul3A_29 = arith.mulf %mul3A_28, %get3A_27 : vector<2000x144xf32>
    %add3A_30 = arith.addf %add3A, %mul3A_29 : vector<2000x144xf32>
    %slice3A = vector.extract_strided_slice %add3A_30 {offsets = [0, 0], sizes = [2000, 128], strides = [1, 1]} : vector<2000x144xf32> to vector<2000x128xf32>
    %slice3A_31 = vector.extract_strided_slice %add3A_30 {offsets = [0, 128], sizes = [2000, 1], strides = [1, 1]} : vector<2000x144xf32> to vector<2000x1xf32>
    %add3A_32 = arith.constant 1.000000e-16 : f32
    %add3A_33 = vector.broadcast %add3A_32 : f32 to vector<2000x1xf32>
    %add3A_34 = arith.addf %slice3A_31, %add3A_33 : vector<2000x1xf32>
    %div3A = vector.broadcast %add3A_34 : vector<2000x1xf32> to vector<2000x128xf32>
    %div3A_35 = arith.divf %slice3A, %div3A : vector<2000x128xf32>
    %get3A_36 = arith.constant 0 : index
    %get3A_37 = arith.constant 0 : index
    %get3A_38 = vector.load %arg6[%get3A_36, %get3A_37] : memref<1x128xf32, #tpu.memory_space<vmem>>, vector<1x128xf32>
    %add3A_39 = vector.broadcast %get3A_38 : vector<1x128xf32> to vector<2000x128xf32>
    %add3A_40 = arith.addf %div3A_35, %add3A_39 : vector<2000x128xf32>
    %max3A = arith.constant 0.000000e+00 : f32
    %max3A_41 = vector.broadcast %max3A : f32 to vector<2000x128xf32>
    %max3A_42 = arith.maximumf %add3A_40, %max3A_41 : vector<2000x128xf32>
    %reduce_sum3A = arith.constant dense<0.000000e+00> : vector<128xf32>
    %reduce_sum3A_43 = vector.multi_reduction <add>, %max3A_42, %reduce_sum3A [0] : vector<2000x128xf32> to vector<128xf32>
    %broadcast_in_dim3A = vector.shape_cast %reduce_sum3A_43 : vector<128xf32> to vector<1x128xf32>
    %eq3A = arith.constant 0 : i32
    %eq3A_44 = arith.cmpi eq, %arg0, %eq3A : i32
    %convert_element_type3A = arith.extui %eq3A_44 : i1 to i32
    %cond3A = arith.constant 0 : i32
    %cond3A_45 = arith.cmpi ne, %convert_element_type3A, %cond3A : i32
    scf.if %cond3A_45 {
      %swap3A = arith.constant 0 : index
      %swap3A_50 = arith.constant 0 : index
      %swap3A_51 = vector.load %arg7[%swap3A, %swap3A_50] : memref<1x128xf32, #tpu.memory_space<vmem>>, vector<1x128xf32>
      tpu.vector_store %arg7[%swap3A, %swap3A_50], %broadcast_in_dim3A {strides = array<i32>} : memref<1x128xf32, #tpu.memory_space<vmem>>, vector<1x128xf32>,
    } else {
    }
    %ne3A = arith.constant 0 : i32
    %ne3A_46 = arith.cmpi ne, %arg0, %ne3A : i32
    %convert_element_type3A_47 = arith.extui %ne3A_46 : i1 to i32
    %cond3A_48 = arith.constant 0 : i32
    %cond3A_49 = arith.cmpi ne, %convert_element_type3A_47, %cond3A_48 : i32
    scf.if %cond3A_49 {
      %get3A_50 = arith.constant 0 : index
      %get3A_51 = arith.constant 0 : index
      %get3A_52 = vector.load %arg7[%get3A_50, %get3A_51] : memref<1x128xf32, #tpu.memory_space<vmem>>, vector<1x128xf32>
      %add3A_53 = arith.addf %get3A_52, %broadcast_in_dim3A : vector<1x128xf32>
      %swap3A = arith.constant 0 : index
      %swap3A_54 = arith.constant 0 : index
      %swap3A_55 = vector.load %arg7[%swap3A, %swap3A_54] : memref<1x128xf32, #tpu.memory_space<vmem>>, vector<1x128xf32>
      tpu.vector_store %arg7[%swap3A, %swap3A_54], %add3A_53 {strides = array<i32>} : memref<1x128xf32, #tpu.memory_space<vmem>>, vector<1x128xf32>,
    } else {
    }
    return
  }
  func.func @transform_0(%arg0: i32) -> (i32, i32, i32) {
    %c0_i32 = arith.constant 0 : i32
    %c0_i32_0 = arith.constant 0 : i32
    %c0_i32_1 = arith.constant 0 : i32
    return %c0_i32, %arg0, %c0_i32_0 : i32, i32, i32
  }
  func.func @transform_1(%arg0: i32) -> (i32, i32) {
    %c0_i32 = arith.constant 0 : i32
    %c0_i32_0 = arith.constant 0 : i32
    return %arg0, %c0_i32 : i32, i32
  }
  func.func @transform_2(%arg0: i32) -> (i32, i32) {
    %c0_i32 = arith.constant 0 : i32
    %c0_i32_0 = arith.constant 0 : i32
    return %arg0, %c0_i32 : i32, i32
  }
  func.func @transform_3(%arg0: i32) -> (i32, i32) {
    %c0_i32 = arith.constant 0 : i32
    %c0_i32_0 = arith.constant 0 : i32
    return %arg0, %c0_i32 : i32, i32
  }
  func.func @transform_4(%arg0: i32) -> (i32, i32) {
    %c0_i32 = arith.constant 0 : i32
    %c0_i32_0 = arith.constant 0 : i32
    %c0_i32_1 = arith.constant 0 : i32
    return %c0_i32, %c0_i32_0 : i32, i32
  }
  func.func @transform_5(%arg0: i32) -> (i32, i32) {
    %c0_i32 = arith.constant 0 : i32
    %c0_i32_0 = arith.constant 0 : i32
    %c0_i32_1 = arith.constant 0 : i32
    return %c0_i32, %c0_i32_0 : i32, i32
  }
  func.func @transform_6(%arg0: i32) -> (i32, i32) {
    %c0_i32 = arith.constant 0 : i32
    %c0_i32_0 = arith.constant 0 : i32
    %c0_i32_1 = arith.constant 0 : i32
    return %c0_i32, %c0_i32_0 : i32, i32
  }
}

</mosaic_0001>

<sc_bundles>
// kernel: kernel.10.cloned.1.call-start
scs
__scs_entry_jumppad:
0x0: {  	(pc) =	sbr.rel $0x88, $3  }
0x1: {  	(tag) =	ssettag $0x0;
	lr =	simm.s32 $0x1  }
0x2: {  	[smem:$0x3F95] =	sst lr;
	_ =	strace $0xD0000000  }
0x3: {  	_ = 	snop  }
0x4: {  	_ = 	snop  }
0x5: {  	_ = 	snop  }
0x6: {  	_ = 	snop  }
0x7: {  	_ = 	snop  }
__scs_overlays_trampoline_lowered:
0x8: {  	[smem:$0x3FA4] =	sst s0  }
0x9: {  	[smem:$0x3FA5] =	sst s1  }
0xa: {  	[smem:$0x3FA6] =	sst s2  }
0xb: {  	[smem:$0x3FA7] =	sst s3  }
0xc: {  	[smem:$0x3FA8] =	sst s4  }
0xd: {  	[smem:$0x3FA9] =	sst s5  }
0xe: {  	[smem:$0x3FAA] =	sst s6  }
0xf: {  	[smem:$0x3FAB] =	sst s7  }
0x10: {  	[smem:$0x3FAC] =	sst s8  }
0x11: {  	[smem:$0x3FAD] =	sst s9;
	s0 =	simm.s32 @!p0 $0x0  }
0x12: {  	s1 =	sld [smem:$0x3F93];
	s0 =	simm.s32 @p0 $0x1  }
0x13: {  	[smem:$0x3FAE] =	sst s0;
	s0 =	simm.s32 @!p1 $0x0  }
0x14: {  	s2 =	sld [smem:$0x3F92];
	s0 =	simm.s32 @p1 $0x1  }
0x15: {  	[smem:$0x3FAF] =	sst s0;
	s0 =	simm.s32 @!p2 $0x0  }
0x16: {  	s3 =	sld [smem:$0x3FDB];
	s0 =	simm.s32 @p2 $0x1  }
0x17: {  	s4 =	simm.s32 $0x1BF5;
	[smem:$0x3FB1] =	sst s0  }
0x18: {  	s0 =	sld [smem:$0x3F94];
	_ =	swait.ge [sflag:s4], $0x0  }
0x19: {  	s7 =	sld [smem:$0x3F95]  }
0x1a: {  	s8 =	sadd.s32 $0xFFFFE003, lr  }
0x1b: {  	s9 =	sadd.s32 $0xFFFFFEF7, lr;
	s5 =	simm.s32 $0xFFFFFFFF;
	p2 =	slt.u32 s8, $0xFFFFF086  }
0x1c: {  	p1 =	slt.u32 s9, $0xF7A;
	s5 =	simm.s32 @!p2 $0x0  }
0x1d: {  	s5 =	simm.s32 @p1 $0x1;
	p0 =	seq.s32 s7, s2  }
0x1e: {  	s7 =	smul.u32 @!p0 $0xF7A, s2;
	p2 =	seq.s32 @!p0 s5, $0x0  }
0x1f: {  	s9 =	smul.u32 $0xF7A, s1;
	s8 =	simm.s32 @!p0 $0x1BF5;
	p2 =	por !p2, p0  }
0x20: {  	[sflag:s8] =	ssyncset.s32 @!p0 $0xFFFFF086;
	s6 =	sadd.s32 @!p0 s3, s7;
	s7 =	simm.s32 @!p0 $0x108  }
0x21: {  	s3 =	sadd.s32 s3, s9;
	s6 =	sadd.s32 @!p0 $0x88, s6;
	s7 =	simm.s32 @p2 $0x1082  }
0x22: {  	[simem:s7], [sflag:s8] =	dma.local @!p0 [hbm:s6], $0xF7A  }
0x23: {  	s9 =	sor.u32 $0xD0000000, s2;
	s6 =	simm.s32 $0x108;
	_ =	swait.ge @!p0 [sflag:s8], $0x0  }
0x24: {  	s3 =	sadd.s32 $0x88, s3;
	s6 =	simm.s32 @!p1 $0x1082;
	[sflag:s4] =	ssyncset.s32 $0xFFFFF086  }
0x25: {  	[simem:s6], [sflag:s4] =	dma.local [hbm:s3], $0xF7A  }
0x26: {  	[smem:$0x3F95] =	sst s1;
	(tag) =	ssettag s2;
	_ =	strace s9  }
0x27: {  	s1 =	sld [smem:$0x3FA5]  }
0x28: {  	s2 =	sld [smem:$0x3FA6]  }
0x29: {  	s4 =	sld [smem:$0x3FA8]  }
0x2a: {  	p0 =	seq.s32 s5, $0x0;
	s5 =	sld [smem:$0x3FA9]  }
0x2b: {  	s6 =	sld [smem:$0x3FAA]  }
0x2c: {  	s7 =	sld [smem:$0x3FAB]  }
0x2d: {  	s3 =	simm.s32 $0x108;
	s8 =	sld [smem:$0x3FAC]  }
0x2e: {  	s3 =	simm.s32 @!p0 $0x1082;
	s9 =	sld [smem:$0x3FAD]  }
0x2f: {  	lr =	sadd.s32 s0, s3;
	s0 =	sld [smem:$0x3FA4]  }
0x30: {  	s3 =	sld [smem:$0x3FA7]  }
0x31: {  	[smem:$0x3FB0] =	sst s10  }
0x32: {  	s10 =	sld [smem:$0x3FAE];
	_ =	sdelay $0x3  }
0x33: {  	p0 =	seq.s32 s10, $0x1;
	s10 =	sld [smem:$0x3FB0];
	_ =	sdelay $0x3  }
0x34: {  	[smem:$0x3FB0] =	sst s10  }
0x35: {  	s10 =	sld [smem:$0x3FAF];
	_ =	sdelay $0x3  }
0x36: {  	p1 =	seq.s32 s10, $0x1;
	s10 =	sld [smem:$0x3FB0];
	_ =	sdelay $0x3  }
0x37: {  	[smem:$0x3FB0] =	sst s10  }
0x38: {  	s10 =	sld [smem:$0x3FB1]  }
0x39: {  	_ = 	snop;
	(pc) =	sbr.ind lr, $3  }
0x3a: {  	_ = 	snop  }
0x3b: {  	_ = 	snop  }
0x3c: {  	p2 =	seq.s32 s10, $0x1;
	s10 =	sld [smem:$0x3FB0]  }
0x3d: {  	_ =	shalt  }
0x3e: {  	_ =	shalt  }
0x3f: {  	_ =	shalt  }
0x40: {  	_ =	shalt  }
0x41: {  	_ =	shalt  }
0x42: {  	_ =	shalt  }
0x43: {  	_ =	shalt  }
0x44: {  	_ =	shalt  }
0x45: {  	_ =	shalt  }
0x46: {  	_ =	shalt  }
0x47: {  	_ =	shalt  }
0x48: {  	_ =	shalt  }
0x49: {  	_ =	shalt  }
0x4a: {  	_ =	shalt  }
0x4b: {  	_ =	shalt  }
0x4c: {  	_ =	shalt  }
0x4d: {  	_ =	shalt  }
0x4e: {  	_ =	shalt  }
0x4f: {  	_ =	shalt  }
0x50: {  	_ =	shalt  }
0x51: {  	_ =	shalt  }
0x52: {  	_ =	shalt  }
0x53: {  	_ =	shalt  }
0x54: {  	_ =	shalt  }
0x55: {  	_ =	shalt  }
0x56: {  	_ =	shalt  }
0x57: {  	_ =	shalt  }
0x58: {  	_ =	shalt  }
0x59: {  	_ =	shalt  }
0x5a: {  	_ =	shalt  }
0x5b: {  	_ =	shalt  }
0x5c: {  	_ =	shalt  }
0x5d: {  	_ =	shalt  }
0x5e: {  	_ =	shalt  }
0x5f: {  	_ =	shalt  }
0x60: {  	_ =	shalt  }
0x61: {  	_ =	shalt  }
0x62: {  	_ =	shalt  }
0x63: {  	_ =	shalt  }
0x64: {  	_ =	shalt  }
0x65: {  	_ =	shalt  }
0x66: {  	_ =	shalt  }
0x67: {  	_ =	shalt  }
0x68: {  	_ =	shalt  }
0x69: {  	_ =	shalt  }
0x6a: {  	_ =	shalt  }
0x6b: {  	_ =	shalt  }
0x6c: {  	_ =	shalt  }
0x6d: {  	_ =	shalt  }
0x6e: {  	_ =	shalt  }
0x6f: {  	_ =	shalt  }
0x70: {  	_ =	shalt  }
0x71: {  	_ =	shalt  }
0x72: {  	_ =	shalt  }
0x73: {  	_ =	shalt  }
0x74: {  	_ =	shalt  }
0x75: {  	_ =	shalt  }
0x76: {  	_ =	shalt  }
0x77: {  	_ =	shalt  }
0x78: {  	_ =	shalt  }
0x79: {  	_ =	shalt  }
0x7a: {  	_ =	shalt  }
0x7b: {  	_ =	shalt  }
0x7c: {  	_ =	shalt  }
0x7d: {  	_ =	shalt  }
0x7e: {  	_ =	shalt  }
0x7f: {  	_ =	shalt  }
0x80: {  	_ =	shalt  }
0x81: {  	_ =	shalt  }
0x82: {  	_ =	shalt  }
0x83: {  	_ =	shalt  }
0x84: {  	_ =	shalt  }
0x85: {  	_ =	shalt  }
0x86: {  	_ =	shalt  }
0x87: {  	_ =	shalt  }
.Lfunc_end0:
.L_simem_size_0:
called_computation.1_lowered:
.L_overlay_start_0:
0x88: {  	s2 =	sld [smem:$0x3FD9]  }
0x89: {  	s3 =	sld [smem:$0x3FFE];
	_ =	sdelay $0x1  }
0x8a: {  	s1 =	srdreg.scid  }
0x8b: {  	s0 =	sand.u32 $0x1, s1  }
0x8c: {  	s16 =	sshll.u32 s0, $0xA;
	s2 =	sadd.s32 s3, s2  }
0x8d: {  	s2 =	sadd.s32 s2, s16  }
0x8e: {  	[smem:$0x3FBC] =	sst s2  }
0x8f: {  	_ = 	snop  }
0x90: {  	(tm) =	ssettm $0x1  }
0x91: {  	s17 =	sld [smem:$0x3FFB];
	_ =	sdelay $0x3  }
0x92: {  	_ =	strace s17  }
0x93: {  	s2 =	sld [smem:$0x3FFC];
	_ =	sdelay $0x3  }
0x94: {  	_ =	strace s2  }
0x95: {  	s2 =	sld [smem:$0x3FFD];
	_ =	sdelay $0x3  }
0x96: {  	_ =	strace s2  }
0x97: {  	_ =	strace $0x8FFFFFFF  }
0x98: {  	s18 =	sld [smem:$0x3FDB];
	_ =	sdelay $0x1  }
0x99: {  	s19 =	simm.s32 $_scs_section_size  }
0x9a: {  	s4 =	simm.s32 $_size__tile_overlayer_lowered;
	s5 =	simm.s32 $_tile_overlayer_lowered  }
0x9b: {  	s22 =	simm.s32 $0x1BFF;
	s21 =	sshll.u32 s5, $0x1;
	s2 =	sadd.s32 s19, s18  }
0x9c: {  	s6 =	simm.s32 $0x0;
	s20 =	sshll.u32 s4, $0x1;
	s4 =	sadd.s32 s21, s2  }
0x9d: {  	[timem:s6], [sflag:s22] =	dma.local [hbm:s4], s20  }
0x9e: {  	_ =	swait.ge [sflag:s22], s20  }
0x9f: {  	s3 =	ssub.s32 $0x0, s20;
	[sflag:s22] =	ssyncset.done $0x0  }
0xa0: {  	[sflag:s22] =	ssyncadd.s32 s3;
	_ =	sdelay $0x1  }
0xa1: {  	s23 =	simm.s32 $0x1B8B  }
0xa2: {  	_ =	swait.ge [sflag:s23], $0x1  }
0xa3: {  	[sflag:s23] =	ssyncset.done $0x0  }
0xa4: {  	s25 =	simm.s32 $0x1B8E;
	s24 =	sld [smem:$0x3FFE];
	[sflag:s23] =	ssyncadd.s32 $0xFFFFFFFF  }
0xa5: {  	s26 =	simm.s32 $execute0_lowered;
	[smem:$0x3FD2] =	sst s25  }
0xa6: {  	s4 =	sshll.u32 s26, $0x1;
	_ =	strace $0x80000049;
	[dreg:$0x1] =	wrdreg $0xFFFFFFFF  }
0xa7: {  	s28 =	simm.s32 $_size_execute0_lowered;
	s2 =	sadd.s32 s2, s4;
	[dreg:$0x0] =	wrdreg $0x0  }
0xa8: {  	s4 =	sshll.u32 s28, $0x1;
	[dreg:$0x2] =	wrdreg s2  }
0xa9: {  	[dreg:$0x3] =	wrdreg s4  }
0xaa: {  	[dreg:$0x4] =	wrdreg $0xC0  }
0xab: {  	_ =	task [dreg:s6], $0x5FFFF  }
0xac: {  	[dreg:$0x1] =	wrdreg $0xFFFFFFFF  }
0xad: {  	[dreg:$0x0] =	wrdreg $0x60  }
0xae: {  	[dreg:$0x2] =	wrdreg s24  }
0xaf: {  	[dreg:$0x3] =	wrdreg $0x8AD00  }
0xb0: {  	[dreg:$0x4] =	wrdreg $0x9  }
0xb1: {  	_ =	task.clear_ibuf [dreg:s6], $0x5FFFF;
	_ =	strace $0x90000049  }
0xb2: {  	s29 =	simm.s32 $0x9;
	_ =	strace $0x8000004B  }
0xb3: {  	_ =	swait.ge [sflag:s29], $0x1  }
0xb4: {  	[sflag:s29] =	ssyncadd.s32 $0xFFFFFFFF  }
0xb5: {  	_ =	strace $0x9000004B  }
0xb6: {  	_ =	sfence  }
0xb7: {  	s30 =	sld [smem:$0x0];
	_ =	sdelay $0x2  }
0xb8: {  	s31 =	sshll.u32 s1, $0xD;
	s1 =	sshrl.u32 s1, $0x2  }
0xb9: {  	s3 =	sand.u32 $0x4000, s31;
	s1 =	sadd.s32 s1, s30  }
0xba: {  	s0 =	sor.u32 s3, s0;
	s1 =	sshll.u32 s1, $0x11  }
0xbb: {  	s0 =	sor.u32 s1, s0  }
0xbc: {  	s0 =	sadd.s32 $0x8F2B, s0  }
0xbd: {  	[sflag:s0] =	ssyncadd.remote.s32 $0x1  }
0xbe: {  	_ =	sfence.sel $0xFFFF  }
0xbf: {  	[dreg:$0x0] =	wrdreg $0xFFFFFFFF;
	(pc) =	sbr.abs _section_cstart, $3  }
0xc0: {  	[dreg:$0x1] =	wrdreg $0xFFFFFFFF  }
0xc1: {  	_ =	task.clear_ibuf [dreg:s6], $0x2FFFF;
	_ =	strace $0x9FFFFFFF  }
0xc2: {  	(tm) =	ssettm $0x7FFFFFFF  }
0xc3: {  	_ =	shalt  }
tec
execute0_lowered:
.L_overlay_start_1:
0x0: {  	(tag) =	ssettag $0x1  }
0x1: {  	s0 =	rddreg [dreg:$0x0]  }
0x2: {  	s2 =	rddreg [dreg:$0x1]  }
0x3: {  	s3 =	simm.s32 $0x0;
	s1 =	srdreg.scid;
	s12 =	stileid.u32  }
0x4: {  	s31 =	simm.s32 $0xA;
	s30 =	simm.s32 $0xF0;
	s28 =	simm.s32 $0x7  }
0x5: {  	s29 =	simm.s32 $0x3;
	[smem:$0x7FF] =	sst s3;
	s1 =	sand.u32 $0x1, s1  }
0x6: {  	s8 =	smul.u32 $0x16800, s12;
	s4 =	sadd.s32 $0x85200, s0;
	s5 =	sadd.s32 $0x7B400, s0  }
0x7: {  	s6 =	sadd.s32 $0x1200, s0;
	s7 =	sadd.s32 $0x2D200, s0;
	s10 =	sadd.s32 $0x2D800, s0  }
0x8: {  	s11 =	smul.u32 $0x5A000, s12;
	s12 =	sshll.u32 s12, $0x1;
	_ =	strace $0x8000004A  }
0x9: {  	s9 =	smul.u32 $0x168000, s1;
	[dreg:$0x3] =	wrdreg s10;
	s21 =	ssub.s32 $0x2, s1  }
0xa: {  	s1 =	sor.u32 s1, s12;
	s22 =	sshrl.u32 s21, $0x1;
	s23 =	sshrl.u32 s11, $0x2  }
0xb: {  	s25 =	sadd.s32 s8, s2;
	s1 =	smul.u32 $0x2710, s1;
	s24 =	sadd.s32 s23, s2  }
0xc: {  	s9 =	sadd.s32 s8, s9;
	[dreg:$0x4] =	wrdreg s25;
	s10 =	sadd.s32 $0x2D00, s24  }
0xd: {  	s9 =	sshrl.u32 s9, $0x3;
	s26 =	sadd.s32 $0x5A00, s24;
	[dreg:$0x5] =	wrdreg s10  }
0xe: {  	s11 =	sadd.s32 $0x8700, s24;
	s12 =	sadd.s32 $0xB400, s24;
	[dreg:$0x6] =	wrdreg s26  }
0xf: {  	s13 =	sadd.s32 $0xE100, s24;
	s14 =	sshrl.u32 s1, $0x3;
	[dreg:$0x7] =	wrdreg s11  }
0x10: {  	s15 =	sadd.s32 $0x10E00, s24;
	s8 =	sadd.s32 $0x13B00, s24;
	[dreg:$0x8] =	wrdreg s12  }
0x11: {  	s23 =	sadd.s32 $0x140, s1;
	s24 =	sadd.s32 $0x190, s1;
	[dreg:$0x9] =	wrdreg s13  }
0x12: {  	s0 =	sadd.s32 s9, s0;
	s9 =	ssub.s32 s21, s22;
	[dreg:$0xa] =	wrdreg s15  }
0x13: {  	[dreg:$0xb] =	wrdreg s8;
	s16 =	sadd.s32 s4, s14;
	s17 =	sadd.s32 s5, s14  }
0x14: {  	s18 =	sadd.s32 $0xA, s14;
	s10 =	sadd.s32 $0x14, s14;
	[dreg:$0x13] =	wrdreg s23  }
0x15: {  	s22 =	sadd.s32 $0xF0, s1;
	[dreg:$0x14] =	wrdreg s24;
	s1 =	sadd.s32 $0x2670, s1  }
0x16: {  	s11 =	simm.s32 $0x2EE0;
	s14 =	simm.s32 $0x190;
	[dreg:$0xc] =	wrdreg s16  }
0x17: {  	s15 =	simm.s32 $0x5BE0;
	s12 =	simm.s32 $0x8980;
	[dreg:$0xd] =	wrdreg s17  }
0x18: {  	s23 =	simm.s32 $0x0;
	s19 =	sadd.s32 s4, s18;
	[dreg:$0x12] =	wrdreg s22  }
0x19: {  	s8 =	sadd.s32 s5, s18;
	s20 =	sadd.s32 s4, s10;
	[dreg:$0x15] =	wrdreg s1  }
0x1a: {  	s21 =	sadd.s32 s5, s10;
	s0 =	sadd.s32 $0xDD200, s0;
	[dreg:$0xe] =	wrdreg s19  }
0x1b: {  	s26 =	smax.u32 s9, $0x1;
	s1 =	simm.s32 $0x50;
	[dreg:$0xf] =	wrdreg s8  }
0x1c: {  	v0 =	vlaneseq.u32;
	s10 =	simm.s32 $0x140;
	s17 =	simm.s32 $0x1;
	[dreg:$0x10] =	wrdreg s20  }
0x1d: {  	v5 =	vmul.u32 $0x90, v0;
	s18 =	simm.s32 $0x4;
	s22 =	simm.s32 $0x8930;
	[dreg:$0x11] =	wrdreg s21  }
0x1e: {  	s9 =	simm.s32 $0x6;
	s16 =	simm.s32 $0x8;
	[dreg:$0x16] =	wrdreg s0  }
0x1f: {  	v0 =	vimm.f32 $0.0e+00;
	v1 =	vadd.s32 $0x81, v5;
	v2 =	vadd.s32 $0x981, v5;
	[dreg:$0x17] =	wrdreg s26;
	s0 =	simm.s32 $0x1E0;
	s19 =	simm.s32 $0x88E0  }
0x20: {  	v3 =	vadd.s32 $0x1281, v5;
	v4 =	vadd.s32 $0x1B81, v5;
	v5 =	vadd.s32 $0x2481, v5;
	s20 =	simm.s32 $0x2;
	s21 =	simm.s32 $0x5;
	s8 =	simm.s32 $0x9  }
.LBB2_1:
0x21: {  	[dreg:$0x18] =	wrdreg s23  }
0x22: {  	s13 =	rddreg [dreg:$0x3];
	s26 =	simm.s32 $0x8AC0  }
0x23: {  	[tilespmem:s26], [sflag:$0xA] =	stream.linear.gather [hbm4b:s13+s3], $0x10, $0x38;
	[tilespmem:$0x1F2D0] =	vst v63  }
0x24: {  	_ =	swait.ge [sflag:s31], $0x10  }
0x25: {  	[sflag:s31] =	ssyncset.done $0x0  }
0x26: {  	s23 =	simm.s32 $0x0;
	s24 =	simm.s32 $0x240;
	[sflag:s31] =	ssyncadd.s32 $0xFFFFFFF0  }
.LBB2_2:
0x27: {  	p0 =	sne.s32 s24, $0xB1C0;
	[tilespmem:s23+$0x260] =	vst v0  }
0x28: {  	[tilespmem:s23+$0x1E0] =	vst v0  }
0x29: {  	[tilespmem:s23+$0x1F0] =	vst v0  }
0x2a: {  	[tilespmem:s23+$0x200] =	vst v0  }
.Ltmp0:
0x2b: {  	[tilespmem:s23+$0x210] =	vst v0;
	(pc) =	sbr.rel @p0 .LBB2_2-.Ltmp0, $4  }
0x2c: {  	[tilespmem:s23+$0x220] =	vst v0  }
0x2d: {  	[tilespmem:s23+$0x230] =	vst v0  }
0x2e: {  	[tilespmem:s23+$0x240] =	vst v0  }
0x2f: {  	[tilespmem:s23+$0x250] =	vst v0;
	s23 =	sshra.s32 s24, $0x2;
	s24 =	sadd.s32 $0x240, s24  }
0x30: {  	[tilespmem:s23+$0x260] =	vst v0  }
0x31: {  	[tilespmem:s23+$0x1E0] =	vst v0  }
0x32: {  	[tilespmem:s23+$0x1F0] =	vst v0  }
0x33: {  	[tilespmem:s23+$0x200] =	vst v0  }
0x34: {  	[tilespmem:s23+$0x210] =	vst v0  }
0x35: {  	[tilespmem:s23+$0x220] =	vst v0  }
0x36: {  	[tilespmem:s23+$0x230] =	vst v0  }
0x37: {  	[tilespmem:s23+$0x240] =	vst v0  }
0x38: {  	[tilespmem:s23+$0x250] =	vst v0  }
0x39: {  	[spmem:s25] =	stream.linear.scatter [tilespmem:s0], [sflag:$0xA], $0x2D00, $0x38;
	[tilespmem:$0x1F2D0] =	vst v63  }
0x3a: {  	_ =	swait.ge [sflag:s31], $0x2D00  }
0x3b: {  	[sflag:s31] =	ssyncset.done $0x0  }
0x3c: {  	s13 =	rddreg [dreg:$0x5];
	[sflag:s31] =	ssyncadd.s32 $0xFFFFD300  }
0x3d: {  	[spmem:s13] =	stream.linear.scatter [tilespmem:s0], [sflag:$0xA], $0x2D00, $0x38;
	[tilespmem:$0x1F2D0] =	vst v63  }
0x3e: {  	_ =	swait.ge [sflag:s31], $0x2D00  }
0x3f: {  	[sflag:s31] =	ssyncset.done $0x0  }
0x40: {  	s23 =	rddreg [dreg:$0x6];
	[sflag:s31] =	ssyncadd.s32 $0xFFFFD300  }
0x41: {  	[spmem:s23] =	stream.linear.scatter [tilespmem:s0], [sflag:$0xA], $0x2D00, $0x38;
	[tilespmem:$0x1F2D0] =	vst v63  }
0x42: {  	_ =	swait.ge [sflag:s31], $0x2D00  }
0x43: {  	[sflag:s31] =	ssyncset.done $0x0  }
0x44: {  	s24 =	rddreg [dreg:$0x7];
	[sflag:s31] =	ssyncadd.s32 $0xFFFFD300  }
0x45: {  	[spmem:s24] =	stream.linear.scatter [tilespmem:s0], [sflag:$0xA], $0x2D00, $0x38;
	[tilespmem:$0x1F2D0] =	vst v63  }
0x46: {  	_ =	swait.ge [sflag:s31], $0x2D00  }
0x47: {  	[sflag:s31] =	ssyncset.done $0x0  }
0x48: {  	s25 =	rddreg [dreg:$0x8];
	[sflag:s31] =	ssyncadd.s32 $0xFFFFD300  }
0x49: {  	[spmem:s25] =	stream.linear.scatter [tilespmem:s0], [sflag:$0xA], $0x2D00, $0x38;
	[tilespmem:$0x1F2D0] =	vst v63  }
0x4a: {  	_ =	swait.ge [sflag:s31], $0x2D00  }
0x4b: {  	[sflag:s31] =	ssyncset.done $0x0  }
0x4c: {  	s26 =	rddreg [dreg:$0x9];
	[sflag:s31] =	ssyncadd.s32 $0xFFFFD300  }
0x4d: {  	[spmem:s26] =	stream.linear.scatter [tilespmem:s0], [sflag:$0xA], $0x2D00, $0x38;
	[tilespmem:$0x1F2D0] =	vst v63  }
0x4e: {  	_ =	swait.ge [sflag:s31], $0x2D00  }
0x4f: {  	[sflag:s31] =	ssyncset.done $0x0  }
0x50: {  	s23 =	rddreg [dreg:$0xa];
	[sflag:s31] =	ssyncadd.s32 $0xFFFFD300  }
0x51: {  	[spmem:s23] =	stream.linear.scatter [tilespmem:s0], [sflag:$0xA], $0x2D00, $0x38;
	[tilespmem:$0x1F2D0] =	vst v63  }
0x52: {  	_ =	swait.ge [sflag:s31], $0x2D00  }
0x53: {  	[sflag:s31] =	ssyncset.done $0x0  }
0x54: {  	s24 =	rddreg [dreg:$0xb];
	[sflag:s31] =	ssyncadd.s32 $0xFFFFD300  }
0x55: {  	[spmem:s24] =	stream.linear.scatter [tilespmem:s0], [sflag:$0xA], $0x2D00, $0x38;
	[tilespmem:$0x1F2D0] =	vst v63  }
0x56: {  	_ =	swait.ge [sflag:s31], $0x2D00  }
0x57: {  	[sflag:s31] =	ssyncset.done $0x0  }
0x58: {  	[sflag:s31] =	ssyncadd.s32 $0xFFFFD300  }
0x59: {  	[bflag:$0x0] =	sbarrier.arrive $0xFFFF  }
0x5a: {  	s24 =	simm.s32 $0x0;
	s25 =	rddreg [dreg:$0xc]  }
0x5b: {  	v6 =	vld [tilespmem:$0x8AC0];
	[tilespmem:s24], [sflag:$0xA] =	stream.linear.gather [hbm4b:s25+s24], $0x50, $0x38  }
0x5c: {  	_ =	swait.ge [sflag:s31], $0x50  }
0x5d: {  	[sflag:s31] =	ssyncset.done $0x0  }
0x5e: {  	s26 =	rddreg [dreg:$0xd];
	[sflag:s31] =	ssyncadd.s32 $0xFFFFFFB0  }
0x5f: {  	[tilespmem:s30], [sflag:$0xA] =	stream.linear.gather [hbm4b:s26+s24], $0x50, $0x38;
	[tilespmem:$0x1F2D0] =	vst v63  }
0x60: {  	_ =	swait.ge [sflag:s31], $0x50  }
0x61: {  	[sflag:s31] =	ssyncset.done $0x0  }
0x62: {  	[sflag:s31] =	ssyncadd.s32 $0xFFFFFFB0  }
0x63: {  	[tilespmem:s0], [sflag:$0x1] =	stream.indirect.gather [hbm4b:s6+s1], $0x90, s24, s1, $0xb8;
	[tilespmem:$0x1F2D0] =	vst v63  }
0x64: {  	s23 =	simm.s32 $0x89D0  }
0x65: {  	[tilespmem:s23], [sflag:$0x4] =	stream.indirect.gather [hbm4b:s7+s1], $0x1, s30, s1, $0xb8;
	[tilespmem:$0x1F2D0] =	vst v63  }
0x66: {  	s25 =	rddreg [dreg:$0xe]  }
0x67: {  	[tilespmem:s1], [sflag:$0xA] =	stream.linear.gather [hbm4b:s25+s24], $0x50, $0x38;
	[tilespmem:$0x1F2D0] =	vst v63  }
0x68: {  	_ =	swait.ge [sflag:s31], $0x50  }
0x69: {  	[sflag:s31] =	ssyncset.done $0x0  }
0x6a: {  	s26 =	rddreg [dreg:$0xf];
	[sflag:s31] =	ssyncadd.s32 $0xFFFFFFB0  }
0x6b: {  	[tilespmem:s10], [sflag:$0xA] =	stream.linear.gather [hbm4b:s26+s24], $0x50, $0x38;
	[tilespmem:$0x1F2D0] =	vst v63  }
0x6c: {  	_ =	swait.ge [sflag:s31], $0x50  }
0x6d: {  	[sflag:s31] =	ssyncset.done $0x0  }
0x6e: {  	[sflag:s31] =	ssyncadd.s32 $0xFFFFFFB0  }
0x6f: {  	[tilespmem:s11], [sflag:$0x2] =	stream.indirect.gather [hbm4b:s6+s1], $0x90, s1, s1, $0xb8;
	[tilespmem:$0x1F2D0] =	vst v63  }
0x70: {  	s23 =	simm.s32 $0x8A20  }
0x71: {  	[tilespmem:s23], [sflag:$0x5] =	stream.indirect.gather [hbm4b:s7+s1], $0x1, s10, s1, $0xb8;
	[tilespmem:$0x1F2D0] =	vst v63  }
0x72: {  	s26 =	simm.s32 $0xA0;
	s25 =	rddreg [dreg:$0x10]  }
0x73: {  	[tilespmem:s26], [sflag:$0xA] =	stream.linear.gather [hbm4b:s25+s24], $0x50, $0x38;
	[tilespmem:$0x1F2D0] =	vst v63  }
0x74: {  	_ =	swait.ge [sflag:s31], $0x50  }
0x75: {  	[sflag:s31] =	ssyncset.done $0x0  }
0x76: {  	s25 =	rddreg [dreg:$0x11];
	[sflag:s31] =	ssyncadd.s32 $0xFFFFFFB0  }
0x77: {  	[tilespmem:s14], [sflag:$0xA] =	stream.linear.gather [hbm4b:s25+s24], $0x50, $0x38;
	[tilespmem:$0x1F2D0] =	vst v63  }
0x78: {  	_ =	swait.ge [sflag:s31], $0x50  }
0x79: {  	[sflag:s31] =	ssyncset.done $0x0  }
0x7a: {  	[sflag:s31] =	ssyncadd.s32 $0xFFFFFFB0  }
0x7b: {  	[tilespmem:s15], [sflag:$0x3] =	stream.indirect.gather [hbm4b:s6+s1], $0x90, s26, s1, $0xb8;
	[tilespmem:$0x1F2D0] =	vst v63  }
0x7c: {  	s24 =	simm.s32 $0x0;
	s26 =	simm.s32 $0x8A70  }
0x7d: {  	[tilespmem:s26], [sflag:$0x6] =	stream.indirect.gather [hbm4b:s7+s1], $0x1, s14, s1, $0xb8;
	[tilespmem:$0x1F2D0] =	vst v63  }
.LBB2_4:
0x7e: {  	_ =	swait.ge [sflag:s17], $0x2D00  }
0x7f: {  	[sflag:s17] =	ssyncset.done $0x0  }
0x80: {  	[sflag:s17] =	ssyncadd.s32 $0xFFFFD300  }
0x81: {  	_ =	swait.ge [sflag:s18], $0x50  }
0x82: {  	[sflag:s18] =	ssyncset.done $0x0  }
0x83: {  	[sflag:s18] =	ssyncadd.s32 $0xFFFFFFB0  }
0x84: {  	v7 =	vld.idx.msk [tilespmem:v1+s0+$0x0], $0xffff  }
0x85: {  	v8 =	vld [tilespmem:$0x89D0];
	_ =	sdelay $0x4  }
0x86: {  	v7 =	vadd.f32 v8, v7;
	_ =	sdelay $0x1  }
0x87: {  	v8 =	vmul.f32 $2.000000030e-01, v7  }
0x88: {  	vm0 =	vge.f32 v7, $0.0e+00  }
0x89: {  	v7 =	vsel vm0, v7, v8  }
0x8a: {  	v7 =	vsub.f32 v7, v6;
	_ =	sdelay $0x1  }
0x8b: {  	v7 =	vmul.f32 $1.442695020e+00, v7;
	_ =	sdelay $0x1  }
0x8c: {  	(erf) = vpow2.f32 v7;
	_ =	sdelay $0x8  }
0x8d: {  	v7 =	vpop (erf)  }
0x8e: {  	v8 =	vld [tilespmem:$0x89E0];
	[tilespmem:$0x88E0] =	vst v7  }
0x8f: {  	v7 =	vld.idx.msk [tilespmem:v2+s0+$0x0], $0xffff;
	_ =	sdelay $0x4  }
0x90: {  	v7 =	vadd.f32 v8, v7;
	_ =	sdelay $0x1  }
0x91: {  	v8 =	vmul.f32 $2.000000030e-01, v7  }
0x92: {  	vm12 =	vge.f32 v7, $0.0e+00  }
0x93: {  	v7 =	vsel vm12, v7, v8  }
0x94: {  	v7 =	vsub.f32 v7, v6;
	_ =	sdelay $0x1  }
0x95: {  	v7 =	vmul.f32 $1.442695020e+00, v7;
	_ =	sdelay $0x1  }
0x96: {  	(erf) = vpow2.f32 v7;
	_ =	sdelay $0x8  }
0x97: {  	v7 =	vpop (erf)  }
0x98: {  	v8 =	vld [tilespmem:$0x89F0];
	[tilespmem:$0x88F0] =	vst v7  }
0x99: {  	v7 =	vld.idx.msk [tilespmem:v3+s0+$0x0], $0xffff;
	_ =	sdelay $0x4  }
0x9a: {  	v7 =	vadd.f32 v8, v7;
	_ =	sdelay $0x1  }
0x9b: {  	v8 =	vmul.f32 $2.000000030e-01, v7  }
0x9c: {  	vm13 =	vge.f32 v7, $0.0e+00  }
0x9d: {  	v7 =	vsel vm13, v7, v8  }
0x9e: {  	v7 =	vsub.f32 v7, v6;
	_ =	sdelay $0x1  }
0x9f: {  	v7 =	vmul.f32 $1.442695020e+00, v7;
	_ =	sdelay $0x1  }
0xa0: {  	(erf) = vpow2.f32 v7;
	_ =	sdelay $0x8  }
0xa1: {  	v7 =	vpop (erf)  }
0xa2: {  	v8 =	vld [tilespmem:$0x8A00];
	[tilespmem:$0x8900] =	vst v7  }
0xa3: {  	v7 =	vld.idx.msk [tilespmem:v4+s0+$0x0], $0xffff;
	_ =	sdelay $0x4  }
0xa4: {  	v7 =	vadd.f32 v8, v7;
	_ =	sdelay $0x1  }
0xa5: {  	v8 =	vmul.f32 $2.000000030e-01, v7  }
0xa6: {  	vm14 =	vge.f32 v7, $0.0e+00  }
0xa7: {  	v7 =	vsel vm14, v7, v8  }
0xa8: {  	v7 =	vsub.f32 v7, v6;
	_ =	sdelay $0x1  }
0xa9: {  	v7 =	vmul.f32 $1.442695020e+00, v7;
	_ =	sdelay $0x1  }
0xaa: {  	(erf) = vpow2.f32 v7;
	_ =	sdelay $0x8  }
0xab: {  	v7 =	vpop (erf)  }
0xac: {  	v8 =	vld [tilespmem:$0x8A10];
	[tilespmem:$0x8910] =	vst v7  }
0xad: {  	v7 =	vld.idx.msk [tilespmem:v5+s0+$0x0], $0xffff;
	_ =	sdelay $0x4  }
0xae: {  	v7 =	vadd.f32 v8, v7;
	_ =	sdelay $0x1  }
0xaf: {  	v8 =	vmul.f32 $2.000000030e-01, v7  }
0xb0: {  	vm15 =	vge.f32 v7, $0.0e+00  }
0xb1: {  	v7 =	vsel vm15, v7, v8  }
0xb2: {  	v7 =	vsub.f32 v7, v6;
	_ =	sdelay $0x1  }
0xb3: {  	v7 =	vmul.f32 $1.442695020e+00, v7;
	_ =	sdelay $0x1  }
0xb4: {  	(erf) = vpow2.f32 v7;
	_ =	sdelay $0x7  }
0xb5: {  	s13 =	simm.s32 $0x0  }
0xb6: {  	v8 =	vmov s13;
	v7 =	vpop (erf)  }
0xb7: {  	s25 =	simm.s32 $0x220;
	[tilespmem:$0x8920] =	vst v7  }
0xb8: {  	v12 =	vld [tilespmem:s25+$0xFFFFFFC0]  }
0xb9: {  	v15 =	vld [tilespmem:s25+$0x30]  }
0xba: {  	v13 =	vld [tilespmem:s25+$0x40]  }
0xbb: {  	v8 =	vld.idx.msk [tilespmem:v8+s19+$0x0], $0xffff  }
0xbc: {  	v17 =	vld [tilespmem:s25+$0xFFFFFFE0]  }
0xbd: {  	v7 =	vld [tilespmem:s25+$0xFFFFFFF0]  }
0xbe: {  	v9 =	vld [tilespmem:s25+$0x20]  }
0xbf: {  	v10 =	vld [tilespmem:s25+$0xFFFFFFD0]  }
0xc0: {  	v11 =	vld [tilespmem:s25+$0x10]  }
0xc1: {  	v16 =	vmul.f32 v12, v8;
	v14 =	vmul.f32 v13, v8;
	v12 =	vld [tilespmem:s25+$0x0]  }
0xc2: {  	s23 =	simm.s32 $0x1;
	s26 =	simm.s32 $0x220;
	v13 =	vmul.f32 v17, v8;
	v15 =	vmul.f32 v15, v8  }
.LBB2_5:
0xc3: {  	p0 =	sne.s32 s23, $0x4F  }
0xc4: {  	[tilespmem:s25+$0xFFFFFFC0] =	vst v16;
	v10 =	vmul.f32 v10, v8;
	v9 =	vmul.f32 v9, v8;
	s26 =	sadd.s32 $0x90, s26;
	s13 =	smov.u32 s23;
	s23 =	sadd.s32 $0x1, s23  }
0xc5: {  	v16 =	vmul.f32 v7, v8;
	v7 =	vmul.f32 v11, v8;
	[tilespmem:s25+$0x40] =	vst v14  }
0xc6: {  	v8 =	vmul.f32 v12, v8;
	[tilespmem:s25+$0x30] =	vst v15  }
0xc7: {  	[tilespmem:s25+$0xFFFFFFE0] =	vst v13  }
0xc8: {  	v11 =	vmov s13;
	[tilespmem:s25+$0x10] =	vst v7  }
0xc9: {  	v7 =	vld [tilespmem:s26+$0xFFFFFFF0];
	[tilespmem:s25+$0x0] =	vst v8  }
0xca: {  	v13 =	vld [tilespmem:s26+$0xFFFFFFC0];
	[tilespmem:s25+$0xFFFFFFF0] =	vst v16  }
0xcb: {  	v15 =	vld [tilespmem:s26+$0x30];
	[tilespmem:s25+$0x20] =	vst v9  }
0xcc: {  	v14 =	vld [tilespmem:s26+$0x40];
	[tilespmem:s25+$0xFFFFFFD0] =	vst v10;
	s25 =	smov.u32 s26  }
0xcd: {  	v8 =	vld.idx.msk [tilespmem:v11+s19+$0x0], $0xffff  }
0xce: {  	v17 =	vld [tilespmem:s26+$0xFFFFFFE0]  }
0xcf: {  	v9 =	vld [tilespmem:s26+$0x20]  }
.Ltmp1:
0xd0: {  	v10 =	vld [tilespmem:s26+$0xFFFFFFD0];
	(pc) =	sbr.rel @p0 .LBB2_5-.Ltmp1, $4  }
0xd1: {  	v11 =	vld [tilespmem:s26+$0x10]  }
0xd2: {  	v12 =	vld [tilespmem:s26+$0x0]  }
0xd3: {  	v16 =	vmul.f32 v13, v8;
	v14 =	vmul.f32 v14, v8  }
0xd4: {  	v15 =	vmul.f32 v15, v8;
	v13 =	vmul.f32 v17, v8  }
0xd5: {  	[tilespmem:s25+$0xFFFFFFC0] =	vst v16  }
0xd6: {  	[tilespmem:s25+$0x40] =	vst v14  }
0xd7: {  	v7 =	vmul.f32 v7, v8;
	[tilespmem:s25+$0x30] =	vst v15  }
0xd8: {  	v9 =	vmul.f32 v9, v8;
	[tilespmem:s25+$0xFFFFFFE0] =	vst v13  }
0xd9: {  	v11 =	vmul.f32 v11, v8;
	[tilespmem:s25+$0xFFFFFFF0] =	vst v7  }
0xda: {  	v12 =	vmul.f32 v12, v8;
	[tilespmem:s25+$0x20] =	vst v9  }
0xdb: {  	v8 =	vmul.f32 v10, v8;
	[tilespmem:s25+$0x10] =	vst v11  }
0xdc: {  	[tilespmem:s25+$0x0] =	vst v12  }
0xdd: {  	[tilespmem:s25+$0xFFFFFFD0] =	vst v8  }
0xde: {  	[spmem:s2] =	stream.indirect.scatter.add.f32 [tilespmem:s0], [sflag:$0x7], $0x90, s30, s1, $0xb8;
	[tilespmem:$0x1F2D0] =	vst v63  }
0xdf: {  	_ =	swait.ge [sflag:s20], $0x2D00  }
0xe0: {  	[sflag:s20] =	ssyncset.done $0x0  }
0xe1: {  	[sflag:s20] =	ssyncadd.s32 $0xFFFFD300  }
0xe2: {  	_ =	swait.ge [sflag:s21], $0x50  }
0xe3: {  	[sflag:s21] =	ssyncset.done $0x0  }
0xe4: {  	[sflag:s21] =	ssyncadd.s32 $0xFFFFFFB0  }
0xe5: {  	v7 =	vld.idx.msk [tilespmem:v1+s11+$0x0], $0xffff  }
0xe6: {  	v8 =	vld [tilespmem:$0x8A20];
	_ =	sdelay $0x4  }
0xe7: {  	v7 =	vadd.f32 v8, v7;
	_ =	sdelay $0x1  }
0xe8: {  	v8 =	vmul.f32 $2.000000030e-01, v7  }
0xe9: {  	vm0 =	vge.f32 v7, $0.0e+00  }
0xea: {  	v7 =	vsel vm0, v7, v8  }
0xeb: {  	v7 =	vsub.f32 v7, v6;
	_ =	sdelay $0x1  }
0xec: {  	v7 =	vmul.f32 $1.442695020e+00, v7;
	_ =	sdelay $0x1  }
0xed: {  	(erf) = vpow2.f32 v7;
	_ =	sdelay $0x8  }
0xee: {  	v7 =	vpop (erf)  }
0xef: {  	v8 =	vld [tilespmem:$0x8A30];
	[tilespmem:$0x8930] =	vst v7  }
0xf0: {  	v7 =	vld.idx.msk [tilespmem:v2+s11+$0x0], $0xffff;
	_ =	sdelay $0x4  }
0xf1: {  	v7 =	vadd.f32 v8, v7;
	_ =	sdelay $0x1  }
0xf2: {  	v8 =	vmul.f32 $2.000000030e-01, v7  }
0xf3: {  	vm12 =	vge.f32 v7, $0.0e+00  }
0xf4: {  	v7 =	vsel vm12, v7, v8  }
0xf5: {  	v7 =	vsub.f32 v7, v6;
	_ =	sdelay $0x1  }
0xf6: {  	v7 =	vmul.f32 $1.442695020e+00, v7;
	_ =	sdelay $0x1  }
0xf7: {  	(erf) = vpow2.f32 v7;
	_ =	sdelay $0x8  }
0xf8: {  	v7 =	vpop (erf)  }
0xf9: {  	v8 =	vld [tilespmem:$0x8A40];
	[tilespmem:$0x8940] =	vst v7  }
0xfa: {  	v7 =	vld.idx.msk [tilespmem:v3+s11+$0x0], $0xffff;
	_ =	sdelay $0x4  }
0xfb: {  	v7 =	vadd.f32 v8, v7;
	_ =	sdelay $0x1  }
0xfc: {  	v8 =	vmul.f32 $2.000000030e-01, v7  }
0xfd: {  	vm13 =	vge.f32 v7, $0.0e+00  }
0xfe: {  	v7 =	vsel vm13, v7, v8  }
0xff: {  	v7 =	vsub.f32 v7, v6;
	_ =	sdelay $0x1  }
0x100: {  	v7 =	vmul.f32 $1.442695020e+00, v7;
	_ =	sdelay $0x1  }
0x101: {  	(erf) = vpow2.f32 v7;
	_ =	sdelay $0x8  }
0x102: {  	v7 =	vpop (erf)  }
0x103: {  	v8 =	vld [tilespmem:$0x8A50];
	[tilespmem:$0x8950] =	vst v7  }
0x104: {  	v7 =	vld.idx.msk [tilespmem:v4+s11+$0x0], $0xffff;
	_ =	sdelay $0x4  }
0x105: {  	v7 =	vadd.f32 v8, v7;
	_ =	sdelay $0x1  }
0x106: {  	v8 =	vmul.f32 $2.000000030e-01, v7  }
0x107: {  	vm14 =	vge.f32 v7, $0.0e+00  }
0x108: {  	v7 =	vsel vm14, v7, v8  }
0x109: {  	v7 =	vsub.f32 v7, v6;
	_ =	sdelay $0x1  }
0x10a: {  	v7 =	vmul.f32 $1.442695020e+00, v7;
	_ =	sdelay $0x1  }
0x10b: {  	(erf) = vpow2.f32 v7;
	_ =	sdelay $0x8  }
0x10c: {  	v7 =	vpop (erf)  }
0x10d: {  	v8 =	vld [tilespmem:$0x8A60];
	[tilespmem:$0x8960] =	vst v7  }
0x10e: {  	v7 =	vld.idx.msk [tilespmem:v5+s11+$0x0], $0xffff;
	_ =	sdelay $0x4  }
0x10f: {  	v7 =	vadd.f32 v8, v7;
	_ =	sdelay $0x1  }
0x110: {  	v8 =	vmul.f32 $2.000000030e-01, v7  }
0x111: {  	vm15 =	vge.f32 v7, $0.0e+00  }
0x112: {  	v7 =	vsel vm15, v7, v8  }
0x113: {  	v7 =	vsub.f32 v7, v6;
	_ =	sdelay $0x1  }
0x114: {  	v7 =	vmul.f32 $1.442695020e+00, v7;
	_ =	sdelay $0x1  }
0x115: {  	(erf) = vpow2.f32 v7;
	_ =	sdelay $0x7  }
0x116: {  	s13 =	simm.s32 $0x0  }
0x117: {  	v8 =	vmov s13;
	v7 =	vpop (erf)  }
0x118: {  	s25 =	simm.s32 $0x2F20;
	[tilespmem:$0x8970] =	vst v7  }
0x119: {  	v12 =	vld [tilespmem:s25+$0xFFFFFFC0]  }
0x11a: {  	v15 =	vld [tilespmem:s25+$0x30]  }
0x11b: {  	v13 =	vld [tilespmem:s25+$0x40]  }
0x11c: {  	v8 =	vld.idx.msk [tilespmem:v8+s22+$0x0], $0xffff  }
0x11d: {  	v17 =	vld [tilespmem:s25+$0xFFFFFFE0]  }
0x11e: {  	v7 =	vld [tilespmem:s25+$0xFFFFFFF0]  }
0x11f: {  	v9 =	vld [tilespmem:s25+$0x20]  }
0x120: {  	v10 =	vld [tilespmem:s25+$0xFFFFFFD0]  }
0x121: {  	v11 =	vld [tilespmem:s25+$0x10]  }
0x122: {  	v16 =	vmul.f32 v12, v8;
	v14 =	vmul.f32 v13, v8;
	v12 =	vld [tilespmem:s25+$0x0]  }
0x123: {  	s23 =	simm.s32 $0x1;
	s26 =	simm.s32 $0x2F20;
	v13 =	vmul.f32 v17, v8;
	v15 =	vmul.f32 v15, v8  }
.LBB2_7:
0x124: {  	p0 =	sne.s32 s23, $0x4F  }
0x125: {  	[tilespmem:s25+$0xFFFFFFC0] =	vst v16;
	v10 =	vmul.f32 v10, v8;
	v9 =	vmul.f32 v9, v8;
	s26 =	sadd.s32 $0x90, s26;
	s13 =	smov.u32 s23;
	s23 =	sadd.s32 $0x1, s23  }
0x126: {  	v16 =	vmul.f32 v7, v8;
	v7 =	vmul.f32 v11, v8;
	[tilespmem:s25+$0x40] =	vst v14  }
0x127: {  	v8 =	vmul.f32 v12, v8;
	[tilespmem:s25+$0x30] =	vst v15  }
0x128: {  	[tilespmem:s25+$0xFFFFFFE0] =	vst v13  }
0x129: {  	v11 =	vmov s13;
	[tilespmem:s25+$0x10] =	vst v7  }
0x12a: {  	v7 =	vld [tilespmem:s26+$0xFFFFFFF0];
	[tilespmem:s25+$0x0] =	vst v8  }
0x12b: {  	v13 =	vld [tilespmem:s26+$0xFFFFFFC0];
	[tilespmem:s25+$0xFFFFFFF0] =	vst v16  }
0x12c: {  	v15 =	vld [tilespmem:s26+$0x30];
	[tilespmem:s25+$0x20] =	vst v9  }
0x12d: {  	v14 =	vld [tilespmem:s26+$0x40];
	[tilespmem:s25+$0xFFFFFFD0] =	vst v10;
	s25 =	smov.u32 s26  }
0x12e: {  	v8 =	vld.idx.msk [tilespmem:v11+s22+$0x0], $0xffff  }
0x12f: {  	v17 =	vld [tilespmem:s26+$0xFFFFFFE0]  }
0x130: {  	v9 =	vld [tilespmem:s26+$0x20]  }
.Ltmp2:
0x131: {  	v10 =	vld [tilespmem:s26+$0xFFFFFFD0];
	(pc) =	sbr.rel @p0 .LBB2_7-.Ltmp2, $4  }
0x132: {  	v11 =	vld [tilespmem:s26+$0x10]  }
0x133: {  	v12 =	vld [tilespmem:s26+$0x0]  }
0x134: {  	v16 =	vmul.f32 v13, v8;
	v14 =	vmul.f32 v14, v8  }
0x135: {  	v15 =	vmul.f32 v15, v8;
	v13 =	vmul.f32 v17, v8  }
0x136: {  	[tilespmem:s25+$0xFFFFFFC0] =	vst v16  }
0x137: {  	[tilespmem:s25+$0x40] =	vst v14  }
0x138: {  	v7 =	vmul.f32 v7, v8;
	[tilespmem:s25+$0x30] =	vst v15  }
0x139: {  	v9 =	vmul.f32 v9, v8;
	[tilespmem:s25+$0xFFFFFFE0] =	vst v13  }
0x13a: {  	v11 =	vmul.f32 v11, v8;
	[tilespmem:s25+$0xFFFFFFF0] =	vst v7  }
0x13b: {  	v12 =	vmul.f32 v12, v8;
	[tilespmem:s25+$0x20] =	vst v9  }
0x13c: {  	v8 =	vmul.f32 v10, v8;
	[tilespmem:s25+$0x10] =	vst v11  }
0x13d: {  	[tilespmem:s25+$0x0] =	vst v12  }
0x13e: {  	p0 =	seq.s32 s24, $0x28;
	[tilespmem:s25+$0xFFFFFFD0] =	vst v8  }
0x13f: {  	[spmem:s2] =	stream.indirect.scatter.add.f32 [tilespmem:s11], [sflag:$0x8], $0x90, s10, s1, $0xb8;
	[tilespmem:$0x1F2D0] =	vst v63  }
0x140: {  	s13 =	smul.u32 @!p0 $0xF0, s24;
	_ =	swait.ge [sflag:s28], $0x2D00  }
0x141: {  	s23 =	rddreg [dreg:$0x12]  }
0x142: {  	s13 =	sadd.s32 @!p0 s13, s23  }
0x143: {  	[sflag:s28] =	ssyncset.done $0x0;
	s13 =	sshrl.u32 @!p0 s13, $0x3  }
0x144: {  	s25 =	simm.s32 @!p0 $0x0;
	[sflag:s28] =	ssyncadd.s32 $0xFFFFD300;
	s23 =	sadd.s32 @!p0 s4, s13  }
0x145: {  	[tilespmem:s25], [sflag:$0xA] =	stream.linear.gather @!p0 [hbm4b:s23+s25], $0x50, $0x38;
	[tilespmem:$0x1F2D0] =	vst v63  }
0x146: {  	s23 =	simm.s32 @!p0 $0xA  }
0x147: {  	_ =	swait.ge @!p0 [sflag:s23], $0x50  }
0x148: {  	[sflag:s23] =	ssyncset.done @!p0 $0x0  }
0x149: {  	s26 =	simm.s32 @!p0 $0xF0;
	s13 =	sadd.s32 @!p0 s5, s13;
	[sflag:s23] =	ssyncadd.s32 @!p0 $0xFFFFFFB0  }
0x14a: {  	[tilespmem:s26], [sflag:$0xA] =	stream.linear.gather @!p0 [hbm4b:s13+s25], $0x50, $0x38;
	[tilespmem:$0x1F2D0] =	vst v63  }
0x14b: {  	_ =	swait.ge @!p0 [sflag:s23], $0x50  }
0x14c: {  	[sflag:s23] =	ssyncset.done @!p0 $0x0  }
0x14d: {  	s13 =	simm.s32 @!p0 $0x50;
	[sflag:s23] =	ssyncadd.s32 @!p0 $0xFFFFFFB0;
	s23 =	simm.s32 @!p0 $0x1E0  }
0x14e: {  	[tilespmem:s23], [sflag:$0x1] =	stream.indirect.gather @!p0 [hbm4b:s6+s13], $0x90, s25, s13, $0xb8;
	[tilespmem:$0x1F2D0] =	vst v63  }
0x14f: {  	s23 =	simm.s32 @!p0 $0x89D0  }
0x150: {  	[tilespmem:s23], [sflag:$0x4] =	stream.indirect.gather @!p0 [hbm4b:s7+s13], $0x1, s26, s13, $0xb8;
	[tilespmem:$0x1F2D0] =	vst v63  }
0x151: {  	_ =	swait.ge [sflag:s29], $0x2D00  }
0x152: {  	[sflag:s29] =	ssyncset.done $0x0  }
0x153: {  	[sflag:s29] =	ssyncadd.s32 $0xFFFFD300  }
0x154: {  	_ =	swait.ge [sflag:s9], $0x50  }
0x155: {  	[sflag:s9] =	ssyncset.done $0x0  }
0x156: {  	[sflag:s9] =	ssyncadd.s32 $0xFFFFFFB0  }
0x157: {  	v7 =	vld.idx.msk [tilespmem:v1+s15+$0x0], $0xffff  }
0x158: {  	v8 =	vld [tilespmem:$0x8A70];
	_ =	sdelay $0x4  }
0x159: {  	v7 =	vadd.f32 v8, v7;
	_ =	sdelay $0x1  }
0x15a: {  	v8 =	vmul.f32 $2.000000030e-01, v7  }
0x15b: {  	vm0 =	vge.f32 v7, $0.0e+00  }
0x15c: {  	v7 =	vsel vm0, v7, v8  }
0x15d: {  	v7 =	vsub.f32 v7, v6;
	_ =	sdelay $0x1  }
0x15e: {  	v7 =	vmul.f32 $1.442695020e+00, v7;
	_ =	sdelay $0x1  }
0x15f: {  	(erf) = vpow2.f32 v7;
	_ =	sdelay $0x8  }
0x160: {  	v7 =	vpop (erf)  }
0x161: {  	v8 =	vld [tilespmem:$0x8A80];
	[tilespmem:$0x8980] =	vst v7  }
0x162: {  	v7 =	vld.idx.msk [tilespmem:v2+s15+$0x0], $0xffff;
	_ =	sdelay $0x4  }
0x163: {  	v7 =	vadd.f32 v8, v7;
	_ =	sdelay $0x1  }
0x164: {  	v8 =	vmul.f32 $2.000000030e-01, v7  }
0x165: {  	vm12 =	vge.f32 v7, $0.0e+00  }
0x166: {  	v7 =	vsel vm12, v7, v8  }
0x167: {  	v7 =	vsub.f32 v7, v6;
	_ =	sdelay $0x1  }
0x168: {  	v7 =	vmul.f32 $1.442695020e+00, v7;
	_ =	sdelay $0x1  }
0x169: {  	(erf) = vpow2.f32 v7;
	_ =	sdelay $0x8  }
0x16a: {  	v7 =	vpop (erf)  }
0x16b: {  	v8 =	vld [tilespmem:$0x8A90];
	[tilespmem:$0x8990] =	vst v7  }
0x16c: {  	v7 =	vld.idx.msk [tilespmem:v3+s15+$0x0], $0xffff;
	_ =	sdelay $0x4  }
0x16d: {  	v7 =	vadd.f32 v8, v7;
	_ =	sdelay $0x1  }
0x16e: {  	v8 =	vmul.f32 $2.000000030e-01, v7  }
0x16f: {  	vm13 =	vge.f32 v7, $0.0e+00  }
0x170: {  	v7 =	vsel vm13, v7, v8  }
0x171: {  	v7 =	vsub.f32 v7, v6;
	_ =	sdelay $0x1  }
0x172: {  	v7 =	vmul.f32 $1.442695020e+00, v7;
	_ =	sdelay $0x1  }
0x173: {  	(erf) = vpow2.f32 v7;
	_ =	sdelay $0x8  }
0x174: {  	v7 =	vpop (erf)  }
0x175: {  	v8 =	vld [tilespmem:$0x8AA0];
	[tilespmem:$0x89A0] =	vst v7  }
0x176: {  	v7 =	vld.idx.msk [tilespmem:v4+s15+$0x0], $0xffff;
	_ =	sdelay $0x4  }
0x177: {  	v7 =	vadd.f32 v8, v7;
	_ =	sdelay $0x1  }
0x178: {  	v8 =	vmul.f32 $2.000000030e-01, v7  }
0x179: {  	vm14 =	vge.f32 v7, $0.0e+00  }
0x17a: {  	v7 =	vsel vm14, v7, v8  }
0x17b: {  	v7 =	vsub.f32 v7, v6;
	_ =	sdelay $0x1  }
0x17c: {  	v7 =	vmul.f32 $1.442695020e+00, v7;
	_ =	sdelay $0x1  }
0x17d: {  	(erf) = vpow2.f32 v7;
	_ =	sdelay $0x8  }
0x17e: {  	v7 =	vpop (erf)  }
0x17f: {  	v8 =	vld [tilespmem:$0x8AB0];
	[tilespmem:$0x89B0] =	vst v7  }
0x180: {  	v7 =	vld.idx.msk [tilespmem:v5+s15+$0x0], $0xffff;
	_ =	sdelay $0x4  }
0x181: {  	v7 =	vadd.f32 v8, v7;
	_ =	sdelay $0x1  }
0x182: {  	v8 =	vmul.f32 $2.000000030e-01, v7  }
0x183: {  	vm15 =	vge.f32 v7, $0.0e+00  }
0x184: {  	v7 =	vsel vm15, v7, v8  }
0x185: {  	v7 =	vsub.f32 v7, v6;
	_ =	sdelay $0x1  }
0x186: {  	v7 =	vmul.f32 $1.442695020e+00, v7;
	_ =	sdelay $0x1  }
0x187: {  	(erf) = vpow2.f32 v7;
	_ =	sdelay $0x7  }
0x188: {  	s26 =	simm.s32 $0x0  }
0x189: {  	v8 =	vmov s26;
	v7 =	vpop (erf)  }
0x18a: {  	s25 =	simm.s32 $0x5C20;
	[tilespmem:$0x89C0] =	vst v7  }
0x18b: {  	v12 =	vld [tilespmem:s25+$0xFFFFFFC0]  }
0x18c: {  	v15 =	vld [tilespmem:s25+$0x30]  }
0x18d: {  	v13 =	vld [tilespmem:s25+$0x40]  }
0x18e: {  	v8 =	vld.idx.msk [tilespmem:v8+s12+$0x0], $0xffff  }
0x18f: {  	v17 =	vld [tilespmem:s25+$0xFFFFFFE0]  }
0x190: {  	v7 =	vld [tilespmem:s25+$0xFFFFFFF0]  }
0x191: {  	v9 =	vld [tilespmem:s25+$0x20]  }
0x192: {  	v10 =	vld [tilespmem:s25+$0xFFFFFFD0]  }
0x193: {  	v11 =	vld [tilespmem:s25+$0x10]  }
0x194: {  	v16 =	vmul.f32 v12, v8;
	v14 =	vmul.f32 v13, v8;
	v12 =	vld [tilespmem:s25+$0x0]  }
0x195: {  	s23 =	simm.s32 $0x1;
	s26 =	simm.s32 $0x5C20;
	v13 =	vmul.f32 v17, v8;
	v15 =	vmul.f32 v15, v8  }
.LBB2_9:
0x196: {  	p1 =	sne.s32 s23, $0x4F  }
0x197: {  	[tilespmem:s25+$0xFFFFFFC0] =	vst v16;
	v10 =	vmul.f32 v10, v8;
	v9 =	vmul.f32 v9, v8;
	s26 =	sadd.s32 $0x90, s26;
	s13 =	smov.u32 s23;
	s23 =	sadd.s32 $0x1, s23  }
0x198: {  	v16 =	vmul.f32 v7, v8;
	v7 =	vmul.f32 v11, v8;
	[tilespmem:s25+$0x40] =	vst v14  }
0x199: {  	v8 =	vmul.f32 v12, v8;
	[tilespmem:s25+$0x30] =	vst v15  }
0x19a: {  	[tilespmem:s25+$0xFFFFFFE0] =	vst v13  }
0x19b: {  	v11 =	vmov s13;
	[tilespmem:s25+$0x10] =	vst v7  }
0x19c: {  	v7 =	vld [tilespmem:s26+$0xFFFFFFF0];
	[tilespmem:s25+$0x0] =	vst v8  }
0x19d: {  	v13 =	vld [tilespmem:s26+$0xFFFFFFC0];
	[tilespmem:s25+$0xFFFFFFF0] =	vst v16  }
0x19e: {  	v15 =	vld [tilespmem:s26+$0x30];
	[tilespmem:s25+$0x20] =	vst v9  }
0x19f: {  	v14 =	vld [tilespmem:s26+$0x40];
	[tilespmem:s25+$0xFFFFFFD0] =	vst v10;
	s25 =	smov.u32 s26  }
0x1a0: {  	v8 =	vld.idx.msk [tilespmem:v11+s12+$0x0], $0xffff  }
0x1a1: {  	v17 =	vld [tilespmem:s26+$0xFFFFFFE0]  }
0x1a2: {  	v9 =	vld [tilespmem:s26+$0x20]  }
.Ltmp3:
0x1a3: {  	v10 =	vld [tilespmem:s26+$0xFFFFFFD0];
	(pc) =	sbr.rel @p1 .LBB2_9-.Ltmp3, $4  }
0x1a4: {  	v11 =	vld [tilespmem:s26+$0x10]  }
0x1a5: {  	v12 =	vld [tilespmem:s26+$0x0]  }
0x1a6: {  	v16 =	vmul.f32 v13, v8;
	v14 =	vmul.f32 v14, v8  }
0x1a7: {  	v15 =	vmul.f32 v15, v8;
	v13 =	vmul.f32 v17, v8  }
0x1a8: {  	[tilespmem:s25+$0xFFFFFFC0] =	vst v16  }
0x1a9: {  	[tilespmem:s25+$0x40] =	vst v14  }
0x1aa: {  	v7 =	vmul.f32 v7, v8;
	[tilespmem:s25+$0x30] =	vst v15  }
0x1ab: {  	v9 =	vmul.f32 v9, v8;
	[tilespmem:s25+$0xFFFFFFE0] =	vst v13  }
0x1ac: {  	v11 =	vmul.f32 v11, v8;
	[tilespmem:s25+$0xFFFFFFF0] =	vst v7  }
0x1ad: {  	v12 =	vmul.f32 v12, v8;
	[tilespmem:s25+$0x20] =	vst v9  }
0x1ae: {  	v8 =	vmul.f32 v10, v8;
	[tilespmem:s25+$0x10] =	vst v11  }
0x1af: {  	[tilespmem:s25+$0x0] =	vst v12  }
.Ltmp4:
0x1b0: {  	[tilespmem:s25+$0xFFFFFFD0] =	vst v8;
	(pc) =	sbr.rel @p0 .LBB2_12-.Ltmp4, $4  }
0x1b1: {  	[spmem:s2] =	stream.indirect.scatter.add.f32 [tilespmem:s15], [sflag:$0x9], $0x90, s14, s1, $0xb8;
	[tilespmem:$0x1F2D0] =	vst v63  }
0x1b2: {  	_ =	swait.ge [sflag:s16], $0x2D00  }
0x1b3: {  	[sflag:s16] =	ssyncset.done $0x0  }
0x1b4: {  	[sflag:s16] =	ssyncadd.s32 $0xFFFFD300  }
0x1b5: {  	s13 =	smul.u32 $0xF0, s24  }
0x1b6: {  	s23 =	rddreg [dreg:$0x13]  }
0x1b7: {  	s23 =	sadd.s32 s13, s23  }
0x1b8: {  	s23 =	sshrl.u32 s23, $0x3  }
0x1b9: {  	s25 =	sadd.s32 s4, s23  }
0x1ba: {  	[tilespmem:s1], [sflag:$0xA] =	stream.linear.gather [hbm4b:s25+s3], $0x50, $0x38;
	[tilespmem:$0x1F2D0] =	vst v63  }
0x1bb: {  	_ =	swait.ge [sflag:s31], $0x50  }
0x1bc: {  	[sflag:s31] =	ssyncset.done $0x0  }
0x1bd: {  	s23 =	sadd.s32 s5, s23;
	[sflag:s31] =	ssyncadd.s32 $0xFFFFFFB0  }
0x1be: {  	[tilespmem:s10], [sflag:$0xA] =	stream.linear.gather [hbm4b:s23+s3], $0x50, $0x38;
	[tilespmem:$0x1F2D0] =	vst v63  }
0x1bf: {  	_ =	swait.ge [sflag:s31], $0x50  }
0x1c0: {  	[sflag:s31] =	ssyncset.done $0x0  }
0x1c1: {  	[sflag:s31] =	ssyncadd.s32 $0xFFFFFFB0  }
0x1c2: {  	[tilespmem:s11], [sflag:$0x2] =	stream.indirect.gather [hbm4b:s6+s1], $0x90, s1, s1, $0xb8;
	[tilespmem:$0x1F2D0] =	vst v63  }
0x1c3: {  	s25 =	simm.s32 $0x8A20  }
0x1c4: {  	[tilespmem:s25], [sflag:$0x5] =	stream.indirect.gather [hbm4b:s7+s1], $0x1, s10, s1, $0xb8;
	[tilespmem:$0x1F2D0] =	vst v63  }
0x1c5: {  	_ =	swait.ge [sflag:s8], $0x2D00  }
0x1c6: {  	s26 =	rddreg [dreg:$0x14]  }
0x1c7: {  	s13 =	sadd.s32 s13, s26  }
0x1c8: {  	[sflag:s8] =	ssyncset.done $0x0;
	s13 =	sshrl.u32 s13, $0x3  }
0x1c9: {  	[sflag:s8] =	ssyncadd.s32 $0xFFFFD300;
	s26 =	simm.s32 $0xA0;
	s25 =	sadd.s32 s4, s13  }
0x1ca: {  	[tilespmem:s26], [sflag:$0xA] =	stream.linear.gather [hbm4b:s25+s3], $0x50, $0x38;
	[tilespmem:$0x1F2D0] =	vst v63  }
0x1cb: {  	_ =	swait.ge [sflag:s31], $0x50  }
0x1cc: {  	[sflag:s31] =	ssyncset.done $0x0  }
0x1cd: {  	s13 =	sadd.s32 s5, s13;
	[sflag:s31] =	ssyncadd.s32 $0xFFFFFFB0  }
0x1ce: {  	[tilespmem:s14], [sflag:$0xA] =	stream.linear.gather [hbm4b:s13+s3], $0x50, $0x38;
	[tilespmem:$0x1F2D0] =	vst v63  }
0x1cf: {  	_ =	swait.ge [sflag:s31], $0x50  }
.Ltmp5:
0x1d0: {  	[sflag:s31] =	ssyncset.done $0x0;
	(pc) =	sbr.rel .LBB2_4-.Ltmp5, $4  }
0x1d1: {  	[sflag:s31] =	ssyncadd.s32 $0xFFFFFFB0  }
0x1d2: {  	[tilespmem:s15], [sflag:$0x3] =	stream.indirect.gather [hbm4b:s6+s1], $0x90, s26, s1, $0xb8;
	[tilespmem:$0x1F2D0] =	vst v63  }
0x1d3: {  	s24 =	sadd.s32 $0x1, s24;
	s26 =	simm.s32 $0x8A70  }
0x1d4: {  	[tilespmem:s26], [sflag:$0x6] =	stream.indirect.gather [hbm4b:s7+s1], $0x1, s14, s1, $0xb8;
	[tilespmem:$0x1F2D0] =	vst v63  }
.LBB2_12:
0x1d5: {  	_ =	swait.ge [sflag:s8], $0x2D00  }
0x1d6: {  	s24 =	simm.s32 $0x0;
	[sflag:s8] =	ssyncset.done $0x0  }
0x1d7: {  	p0 =	por $0x1, $0x1;
	s23 =	simm.s32 $0x0;
	[sflag:s8] =	ssyncadd.s32 $0xFFFFD300  }
.LBB2_13:
0x1d8: {  	s13 =	rddreg [dreg:$0x15]  }
0x1d9: {  	s13 =	sadd.s32 s23, s13  }
0x1da: {  	s13 =	sshrl.u32 s13, $0x3  }
0x1db: {  	s25 =	sadd.s32 s4, s13  }
0x1dc: {  	[tilespmem:s24], [sflag:$0xA] =	stream.linear.gather [hbm4b:s25+s24], $0x50, $0x38;
	[tilespmem:$0x1F2D0] =	vst v63  }
0x1dd: {  	_ =	swait.ge [sflag:s31], $0x50  }
0x1de: {  	[sflag:s31] =	ssyncset.done $0x0  }
0x1df: {  	s13 =	sadd.s32 s5, s13;
	[sflag:s31] =	ssyncadd.s32 $0xFFFFFFB0  }
0x1e0: {  	[tilespmem:s30], [sflag:$0xA] =	stream.linear.gather [hbm4b:s13+s24], $0x50, $0x38;
	[tilespmem:$0x1F2D0] =	vst v63  }
0x1e1: {  	_ =	swait.ge [sflag:s31], $0x50  }
0x1e2: {  	[sflag:s31] =	ssyncset.done $0x0  }
0x1e3: {  	[sflag:s31] =	ssyncadd.s32 $0xFFFFFFB0  }
0x1e4: {  	[tilespmem:s0], [sflag:$0x1] =	stream.indirect.gather [hbm4b:s6+s1], $0x90, s24, s1, $0xb8;
	[tilespmem:$0x1F2D0] =	vst v63  }
0x1e5: {  	s26 =	simm.s32 $0x89D0  }
0x1e6: {  	[tilespmem:s26], [sflag:$0x4] =	stream.indirect.gather [hbm4b:s7+s1], $0x1, s30, s1, $0xb8;
	[tilespmem:$0x1F2D0] =	vst v63  }
0x1e7: {  	_ =	swait.ge [sflag:s17], $0x2D00  }
0x1e8: {  	[sflag:s17] =	ssyncset.done $0x0  }
0x1e9: {  	[sflag:s17] =	ssyncadd.s32 $0xFFFFD300  }
0x1ea: {  	_ =	swait.ge [sflag:s18], $0x50  }
0x1eb: {  	[sflag:s18] =	ssyncset.done $0x0  }
0x1ec: {  	[sflag:s18] =	ssyncadd.s32 $0xFFFFFFB0  }
0x1ed: {  	v7 =	vld.idx.msk [tilespmem:v1+s0+$0x0], $0xffff  }
0x1ee: {  	v8 =	vld [tilespmem:$0x89D0];
	_ =	sdelay $0x4  }
0x1ef: {  	v7 =	vadd.f32 v8, v7;
	_ =	sdelay $0x1  }
0x1f0: {  	v8 =	vmul.f32 $2.000000030e-01, v7  }
0x1f1: {  	vm0 =	vge.f32 v7, $0.0e+00  }
0x1f2: {  	v7 =	vsel vm0, v7, v8  }
0x1f3: {  	v7 =	vsub.f32 v7, v6;
	_ =	sdelay $0x1  }
0x1f4: {  	v7 =	vmul.f32 $1.442695020e+00, v7;
	_ =	sdelay $0x1  }
0x1f5: {  	(erf) = vpow2.f32 v7;
	_ =	sdelay $0x8  }
0x1f6: {  	v7 =	vpop (erf)  }
0x1f7: {  	v8 =	vld [tilespmem:$0x89E0];
	[tilespmem:$0x88E0] =	vst v7  }
0x1f8: {  	v7 =	vld.idx.msk [tilespmem:v2+s0+$0x0], $0xffff;
	_ =	sdelay $0x4  }
0x1f9: {  	v7 =	vadd.f32 v8, v7;
	_ =	sdelay $0x1  }
0x1fa: {  	v8 =	vmul.f32 $2.000000030e-01, v7  }
0x1fb: {  	vm12 =	vge.f32 v7, $0.0e+00  }
0x1fc: {  	v7 =	vsel vm12, v7, v8  }
0x1fd: {  	v7 =	vsub.f32 v7, v6;
	_ =	sdelay $0x1  }
0x1fe: {  	v7 =	vmul.f32 $1.442695020e+00, v7;
	_ =	sdelay $0x1  }
0x1ff: {  	(erf) = vpow2.f32 v7;
	_ =	sdelay $0x8  }
0x200: {  	v7 =	vpop (erf)  }
0x201: {  	v8 =	vld [tilespmem:$0x89F0];
	[tilespmem:$0x88F0] =	vst v7  }
0x202: {  	v7 =	vld.idx.msk [tilespmem:v3+s0+$0x0], $0xffff;
	_ =	sdelay $0x4  }
0x203: {  	v7 =	vadd.f32 v8, v7;
	_ =	sdelay $0x1  }
0x204: {  	v8 =	vmul.f32 $2.000000030e-01, v7  }
0x205: {  	vm13 =	vge.f32 v7, $0.0e+00  }
0x206: {  	v7 =	vsel vm13, v7, v8  }
0x207: {  	v7 =	vsub.f32 v7, v6;
	_ =	sdelay $0x1  }
0x208: {  	v7 =	vmul.f32 $1.442695020e+00, v7;
	_ =	sdelay $0x1  }
0x209: {  	(erf) = vpow2.f32 v7;
	_ =	sdelay $0x8  }
0x20a: {  	v7 =	vpop (erf)  }
0x20b: {  	v8 =	vld [tilespmem:$0x8A00];
	[tilespmem:$0x8900] =	vst v7  }
0x20c: {  	v7 =	vld.idx.msk [tilespmem:v4+s0+$0x0], $0xffff;
	_ =	sdelay $0x4  }
0x20d: {  	v7 =	vadd.f32 v8, v7;
	_ =	sdelay $0x1  }
0x20e: {  	v8 =	vmul.f32 $2.000000030e-01, v7  }
0x20f: {  	vm14 =	vge.f32 v7, $0.0e+00  }
0x210: {  	v7 =	vsel vm14, v7, v8  }
0x211: {  	v7 =	vsub.f32 v7, v6;
	_ =	sdelay $0x1  }
0x212: {  	v7 =	vmul.f32 $1.442695020e+00, v7;
	_ =	sdelay $0x1  }
0x213: {  	(erf) = vpow2.f32 v7;
	_ =	sdelay $0x8  }
0x214: {  	v7 =	vpop (erf)  }
0x215: {  	v8 =	vld [tilespmem:$0x8A10];
	[tilespmem:$0x8910] =	vst v7  }
0x216: {  	v7 =	vld.idx.msk [tilespmem:v5+s0+$0x0], $0xffff;
	_ =	sdelay $0x4  }
0x217: {  	v7 =	vadd.f32 v8, v7;
	_ =	sdelay $0x1  }
0x218: {  	v8 =	vmul.f32 $2.000000030e-01, v7  }
0x219: {  	vm15 =	vge.f32 v7, $0.0e+00  }
0x21a: {  	v7 =	vsel vm15, v7, v8  }
0x21b: {  	v7 =	vsub.f32 v7, v6;
	_ =	sdelay $0x1  }
0x21c: {  	v7 =	vmul.f32 $1.442695020e+00, v7;
	_ =	sdelay $0x1  }
0x21d: {  	(erf) = vpow2.f32 v7;
	_ =	sdelay $0x8  }
0x21e: {  	v8 =	vmov s24;
	v7 =	vpop (erf)  }
0x21f: {  	s25 =	simm.s32 $0x220;
	[tilespmem:$0x8920] =	vst v7  }
0x220: {  	v12 =	vld [tilespmem:s25+$0xFFFFFFC0]  }
0x221: {  	v15 =	vld [tilespmem:s25+$0x30]  }
0x222: {  	v13 =	vld [tilespmem:s25+$0x40]  }
0x223: {  	v8 =	vld.idx.msk [tilespmem:v8+s19+$0x0], $0xffff  }
0x224: {  	v17 =	vld [tilespmem:s25+$0xFFFFFFE0]  }
0x225: {  	v7 =	vld [tilespmem:s25+$0xFFFFFFF0]  }
0x226: {  	v9 =	vld [tilespmem:s25+$0x20]  }
0x227: {  	v10 =	vld [tilespmem:s25+$0xFFFFFFD0]  }
0x228: {  	v11 =	vld [tilespmem:s25+$0x10]  }
0x229: {  	v16 =	vmul.f32 v12, v8;
	v14 =	vmul.f32 v13, v8;
	v12 =	vld [tilespmem:s25+$0x0]  }
0x22a: {  	p1 =	por p0, p0;
	s23 =	simm.s32 $0x1;
	s26 =	simm.s32 $0x220;
	v13 =	vmul.f32 v17, v8;
	v15 =	vmul.f32 v15, v8  }
.LBB2_14:
0x22b: {  	p0 =	sne.s32 s23, $0x4F  }
0x22c: {  	[tilespmem:s25+$0xFFFFFFC0] =	vst v16;
	v10 =	vmul.f32 v10, v8;
	v9 =	vmul.f32 v9, v8;
	s26 =	sadd.s32 $0x90, s26;
	s13 =	smov.u32 s23;
	s23 =	sadd.s32 $0x1, s23  }
0x22d: {  	v16 =	vmul.f32 v7, v8;
	v7 =	vmul.f32 v11, v8;
	[tilespmem:s25+$0x40] =	vst v14  }
0x22e: {  	v8 =	vmul.f32 v12, v8;
	[tilespmem:s25+$0x30] =	vst v15  }
0x22f: {  	[tilespmem:s25+$0xFFFFFFE0] =	vst v13  }
0x230: {  	v11 =	vmov s13;
	[tilespmem:s25+$0x10] =	vst v7  }
0x231: {  	v7 =	vld [tilespmem:s26+$0xFFFFFFF0];
	[tilespmem:s25+$0x0] =	vst v8  }
0x232: {  	v13 =	vld [tilespmem:s26+$0xFFFFFFC0];
	[tilespmem:s25+$0xFFFFFFF0] =	vst v16  }
0x233: {  	v15 =	vld [tilespmem:s26+$0x30];
	[tilespmem:s25+$0x20] =	vst v9  }
0x234: {  	v14 =	vld [tilespmem:s26+$0x40];
	[tilespmem:s25+$0xFFFFFFD0] =	vst v10;
	s25 =	smov.u32 s26  }
0x235: {  	v8 =	vld.idx.msk [tilespmem:v11+s19+$0x0], $0xffff  }
0x236: {  	v17 =	vld [tilespmem:s26+$0xFFFFFFE0]  }
0x237: {  	v9 =	vld [tilespmem:s26+$0x20]  }
.Ltmp6:
0x238: {  	v10 =	vld [tilespmem:s26+$0xFFFFFFD0];
	(pc) =	sbr.rel @p0 .LBB2_14-.Ltmp6, $4  }
0x239: {  	v11 =	vld [tilespmem:s26+$0x10]  }
0x23a: {  	v12 =	vld [tilespmem:s26+$0x0]  }
0x23b: {  	v16 =	vmul.f32 v13, v8;
	v14 =	vmul.f32 v14, v8  }
0x23c: {  	v15 =	vmul.f32 v15, v8;
	v13 =	vmul.f32 v17, v8  }
0x23d: {  	[tilespmem:s25+$0xFFFFFFC0] =	vst v16  }
0x23e: {  	[tilespmem:s25+$0x40] =	vst v14  }
0x23f: {  	v7 =	vmul.f32 v7, v8;
	[tilespmem:s25+$0x30] =	vst v15  }
0x240: {  	v9 =	vmul.f32 v9, v8;
	[tilespmem:s25+$0xFFFFFFE0] =	vst v13  }
0x241: {  	v11 =	vmul.f32 v11, v8;
	[tilespmem:s25+$0xFFFFFFF0] =	vst v7  }
0x242: {  	v12 =	vmul.f32 v12, v8;
	[tilespmem:s25+$0x20] =	vst v9  }
0x243: {  	v8 =	vmul.f32 v10, v8;
	[tilespmem:s25+$0x10] =	vst v11  }
0x244: {  	[tilespmem:s25+$0x0] =	vst v12  }
.Ltmp7:
0x245: {  	s23 =	simm.s32 $0x50;
	[tilespmem:s25+$0xFFFFFFD0] =	vst v8;
	(pc) =	sbr.rel @p1 .LBB2_13-.Ltmp7, $4  }
0x246: {  	[spmem:s2] =	stream.indirect.scatter.add.f32 [tilespmem:s0], [sflag:$0x7], $0x90, s30, s23, $0xb8;
	[tilespmem:$0x1F2D0] =	vst v63  }
0x247: {  	_ =	swait.ge [sflag:s28], $0x2D00  }
0x248: {  	[sflag:s28] =	ssyncset.done $0x0  }
0x249: {  	p0 =	por $0x0, $0x0;
	[sflag:s28] =	ssyncadd.s32 $0xFFFFD300  }
0x24a: {  	s13 =	stileid.u32;
	[bflag:$0x0] =	sbarrier.arrive $0xFFFF  }
0x24b: {  	s13 =	sshll.u32 s13, $0x6;
	s25 =	rddreg [dreg:$0x4]  }
0x24c: {  	s24 =	rddreg [dreg:$0x16];
	s13 =	sor.u32 $0x1C0A, s13;
	s23 =	sshrl.u32 s25, $0x3  }
0x24d: {  	[hbm:s24], [sflag:s13] =	dma.local [spmem:s23], $0x2D00  }
0x24e: {  	_ =	swait.ge [sflag:s31], $0x2D00  }
0x24f: {  	s24 =	rddreg [dreg:$0x18]  }
0x250: {  	s26 =	rddreg [dreg:$0x17];
	s23 =	sadd.s32 $0x1, s24  }
0x251: {  	p0 =	sne.s32 s23, s26  }
.Ltmp8:
0x252: {  	_ = 	snop;
	(pc) =	sbr.rel @p0 .LBB2_1-.Ltmp8, $3  }
0x253: {  	_ =	sdelay $0x1  }
0x254: {  	[sflag:s31] =	ssyncset.done $0x0  }
0x255: {  	[sflag:s31] =	ssyncadd.s32 $0xFFFFD300  }
0x256: {  	_ =	sfence.sel $0x180000  }
0x257: {  	[bflag:$0x0] =	sbarrier.arrive $0xFFFF  }
0x258: {  	_ =	strace $0x9000004A  }
0x259: {  	s0 =	stileid.u32;
	[bflag:$0x2] =	sbarrier.arrive $0xFFFF  }
0x25a: {  	p0 =	sne.s32 s0, $0x0;
	s0 =	rddreg [dreg:$0x2]  }
0x25b: {  	s0 =	sadd.s32 @!p0 $0x100000, s0  }
0x25c: {  	[sflag:s0] =	ssyncadd.tile.s32 @!p0 $0x1;
	_ =	shalt  }
.Lfunc_end2:
_tile_overlayer_lowered:
.L_overlay_start_2:
0x25d: {  	(tag) =	ssettag $0x2  }
0x25e: {  	s0 =	rddreg [dreg:$0x0];
	s2 =	stileid.u32  }
0x25f: {  	s1 =	rddreg [dreg:$0x1];
	p0 =	sne.s32 s2, $0x0  }
0x260: {  	s3 =	rddreg [dreg:$0x2];
	[bflag:$0x3] =	sbarrier.arrive $0xFFFF;
	s2 =	simm.s32 @!p0 $0x1C0A  }
0x261: {  	[timem:s3], [sflag:s2] =	dma.local @!p0 [hbm:s0], s1  }
0x262: {  	s0 =	simm.s32 @!p0 $0xA  }
0x263: {  	_ =	swait.ge @!p0 [sflag:s0], s1  }
0x264: {  	s1 =	ssub.s32 @!p0 $0x0, s1;
	[sflag:s0] =	ssyncset.done @!p0 $0x0  }
0x265: {  	[sflag:s0] =	ssyncadd.s32 @!p0 s1  }
0x266: {  	[bflag:$0x3] =	sbarrier.arrive $0xFFFF  }
0x267: {  	_ =	shalt  }

// kernel: kernel.7.cloned.1.call-start
scs
__scs_entry_jumppad:
0x0: {  	(pc) =	sbr.rel $0x88, $3  }
0x1: {  	(tag) =	ssettag $0x0;
	lr =	simm.s32 $0x1  }
0x2: {  	[smem:$0x3F95] =	sst lr;
	_ =	strace $0xD0000000  }
0x3: {  	_ = 	snop  }
0x4: {  	_ = 	snop  }
0x5: {  	_ = 	snop  }
0x6: {  	_ = 	snop  }
0x7: {  	_ = 	snop  }
__scs_overlays_trampoline_lowered:
0x8: {  	[smem:$0x3FA4] =	sst s0  }
0x9: {  	[smem:$0x3FA5] =	sst s1  }
0xa: {  	[smem:$0x3FA6] =	sst s2  }
0xb: {  	[smem:$0x3FA7] =	sst s3  }
0xc: {  	[smem:$0x3FA8] =	sst s4  }
0xd: {  	[smem:$0x3FA9] =	sst s5  }
0xe: {  	[smem:$0x3FAA] =	sst s6  }
0xf: {  	[smem:$0x3FAB] =	sst s7  }
0x10: {  	[smem:$0x3FAC] =	sst s8  }
0x11: {  	[smem:$0x3FAD] =	sst s9;
	s0 =	simm.s32 @!p0 $0x0  }
0x12: {  	s1 =	sld [smem:$0x3F93];
	s0 =	simm.s32 @p0 $0x1  }
0x13: {  	[smem:$0x3FAE] =	sst s0;
	s0 =	simm.s32 @!p1 $0x0  }
0x14: {  	s2 =	sld [smem:$0x3F92];
	s0 =	simm.s32 @p1 $0x1  }
0x15: {  	[smem:$0x3FAF] =	sst s0;
	s0 =	simm.s32 @!p2 $0x0  }
0x16: {  	s3 =	sld [smem:$0x3FDB];
	s0 =	simm.s32 @p2 $0x1  }
0x17: {  	s4 =	simm.s32 $0x1BF5;
	[smem:$0x3FB1] =	sst s0  }
0x18: {  	s0 =	sld [smem:$0x3F94];
	_ =	swait.ge [sflag:s4], $0x0  }
0x19: {  	s7 =	sld [smem:$0x3F95]  }
0x1a: {  	s8 =	sadd.s32 $0xFFFFE003, lr  }
0x1b: {  	s9 =	sadd.s32 $0xFFFFFEF7, lr;
	s5 =	simm.s32 $0xFFFFFFFF;
	p2 =	slt.u32 s8, $0xFFFFF086  }
0x1c: {  	p1 =	slt.u32 s9, $0xF7A;
	s5 =	simm.s32 @!p2 $0x0  }
0x1d: {  	s5 =	simm.s32 @p1 $0x1;
	p0 =	seq.s32 s7, s2  }
0x1e: {  	s7 =	smul.u32 @!p0 $0xF7A, s2;
	p2 =	seq.s32 @!p0 s5, $0x0  }
0x1f: {  	s9 =	smul.u32 $0xF7A, s1;
	s8 =	simm.s32 @!p0 $0x1BF5;
	p2 =	por !p2, p0  }
0x20: {  	[sflag:s8] =	ssyncset.s32 @!p0 $0xFFFFF086;
	s6 =	sadd.s32 @!p0 s3, s7;
	s7 =	simm.s32 @!p0 $0x108  }
0x21: {  	s3 =	sadd.s32 s3, s9;
	s6 =	sadd.s32 @!p0 $0x88, s6;
	s7 =	simm.s32 @p2 $0x1082  }
0x22: {  	[simem:s7], [sflag:s8] =	dma.local @!p0 [hbm:s6], $0xF7A  }
0x23: {  	s9 =	sor.u32 $0xD0000000, s2;
	s6 =	simm.s32 $0x108;
	_ =	swait.ge @!p0 [sflag:s8], $0x0  }
0x24: {  	s3 =	sadd.s32 $0x88, s3;
	s6 =	simm.s32 @!p1 $0x1082;
	[sflag:s4] =	ssyncset.s32 $0xFFFFF086  }
0x25: {  	[simem:s6], [sflag:s4] =	dma.local [hbm:s3], $0xF7A  }
0x26: {  	[smem:$0x3F95] =	sst s1;
	(tag) =	ssettag s2;
	_ =	strace s9  }
0x27: {  	s1 =	sld [smem:$0x3FA5]  }
0x28: {  	s2 =	sld [smem:$0x3FA6]  }
0x29: {  	s4 =	sld [smem:$0x3FA8]  }
0x2a: {  	p0 =	seq.s32 s5, $0x0;
	s5 =	sld [smem:$0x3FA9]  }
0x2b: {  	s6 =	sld [smem:$0x3FAA]  }
0x2c: {  	s7 =	sld [smem:$0x3FAB]  }
0x2d: {  	s3 =	simm.s32 $0x108;
	s8 =	sld [smem:$0x3FAC]  }
0x2e: {  	s3 =	simm.s32 @!p0 $0x1082;
	s9 =	sld [smem:$0x3FAD]  }
0x2f: {  	lr =	sadd.s32 s0, s3;
	s0 =	sld [smem:$0x3FA4]  }
0x30: {  	s3 =	sld [smem:$0x3FA7]  }
0x31: {  	[smem:$0x3FB0] =	sst s10  }
0x32: {  	s10 =	sld [smem:$0x3FAE];
	_ =	sdelay $0x3  }
0x33: {  	p0 =	seq.s32 s10, $0x1;
	s10 =	sld [smem:$0x3FB0];
	_ =	sdelay $0x3  }
0x34: {  	[smem:$0x3FB0] =	sst s10  }
0x35: {  	s10 =	sld [smem:$0x3FAF];
	_ =	sdelay $0x3  }
0x36: {  	p1 =	seq.s32 s10, $0x1;
	s10 =	sld [smem:$0x3FB0];
	_ =	sdelay $0x3  }
0x37: {  	[smem:$0x3FB0] =	sst s10  }
0x38: {  	s10 =	sld [smem:$0x3FB1]  }
0x39: {  	_ = 	snop;
	(pc) =	sbr.ind lr, $3  }
0x3a: {  	_ = 	snop  }
0x3b: {  	_ = 	snop  }
0x3c: {  	p2 =	seq.s32 s10, $0x1;
	s10 =	sld [smem:$0x3FB0]  }
0x3d: {  	_ =	shalt  }
0x3e: {  	_ =	shalt  }
0x3f: {  	_ =	shalt  }
0x40: {  	_ =	shalt  }
0x41: {  	_ =	shalt  }
0x42: {  	_ =	shalt  }
0x43: {  	_ =	shalt  }
0x44: {  	_ =	shalt  }
0x45: {  	_ =	shalt  }
0x46: {  	_ =	shalt  }
0x47: {  	_ =	shalt  }
0x48: {  	_ =	shalt  }
0x49: {  	_ =	shalt  }
0x4a: {  	_ =	shalt  }
0x4b: {  	_ =	shalt  }
0x4c: {  	_ =	shalt  }
0x4d: {  	_ =	shalt  }
0x4e: {  	_ =	shalt  }
0x4f: {  	_ =	shalt  }
0x50: {  	_ =	shalt  }
0x51: {  	_ =	shalt  }
0x52: {  	_ =	shalt  }
0x53: {  	_ =	shalt  }
0x54: {  	_ =	shalt  }
0x55: {  	_ =	shalt  }
0x56: {  	_ =	shalt  }
0x57: {  	_ =	shalt  }
0x58: {  	_ =	shalt  }
0x59: {  	_ =	shalt  }
0x5a: {  	_ =	shalt  }
0x5b: {  	_ =	shalt  }
0x5c: {  	_ =	shalt  }
0x5d: {  	_ =	shalt  }
0x5e: {  	_ =	shalt  }
0x5f: {  	_ =	shalt  }
0x60: {  	_ =	shalt  }
0x61: {  	_ =	shalt  }
0x62: {  	_ =	shalt  }
0x63: {  	_ =	shalt  }
0x64: {  	_ =	shalt  }
0x65: {  	_ =	shalt  }
0x66: {  	_ =	shalt  }
0x67: {  	_ =	shalt  }
0x68: {  	_ =	shalt  }
0x69: {  	_ =	shalt  }
0x6a: {  	_ =	shalt  }
0x6b: {  	_ =	shalt  }
0x6c: {  	_ =	shalt  }
0x6d: {  	_ =	shalt  }
0x6e: {  	_ =	shalt  }
0x6f: {  	_ =	shalt  }
0x70: {  	_ =	shalt  }
0x71: {  	_ =	shalt  }
0x72: {  	_ =	shalt  }
0x73: {  	_ =	shalt  }
0x74: {  	_ =	shalt  }
0x75: {  	_ =	shalt  }
0x76: {  	_ =	shalt  }
0x77: {  	_ =	shalt  }
0x78: {  	_ =	shalt  }
0x79: {  	_ =	shalt  }
0x7a: {  	_ =	shalt  }
0x7b: {  	_ =	shalt  }
0x7c: {  	_ =	shalt  }
0x7d: {  	_ =	shalt  }
0x7e: {  	_ =	shalt  }
0x7f: {  	_ =	shalt  }
0x80: {  	_ =	shalt  }
0x81: {  	_ =	shalt  }
0x82: {  	_ =	shalt  }
0x83: {  	_ =	shalt  }
0x84: {  	_ =	shalt  }
0x85: {  	_ =	shalt  }
0x86: {  	_ =	shalt  }
0x87: {  	_ =	shalt  }
.Lfunc_end0:
.L_simem_size_0:
called_computation_lowered:
.L_overlay_start_0:
0x88: {  	s2 =	sld [smem:$0x3FD9]  }
0x89: {  	s3 =	sld [smem:$0x3FFE];
	_ =	sdelay $0x1  }
0x8a: {  	s1 =	srdreg.scid  }
0x8b: {  	s0 =	sand.u32 $0x1, s1  }
0x8c: {  	s16 =	sshll.u32 s0, $0xA;
	s2 =	sadd.s32 s3, s2  }
0x8d: {  	s2 =	sadd.s32 s2, s16  }
0x8e: {  	[smem:$0x3FBC] =	sst s2  }
0x8f: {  	_ = 	snop  }
0x90: {  	(tm) =	ssettm $0x1  }
0x91: {  	s17 =	sld [smem:$0x3FFB];
	_ =	sdelay $0x3  }
0x92: {  	_ =	strace s17  }
0x93: {  	s2 =	sld [smem:$0x3FFC];
	_ =	sdelay $0x3  }
0x94: {  	_ =	strace s2  }
0x95: {  	s2 =	sld [smem:$0x3FFD];
	_ =	sdelay $0x3  }
0x96: {  	_ =	strace s2  }
0x97: {  	_ =	strace $0x8FFFFFFF  }
0x98: {  	s18 =	sld [smem:$0x3FDB];
	_ =	sdelay $0x1  }
0x99: {  	s19 =	simm.s32 $_scs_section_size  }
0x9a: {  	s4 =	simm.s32 $_size__tile_overlayer_lowered;
	s5 =	simm.s32 $_tile_overlayer_lowered  }
0x9b: {  	s22 =	simm.s32 $0x1BFF;
	s21 =	sshll.u32 s5, $0x1;
	s2 =	sadd.s32 s19, s18  }
0x9c: {  	s6 =	simm.s32 $0x0;
	s20 =	sshll.u32 s4, $0x1;
	s4 =	sadd.s32 s21, s2  }
0x9d: {  	[timem:s6], [sflag:s22] =	dma.local [hbm:s4], s20  }
0x9e: {  	_ =	swait.ge [sflag:s22], s20  }
0x9f: {  	s3 =	ssub.s32 $0x0, s20;
	[sflag:s22] =	ssyncset.done $0x0  }
0xa0: {  	[sflag:s22] =	ssyncadd.s32 s3;
	_ =	sdelay $0x1  }
0xa1: {  	s23 =	simm.s32 $0x1B8B  }
0xa2: {  	_ =	swait.ge [sflag:s23], $0x1  }
0xa3: {  	[sflag:s23] =	ssyncset.done $0x0  }
0xa4: {  	s25 =	simm.s32 $0x1B8E;
	s24 =	sld [smem:$0x3FFE];
	[sflag:s23] =	ssyncadd.s32 $0xFFFFFFFF  }
0xa5: {  	s26 =	simm.s32 $execute0_lowered;
	[smem:$0x3FD2] =	sst s25  }
0xa6: {  	s4 =	sshll.u32 s26, $0x1;
	_ =	strace $0x80000046;
	[dreg:$0x1] =	wrdreg $0xFFFFFFFF  }
0xa7: {  	s28 =	simm.s32 $_size_execute0_lowered;
	s2 =	sadd.s32 s2, s4;
	[dreg:$0x0] =	wrdreg $0x0  }
0xa8: {  	s4 =	sshll.u32 s28, $0x1;
	[dreg:$0x2] =	wrdreg s2  }
0xa9: {  	[dreg:$0x3] =	wrdreg s4  }
0xaa: {  	[dreg:$0x4] =	wrdreg $0xC0  }
0xab: {  	_ =	task [dreg:s6], $0x5FFFF  }
0xac: {  	[dreg:$0x1] =	wrdreg $0xFFFFFFFF  }
0xad: {  	[dreg:$0x0] =	wrdreg $0x60  }
0xae: {  	[dreg:$0x2] =	wrdreg s24  }
0xaf: {  	[dreg:$0x3] =	wrdreg $0x8AD00  }
0xb0: {  	[dreg:$0x4] =	wrdreg $0x9  }
0xb1: {  	_ =	task.clear_ibuf [dreg:s6], $0x5FFFF;
	_ =	strace $0x90000046  }
0xb2: {  	s29 =	simm.s32 $0x9;
	_ =	strace $0x80000048  }
0xb3: {  	_ =	swait.ge [sflag:s29], $0x1  }
0xb4: {  	[sflag:s29] =	ssyncadd.s32 $0xFFFFFFFF  }
0xb5: {  	_ =	strace $0x90000048  }
0xb6: {  	_ =	sfence  }
0xb7: {  	s30 =	sld [smem:$0x0];
	_ =	sdelay $0x2  }
0xb8: {  	s31 =	sshll.u32 s1, $0xD;
	s1 =	sshrl.u32 s1, $0x2  }
0xb9: {  	s3 =	sand.u32 $0x4000, s31;
	s1 =	sadd.s32 s1, s30  }
0xba: {  	s0 =	sor.u32 s3, s0;
	s1 =	sshll.u32 s1, $0x11  }
0xbb: {  	s0 =	sor.u32 s1, s0  }
0xbc: {  	s0 =	sadd.s32 $0x8F2B, s0  }
0xbd: {  	[sflag:s0] =	ssyncadd.remote.s32 $0x1  }
0xbe: {  	_ =	sfence.sel $0xFFFF  }
0xbf: {  	[dreg:$0x0] =	wrdreg $0xFFFFFFFF;
	(pc) =	sbr.abs _section_cstart, $3  }
0xc0: {  	[dreg:$0x1] =	wrdreg $0xFFFFFFFF  }
0xc1: {  	_ =	task.clear_ibuf [dreg:s6], $0x2FFFF;
	_ =	strace $0x9FFFFFFF  }
0xc2: {  	(tm) =	ssettm $0x7FFFFFFF  }
0xc3: {  	_ =	shalt  }
tec
execute0_lowered:
.L_overlay_start_1:
0x0: {  	(tag) =	ssettag $0x1  }
0x1: {  	s0 =	rddreg [dreg:$0x0]  }
0x2: {  	s2 =	rddreg [dreg:$0x1]  }
0x3: {  	s3 =	simm.s32 $0x0;
	s1 =	srdreg.scid;
	s12 =	stileid.u32  }
0x4: {  	s31 =	simm.s32 $0xA;
	s30 =	simm.s32 $0xF0;
	s28 =	simm.s32 $0x7  }
0x5: {  	s29 =	simm.s32 $0x3;
	[smem:$0x7FF] =	sst s3;
	s1 =	sand.u32 $0x1, s1  }
0x6: {  	s8 =	smul.u32 $0x16800, s12;
	s4 =	sadd.s32 $0x85200, s0;
	s5 =	sadd.s32 $0x7B400, s0  }
0x7: {  	s6 =	sadd.s32 $0x4F400, s0;
	s7 =	sadd.s32 $0x8F000, s0;
	s10 =	sadd.s32 $0x8F600, s0  }
0x8: {  	s11 =	smul.u32 $0x5A000, s12;
	s12 =	sshll.u32 s12, $0x1;
	_ =	strace $0x80000047  }
0x9: {  	s9 =	smul.u32 $0x168000, s1;
	[dreg:$0x3] =	wrdreg s10;
	s21 =	ssub.s32 $0x2, s1  }
0xa: {  	s1 =	sor.u32 s1, s12;
	s22 =	sshrl.u32 s21, $0x1;
	s23 =	sshrl.u32 s11, $0x2  }
0xb: {  	s25 =	sadd.s32 s8, s2;
	s1 =	smul.u32 $0x2710, s1;
	s24 =	sadd.s32 s23, s2  }
0xc: {  	s9 =	sadd.s32 s8, s9;
	[dreg:$0x4] =	wrdreg s25;
	s10 =	sadd.s32 $0x2D00, s24  }
0xd: {  	s9 =	sshrl.u32 s9, $0x3;
	s26 =	sadd.s32 $0x5A00, s24;
	[dreg:$0x5] =	wrdreg s10  }
0xe: {  	s11 =	sadd.s32 $0x8700, s24;
	s12 =	sadd.s32 $0xB400, s24;
	[dreg:$0x6] =	wrdreg s26  }
0xf: {  	s13 =	sadd.s32 $0xE100, s24;
	s14 =	sshrl.u32 s1, $0x3;
	[dreg:$0x7] =	wrdreg s11  }
0x10: {  	s15 =	sadd.s32 $0x10E00, s24;
	s8 =	sadd.s32 $0x13B00, s24;
	[dreg:$0x8] =	wrdreg s12  }
0x11: {  	s23 =	sadd.s32 $0x140, s1;
	s24 =	sadd.s32 $0x190, s1;
	[dreg:$0x9] =	wrdreg s13  }
0x12: {  	s0 =	sadd.s32 s9, s0;
	s9 =	ssub.s32 s21, s22;
	[dreg:$0xa] =	wrdreg s15  }
0x13: {  	[dreg:$0xb] =	wrdreg s8;
	s16 =	sadd.s32 s4, s14;
	s17 =	sadd.s32 s5, s14  }
0x14: {  	s18 =	sadd.s32 $0xA, s14;
	s10 =	sadd.s32 $0x14, s14;
	[dreg:$0x13] =	wrdreg s23  }
0x15: {  	s22 =	sadd.s32 $0xF0, s1;
	[dreg:$0x14] =	wrdreg s24;
	s1 =	sadd.s32 $0x2670, s1  }
0x16: {  	s11 =	simm.s32 $0x2EE0;
	s14 =	simm.s32 $0x190;
	[dreg:$0xc] =	wrdreg s16  }
0x17: {  	s15 =	simm.s32 $0x5BE0;
	s12 =	simm.s32 $0x8980;
	[dreg:$0xd] =	wrdreg s17  }
0x18: {  	s23 =	simm.s32 $0x0;
	s19 =	sadd.s32 s4, s18;
	[dreg:$0x12] =	wrdreg s22  }
0x19: {  	s8 =	sadd.s32 s5, s18;
	s20 =	sadd.s32 s4, s10;
	[dreg:$0x15] =	wrdreg s1  }
0x1a: {  	s21 =	sadd.s32 s5, s10;
	s0 =	sadd.s32 $0x8F800, s0;
	[dreg:$0xe] =	wrdreg s19  }
0x1b: {  	s26 =	smax.u32 s9, $0x1;
	s1 =	simm.s32 $0x50;
	[dreg:$0xf] =	wrdreg s8  }
0x1c: {  	v0 =	vlaneseq.u32;
	s10 =	simm.s32 $0x140;
	s17 =	simm.s32 $0x1;
	[dreg:$0x10] =	wrdreg s20  }
0x1d: {  	v5 =	vmul.u32 $0x90, v0;
	s18 =	simm.s32 $0x4;
	s22 =	simm.s32 $0x8930;
	[dreg:$0x11] =	wrdreg s21  }
0x1e: {  	s9 =	simm.s32 $0x6;
	s16 =	simm.s32 $0x8;
	[dreg:$0x16] =	wrdreg s0  }
0x1f: {  	v0 =	vimm.f32 $0.0e+00;
	v1 =	vadd.s32 $0x81, v5;
	v2 =	vadd.s32 $0x981, v5;
	[dreg:$0x17] =	wrdreg s26;
	s0 =	simm.s32 $0x1E0;
	s19 =	simm.s32 $0x88E0  }
0x20: {  	v3 =	vadd.s32 $0x1281, v5;
	v4 =	vadd.s32 $0x1B81, v5;
	v5 =	vadd.s32 $0x2481, v5;
	s20 =	simm.s32 $0x2;
	s21 =	simm.s32 $0x5;
	s8 =	simm.s32 $0x9  }
.LBB2_1:
0x21: {  	[dreg:$0x18] =	wrdreg s23  }
0x22: {  	s13 =	rddreg [dreg:$0x3];
	s26 =	simm.s32 $0x8AC0  }
0x23: {  	[tilespmem:s26], [sflag:$0xA] =	stream.linear.gather [hbm4b:s13+s3], $0x10, $0x38;
	[tilespmem:$0x1F2D0] =	vst v63  }
0x24: {  	_ =	swait.ge [sflag:s31], $0x10  }
0x25: {  	[sflag:s31] =	ssyncset.done $0x0  }
0x26: {  	s23 =	simm.s32 $0x0;
	s24 =	simm.s32 $0x240;
	[sflag:s31] =	ssyncadd.s32 $0xFFFFFFF0  }
.LBB2_2:
0x27: {  	p0 =	sne.s32 s24, $0xB1C0;
	[tilespmem:s23+$0x260] =	vst v0  }
0x28: {  	[tilespmem:s23+$0x1E0] =	vst v0  }
0x29: {  	[tilespmem:s23+$0x1F0] =	vst v0  }
0x2a: {  	[tilespmem:s23+$0x200] =	vst v0  }
.Ltmp0:
0x2b: {  	[tilespmem:s23+$0x210] =	vst v0;
	(pc) =	sbr.rel @p0 .LBB2_2-.Ltmp0, $4  }
0x2c: {  	[tilespmem:s23+$0x220] =	vst v0  }
0x2d: {  	[tilespmem:s23+$0x230] =	vst v0  }
0x2e: {  	[tilespmem:s23+$0x240] =	vst v0  }
0x2f: {  	[tilespmem:s23+$0x250] =	vst v0;
	s23 =	sshra.s32 s24, $0x2;
	s24 =	sadd.s32 $0x240, s24  }
0x30: {  	[tilespmem:s23+$0x260] =	vst v0  }
0x31: {  	[tilespmem:s23+$0x1E0] =	vst v0  }
0x32: {  	[tilespmem:s23+$0x1F0] =	vst v0  }
0x33: {  	[tilespmem:s23+$0x200] =	vst v0  }
0x34: {  	[tilespmem:s23+$0x210] =	vst v0  }
0x35: {  	[tilespmem:s23+$0x220] =	vst v0  }
0x36: {  	[tilespmem:s23+$0x230] =	vst v0  }
0x37: {  	[tilespmem:s23+$0x240] =	vst v0  }
0x38: {  	[tilespmem:s23+$0x250] =	vst v0  }
0x39: {  	[spmem:s25] =	stream.linear.scatter [tilespmem:s0], [sflag:$0xA], $0x2D00, $0x38;
	[tilespmem:$0x1F2D0] =	vst v63  }
0x3a: {  	_ =	swait.ge [sflag:s31], $0x2D00  }
0x3b: {  	[sflag:s31] =	ssyncset.done $0x0  }
0x3c: {  	s13 =	rddreg [dreg:$0x5];
	[sflag:s31] =	ssyncadd.s32 $0xFFFFD300  }
0x3d: {  	[spmem:s13] =	stream.linear.scatter [tilespmem:s0], [sflag:$0xA], $0x2D00, $0x38;
	[tilespmem:$0x1F2D0] =	vst v63  }
0x3e: {  	_ =	swait.ge [sflag:s31], $0x2D00  }
0x3f: {  	[sflag:s31] =	ssyncset.done $0x0  }
0x40: {  	s23 =	rddreg [dreg:$0x6];
	[sflag:s31] =	ssyncadd.s32 $0xFFFFD300  }
0x41: {  	[spmem:s23] =	stream.linear.scatter [tilespmem:s0], [sflag:$0xA], $0x2D00, $0x38;
	[tilespmem:$0x1F2D0] =	vst v63  }
0x42: {  	_ =	swait.ge [sflag:s31], $0x2D00  }
0x43: {  	[sflag:s31] =	ssyncset.done $0x0  }
0x44: {  	s24 =	rddreg [dreg:$0x7];
	[sflag:s31] =	ssyncadd.s32 $0xFFFFD300  }
0x45: {  	[spmem:s24] =	stream.linear.scatter [tilespmem:s0], [sflag:$0xA], $0x2D00, $0x38;
	[tilespmem:$0x1F2D0] =	vst v63  }
0x46: {  	_ =	swait.ge [sflag:s31], $0x2D00  }
0x47: {  	[sflag:s31] =	ssyncset.done $0x0  }
0x48: {  	s25 =	rddreg [dreg:$0x8];
	[sflag:s31] =	ssyncadd.s32 $0xFFFFD300  }
0x49: {  	[spmem:s25] =	stream.linear.scatter [tilespmem:s0], [sflag:$0xA], $0x2D00, $0x38;
	[tilespmem:$0x1F2D0] =	vst v63  }
0x4a: {  	_ =	swait.ge [sflag:s31], $0x2D00  }
0x4b: {  	[sflag:s31] =	ssyncset.done $0x0  }
0x4c: {  	s26 =	rddreg [dreg:$0x9];
	[sflag:s31] =	ssyncadd.s32 $0xFFFFD300  }
0x4d: {  	[spmem:s26] =	stream.linear.scatter [tilespmem:s0], [sflag:$0xA], $0x2D00, $0x38;
	[tilespmem:$0x1F2D0] =	vst v63  }
0x4e: {  	_ =	swait.ge [sflag:s31], $0x2D00  }
0x4f: {  	[sflag:s31] =	ssyncset.done $0x0  }
0x50: {  	s23 =	rddreg [dreg:$0xa];
	[sflag:s31] =	ssyncadd.s32 $0xFFFFD300  }
0x51: {  	[spmem:s23] =	stream.linear.scatter [tilespmem:s0], [sflag:$0xA], $0x2D00, $0x38;
	[tilespmem:$0x1F2D0] =	vst v63  }
0x52: {  	_ =	swait.ge [sflag:s31], $0x2D00  }
0x53: {  	[sflag:s31] =	ssyncset.done $0x0  }
0x54: {  	s24 =	rddreg [dreg:$0xb];
	[sflag:s31] =	ssyncadd.s32 $0xFFFFD300  }
0x55: {  	[spmem:s24] =	stream.linear.scatter [tilespmem:s0], [sflag:$0xA], $0x2D00, $0x38;
	[tilespmem:$0x1F2D0] =	vst v63  }
0x56: {  	_ =	swait.ge [sflag:s31], $0x2D00  }
0x57: {  	[sflag:s31] =	ssyncset.done $0x0  }
0x58: {  	[sflag:s31] =	ssyncadd.s32 $0xFFFFD300  }
0x59: {  	[bflag:$0x0] =	sbarrier.arrive $0xFFFF  }
0x5a: {  	s24 =	simm.s32 $0x0;
	s25 =	rddreg [dreg:$0xc]  }
0x5b: {  	v6 =	vld [tilespmem:$0x8AC0];
	[tilespmem:s24], [sflag:$0xA] =	stream.linear.gather [hbm4b:s25+s24], $0x50, $0x38  }
0x5c: {  	_ =	swait.ge [sflag:s31], $0x50  }
0x5d: {  	[sflag:s31] =	ssyncset.done $0x0  }
0x5e: {  	s26 =	rddreg [dreg:$0xd];
	[sflag:s31] =	ssyncadd.s32 $0xFFFFFFB0  }
0x5f: {  	[tilespmem:s30], [sflag:$0xA] =	stream.linear.gather [hbm4b:s26+s24], $0x50, $0x38;
	[tilespmem:$0x1F2D0] =	vst v63  }
0x60: {  	_ =	swait.ge [sflag:s31], $0x50  }
0x61: {  	[sflag:s31] =	ssyncset.done $0x0  }
0x62: {  	[sflag:s31] =	ssyncadd.s32 $0xFFFFFFB0  }
0x63: {  	[tilespmem:s0], [sflag:$0x1] =	stream.indirect.gather [hbm4b:s6+s1], $0x90, s24, s1, $0xb8;
	[tilespmem:$0x1F2D0] =	vst v63  }
0x64: {  	s23 =	simm.s32 $0x89D0  }
0x65: {  	[tilespmem:s23], [sflag:$0x4] =	stream.indirect.gather [hbm4b:s7+s1], $0x1, s30, s1, $0xb8;
	[tilespmem:$0x1F2D0] =	vst v63  }
0x66: {  	s25 =	rddreg [dreg:$0xe]  }
0x67: {  	[tilespmem:s1], [sflag:$0xA] =	stream.linear.gather [hbm4b:s25+s24], $0x50, $0x38;
	[tilespmem:$0x1F2D0] =	vst v63  }
0x68: {  	_ =	swait.ge [sflag:s31], $0x50  }
0x69: {  	[sflag:s31] =	ssyncset.done $0x0  }
0x6a: {  	s26 =	rddreg [dreg:$0xf];
	[sflag:s31] =	ssyncadd.s32 $0xFFFFFFB0  }
0x6b: {  	[tilespmem:s10], [sflag:$0xA] =	stream.linear.gather [hbm4b:s26+s24], $0x50, $0x38;
	[tilespmem:$0x1F2D0] =	vst v63  }
0x6c: {  	_ =	swait.ge [sflag:s31], $0x50  }
0x6d: {  	[sflag:s31] =	ssyncset.done $0x0  }
0x6e: {  	[sflag:s31] =	ssyncadd.s32 $0xFFFFFFB0  }
0x6f: {  	[tilespmem:s11], [sflag:$0x2] =	stream.indirect.gather [hbm4b:s6+s1], $0x90, s1, s1, $0xb8;
	[tilespmem:$0x1F2D0] =	vst v63  }
0x70: {  	s23 =	simm.s32 $0x8A20  }
0x71: {  	[tilespmem:s23], [sflag:$0x5] =	stream.indirect.gather [hbm4b:s7+s1], $0x1, s10, s1, $0xb8;
	[tilespmem:$0x1F2D0] =	vst v63  }
0x72: {  	s26 =	simm.s32 $0xA0;
	s25 =	rddreg [dreg:$0x10]  }
0x73: {  	[tilespmem:s26], [sflag:$0xA] =	stream.linear.gather [hbm4b:s25+s24], $0x50, $0x38;
	[tilespmem:$0x1F2D0] =	vst v63  }
0x74: {  	_ =	swait.ge [sflag:s31], $0x50  }
0x75: {  	[sflag:s31] =	ssyncset.done $0x0  }
0x76: {  	s25 =	rddreg [dreg:$0x11];
	[sflag:s31] =	ssyncadd.s32 $0xFFFFFFB0  }
0x77: {  	[tilespmem:s14], [sflag:$0xA] =	stream.linear.gather [hbm4b:s25+s24], $0x50, $0x38;
	[tilespmem:$0x1F2D0] =	vst v63  }
0x78: {  	_ =	swait.ge [sflag:s31], $0x50  }
0x79: {  	[sflag:s31] =	ssyncset.done $0x0  }
0x7a: {  	[sflag:s31] =	ssyncadd.s32 $0xFFFFFFB0  }
0x7b: {  	[tilespmem:s15], [sflag:$0x3] =	stream.indirect.gather [hbm4b:s6+s1], $0x90, s26, s1, $0xb8;
	[tilespmem:$0x1F2D0] =	vst v63  }
0x7c: {  	s24 =	simm.s32 $0x0;
	s26 =	simm.s32 $0x8A70  }
0x7d: {  	[tilespmem:s26], [sflag:$0x6] =	stream.indirect.gather [hbm4b:s7+s1], $0x1, s14, s1, $0xb8;
	[tilespmem:$0x1F2D0] =	vst v63  }
.LBB2_4:
0x7e: {  	_ =	swait.ge [sflag:s17], $0x2D00  }
0x7f: {  	[sflag:s17] =	ssyncset.done $0x0  }
0x80: {  	[sflag:s17] =	ssyncadd.s32 $0xFFFFD300  }
0x81: {  	_ =	swait.ge [sflag:s18], $0x50  }
0x82: {  	[sflag:s18] =	ssyncset.done $0x0  }
0x83: {  	[sflag:s18] =	ssyncadd.s32 $0xFFFFFFB0  }
0x84: {  	v7 =	vld.idx.msk [tilespmem:v1+s0+$0x0], $0xffff  }
0x85: {  	v8 =	vld [tilespmem:$0x89D0];
	_ =	sdelay $0x4  }
0x86: {  	v7 =	vadd.f32 v8, v7;
	_ =	sdelay $0x1  }
0x87: {  	v8 =	vmul.f32 $2.000000030e-01, v7  }
0x88: {  	vm0 =	vge.f32 v7, $0.0e+00  }
0x89: {  	v7 =	vsel vm0, v7, v8  }
0x8a: {  	v7 =	vsub.f32 v7, v6;
	_ =	sdelay $0x1  }
0x8b: {  	v7 =	vmul.f32 $1.442695020e+00, v7;
	_ =	sdelay $0x1  }
0x8c: {  	(erf) = vpow2.f32 v7;
	_ =	sdelay $0x8  }
0x8d: {  	v7 =	vpop (erf)  }
0x8e: {  	v8 =	vld [tilespmem:$0x89E0];
	[tilespmem:$0x88E0] =	vst v7  }
0x8f: {  	v7 =	vld.idx.msk [tilespmem:v2+s0+$0x0], $0xffff;
	_ =	sdelay $0x4  }
0x90: {  	v7 =	vadd.f32 v8, v7;
	_ =	sdelay $0x1  }
0x91: {  	v8 =	vmul.f32 $2.000000030e-01, v7  }
0x92: {  	vm12 =	vge.f32 v7, $0.0e+00  }
0x93: {  	v7 =	vsel vm12, v7, v8  }
0x94: {  	v7 =	vsub.f32 v7, v6;
	_ =	sdelay $0x1  }
0x95: {  	v7 =	vmul.f32 $1.442695020e+00, v7;
	_ =	sdelay $0x1  }
0x96: {  	(erf) = vpow2.f32 v7;
	_ =	sdelay $0x8  }
0x97: {  	v7 =	vpop (erf)  }
0x98: {  	v8 =	vld [tilespmem:$0x89F0];
	[tilespmem:$0x88F0] =	vst v7  }
0x99: {  	v7 =	vld.idx.msk [tilespmem:v3+s0+$0x0], $0xffff;
	_ =	sdelay $0x4  }
0x9a: {  	v7 =	vadd.f32 v8, v7;
	_ =	sdelay $0x1  }
0x9b: {  	v8 =	vmul.f32 $2.000000030e-01, v7  }
0x9c: {  	vm13 =	vge.f32 v7, $0.0e+00  }
0x9d: {  	v7 =	vsel vm13, v7, v8  }
0x9e: {  	v7 =	vsub.f32 v7, v6;
	_ =	sdelay $0x1  }
0x9f: {  	v7 =	vmul.f32 $1.442695020e+00, v7;
	_ =	sdelay $0x1  }
0xa0: {  	(erf) = vpow2.f32 v7;
	_ =	sdelay $0x8  }
0xa1: {  	v7 =	vpop (erf)  }
0xa2: {  	v8 =	vld [tilespmem:$0x8A00];
	[tilespmem:$0x8900] =	vst v7  }
0xa3: {  	v7 =	vld.idx.msk [tilespmem:v4+s0+$0x0], $0xffff;
	_ =	sdelay $0x4  }
0xa4: {  	v7 =	vadd.f32 v8, v7;
	_ =	sdelay $0x1  }
0xa5: {  	v8 =	vmul.f32 $2.000000030e-01, v7  }
0xa6: {  	vm14 =	vge.f32 v7, $0.0e+00  }
0xa7: {  	v7 =	vsel vm14, v7, v8  }
0xa8: {  	v7 =	vsub.f32 v7, v6;
	_ =	sdelay $0x1  }
0xa9: {  	v7 =	vmul.f32 $1.442695020e+00, v7;
	_ =	sdelay $0x1  }
0xaa: {  	(erf) = vpow2.f32 v7;
	_ =	sdelay $0x8  }
0xab: {  	v7 =	vpop (erf)  }
0xac: {  	v8 =	vld [tilespmem:$0x8A10];
	[tilespmem:$0x8910] =	vst v7  }
0xad: {  	v7 =	vld.idx.msk [tilespmem:v5+s0+$0x0], $0xffff;
	_ =	sdelay $0x4  }
0xae: {  	v7 =	vadd.f32 v8, v7;
	_ =	sdelay $0x1  }
0xaf: {  	v8 =	vmul.f32 $2.000000030e-01, v7  }
0xb0: {  	vm15 =	vge.f32 v7, $0.0e+00  }
0xb1: {  	v7 =	vsel vm15, v7, v8  }
0xb2: {  	v7 =	vsub.f32 v7, v6;
	_ =	sdelay $0x1  }
0xb3: {  	v7 =	vmul.f32 $1.442695020e+00, v7;
	_ =	sdelay $0x1  }
0xb4: {  	(erf) = vpow2.f32 v7;
	_ =	sdelay $0x7  }
0xb5: {  	s13 =	simm.s32 $0x0  }
0xb6: {  	v8 =	vmov s13;
	v7 =	vpop (erf)  }
0xb7: {  	s25 =	simm.s32 $0x220;
	[tilespmem:$0x8920] =	vst v7  }
0xb8: {  	v12 =	vld [tilespmem:s25+$0xFFFFFFC0]  }
0xb9: {  	v15 =	vld [tilespmem:s25+$0x30]  }
0xba: {  	v13 =	vld [tilespmem:s25+$0x40]  }
0xbb: {  	v8 =	vld.idx.msk [tilespmem:v8+s19+$0x0], $0xffff  }
0xbc: {  	v17 =	vld [tilespmem:s25+$0xFFFFFFE0]  }
0xbd: {  	v7 =	vld [tilespmem:s25+$0xFFFFFFF0]  }
0xbe: {  	v9 =	vld [tilespmem:s25+$0x20]  }
0xbf: {  	v10 =	vld [tilespmem:s25+$0xFFFFFFD0]  }
0xc0: {  	v11 =	vld [tilespmem:s25+$0x10]  }
0xc1: {  	v16 =	vmul.f32 v12, v8;
	v14 =	vmul.f32 v13, v8;
	v12 =	vld [tilespmem:s25+$0x0]  }
0xc2: {  	s23 =	simm.s32 $0x1;
	s26 =	simm.s32 $0x220;
	v13 =	vmul.f32 v17, v8;
	v15 =	vmul.f32 v15, v8  }
.LBB2_5:
0xc3: {  	p0 =	sne.s32 s23, $0x4F  }
0xc4: {  	[tilespmem:s25+$0xFFFFFFC0] =	vst v16;
	v10 =	vmul.f32 v10, v8;
	v9 =	vmul.f32 v9, v8;
	s26 =	sadd.s32 $0x90, s26;
	s13 =	smov.u32 s23;
	s23 =	sadd.s32 $0x1, s23  }
0xc5: {  	v16 =	vmul.f32 v7, v8;
	v7 =	vmul.f32 v11, v8;
	[tilespmem:s25+$0x40] =	vst v14  }
0xc6: {  	v8 =	vmul.f32 v12, v8;
	[tilespmem:s25+$0x30] =	vst v15  }
0xc7: {  	[tilespmem:s25+$0xFFFFFFE0] =	vst v13  }
0xc8: {  	v11 =	vmov s13;
	[tilespmem:s25+$0x10] =	vst v7  }
0xc9: {  	v7 =	vld [tilespmem:s26+$0xFFFFFFF0];
	[tilespmem:s25+$0x0] =	vst v8  }
0xca: {  	v13 =	vld [tilespmem:s26+$0xFFFFFFC0];
	[tilespmem:s25+$0xFFFFFFF0] =	vst v16  }
0xcb: {  	v15 =	vld [tilespmem:s26+$0x30];
	[tilespmem:s25+$0x20] =	vst v9  }
0xcc: {  	v14 =	vld [tilespmem:s26+$0x40];
	[tilespmem:s25+$0xFFFFFFD0] =	vst v10;
	s25 =	smov.u32 s26  }
0xcd: {  	v8 =	vld.idx.msk [tilespmem:v11+s19+$0x0], $0xffff  }
0xce: {  	v17 =	vld [tilespmem:s26+$0xFFFFFFE0]  }
0xcf: {  	v9 =	vld [tilespmem:s26+$0x20]  }
.Ltmp1:
0xd0: {  	v10 =	vld [tilespmem:s26+$0xFFFFFFD0];
	(pc) =	sbr.rel @p0 .LBB2_5-.Ltmp1, $4  }
0xd1: {  	v11 =	vld [tilespmem:s26+$0x10]  }
0xd2: {  	v12 =	vld [tilespmem:s26+$0x0]  }
0xd3: {  	v16 =	vmul.f32 v13, v8;
	v14 =	vmul.f32 v14, v8  }
0xd4: {  	v15 =	vmul.f32 v15, v8;
	v13 =	vmul.f32 v17, v8  }
0xd5: {  	[tilespmem:s25+$0xFFFFFFC0] =	vst v16  }
0xd6: {  	[tilespmem:s25+$0x40] =	vst v14  }
0xd7: {  	v7 =	vmul.f32 v7, v8;
	[tilespmem:s25+$0x30] =	vst v15  }
0xd8: {  	v9 =	vmul.f32 v9, v8;
	[tilespmem:s25+$0xFFFFFFE0] =	vst v13  }
0xd9: {  	v11 =	vmul.f32 v11, v8;
	[tilespmem:s25+$0xFFFFFFF0] =	vst v7  }
0xda: {  	v12 =	vmul.f32 v12, v8;
	[tilespmem:s25+$0x20] =	vst v9  }
0xdb: {  	v8 =	vmul.f32 v10, v8;
	[tilespmem:s25+$0x10] =	vst v11  }
0xdc: {  	[tilespmem:s25+$0x0] =	vst v12  }
0xdd: {  	[tilespmem:s25+$0xFFFFFFD0] =	vst v8  }
0xde: {  	[spmem:s2] =	stream.indirect.scatter.add.f32 [tilespmem:s0], [sflag:$0x7], $0x90, s30, s1, $0xb8;
	[tilespmem:$0x1F2D0] =	vst v63  }
0xdf: {  	_ =	swait.ge [sflag:s20], $0x2D00  }
0xe0: {  	[sflag:s20] =	ssyncset.done $0x0  }
0xe1: {  	[sflag:s20] =	ssyncadd.s32 $0xFFFFD300  }
0xe2: {  	_ =	swait.ge [sflag:s21], $0x50  }
0xe3: {  	[sflag:s21] =	ssyncset.done $0x0  }
0xe4: {  	[sflag:s21] =	ssyncadd.s32 $0xFFFFFFB0  }
0xe5: {  	v7 =	vld.idx.msk [tilespmem:v1+s11+$0x0], $0xffff  }
0xe6: {  	v8 =	vld [tilespmem:$0x8A20];
	_ =	sdelay $0x4  }
0xe7: {  	v7 =	vadd.f32 v8, v7;
	_ =	sdelay $0x1  }
0xe8: {  	v8 =	vmul.f32 $2.000000030e-01, v7  }
0xe9: {  	vm0 =	vge.f32 v7, $0.0e+00  }
0xea: {  	v7 =	vsel vm0, v7, v8  }
0xeb: {  	v7 =	vsub.f32 v7, v6;
	_ =	sdelay $0x1  }
0xec: {  	v7 =	vmul.f32 $1.442695020e+00, v7;
	_ =	sdelay $0x1  }
0xed: {  	(erf) = vpow2.f32 v7;
	_ =	sdelay $0x8  }
0xee: {  	v7 =	vpop (erf)  }
0xef: {  	v8 =	vld [tilespmem:$0x8A30];
	[tilespmem:$0x8930] =	vst v7  }
0xf0: {  	v7 =	vld.idx.msk [tilespmem:v2+s11+$0x0], $0xffff;
	_ =	sdelay $0x4  }
0xf1: {  	v7 =	vadd.f32 v8, v7;
	_ =	sdelay $0x1  }
0xf2: {  	v8 =	vmul.f32 $2.000000030e-01, v7  }
0xf3: {  	vm12 =	vge.f32 v7, $0.0e+00  }
0xf4: {  	v7 =	vsel vm12, v7, v8  }
0xf5: {  	v7 =	vsub.f32 v7, v6;
	_ =	sdelay $0x1  }
0xf6: {  	v7 =	vmul.f32 $1.442695020e+00, v7;
	_ =	sdelay $0x1  }
0xf7: {  	(erf) = vpow2.f32 v7;
	_ =	sdelay $0x8  }
0xf8: {  	v7 =	vpop (erf)  }
0xf9: {  	v8 =	vld [tilespmem:$0x8A40];
	[tilespmem:$0x8940] =	vst v7  }
0xfa: {  	v7 =	vld.idx.msk [tilespmem:v3+s11+$0x0], $0xffff;
	_ =	sdelay $0x4  }
0xfb: {  	v7 =	vadd.f32 v8, v7;
	_ =	sdelay $0x1  }
0xfc: {  	v8 =	vmul.f32 $2.000000030e-01, v7  }
0xfd: {  	vm13 =	vge.f32 v7, $0.0e+00  }
0xfe: {  	v7 =	vsel vm13, v7, v8  }
0xff: {  	v7 =	vsub.f32 v7, v6;
	_ =	sdelay $0x1  }
0x100: {  	v7 =	vmul.f32 $1.442695020e+00, v7;
	_ =	sdelay $0x1  }
0x101: {  	(erf) = vpow2.f32 v7;
	_ =	sdelay $0x8  }
0x102: {  	v7 =	vpop (erf)  }
0x103: {  	v8 =	vld [tilespmem:$0x8A50];
	[tilespmem:$0x8950] =	vst v7  }
0x104: {  	v7 =	vld.idx.msk [tilespmem:v4+s11+$0x0], $0xffff;
	_ =	sdelay $0x4  }
0x105: {  	v7 =	vadd.f32 v8, v7;
	_ =	sdelay $0x1  }
0x106: {  	v8 =	vmul.f32 $2.000000030e-01, v7  }
0x107: {  	vm14 =	vge.f32 v7, $0.0e+00  }
0x108: {  	v7 =	vsel vm14, v7, v8  }
0x109: {  	v7 =	vsub.f32 v7, v6;
	_ =	sdelay $0x1  }
0x10a: {  	v7 =	vmul.f32 $1.442695020e+00, v7;
	_ =	sdelay $0x1  }
0x10b: {  	(erf) = vpow2.f32 v7;
	_ =	sdelay $0x8  }
0x10c: {  	v7 =	vpop (erf)  }
0x10d: {  	v8 =	vld [tilespmem:$0x8A60];
	[tilespmem:$0x8960] =	vst v7  }
0x10e: {  	v7 =	vld.idx.msk [tilespmem:v5+s11+$0x0], $0xffff;
	_ =	sdelay $0x4  }
0x10f: {  	v7 =	vadd.f32 v8, v7;
	_ =	sdelay $0x1  }
0x110: {  	v8 =	vmul.f32 $2.000000030e-01, v7  }
0x111: {  	vm15 =	vge.f32 v7, $0.0e+00  }
0x112: {  	v7 =	vsel vm15, v7, v8  }
0x113: {  	v7 =	vsub.f32 v7, v6;
	_ =	sdelay $0x1  }
0x114: {  	v7 =	vmul.f32 $1.442695020e+00, v7;
	_ =	sdelay $0x1  }
0x115: {  	(erf) = vpow2.f32 v7;
	_ =	sdelay $0x7  }
0x116: {  	s13 =	simm.s32 $0x0  }
0x117: {  	v8 =	vmov s13;
	v7 =	vpop (erf)  }
0x118: {  	s25 =	simm.s32 $0x2F20;
	[tilespmem:$0x8970] =	vst v7  }
0x119: {  	v12 =	vld [tilespmem:s25+$0xFFFFFFC0]  }
0x11a: {  	v15 =	vld [tilespmem:s25+$0x30]  }
0x11b: {  	v13 =	vld [tilespmem:s25+$0x40]  }
0x11c: {  	v8 =	vld.idx.msk [tilespmem:v8+s22+$0x0], $0xffff  }
0x11d: {  	v17 =	vld [tilespmem:s25+$0xFFFFFFE0]  }
0x11e: {  	v7 =	vld [tilespmem:s25+$0xFFFFFFF0]  }
0x11f: {  	v9 =	vld [tilespmem:s25+$0x20]  }
0x120: {  	v10 =	vld [tilespmem:s25+$0xFFFFFFD0]  }
0x121: {  	v11 =	vld [tilespmem:s25+$0x10]  }
0x122: {  	v16 =	vmul.f32 v12, v8;
	v14 =	vmul.f32 v13, v8;
	v12 =	vld [tilespmem:s25+$0x0]  }
0x123: {  	s23 =	simm.s32 $0x1;
	s26 =	simm.s32 $0x2F20;
	v13 =	vmul.f32 v17, v8;
	v15 =	vmul.f32 v15, v8  }
.LBB2_7:
0x124: {  	p0 =	sne.s32 s23, $0x4F  }
0x125: {  	[tilespmem:s25+$0xFFFFFFC0] =	vst v16;
	v10 =	vmul.f32 v10, v8;
	v9 =	vmul.f32 v9, v8;
	s26 =	sadd.s32 $0x90, s26;
	s13 =	smov.u32 s23;
	s23 =	sadd.s32 $0x1, s23  }
0x126: {  	v16 =	vmul.f32 v7, v8;
	v7 =	vmul.f32 v11, v8;
	[tilespmem:s25+$0x40] =	vst v14  }
0x127: {  	v8 =	vmul.f32 v12, v8;
	[tilespmem:s25+$0x30] =	vst v15  }
0x128: {  	[tilespmem:s25+$0xFFFFFFE0] =	vst v13  }
0x129: {  	v11 =	vmov s13;
	[tilespmem:s25+$0x10] =	vst v7  }
0x12a: {  	v7 =	vld [tilespmem:s26+$0xFFFFFFF0];
	[tilespmem:s25+$0x0] =	vst v8  }
0x12b: {  	v13 =	vld [tilespmem:s26+$0xFFFFFFC0];
	[tilespmem:s25+$0xFFFFFFF0] =	vst v16  }
0x12c: {  	v15 =	vld [tilespmem:s26+$0x30];
	[tilespmem:s25+$0x20] =	vst v9  }
0x12d: {  	v14 =	vld [tilespmem:s26+$0x40];
	[tilespmem:s25+$0xFFFFFFD0] =	vst v10;
	s25 =	smov.u32 s26  }
0x12e: {  	v8 =	vld.idx.msk [tilespmem:v11+s22+$0x0], $0xffff  }
0x12f: {  	v17 =	vld [tilespmem:s26+$0xFFFFFFE0]  }
0x130: {  	v9 =	vld [tilespmem:s26+$0x20]  }
.Ltmp2:
0x131: {  	v10 =	vld [tilespmem:s26+$0xFFFFFFD0];
	(pc) =	sbr.rel @p0 .LBB2_7-.Ltmp2, $4  }
0x132: {  	v11 =	vld [tilespmem:s26+$0x10]  }
0x133: {  	v12 =	vld [tilespmem:s26+$0x0]  }
0x134: {  	v16 =	vmul.f32 v13, v8;
	v14 =	vmul.f32 v14, v8  }
0x135: {  	v15 =	vmul.f32 v15, v8;
	v13 =	vmul.f32 v17, v8  }
0x136: {  	[tilespmem:s25+$0xFFFFFFC0] =	vst v16  }
0x137: {  	[tilespmem:s25+$0x40] =	vst v14  }
0x138: {  	v7 =	vmul.f32 v7, v8;
	[tilespmem:s25+$0x30] =	vst v15  }
0x139: {  	v9 =	vmul.f32 v9, v8;
	[tilespmem:s25+$0xFFFFFFE0] =	vst v13  }
0x13a: {  	v11 =	vmul.f32 v11, v8;
	[tilespmem:s25+$0xFFFFFFF0] =	vst v7  }
0x13b: {  	v12 =	vmul.f32 v12, v8;
	[tilespmem:s25+$0x20] =	vst v9  }
0x13c: {  	v8 =	vmul.f32 v10, v8;
	[tilespmem:s25+$0x10] =	vst v11  }
0x13d: {  	[tilespmem:s25+$0x0] =	vst v12  }
0x13e: {  	p0 =	seq.s32 s24, $0x28;
	[tilespmem:s25+$0xFFFFFFD0] =	vst v8  }
0x13f: {  	[spmem:s2] =	stream.indirect.scatter.add.f32 [tilespmem:s11], [sflag:$0x8], $0x90, s10, s1, $0xb8;
	[tilespmem:$0x1F2D0] =	vst v63  }
0x140: {  	s13 =	smul.u32 @!p0 $0xF0, s24;
	_ =	swait.ge [sflag:s28], $0x2D00  }
0x141: {  	s23 =	rddreg [dreg:$0x12]  }
0x142: {  	s13 =	sadd.s32 @!p0 s13, s23  }
0x143: {  	[sflag:s28] =	ssyncset.done $0x0;
	s13 =	sshrl.u32 @!p0 s13, $0x3  }
0x144: {  	s25 =	simm.s32 @!p0 $0x0;
	[sflag:s28] =	ssyncadd.s32 $0xFFFFD300;
	s23 =	sadd.s32 @!p0 s4, s13  }
0x145: {  	[tilespmem:s25], [sflag:$0xA] =	stream.linear.gather @!p0 [hbm4b:s23+s25], $0x50, $0x38;
	[tilespmem:$0x1F2D0] =	vst v63  }
0x146: {  	s23 =	simm.s32 @!p0 $0xA  }
0x147: {  	_ =	swait.ge @!p0 [sflag:s23], $0x50  }
0x148: {  	[sflag:s23] =	ssyncset.done @!p0 $0x0  }
0x149: {  	s26 =	simm.s32 @!p0 $0xF0;
	s13 =	sadd.s32 @!p0 s5, s13;
	[sflag:s23] =	ssyncadd.s32 @!p0 $0xFFFFFFB0  }
0x14a: {  	[tilespmem:s26], [sflag:$0xA] =	stream.linear.gather @!p0 [hbm4b:s13+s25], $0x50, $0x38;
	[tilespmem:$0x1F2D0] =	vst v63  }
0x14b: {  	_ =	swait.ge @!p0 [sflag:s23], $0x50  }
0x14c: {  	[sflag:s23] =	ssyncset.done @!p0 $0x0  }
0x14d: {  	s13 =	simm.s32 @!p0 $0x50;
	[sflag:s23] =	ssyncadd.s32 @!p0 $0xFFFFFFB0;
	s23 =	simm.s32 @!p0 $0x1E0  }
0x14e: {  	[tilespmem:s23], [sflag:$0x1] =	stream.indirect.gather @!p0 [hbm4b:s6+s13], $0x90, s25, s13, $0xb8;
	[tilespmem:$0x1F2D0] =	vst v63  }
0x14f: {  	s23 =	simm.s32 @!p0 $0x89D0  }
0x150: {  	[tilespmem:s23], [sflag:$0x4] =	stream.indirect.gather @!p0 [hbm4b:s7+s13], $0x1, s26, s13, $0xb8;
	[tilespmem:$0x1F2D0] =	vst v63  }
0x151: {  	_ =	swait.ge [sflag:s29], $0x2D00  }
0x152: {  	[sflag:s29] =	ssyncset.done $0x0  }
0x153: {  	[sflag:s29] =	ssyncadd.s32 $0xFFFFD300  }
0x154: {  	_ =	swait.ge [sflag:s9], $0x50  }
0x155: {  	[sflag:s9] =	ssyncset.done $0x0  }
0x156: {  	[sflag:s9] =	ssyncadd.s32 $0xFFFFFFB0  }
0x157: {  	v7 =	vld.idx.msk [tilespmem:v1+s15+$0x0], $0xffff  }
0x158: {  	v8 =	vld [tilespmem:$0x8A70];
	_ =	sdelay $0x4  }
0x159: {  	v7 =	vadd.f32 v8, v7;
	_ =	sdelay $0x1  }
0x15a: {  	v8 =	vmul.f32 $2.000000030e-01, v7  }
0x15b: {  	vm0 =	vge.f32 v7, $0.0e+00  }
0x15c: {  	v7 =	vsel vm0, v7, v8  }
0x15d: {  	v7 =	vsub.f32 v7, v6;
	_ =	sdelay $0x1  }
0x15e: {  	v7 =	vmul.f32 $1.442695020e+00, v7;
	_ =	sdelay $0x1  }
0x15f: {  	(erf) = vpow2.f32 v7;
	_ =	sdelay $0x8  }
0x160: {  	v7 =	vpop (erf)  }
0x161: {  	v8 =	vld [tilespmem:$0x8A80];
	[tilespmem:$0x8980] =	vst v7  }
0x162: {  	v7 =	vld.idx.msk [tilespmem:v2+s15+$0x0], $0xffff;
	_ =	sdelay $0x4  }
0x163: {  	v7 =	vadd.f32 v8, v7;
	_ =	sdelay $0x1  }
0x164: {  	v8 =	vmul.f32 $2.000000030e-01, v7  }
0x165: {  	vm12 =	vge.f32 v7, $0.0e+00  }
0x166: {  	v7 =	vsel vm12, v7, v8  }
0x167: {  	v7 =	vsub.f32 v7, v6;
	_ =	sdelay $0x1  }
0x168: {  	v7 =	vmul.f32 $1.442695020e+00, v7;
	_ =	sdelay $0x1  }
0x169: {  	(erf) = vpow2.f32 v7;
	_ =	sdelay $0x8  }
0x16a: {  	v7 =	vpop (erf)  }
0x16b: {  	v8 =	vld [tilespmem:$0x8A90];
	[tilespmem:$0x8990] =	vst v7  }
0x16c: {  	v7 =	vld.idx.msk [tilespmem:v3+s15+$0x0], $0xffff;
	_ =	sdelay $0x4  }
0x16d: {  	v7 =	vadd.f32 v8, v7;
	_ =	sdelay $0x1  }
0x16e: {  	v8 =	vmul.f32 $2.000000030e-01, v7  }
0x16f: {  	vm13 =	vge.f32 v7, $0.0e+00  }
0x170: {  	v7 =	vsel vm13, v7, v8  }
0x171: {  	v7 =	vsub.f32 v7, v6;
	_ =	sdelay $0x1  }
0x172: {  	v7 =	vmul.f32 $1.442695020e+00, v7;
	_ =	sdelay $0x1  }
0x173: {  	(erf) = vpow2.f32 v7;
	_ =	sdelay $0x8  }
0x174: {  	v7 =	vpop (erf)  }
0x175: {  	v8 =	vld [tilespmem:$0x8AA0];
	[tilespmem:$0x89A0] =	vst v7  }
0x176: {  	v7 =	vld.idx.msk [tilespmem:v4+s15+$0x0], $0xffff;
	_ =	sdelay $0x4  }
0x177: {  	v7 =	vadd.f32 v8, v7;
	_ =	sdelay $0x1  }
0x178: {  	v8 =	vmul.f32 $2.000000030e-01, v7  }
0x179: {  	vm14 =	vge.f32 v7, $0.0e+00  }
0x17a: {  	v7 =	vsel vm14, v7, v8  }
0x17b: {  	v7 =	vsub.f32 v7, v6;
	_ =	sdelay $0x1  }
0x17c: {  	v7 =	vmul.f32 $1.442695020e+00, v7;
	_ =	sdelay $0x1  }
0x17d: {  	(erf) = vpow2.f32 v7;
	_ =	sdelay $0x8  }
0x17e: {  	v7 =	vpop (erf)  }
0x17f: {  	v8 =	vld [tilespmem:$0x8AB0];
	[tilespmem:$0x89B0] =	vst v7  }
0x180: {  	v7 =	vld.idx.msk [tilespmem:v5+s15+$0x0], $0xffff;
	_ =	sdelay $0x4  }
0x181: {  	v7 =	vadd.f32 v8, v7;
	_ =	sdelay $0x1  }
0x182: {  	v8 =	vmul.f32 $2.000000030e-01, v7  }
0x183: {  	vm15 =	vge.f32 v7, $0.0e+00  }
0x184: {  	v7 =	vsel vm15, v7, v8  }
0x185: {  	v7 =	vsub.f32 v7, v6;
	_ =	sdelay $0x1  }
0x186: {  	v7 =	vmul.f32 $1.442695020e+00, v7;
	_ =	sdelay $0x1  }
0x187: {  	(erf) = vpow2.f32 v7;
	_ =	sdelay $0x7  }
0x188: {  	s26 =	simm.s32 $0x0  }
0x189: {  	v8 =	vmov s26;
	v7 =	vpop (erf)  }
0x18a: {  	s25 =	simm.s32 $0x5C20;
	[tilespmem:$0x89C0] =	vst v7  }
0x18b: {  	v12 =	vld [tilespmem:s25+$0xFFFFFFC0]  }
0x18c: {  	v15 =	vld [tilespmem:s25+$0x30]  }
0x18d: {  	v13 =	vld [tilespmem:s25+$0x40]  }
0x18e: {  	v8 =	vld.idx.msk [tilespmem:v8+s12+$0x0], $0xffff  }
0x18f: {  	v17 =	vld [tilespmem:s25+$0xFFFFFFE0]  }
0x190: {  	v7 =	vld [tilespmem:s25+$0xFFFFFFF0]  }
0x191: {  	v9 =	vld [tilespmem:s25+$0x20]  }
0x192: {  	v10 =	vld [tilespmem:s25+$0xFFFFFFD0]  }
0x193: {  	v11 =	vld [tilespmem:s25+$0x10]  }
0x194: {  	v16 =	vmul.f32 v12, v8;
	v14 =	vmul.f32 v13, v8;
	v12 =	vld [tilespmem:s25+$0x0]  }
0x195: {  	s23 =	simm.s32 $0x1;
	s26 =	simm.s32 $0x5C20;
	v13 =	vmul.f32 v17, v8;
	v15 =	vmul.f32 v15, v8  }
.LBB2_9:
0x196: {  	p1 =	sne.s32 s23, $0x4F  }
0x197: {  	[tilespmem:s25+$0xFFFFFFC0] =	vst v16;
	v10 =	vmul.f32 v10, v8;
	v9 =	vmul.f32 v9, v8;
	s26 =	sadd.s32 $0x90, s26;
	s13 =	smov.u32 s23;
	s23 =	sadd.s32 $0x1, s23  }
0x198: {  	v16 =	vmul.f32 v7, v8;
	v7 =	vmul.f32 v11, v8;
	[tilespmem:s25+$0x40] =	vst v14  }
0x199: {  	v8 =	vmul.f32 v12, v8;
	[tilespmem:s25+$0x30] =	vst v15  }
0x19a: {  	[tilespmem:s25+$0xFFFFFFE0] =	vst v13  }
0x19b: {  	v11 =	vmov s13;
	[tilespmem:s25+$0x10] =	vst v7  }
0x19c: {  	v7 =	vld [tilespmem:s26+$0xFFFFFFF0];
	[tilespmem:s25+$0x0] =	vst v8  }
0x19d: {  	v13 =	vld [tilespmem:s26+$0xFFFFFFC0];
	[tilespmem:s25+$0xFFFFFFF0] =	vst v16  }
0x19e: {  	v15 =	vld [tilespmem:s26+$0x30];
	[tilespmem:s25+$0x20] =	vst v9  }
0x19f: {  	v14 =	vld [tilespmem:s26+$0x40];
	[tilespmem:s25+$0xFFFFFFD0] =	vst v10;
	s25 =	smov.u32 s26  }
0x1a0: {  	v8 =	vld.idx.msk [tilespmem:v11+s12+$0x0], $0xffff  }
0x1a1: {  	v17 =	vld [tilespmem:s26+$0xFFFFFFE0]  }
0x1a2: {  	v9 =	vld [tilespmem:s26+$0x20]  }
.Ltmp3:
0x1a3: {  	v10 =	vld [tilespmem:s26+$0xFFFFFFD0];
	(pc) =	sbr.rel @p1 .LBB2_9-.Ltmp3, $4  }
0x1a4: {  	v11 =	vld [tilespmem:s26+$0x10]  }
0x1a5: {  	v12 =	vld [tilespmem:s26+$0x0]  }
0x1a6: {  	v16 =	vmul.f32 v13, v8;
	v14 =	vmul.f32 v14, v8  }
0x1a7: {  	v15 =	vmul.f32 v15, v8;
	v13 =	vmul.f32 v17, v8  }
0x1a8: {  	[tilespmem:s25+$0xFFFFFFC0] =	vst v16  }
0x1a9: {  	[tilespmem:s25+$0x40] =	vst v14  }
0x1aa: {  	v7 =	vmul.f32 v7, v8;
	[tilespmem:s25+$0x30] =	vst v15  }
0x1ab: {  	v9 =	vmul.f32 v9, v8;
	[tilespmem:s25+$0xFFFFFFE0] =	vst v13  }
0x1ac: {  	v11 =	vmul.f32 v11, v8;
	[tilespmem:s25+$0xFFFFFFF0] =	vst v7  }
0x1ad: {  	v12 =	vmul.f32 v12, v8;
	[tilespmem:s25+$0x20] =	vst v9  }
0x1ae: {  	v8 =	vmul.f32 v10, v8;
	[tilespmem:s25+$0x10] =	vst v11  }
0x1af: {  	[tilespmem:s25+$0x0] =	vst v12  }
.Ltmp4:
0x1b0: {  	[tilespmem:s25+$0xFFFFFFD0] =	vst v8;
	(pc) =	sbr.rel @p0 .LBB2_12-.Ltmp4, $4  }
0x1b1: {  	[spmem:s2] =	stream.indirect.scatter.add.f32 [tilespmem:s15], [sflag:$0x9], $0x90, s14, s1, $0xb8;
	[tilespmem:$0x1F2D0] =	vst v63  }
0x1b2: {  	_ =	swait.ge [sflag:s16], $0x2D00  }
0x1b3: {  	[sflag:s16] =	ssyncset.done $0x0  }
0x1b4: {  	[sflag:s16] =	ssyncadd.s32 $0xFFFFD300  }
0x1b5: {  	s13 =	smul.u32 $0xF0, s24  }
0x1b6: {  	s23 =	rddreg [dreg:$0x13]  }
0x1b7: {  	s23 =	sadd.s32 s13, s23  }
0x1b8: {  	s23 =	sshrl.u32 s23, $0x3  }
0x1b9: {  	s25 =	sadd.s32 s4, s23  }
0x1ba: {  	[tilespmem:s1], [sflag:$0xA] =	stream.linear.gather [hbm4b:s25+s3], $0x50, $0x38;
	[tilespmem:$0x1F2D0] =	vst v63  }
0x1bb: {  	_ =	swait.ge [sflag:s31], $0x50  }
0x1bc: {  	[sflag:s31] =	ssyncset.done $0x0  }
0x1bd: {  	s23 =	sadd.s32 s5, s23;
	[sflag:s31] =	ssyncadd.s32 $0xFFFFFFB0  }
0x1be: {  	[tilespmem:s10], [sflag:$0xA] =	stream.linear.gather [hbm4b:s23+s3], $0x50, $0x38;
	[tilespmem:$0x1F2D0] =	vst v63  }
0x1bf: {  	_ =	swait.ge [sflag:s31], $0x50  }
0x1c0: {  	[sflag:s31] =	ssyncset.done $0x0  }
0x1c1: {  	[sflag:s31] =	ssyncadd.s32 $0xFFFFFFB0  }
0x1c2: {  	[tilespmem:s11], [sflag:$0x2] =	stream.indirect.gather [hbm4b:s6+s1], $0x90, s1, s1, $0xb8;
	[tilespmem:$0x1F2D0] =	vst v63  }
0x1c3: {  	s25 =	simm.s32 $0x8A20  }
0x1c4: {  	[tilespmem:s25], [sflag:$0x5] =	stream.indirect.gather [hbm4b:s7+s1], $0x1, s10, s1, $0xb8;
	[tilespmem:$0x1F2D0] =	vst v63  }
0x1c5: {  	_ =	swait.ge [sflag:s8], $0x2D00  }
0x1c6: {  	s26 =	rddreg [dreg:$0x14]  }
0x1c7: {  	s13 =	sadd.s32 s13, s26  }
0x1c8: {  	[sflag:s8] =	ssyncset.done $0x0;
	s13 =	sshrl.u32 s13, $0x3  }
0x1c9: {  	[sflag:s8] =	ssyncadd.s32 $0xFFFFD300;
	s26 =	simm.s32 $0xA0;
	s25 =	sadd.s32 s4, s13  }
0x1ca: {  	[tilespmem:s26], [sflag:$0xA] =	stream.linear.gather [hbm4b:s25+s3], $0x50, $0x38;
	[tilespmem:$0x1F2D0] =	vst v63  }
0x1cb: {  	_ =	swait.ge [sflag:s31], $0x50  }
0x1cc: {  	[sflag:s31] =	ssyncset.done $0x0  }
0x1cd: {  	s13 =	sadd.s32 s5, s13;
	[sflag:s31] =	ssyncadd.s32 $0xFFFFFFB0  }
0x1ce: {  	[tilespmem:s14], [sflag:$0xA] =	stream.linear.gather [hbm4b:s13+s3], $0x50, $0x38;
	[tilespmem:$0x1F2D0] =	vst v63  }
0x1cf: {  	_ =	swait.ge [sflag:s31], $0x50  }
.Ltmp5:
0x1d0: {  	[sflag:s31] =	ssyncset.done $0x0;
	(pc) =	sbr.rel .LBB2_4-.Ltmp5, $4  }
0x1d1: {  	[sflag:s31] =	ssyncadd.s32 $0xFFFFFFB0  }
0x1d2: {  	[tilespmem:s15], [sflag:$0x3] =	stream.indirect.gather [hbm4b:s6+s1], $0x90, s26, s1, $0xb8;
	[tilespmem:$0x1F2D0] =	vst v63  }
0x1d3: {  	s24 =	sadd.s32 $0x1, s24;
	s26 =	simm.s32 $0x8A70  }
0x1d4: {  	[tilespmem:s26], [sflag:$0x6] =	stream.indirect.gather [hbm4b:s7+s1], $0x1, s14, s1, $0xb8;
	[tilespmem:$0x1F2D0] =	vst v63  }
.LBB2_12:
0x1d5: {  	_ =	swait.ge [sflag:s8], $0x2D00  }
0x1d6: {  	s24 =	simm.s32 $0x0;
	[sflag:s8] =	ssyncset.done $0x0  }
0x1d7: {  	p0 =	por $0x1, $0x1;
	s23 =	simm.s32 $0x0;
	[sflag:s8] =	ssyncadd.s32 $0xFFFFD300  }
.LBB2_13:
0x1d8: {  	s13 =	rddreg [dreg:$0x15]  }
0x1d9: {  	s13 =	sadd.s32 s23, s13  }
0x1da: {  	s13 =	sshrl.u32 s13, $0x3  }
0x1db: {  	s25 =	sadd.s32 s4, s13  }
0x1dc: {  	[tilespmem:s24], [sflag:$0xA] =	stream.linear.gather [hbm4b:s25+s24], $0x50, $0x38;
	[tilespmem:$0x1F2D0] =	vst v63  }
0x1dd: {  	_ =	swait.ge [sflag:s31], $0x50  }
0x1de: {  	[sflag:s31] =	ssyncset.done $0x0  }
0x1df: {  	s13 =	sadd.s32 s5, s13;
	[sflag:s31] =	ssyncadd.s32 $0xFFFFFFB0  }
0x1e0: {  	[tilespmem:s30], [sflag:$0xA] =	stream.linear.gather [hbm4b:s13+s24], $0x50, $0x38;
	[tilespmem:$0x1F2D0] =	vst v63  }
0x1e1: {  	_ =	swait.ge [sflag:s31], $0x50  }
0x1e2: {  	[sflag:s31] =	ssyncset.done $0x0  }
0x1e3: {  	[sflag:s31] =	ssyncadd.s32 $0xFFFFFFB0  }
0x1e4: {  	[tilespmem:s0], [sflag:$0x1] =	stream.indirect.gather [hbm4b:s6+s1], $0x90, s24, s1, $0xb8;
	[tilespmem:$0x1F2D0] =	vst v63  }
0x1e5: {  	s26 =	simm.s32 $0x89D0  }
0x1e6: {  	[tilespmem:s26], [sflag:$0x4] =	stream.indirect.gather [hbm4b:s7+s1], $0x1, s30, s1, $0xb8;
	[tilespmem:$0x1F2D0] =	vst v63  }
0x1e7: {  	_ =	swait.ge [sflag:s17], $0x2D00  }
0x1e8: {  	[sflag:s17] =	ssyncset.done $0x0  }
0x1e9: {  	[sflag:s17] =	ssyncadd.s32 $0xFFFFD300  }
0x1ea: {  	_ =	swait.ge [sflag:s18], $0x50  }
0x1eb: {  	[sflag:s18] =	ssyncset.done $0x0  }
0x1ec: {  	[sflag:s18] =	ssyncadd.s32 $0xFFFFFFB0  }
0x1ed: {  	v7 =	vld.idx.msk [tilespmem:v1+s0+$0x0], $0xffff  }
0x1ee: {  	v8 =	vld [tilespmem:$0x89D0];
	_ =	sdelay $0x4  }
0x1ef: {  	v7 =	vadd.f32 v8, v7;
	_ =	sdelay $0x1  }
0x1f0: {  	v8 =	vmul.f32 $2.000000030e-01, v7  }
0x1f1: {  	vm0 =	vge.f32 v7, $0.0e+00  }
0x1f2: {  	v7 =	vsel vm0, v7, v8  }
0x1f3: {  	v7 =	vsub.f32 v7, v6;
	_ =	sdelay $0x1  }
0x1f4: {  	v7 =	vmul.f32 $1.442695020e+00, v7;
	_ =	sdelay $0x1  }
0x1f5: {  	(erf) = vpow2.f32 v7;
	_ =	sdelay $0x8  }
0x1f6: {  	v7 =	vpop (erf)  }
0x1f7: {  	v8 =	vld [tilespmem:$0x89E0];
	[tilespmem:$0x88E0] =	vst v7  }
0x1f8: {  	v7 =	vld.idx.msk [tilespmem:v2+s0+$0x0], $0xffff;
	_ =	sdelay $0x4  }
0x1f9: {  	v7 =	vadd.f32 v8, v7;
	_ =	sdelay $0x1  }
0x1fa: {  	v8 =	vmul.f32 $2.000000030e-01, v7  }
0x1fb: {  	vm12 =	vge.f32 v7, $0.0e+00  }
0x1fc: {  	v7 =	vsel vm12, v7, v8  }
0x1fd: {  	v7 =	vsub.f32 v7, v6;
	_ =	sdelay $0x1  }
0x1fe: {  	v7 =	vmul.f32 $1.442695020e+00, v7;
	_ =	sdelay $0x1  }
0x1ff: {  	(erf) = vpow2.f32 v7;
	_ =	sdelay $0x8  }
0x200: {  	v7 =	vpop (erf)  }
0x201: {  	v8 =	vld [tilespmem:$0x89F0];
	[tilespmem:$0x88F0] =	vst v7  }
0x202: {  	v7 =	vld.idx.msk [tilespmem:v3+s0+$0x0], $0xffff;
	_ =	sdelay $0x4  }
0x203: {  	v7 =	vadd.f32 v8, v7;
	_ =	sdelay $0x1  }
0x204: {  	v8 =	vmul.f32 $2.000000030e-01, v7  }
0x205: {  	vm13 =	vge.f32 v7, $0.0e+00  }
0x206: {  	v7 =	vsel vm13, v7, v8  }
0x207: {  	v7 =	vsub.f32 v7, v6;
	_ =	sdelay $0x1  }
0x208: {  	v7 =	vmul.f32 $1.442695020e+00, v7;
	_ =	sdelay $0x1  }
0x209: {  	(erf) = vpow2.f32 v7;
	_ =	sdelay $0x8  }
0x20a: {  	v7 =	vpop (erf)  }
0x20b: {  	v8 =	vld [tilespmem:$0x8A00];
	[tilespmem:$0x8900] =	vst v7  }
0x20c: {  	v7 =	vld.idx.msk [tilespmem:v4+s0+$0x0], $0xffff;
	_ =	sdelay $0x4  }
0x20d: {  	v7 =	vadd.f32 v8, v7;
	_ =	sdelay $0x1  }
0x20e: {  	v8 =	vmul.f32 $2.000000030e-01, v7  }
0x20f: {  	vm14 =	vge.f32 v7, $0.0e+00  }
0x210: {  	v7 =	vsel vm14, v7, v8  }
0x211: {  	v7 =	vsub.f32 v7, v6;
	_ =	sdelay $0x1  }
0x212: {  	v7 =	vmul.f32 $1.442695020e+00, v7;
	_ =	sdelay $0x1  }
0x213: {  	(erf) = vpow2.f32 v7;
	_ =	sdelay $0x8  }
0x214: {  	v7 =	vpop (erf)  }
0x215: {  	v8 =	vld [tilespmem:$0x8A10];
	[tilespmem:$0x8910] =	vst v7  }
0x216: {  	v7 =	vld.idx.msk [tilespmem:v5+s0+$0x0], $0xffff;
	_ =	sdelay $0x4  }
0x217: {  	v7 =	vadd.f32 v8, v7;
	_ =	sdelay $0x1  }
0x218: {  	v8 =	vmul.f32 $2.000000030e-01, v7  }
0x219: {  	vm15 =	vge.f32 v7, $0.0e+00  }
0x21a: {  	v7 =	vsel vm15, v7, v8  }
0x21b: {  	v7 =	vsub.f32 v7, v6;
	_ =	sdelay $0x1  }
0x21c: {  	v7 =	vmul.f32 $1.442695020e+00, v7;
	_ =	sdelay $0x1  }
0x21d: {  	(erf) = vpow2.f32 v7;
	_ =	sdelay $0x8  }
0x21e: {  	v8 =	vmov s24;
	v7 =	vpop (erf)  }
0x21f: {  	s25 =	simm.s32 $0x220;
	[tilespmem:$0x8920] =	vst v7  }
0x220: {  	v12 =	vld [tilespmem:s25+$0xFFFFFFC0]  }
0x221: {  	v15 =	vld [tilespmem:s25+$0x30]  }
0x222: {  	v13 =	vld [tilespmem:s25+$0x40]  }
0x223: {  	v8 =	vld.idx.msk [tilespmem:v8+s19+$0x0], $0xffff  }
0x224: {  	v17 =	vld [tilespmem:s25+$0xFFFFFFE0]  }
0x225: {  	v7 =	vld [tilespmem:s25+$0xFFFFFFF0]  }
0x226: {  	v9 =	vld [tilespmem:s25+$0x20]  }
0x227: {  	v10 =	vld [tilespmem:s25+$0xFFFFFFD0]  }
0x228: {  	v11 =	vld [tilespmem:s25+$0x10]  }
0x229: {  	v16 =	vmul.f32 v12, v8;
	v14 =	vmul.f32 v13, v8;
	v12 =	vld [tilespmem:s25+$0x0]  }
0x22a: {  	p1 =	por p0, p0;
	s23 =	simm.s32 $0x1;
	s26 =	simm.s32 $0x220;
	v13 =	vmul.f32 v17, v8;
	v15 =	vmul.f32 v15, v8  }
.LBB2_14:
0x22b: {  	p0 =	sne.s32 s23, $0x4F  }
0x22c: {  	[tilespmem:s25+$0xFFFFFFC0] =	vst v16;
	v10 =	vmul.f32 v10, v8;
	v9 =	vmul.f32 v9, v8;
	s26 =	sadd.s32 $0x90, s26;
	s13 =	smov.u32 s23;
	s23 =	sadd.s32 $0x1, s23  }
0x22d: {  	v16 =	vmul.f32 v7, v8;
	v7 =	vmul.f32 v11, v8;
	[tilespmem:s25+$0x40] =	vst v14  }
0x22e: {  	v8 =	vmul.f32 v12, v8;
	[tilespmem:s25+$0x30] =	vst v15  }
0x22f: {  	[tilespmem:s25+$0xFFFFFFE0] =	vst v13  }
0x230: {  	v11 =	vmov s13;
	[tilespmem:s25+$0x10] =	vst v7  }
0x231: {  	v7 =	vld [tilespmem:s26+$0xFFFFFFF0];
	[tilespmem:s25+$0x0] =	vst v8  }
0x232: {  	v13 =	vld [tilespmem:s26+$0xFFFFFFC0];
	[tilespmem:s25+$0xFFFFFFF0] =	vst v16  }
0x233: {  	v15 =	vld [tilespmem:s26+$0x30];
	[tilespmem:s25+$0x20] =	vst v9  }
0x234: {  	v14 =	vld [tilespmem:s26+$0x40];
	[tilespmem:s25+$0xFFFFFFD0] =	vst v10;
	s25 =	smov.u32 s26  }
0x235: {  	v8 =	vld.idx.msk [tilespmem:v11+s19+$0x0], $0xffff  }
0x236: {  	v17 =	vld [tilespmem:s26+$0xFFFFFFE0]  }
0x237: {  	v9 =	vld [tilespmem:s26+$0x20]  }
.Ltmp6:
0x238: {  	v10 =	vld [tilespmem:s26+$0xFFFFFFD0];
	(pc) =	sbr.rel @p0 .LBB2_14-.Ltmp6, $4  }
0x239: {  	v11 =	vld [tilespmem:s26+$0x10]  }
0x23a: {  	v12 =	vld [tilespmem:s26+$0x0]  }
0x23b: {  	v16 =	vmul.f32 v13, v8;
	v14 =	vmul.f32 v14, v8  }
0x23c: {  	v15 =	vmul.f32 v15, v8;
	v13 =	vmul.f32 v17, v8  }
0x23d: {  	[tilespmem:s25+$0xFFFFFFC0] =	vst v16  }
0x23e: {  	[tilespmem:s25+$0x40] =	vst v14  }
0x23f: {  	v7 =	vmul.f32 v7, v8;
	[tilespmem:s25+$0x30] =	vst v15  }
0x240: {  	v9 =	vmul.f32 v9, v8;
	[tilespmem:s25+$0xFFFFFFE0] =	vst v13  }
0x241: {  	v11 =	vmul.f32 v11, v8;
	[tilespmem:s25+$0xFFFFFFF0] =	vst v7  }
0x242: {  	v12 =	vmul.f32 v12, v8;
	[tilespmem:s25+$0x20] =	vst v9  }
0x243: {  	v8 =	vmul.f32 v10, v8;
	[tilespmem:s25+$0x10] =	vst v11  }
0x244: {  	[tilespmem:s25+$0x0] =	vst v12  }
.Ltmp7:
0x245: {  	s23 =	simm.s32 $0x50;
	[tilespmem:s25+$0xFFFFFFD0] =	vst v8;
	(pc) =	sbr.rel @p1 .LBB2_13-.Ltmp7, $4  }
0x246: {  	[spmem:s2] =	stream.indirect.scatter.add.f32 [tilespmem:s0], [sflag:$0x7], $0x90, s30, s23, $0xb8;
	[tilespmem:$0x1F2D0] =	vst v63  }
0x247: {  	_ =	swait.ge [sflag:s28], $0x2D00  }
0x248: {  	[sflag:s28] =	ssyncset.done $0x0  }
0x249: {  	p0 =	por $0x0, $0x0;
	[sflag:s28] =	ssyncadd.s32 $0xFFFFD300  }
0x24a: {  	s13 =	stileid.u32;
	[bflag:$0x0] =	sbarrier.arrive $0xFFFF  }
0x24b: {  	s13 =	sshll.u32 s13, $0x6;
	s25 =	rddreg [dreg:$0x4]  }
0x24c: {  	s24 =	rddreg [dreg:$0x16];
	s13 =	sor.u32 $0x1C0A, s13;
	s23 =	sshrl.u32 s25, $0x3  }
0x24d: {  	[hbm:s24], [sflag:s13] =	dma.local [spmem:s23], $0x2D00  }
0x24e: {  	_ =	swait.ge [sflag:s31], $0x2D00  }
0x24f: {  	s24 =	rddreg [dreg:$0x18]  }
0x250: {  	s26 =	rddreg [dreg:$0x17];
	s23 =	sadd.s32 $0x1, s24  }
0x251: {  	p0 =	sne.s32 s23, s26  }
.Ltmp8:
0x252: {  	_ = 	snop;
	(pc) =	sbr.rel @p0 .LBB2_1-.Ltmp8, $3  }
0x253: {  	_ =	sdelay $0x1  }
0x254: {  	[sflag:s31] =	ssyncset.done $0x0  }
0x255: {  	[sflag:s31] =	ssyncadd.s32 $0xFFFFD300  }
0x256: {  	_ =	sfence.sel $0x180000  }
0x257: {  	[bflag:$0x0] =	sbarrier.arrive $0xFFFF  }
0x258: {  	_ =	strace $0x90000047  }
0x259: {  	s0 =	stileid.u32;
	[bflag:$0x2] =	sbarrier.arrive $0xFFFF  }
0x25a: {  	p0 =	sne.s32 s0, $0x0;
	s0 =	rddreg [dreg:$0x2]  }
0x25b: {  	s0 =	sadd.s32 @!p0 $0x100000, s0  }
0x25c: {  	[sflag:s0] =	ssyncadd.tile.s32 @!p0 $0x1;
	_ =	shalt  }
.Lfunc_end2:
_tile_overlayer_lowered:
.L_overlay_start_2:
0x25d: {  	(tag) =	ssettag $0x2  }
0x25e: {  	s0 =	rddreg [dreg:$0x0];
	s2 =	stileid.u32  }
0x25f: {  	s1 =	rddreg [dreg:$0x1];
	p0 =	sne.s32 s2, $0x0  }
0x260: {  	s3 =	rddreg [dreg:$0x2];
	[bflag:$0x3] =	sbarrier.arrive $0xFFFF;
	s2 =	simm.s32 @!p0 $0x1C0A  }
0x261: {  	[timem:s3], [sflag:s2] =	dma.local @!p0 [hbm:s0], s1  }
0x262: {  	s0 =	simm.s32 @!p0 $0xA  }
0x263: {  	_ =	swait.ge @!p0 [sflag:s0], s1  }
0x264: {  	s1 =	ssub.s32 @!p0 $0x0, s1;
	[sflag:s0] =	ssyncset.done @!p0 $0x0  }
0x265: {  	[sflag:s0] =	ssyncadd.s32 @!p0 s1  }
0x266: {  	[bflag:$0x3] =	sbarrier.arrive $0xFFFF  }
0x267: {  	_ =	shalt  }

</sc_bundles>
